<compile_context>
chip_gen: v7x
topology: tpu7x:2x2x1
jax: 0.10.2.dev20260603
libtpu: 0.0.44.dev20260713+nightly
codegen_flags: <defaults>
</compile_context>

<pallas_src>
import functools

import jax
import jax.numpy as jnp
from jax import lax
from jax.experimental import pallas as pl
from jax.experimental.pallas import tpu as pltpu
from jax.experimental.pallas import tpu_sc as plsc

B, N, T, D, F_OUT = 32, 307, 12, 16, 16
ALPHA = 0.2
S = B * T
ST = 256
SS = S - ST
K = 32
K2 = 4
NP = 320
NCHUNK = SS // 16


def _proj_tc_kernel(xT_ref, W_ref, aa_ref, g_ref):
    W = W_ref[...]
    a1 = aa_ref[0:1, :]
    a2 = aa_ref[1:2, :]
    wa1 = lax.dot_general(W, a1, (((1,), (1,)), ((), ())),
                          preferred_element_type=jnp.float32)
    wa2 = lax.dot_general(W, a2, (((1,), (1,)), ((), ())),
                          preferred_element_type=jnp.float32)
    Wext = jnp.concatenate([W, wa1, wa2], axis=1)
    for k in range(K):
        xTs = xT_ref[k]
        g_ref[k] = lax.dot_general(Wext, xTs, (((0,), (0,)), ((), ())),
                                   preferred_element_type=jnp.float32)


def _gat_attn_tc_kernel(xt_ref, adj_ref, W_ref, aa_ref, out_ref):
    W = W_ref[...]
    a1 = aa_ref[0:1, :]
    a2 = aa_ref[1:2, :]
    adjf = adj_ref[...]
    for k in range(K2):
        xs = xt_ref[k]
        h = jnp.dot(xs, W, preferred_element_type=jnp.float32)
        f1 = jnp.sum(h * a1, axis=1, keepdims=True)
        f2 = jnp.sum(h * a2, axis=1, keepdims=True)
        f2r = lax.dot_general(
            jnp.ones((1, 1), jnp.float32), f2,
            dimension_numbers=(((1,), (1,)), ((), ())),
            preferred_element_type=jnp.float32)
        e = f1 + f2r
        e = jnp.where(e > 0, e, ALPHA * e)
        p = jnp.exp(e) * adjf
        sm = jnp.sum(p, axis=1, keepdims=True)
        out = jnp.dot(p, h, preferred_element_type=jnp.float32) / sm
        out_ref[k] = jnp.where(out > 0, out,
                               jnp.exp(jnp.minimum(out, 0.0)) - 1.0)


def _sc_gat_kernel(g_hbm, adj_hbm, out_hbm,
                   g_l, astage, cols_l, ostage, sem):
    wid = lax.axis_index("s") * 2 + lax.axis_index("c")
    chunk = wid // 4
    quarter = wid - chunk * 4

    def _work():
        pltpu.sync_copy(g_hbm.at[chunk], g_l)

        iota = lax.iota(jnp.int32, 16)
        zero = jnp.zeros((16,), jnp.float32)

        def row_body(r, blk):
            i = blk * 16 + r

            NG = NP // 16
            masks = []
            c1 = jnp.zeros((16,), jnp.int32)
            c2 = jnp.zeros((16,), jnp.int32)
            for g in range(NG):
                m = astage[r, pl.ds(g * 16, 16)] > 0.0
                masks.append(m)
                pc = plsc.all_reduce_population_count(m)
                if g < 16:
                    c1 = c1 + jnp.where(iota == g, pc, 0)
                else:
                    c2 = c2 + jnp.where(iota == (g - 16), pc, 0)
            cum1 = plsc.cumsum(c1)
            cum2 = plsc.cumsum(c2) + cum1[15]
            deg = cum2[NG - 17]
            for g in range(NG):
                if g == 0:
                    ptr = 0
                elif g <= 16:
                    ptr = cum1[g - 1]
                else:
                    ptr = cum2[g - 17]
                plsc.store_compressed(cols_l.at[pl.ds(ptr, 16)],
                                      iota + g * 16, mask=masks[g])
            f1v = g_l[i, F_OUT]

            def edge_body(p, carry):
                den = carry[0]
                accs = carry[1:]
                e = 2 * p
                cv = cols_l[pl.ds(e, 16)]
                j0 = cv[0]
                ok1 = (e + 1) < deg
                j1 = jnp.where(ok1, cv[1], 0)
                ew0 = f1v + g_l[j0, F_OUT + 1]
                ew1 = f1v + g_l[j1, F_OUT + 1]
                ew0 = jnp.where(ew0 > 0, ew0, ALPHA * ew0)
                ew1 = jnp.where(ew1 > 0, ew1, ALPHA * ew1)
                w0 = jnp.exp(ew0)
                w1 = jnp.where(ok1, jnp.exp(ew1), zero)
                den = den + w0 + w1
                accs = tuple(accs[c] + w0 * g_l[j0, c] + w1 * g_l[j1, c]
                             for c in range(F_OUT))
                return (den,) + accs

            init = (zero,) * (F_OUT + 1)
            res = lax.fori_loop(0, (deg + 1) // 2, edge_body, init)
            recip = 1.0 / res[0]
            for c in range(F_OUT):
                v = res[1 + c] * recip
                ostage[r, c] = jnp.where(v > 0, v,
                                         jnp.exp(jnp.minimum(v, 0.0)) - 1.0)
            return blk

        def blk_body(blk, carry):
            pltpu.sync_copy(adj_hbm.at[pl.ds(blk * 16, 16), :], astage)
            lax.fori_loop(0, 16, row_body, blk)
            pltpu.sync_copy(ostage, out_hbm.at[chunk, pl.ds(blk * 16, 16)])
            return carry

        lax.fori_loop(quarter * 5, quarter * 5 + 5, blk_body, 0)

    _work()


@jax.jit
def kernel(x, adj, W, a):
    xt = jnp.transpose(x, (0, 2, 1, 3)).reshape(S, N, D)
    xT = jnp.pad(jnp.transpose(x, (0, 2, 3, 1)).reshape(S, D, N)[ST:],
                 ((0, 0), (0, 0), (0, NP - N)))
    aa = a.reshape(2, F_OUT)
    adjp = jnp.pad(adj, ((0, NP - N), (0, NP - N)))


    gv = pl.pallas_call(
        _proj_tc_kernel,
        grid=(SS // K,),
        in_specs=[
            pl.BlockSpec((K, D, NP), lambda i: (i, 0, 0)),
            pl.BlockSpec((D, F_OUT), lambda i: (0, 0)),
            pl.BlockSpec((2, F_OUT), lambda i: (0, 0)),
        ],
        out_specs=pl.BlockSpec((K, F_OUT + 2, NP), lambda i: (i, 0, 0)),
        out_shape=jax.ShapeDtypeStruct((SS, F_OUT + 2, NP), jnp.float32),
    )(xT, W, aa)

    eps = gv[0, 0, 0] * 0.0
    out_tc = pl.pallas_call(
        _gat_attn_tc_kernel,
        grid=(ST // K2,),
        in_specs=[
            pl.BlockSpec((K2, N, D), lambda i: (i, 0, 0)),
            pl.BlockSpec((N, N), lambda i: (0, 0)),
            pl.BlockSpec((D, F_OUT), lambda i: (0, 0)),
            pl.BlockSpec((2, F_OUT), lambda i: (0, 0)),
        ],
        out_specs=pl.BlockSpec((K2, N, F_OUT), lambda i: (i, 0, 0)),
        out_shape=jax.ShapeDtypeStruct((ST, N, F_OUT), jnp.float32),
    )(xt[:ST] + eps, adj, W, aa)

    g_p = gv.reshape(NCHUNK, 16, F_OUT + 2, NP).transpose(0, 3, 2, 1)

    mesh = plsc.VectorSubcoreMesh(core_axis_name="c", subcore_axis_name="s")
    sc_fn = functools.partial(
        pl.kernel, mesh=mesh,
        out_type=jax.ShapeDtypeStruct((NCHUNK, NP, F_OUT, 16), jnp.float32),
        scratch_types=[
            pltpu.VMEM((NP, F_OUT + 2, 16), jnp.float32),
            pltpu.VMEM((16, NP), jnp.float32),
            pltpu.VMEM((NP + 16,), jnp.int32),
            pltpu.VMEM((16, F_OUT, 16), jnp.float32),
            pltpu.SemaphoreType.DMA,
        ],
        compiler_params=pltpu.CompilerParams(use_tc_tiling_on_sc=False,
                                             needs_layout_passes=False),
    )(_sc_gat_kernel)
    outT = sc_fn(g_p, adjp)

    o_sc = outT.transpose(0, 3, 1, 2).reshape(SS, NP, F_OUT)[:, :N, :]
    o = jnp.concatenate([out_tc, o_sc], axis=0)
    return jnp.transpose(o.reshape(B, T, N, F_OUT), (0, 2, 1, 3))

# --- scband reference (transcript-rebuilt; emitter-appended) ---
"""Pipeline reference for scband-gat-54185307406459 (READ-ONLY COPY).

The authoritative reference and input builder live on the scoring server;
editing this copy changes nothing except your own understanding.
"""

import jax, jax.numpy as jnp
import numpy as np

B, N, T, D, F_OUT = 32, 307, 12, 16, 16
ALPHA = 0.2

def setup_inputs(seed: int = 0) -> dict:
    key = jax.random.key(seed)
    k1, k2, k3, k4 = jax.random.split(key, 4)
    x = jax.random.normal(k1, (B, N, T, D), dtype=jnp.float32)
    # binary adjacency (~10% density) with self loops, as used by the GAT mask
    adj = (jax.random.uniform(k2, (N, N)) < 0.1).astype(jnp.float32)
    adj = jnp.clip(adj + jnp.eye(N, dtype=jnp.float32), 0.0, 1.0)
    W = jax.random.normal(k3, (D, F_OUT), dtype=jnp.float32) * 0.1
    a = jax.random.normal(k4, (2 * F_OUT, 1), dtype=jnp.float32) * 0.1
    return {"x": x, "adj": adj, "W": W, "a": a}

def _gat_layer(h_in, adj, W, a):
    # h_in: [Bt, N, D] -> [Bt, N, F_OUT]
    h = h_in @ W
    f1 = h @ a[:F_OUT]                 # [Bt, N, 1]
    f2 = h @ a[F_OUT:]                 # [Bt, N, 1]
    e = jax.nn.leaky_relu(f1 + jnp.swapaxes(f2, 1, 2), negative_slope=ALPHA)  # [Bt, N, N]
    neg = jnp.full_like(e, -9e15)
    att = jnp.where(adj[None, :, :] > 0, e, neg)
    att = jax.nn.softmax(att, axis=-1)
    out = att @ h                      # [Bt, N, F_OUT]
    return jax.nn.elu(out)

def reference(x, adj, W, a):
    Bb, Nn, t, d = x.shape
    gat_input = jnp.transpose(x, (0, 2, 1, 3)).reshape(Bb * t, Nn, d)
    out = _gat_layer(gat_input, adj, W, a)
    out = out.reshape(Bb, t, Nn, -1)
    return jnp.transpose(out, (0, 2, 1, 3))  # [B, N, T, F_OUT]

if __name__ == "__main__":
    import jax
    _d = setup_inputs()
    print(jax.jit(kernel)(*tuple(_d.values())))

</pallas_src>

<mosaic_0001>
#map = affine_map<(d0, d1) -> (0, 0, 0, 0)>
#map1 = affine_map<(d0, d1) -> (0, 0)>
module attributes {stable_mosaic.version = 14 : i64} {
  func.func @_sc_gat_kernel(%arg0: i32, %arg1: i32, %arg2: memref<8x320x18x16xf32, #tpu.memory_space<hbm>>, %arg3: memref<320x320xf32, #tpu.memory_space<hbm>>, %arg4: memref<8x320x16x16xf32, #tpu.memory_space<hbm>>, %arg5: memref<320x18x16xf32, #tpu.memory_space<vmem>>, %arg6: memref<16x320xf32, #tpu.memory_space<vmem>>, %arg7: memref<336xi32, #tpu.memory_space<vmem>>, %arg8: memref<16x16x16xf32, #tpu.memory_space<vmem>>, %arg9: memref<!tpu.dma_semaphore, #tpu.memory_space<semaphore_mem>>) attributes {dimension_semantics = [#tpu.dimension_semantics<core_parallel>, #tpu.dimension_semantics<subcore_parallel>], iteration_bounds = array<i64: 2, 16>, scalar_prefetch = 0 : i64, scratch_operands = 5 : i64, tpu.core_type = #tpu.core_type<sc_vector_subcore>, window_params = [{transform_indices = #map}, {transform_indices = #map1}, {transform_indices = #map}]} {
    %mul3A = arith.constant 2 : i32
    %mul3A_0 = arith.muli %arg1, %mul3A : i32
    %add3A = arith.addi %mul3A_0, %arg0 : i32
    %jit3A = arith.constant 4 : i32
    %div3A = arith.divsi %add3A, %jit3A : i32
    %sign3A = arith.constant 0 : i32
    %sign3A_1 = arith.cmpi sgt, %add3A, %sign3A : i32
    %sign3A_2 = arith.extui %sign3A_1 : i1 to i32
    %sign3A_3 = arith.constant 0 : i32
    %sign3A_4 = arith.cmpi slt, %add3A, %sign3A_3 : i32
    %sign3A_5 = arith.extui %sign3A_4 : i1 to i32
    %sign3A_6 = arith.subi %sign3A_2, %sign3A_5 : i32
    %sign3A_7 = arith.constant 0 : i32
    %sign3A_8 = arith.cmpi sgt, %jit3A, %sign3A_7 : i32
    %sign3A_9 = arith.extui %sign3A_8 : i1 to i32
    %sign3A_10 = arith.constant 0 : i32
    %sign3A_11 = arith.cmpi slt, %jit3A, %sign3A_10 : i32
    %sign3A_12 = arith.extui %sign3A_11 : i1 to i32
    %sign3A_13 = arith.subi %sign3A_9, %sign3A_12 : i32
    %ne3A = arith.cmpi ne, %sign3A_6, %sign3A_13 : i32
    %rem3A = arith.remsi %add3A, %jit3A : i32
    %ne3A_14 = arith.constant 0 : i32
    %ne3A_15 = arith.cmpi ne, %rem3A, %ne3A_14 : i32
    %and3A = arith.andi %ne3A, %ne3A_15 : i1
    %sub3A = arith.constant 1 : i32
    %sub3A_16 = arith.subi %div3A, %sub3A : i32
    %select_n3A = arith.select %and3A, %sub3A_16, %div3A : i32
    %mul3A_17 = arith.constant 4 : i32
    %mul3A_18 = arith.muli %select_n3A, %mul3A_17 : i32
    %sub3A_19 = arith.subi %add3A, %mul3A_18 : i32
    "tpu.region"() ({
      %run_scoped3A = tpu.sem_alloc : memref<!tpu.dma_semaphore, #tpu.memory_space<semaphore_mem>>
      %dma_start3A = arith.constant 0 : i32
      %dma_start3A_35 = arith.constant 0 : i32
      %dma_start3A_36 = arith.constant 0 : i32
      %dma_start3A_37 = tpu.memref_slice %arg2[%select_n3A, %dma_start3A, %dma_start3A_35, %dma_start3A_36] : memref<8x320x18x16xf32, #tpu.memory_space<hbm>> -> memref<1x320x18x16xf32, #tpu.memory_space<hbm>>
      %dma_start3A_38 = tpu.memref_squeeze %dma_start3A_37 : memref<1x320x18x16xf32, #tpu.memory_space<hbm>> -> memref<320x18x16xf32, #tpu.memory_space<hbm>>
      %dma_start3A_39 = arith.constant 0 : i32
      %dma_start3A_40 = arith.constant 0 : i32
      %dma_start3A_41 = arith.constant 0 : i32
      %dma_start3A_42 = tpu.memref_slice %arg2[%select_n3A, %dma_start3A_39, %dma_start3A_40, %dma_start3A_41] : memref<8x320x18x16xf32, #tpu.memory_space<hbm>> -> memref<1x320x18x16xf32, #tpu.memory_space<hbm>>
      %dma_start3A_43 = tpu.memref_squeeze %dma_start3A_42 : memref<1x320x18x16xf32, #tpu.memory_space<hbm>> -> memref<320x18x16xf32, #tpu.memory_space<hbm>>
      tpu.enqueue_dma source(%dma_start3A_43 : memref<320x18x16xf32, #tpu.memory_space<hbm>>) target(%arg5 : memref<320x18x16xf32, #tpu.memory_space<vmem>>) target_semaphore(%run_scoped3A : memref<!tpu.dma_semaphore, #tpu.memory_space<semaphore_mem>>)
      %dma_wait3A = arith.constant 0 : i32
      %dma_wait3A_44 = arith.constant 0 : i32
      %dma_wait3A_45 = arith.constant 0 : i32
      %dma_wait3A_46 = tpu.memref_slice %arg2[%select_n3A, %dma_wait3A, %dma_wait3A_44, %dma_wait3A_45] : memref<8x320x18x16xf32, #tpu.memory_space<hbm>> -> memref<1x320x18x16xf32, #tpu.memory_space<hbm>>
      %dma_wait3A_47 = tpu.memref_squeeze %dma_wait3A_46 : memref<1x320x18x16xf32, #tpu.memory_space<hbm>> -> memref<320x18x16xf32, #tpu.memory_space<hbm>>
      %dma_wait3A_48 = arith.constant 0 : i32
      %dma_wait3A_49 = arith.constant 0 : i32
      %dma_wait3A_50 = arith.constant 0 : i32
      %dma_wait3A_51 = tpu.memref_slice %arg2[%select_n3A, %dma_wait3A_48, %dma_wait3A_49, %dma_wait3A_50] : memref<8x320x18x16xf32, #tpu.memory_space<hbm>> -> memref<1x320x18x16xf32, #tpu.memory_space<hbm>>
      %dma_wait3A_52 = tpu.memref_squeeze %dma_wait3A_51 : memref<1x320x18x16xf32, #tpu.memory_space<hbm>> -> memref<320x18x16xf32, #tpu.memory_space<hbm>>
      tpu.wait_dma2 semaphore(%run_scoped3A : memref<!tpu.dma_semaphore, #tpu.memory_space<semaphore_mem>>) src(%dma_wait3A_52 : memref<320x18x16xf32, #tpu.memory_space<hbm>>) dst(%arg5 : memref<320x18x16xf32, #tpu.memory_space<vmem>>)
      tpu.yield
    }) : () -> ()
    %iota3A = tpu.iota {dimensions = array<i32: 0>} : vector<16xi32>
    %broadcast_in_dim3A = arith.constant 0.000000e+00 : f32
    %broadcast_in_dim3A_20 = vector.broadcast %broadcast_in_dim3A : f32 to vector<16xf32>
    %mul3A_21 = arith.constant 5 : i32
    %mul3A_22 = arith.muli %sub3A_19, %mul3A_21 : i32
    %mul3A_23 = arith.constant 5 : i32
    %mul3A_24 = arith.muli %sub3A_19, %mul3A_23 : i32
    %add3A_25 = arith.constant 5 : i32
    %add3A_26 = arith.addi %mul3A_24, %add3A_25 : i32
    %while3A = arith.constant 0 : i32
    %while3A_27 = arith.subi %add3A_26, %mul3A_22 : i32
    %while3A_28 = arith.addi %mul3A_22, %while3A_27 : i32
    %while3A_29 = arith.constant 1 : i32
    %while3A_30 = arith.divsi %while3A_27, %while3A_29 : i32
    %while3A_31 = arith.muli %while3A_30, %while3A_29 : i32
    %while3A_32 = arith.addi %mul3A_22, %while3A_31 : i32
    %while3A_33 = arith.constant 1 : i32
    scf.for %while3A_35 = %mul3A_22 to %while3A_32 step %while3A_33  : i32 {
      %mul3A_36 = arith.constant 16 : i32
      %mul3A_37 = arith.muli %while3A_35, %mul3A_36 : i32
      "tpu.region"() ({
        %run_scoped3A = tpu.sem_alloc : memref<!tpu.dma_semaphore, #tpu.memory_space<semaphore_mem>>
        %dma_start3A = arith.constant 0 : i32
        %dma_start3A_44 = tpu.memref_slice %arg3[%mul3A_37, %dma_start3A] : memref<320x320xf32, #tpu.memory_space<hbm>> -> memref<16x320xf32, #tpu.memory_space<hbm>>
        %dma_start3A_45 = arith.constant 0 : i32
        %dma_start3A_46 = tpu.memref_slice %arg3[%mul3A_37, %dma_start3A_45] : memref<320x320xf32, #tpu.memory_space<hbm>> -> memref<16x320xf32, #tpu.memory_space<hbm>>
        tpu.enqueue_dma source(%dma_start3A_46 : memref<16x320xf32, #tpu.memory_space<hbm>>) target(%arg6 : memref<16x320xf32, #tpu.memory_space<vmem>>) target_semaphore(%run_scoped3A : memref<!tpu.dma_semaphore, #tpu.memory_space<semaphore_mem>>)
        %dma_wait3A = arith.constant 0 : i32
        %dma_wait3A_47 = tpu.memref_slice %arg3[%mul3A_37, %dma_wait3A] : memref<320x320xf32, #tpu.memory_space<hbm>> -> memref<16x320xf32, #tpu.memory_space<hbm>>
        %dma_wait3A_48 = arith.constant 0 : i32
        %dma_wait3A_49 = tpu.memref_slice %arg3[%mul3A_37, %dma_wait3A_48] : memref<320x320xf32, #tpu.memory_space<hbm>> -> memref<16x320xf32, #tpu.memory_space<hbm>>
        tpu.wait_dma2 semaphore(%run_scoped3A : memref<!tpu.dma_semaphore, #tpu.memory_space<semaphore_mem>>) src(%dma_wait3A_49 : memref<16x320xf32, #tpu.memory_space<hbm>>) dst(%arg6 : memref<16x320xf32, #tpu.memory_space<vmem>>)
        tpu.yield
      }) : () -> ()
      %scan3A = arith.constant 0 : i32
      %scan3A_38 = arith.constant 16 : i32
      %scan3A_39 = arith.addi %scan3A, %scan3A_38 : i32
      %scan3A_40 = arith.constant 1 : i32
      scf.for %scan3A_44 = %scan3A to %scan3A_39 step %scan3A_40  : i32 {
        %mul3A_45 = arith.constant 16 : i32
        %mul3A_46 = arith.muli %while3A_35, %mul3A_45 : i32
        %add3A_47 = arith.addi %mul3A_46, %scan3A_44 : i32
        %broadcast_in_dim3A_48 = arith.constant 0 : i32
        %broadcast_in_dim3A_49 = vector.broadcast %broadcast_in_dim3A_48 : i32 to vector<16xi32>
        %broadcast_in_dim3A_50 = arith.constant 0 : i32
        %broadcast_in_dim3A_51 = vector.broadcast %broadcast_in_dim3A_50 : i32 to vector<16xi32>
        %get3A = arith.index_cast %scan3A_44 : i32 to index
        %get3A_52 = arith.constant 0 : index
        %get3A_53 = tpu.vector_load %arg6[%get3A, %get3A_52] {strides = array<i32>} : memref<16x320xf32, #tpu.memory_space<vmem>>, vector<16xf32>,
        %gt3A = arith.constant 0.000000e+00 : f32
        %gt3A_54 = vector.broadcast %gt3A : f32 to vector<16xf32>
        %gt3A_55 = arith.cmpf ogt, %get3A_53, %gt3A_54 : vector<16xf32>
        %all_reduce_population_count3A = tpu.all_reduce %gt3A_55 {dim = 0 : i64, kind = #tpu.reduction_kind<sum>} : vector<16xi1> -> vector<16xi32>
        %eq3A = arith.constant 0 : i32
        %eq3A_56 = vector.broadcast %eq3A : i32 to vector<16xi32>
        %eq3A_57 = arith.cmpi eq, %iota3A, %eq3A_56 : vector<16xi32>
        %jit3A_58 = arith.constant 0 : i32
        %broadcast_in_dim3A_59 = vector.broadcast %jit3A_58 : i32 to vector<16xi32>
        %select_n3A_60 = arith.select %eq3A_57, %all_reduce_population_count3A, %broadcast_in_dim3A_59 : vector<16xi1>, vector<16xi32>
        %add3A_61 = arith.addi %broadcast_in_dim3A_49, %select_n3A_60 : vector<16xi32>
        %get3A_62 = arith.index_cast %scan3A_44 : i32 to index
        %get3A_63 = arith.constant 16 : index
        %get3A_64 = tpu.vector_load %arg6[%get3A_62, %get3A_63] {strides = array<i32>} : memref<16x320xf32, #tpu.memory_space<vmem>>, vector<16xf32>,
        %gt3A_65 = arith.constant 0.000000e+00 : f32
        %gt3A_66 = vector.broadcast %gt3A_65 : f32 to vector<16xf32>
        %gt3A_67 = arith.cmpf ogt, %get3A_64, %gt3A_66 : vector<16xf32>
        %all_reduce_population_count3A_68 = tpu.all_reduce %gt3A_67 {dim = 0 : i64, kind = #tpu.reduction_kind<sum>} : vector<16xi1> -> vector<16xi32>
        %eq3A_69 = arith.constant 1 : i32
        %eq3A_70 = vector.broadcast %eq3A_69 : i32 to vector<16xi32>
        %eq3A_71 = arith.cmpi eq, %iota3A, %eq3A_70 : vector<16xi32>
        %jit3A_72 = arith.constant 0 : i32
        %broadcast_in_dim3A_73 = vector.broadcast %jit3A_72 : i32 to vector<16xi32>
        %select_n3A_74 = arith.select %eq3A_71, %all_reduce_population_count3A_68, %broadcast_in_dim3A_73 : vector<16xi1>, vector<16xi32>
        %add3A_75 = arith.addi %add3A_61, %select_n3A_74 : vector<16xi32>
        %get3A_76 = arith.index_cast %scan3A_44 : i32 to index
        %get3A_77 = arith.constant 32 : index
        %get3A_78 = tpu.vector_load %arg6[%get3A_76, %get3A_77] {strides = array<i32>} : memref<16x320xf32, #tpu.memory_space<vmem>>, vector<16xf32>,
        %gt3A_79 = arith.constant 0.000000e+00 : f32
        %gt3A_80 = vector.broadcast %gt3A_79 : f32 to vector<16xf32>
        %gt3A_81 = arith.cmpf ogt, %get3A_78, %gt3A_80 : vector<16xf32>
        %all_reduce_population_count3A_82 = tpu.all_reduce %gt3A_81 {dim = 0 : i64, kind = #tpu.reduction_kind<sum>} : vector<16xi1> -> vector<16xi32>
        %eq3A_83 = arith.constant 2 : i32
        %eq3A_84 = vector.broadcast %eq3A_83 : i32 to vector<16xi32>
        %eq3A_85 = arith.cmpi eq, %iota3A, %eq3A_84 : vector<16xi32>
        %jit3A_86 = arith.constant 0 : i32
        %broadcast_in_dim3A_87 = vector.broadcast %jit3A_86 : i32 to vector<16xi32>
        %select_n3A_88 = arith.select %eq3A_85, %all_reduce_population_count3A_82, %broadcast_in_dim3A_87 : vector<16xi1>, vector<16xi32>
        %add3A_89 = arith.addi %add3A_75, %select_n3A_88 : vector<16xi32>
        %get3A_90 = arith.index_cast %scan3A_44 : i32 to index
        %get3A_91 = arith.constant 48 : index
        %get3A_92 = tpu.vector_load %arg6[%get3A_90, %get3A_91] {strides = array<i32>} : memref<16x320xf32, #tpu.memory_space<vmem>>, vector<16xf32>,
        %gt3A_93 = arith.constant 0.000000e+00 : f32
        %gt3A_94 = vector.broadcast %gt3A_93 : f32 to vector<16xf32>
        %gt3A_95 = arith.cmpf ogt, %get3A_92, %gt3A_94 : vector<16xf32>
        %all_reduce_population_count3A_96 = tpu.all_reduce %gt3A_95 {dim = 0 : i64, kind = #tpu.reduction_kind<sum>} : vector<16xi1> -> vector<16xi32>
        %eq3A_97 = arith.constant 3 : i32
        %eq3A_98 = vector.broadcast %eq3A_97 : i32 to vector<16xi32>
        %eq3A_99 = arith.cmpi eq, %iota3A, %eq3A_98 : vector<16xi32>
        %jit3A_100 = arith.constant 0 : i32
        %broadcast_in_dim3A_101 = vector.broadcast %jit3A_100 : i32 to vector<16xi32>
        %select_n3A_102 = arith.select %eq3A_99, %all_reduce_population_count3A_96, %broadcast_in_dim3A_101 : vector<16xi1>, vector<16xi32>
        %add3A_103 = arith.addi %add3A_89, %select_n3A_102 : vector<16xi32>
        %get3A_104 = arith.index_cast %scan3A_44 : i32 to index
        %get3A_105 = arith.constant 64 : index
        %get3A_106 = tpu.vector_load %arg6[%get3A_104, %get3A_105] {strides = array<i32>} : memref<16x320xf32, #tpu.memory_space<vmem>>, vector<16xf32>,
        %gt3A_107 = arith.constant 0.000000e+00 : f32
        %gt3A_108 = vector.broadcast %gt3A_107 : f32 to vector<16xf32>
        %gt3A_109 = arith.cmpf ogt, %get3A_106, %gt3A_108 : vector<16xf32>
        %all_reduce_population_count3A_110 = tpu.all_reduce %gt3A_109 {dim = 0 : i64, kind = #tpu.reduction_kind<sum>} : vector<16xi1> -> vector<16xi32>
        %eq3A_111 = arith.constant 4 : i32
        %eq3A_112 = vector.broadcast %eq3A_111 : i32 to vector<16xi32>
        %eq3A_113 = arith.cmpi eq, %iota3A, %eq3A_112 : vector<16xi32>
        %jit3A_114 = arith.constant 0 : i32
        %broadcast_in_dim3A_115 = vector.broadcast %jit3A_114 : i32 to vector<16xi32>
        %select_n3A_116 = arith.select %eq3A_113, %all_reduce_population_count3A_110, %broadcast_in_dim3A_115 : vector<16xi1>, vector<16xi32>
        %add3A_117 = arith.addi %add3A_103, %select_n3A_116 : vector<16xi32>
        %get3A_118 = arith.index_cast %scan3A_44 : i32 to index
        %get3A_119 = arith.constant 80 : index
        %get3A_120 = tpu.vector_load %arg6[%get3A_118, %get3A_119] {strides = array<i32>} : memref<16x320xf32, #tpu.memory_space<vmem>>, vector<16xf32>,
        %gt3A_121 = arith.constant 0.000000e+00 : f32
        %gt3A_122 = vector.broadcast %gt3A_121 : f32 to vector<16xf32>
        %gt3A_123 = arith.cmpf ogt, %get3A_120, %gt3A_122 : vector<16xf32>
        %all_reduce_population_count3A_124 = tpu.all_reduce %gt3A_123 {dim = 0 : i64, kind = #tpu.reduction_kind<sum>} : vector<16xi1> -> vector<16xi32>
        %eq3A_125 = arith.constant 5 : i32
        %eq3A_126 = vector.broadcast %eq3A_125 : i32 to vector<16xi32>
        %eq3A_127 = arith.cmpi eq, %iota3A, %eq3A_126 : vector<16xi32>
        %jit3A_128 = arith.constant 0 : i32
        %broadcast_in_dim3A_129 = vector.broadcast %jit3A_128 : i32 to vector<16xi32>
        %select_n3A_130 = arith.select %eq3A_127, %all_reduce_population_count3A_124, %broadcast_in_dim3A_129 : vector<16xi1>, vector<16xi32>
        %add3A_131 = arith.addi %add3A_117, %select_n3A_130 : vector<16xi32>
        %get3A_132 = arith.index_cast %scan3A_44 : i32 to index
        %get3A_133 = arith.constant 96 : index
        %get3A_134 = tpu.vector_load %arg6[%get3A_132, %get3A_133] {strides = array<i32>} : memref<16x320xf32, #tpu.memory_space<vmem>>, vector<16xf32>,
        %gt3A_135 = arith.constant 0.000000e+00 : f32
        %gt3A_136 = vector.broadcast %gt3A_135 : f32 to vector<16xf32>
        %gt3A_137 = arith.cmpf ogt, %get3A_134, %gt3A_136 : vector<16xf32>
        %all_reduce_population_count3A_138 = tpu.all_reduce %gt3A_137 {dim = 0 : i64, kind = #tpu.reduction_kind<sum>} : vector<16xi1> -> vector<16xi32>
        %eq3A_139 = arith.constant 6 : i32
        %eq3A_140 = vector.broadcast %eq3A_139 : i32 to vector<16xi32>
        %eq3A_141 = arith.cmpi eq, %iota3A, %eq3A_140 : vector<16xi32>
        %jit3A_142 = arith.constant 0 : i32
        %broadcast_in_dim3A_143 = vector.broadcast %jit3A_142 : i32 to vector<16xi32>
        %select_n3A_144 = arith.select %eq3A_141, %all_reduce_population_count3A_138, %broadcast_in_dim3A_143 : vector<16xi1>, vector<16xi32>
        %add3A_145 = arith.addi %add3A_131, %select_n3A_144 : vector<16xi32>
        %get3A_146 = arith.index_cast %scan3A_44 : i32 to index
        %get3A_147 = arith.constant 112 : index
        %get3A_148 = tpu.vector_load %arg6[%get3A_146, %get3A_147] {strides = array<i32>} : memref<16x320xf32, #tpu.memory_space<vmem>>, vector<16xf32>,
        %gt3A_149 = arith.constant 0.000000e+00 : f32
        %gt3A_150 = vector.broadcast %gt3A_149 : f32 to vector<16xf32>
        %gt3A_151 = arith.cmpf ogt, %get3A_148, %gt3A_150 : vector<16xf32>
        %all_reduce_population_count3A_152 = tpu.all_reduce %gt3A_151 {dim = 0 : i64, kind = #tpu.reduction_kind<sum>} : vector<16xi1> -> vector<16xi32>
        %eq3A_153 = arith.constant 7 : i32
        %eq3A_154 = vector.broadcast %eq3A_153 : i32 to vector<16xi32>
        %eq3A_155 = arith.cmpi eq, %iota3A, %eq3A_154 : vector<16xi32>
        %jit3A_156 = arith.constant 0 : i32
        %broadcast_in_dim3A_157 = vector.broadcast %jit3A_156 : i32 to vector<16xi32>
        %select_n3A_158 = arith.select %eq3A_155, %all_reduce_population_count3A_152, %broadcast_in_dim3A_157 : vector<16xi1>, vector<16xi32>
        %add3A_159 = arith.addi %add3A_145, %select_n3A_158 : vector<16xi32>
        %get3A_160 = arith.index_cast %scan3A_44 : i32 to index
        %get3A_161 = arith.constant 128 : index
        %get3A_162 = tpu.vector_load %arg6[%get3A_160, %get3A_161] {strides = array<i32>} : memref<16x320xf32, #tpu.memory_space<vmem>>, vector<16xf32>,
        %gt3A_163 = arith.constant 0.000000e+00 : f32
        %gt3A_164 = vector.broadcast %gt3A_163 : f32 to vector<16xf32>
        %gt3A_165 = arith.cmpf ogt, %get3A_162, %gt3A_164 : vector<16xf32>
        %all_reduce_population_count3A_166 = tpu.all_reduce %gt3A_165 {dim = 0 : i64, kind = #tpu.reduction_kind<sum>} : vector<16xi1> -> vector<16xi32>
        %eq3A_167 = arith.constant 8 : i32
        %eq3A_168 = vector.broadcast %eq3A_167 : i32 to vector<16xi32>
        %eq3A_169 = arith.cmpi eq, %iota3A, %eq3A_168 : vector<16xi32>
        %jit3A_170 = arith.constant 0 : i32
        %broadcast_in_dim3A_171 = vector.broadcast %jit3A_170 : i32 to vector<16xi32>
        %select_n3A_172 = arith.select %eq3A_169, %all_reduce_population_count3A_166, %broadcast_in_dim3A_171 : vector<16xi1>, vector<16xi32>
        %add3A_173 = arith.addi %add3A_159, %select_n3A_172 : vector<16xi32>
        %get3A_174 = arith.index_cast %scan3A_44 : i32 to index
        %get3A_175 = arith.constant 144 : index
        %get3A_176 = tpu.vector_load %arg6[%get3A_174, %get3A_175] {strides = array<i32>} : memref<16x320xf32, #tpu.memory_space<vmem>>, vector<16xf32>,
        %gt3A_177 = arith.constant 0.000000e+00 : f32
        %gt3A_178 = vector.broadcast %gt3A_177 : f32 to vector<16xf32>
        %gt3A_179 = arith.cmpf ogt, %get3A_176, %gt3A_178 : vector<16xf32>
        %all_reduce_population_count3A_180 = tpu.all_reduce %gt3A_179 {dim = 0 : i64, kind = #tpu.reduction_kind<sum>} : vector<16xi1> -> vector<16xi32>
        %eq3A_181 = arith.constant 9 : i32
        %eq3A_182 = vector.broadcast %eq3A_181 : i32 to vector<16xi32>
        %eq3A_183 = arith.cmpi eq, %iota3A, %eq3A_182 : vector<16xi32>
        %jit3A_184 = arith.constant 0 : i32
        %broadcast_in_dim3A_185 = vector.broadcast %jit3A_184 : i32 to vector<16xi32>
        %select_n3A_186 = arith.select %eq3A_183, %all_reduce_population_count3A_180, %broadcast_in_dim3A_185 : vector<16xi1>, vector<16xi32>
        %add3A_187 = arith.addi %add3A_173, %select_n3A_186 : vector<16xi32>
        %get3A_188 = arith.index_cast %scan3A_44 : i32 to index
        %get3A_189 = arith.constant 160 : index
        %get3A_190 = tpu.vector_load %arg6[%get3A_188, %get3A_189] {strides = array<i32>} : memref<16x320xf32, #tpu.memory_space<vmem>>, vector<16xf32>,
        %gt3A_191 = arith.constant 0.000000e+00 : f32
        %gt3A_192 = vector.broadcast %gt3A_191 : f32 to vector<16xf32>
        %gt3A_193 = arith.cmpf ogt, %get3A_190, %gt3A_192 : vector<16xf32>
        %all_reduce_population_count3A_194 = tpu.all_reduce %gt3A_193 {dim = 0 : i64, kind = #tpu.reduction_kind<sum>} : vector<16xi1> -> vector<16xi32>
        %eq3A_195 = arith.constant 10 : i32
        %eq3A_196 = vector.broadcast %eq3A_195 : i32 to vector<16xi32>
        %eq3A_197 = arith.cmpi eq, %iota3A, %eq3A_196 : vector<16xi32>
        %jit3A_198 = arith.constant 0 : i32
        %broadcast_in_dim3A_199 = vector.broadcast %jit3A_198 : i32 to vector<16xi32>
        %select_n3A_200 = arith.select %eq3A_197, %all_reduce_population_count3A_194, %broadcast_in_dim3A_199 : vector<16xi1>, vector<16xi32>
        %add3A_201 = arith.addi %add3A_187, %select_n3A_200 : vector<16xi32>
        %get3A_202 = arith.index_cast %scan3A_44 : i32 to index
        %get3A_203 = arith.constant 176 : index
        %get3A_204 = tpu.vector_load %arg6[%get3A_202, %get3A_203] {strides = array<i32>} : memref<16x320xf32, #tpu.memory_space<vmem>>, vector<16xf32>,
        %gt3A_205 = arith.constant 0.000000e+00 : f32
        %gt3A_206 = vector.broadcast %gt3A_205 : f32 to vector<16xf32>
        %gt3A_207 = arith.cmpf ogt, %get3A_204, %gt3A_206 : vector<16xf32>
        %all_reduce_population_count3A_208 = tpu.all_reduce %gt3A_207 {dim = 0 : i64, kind = #tpu.reduction_kind<sum>} : vector<16xi1> -> vector<16xi32>
        %eq3A_209 = arith.constant 11 : i32
        %eq3A_210 = vector.broadcast %eq3A_209 : i32 to vector<16xi32>
        %eq3A_211 = arith.cmpi eq, %iota3A, %eq3A_210 : vector<16xi32>
        %jit3A_212 = arith.constant 0 : i32
        %broadcast_in_dim3A_213 = vector.broadcast %jit3A_212 : i32 to vector<16xi32>
        %select_n3A_214 = arith.select %eq3A_211, %all_reduce_population_count3A_208, %broadcast_in_dim3A_213 : vector<16xi1>, vector<16xi32>
        %add3A_215 = arith.addi %add3A_201, %select_n3A_214 : vector<16xi32>
        %get3A_216 = arith.index_cast %scan3A_44 : i32 to index
        %get3A_217 = arith.constant 192 : index
        %get3A_218 = tpu.vector_load %arg6[%get3A_216, %get3A_217] {strides = array<i32>} : memref<16x320xf32, #tpu.memory_space<vmem>>, vector<16xf32>,
        %gt3A_219 = arith.constant 0.000000e+00 : f32
        %gt3A_220 = vector.broadcast %gt3A_219 : f32 to vector<16xf32>
        %gt3A_221 = arith.cmpf ogt, %get3A_218, %gt3A_220 : vector<16xf32>
        %all_reduce_population_count3A_222 = tpu.all_reduce %gt3A_221 {dim = 0 : i64, kind = #tpu.reduction_kind<sum>} : vector<16xi1> -> vector<16xi32>
        %eq3A_223 = arith.constant 12 : i32
        %eq3A_224 = vector.broadcast %eq3A_223 : i32 to vector<16xi32>
        %eq3A_225 = arith.cmpi eq, %iota3A, %eq3A_224 : vector<16xi32>
        %jit3A_226 = arith.constant 0 : i32
        %broadcast_in_dim3A_227 = vector.broadcast %jit3A_226 : i32 to vector<16xi32>
        %select_n3A_228 = arith.select %eq3A_225, %all_reduce_population_count3A_222, %broadcast_in_dim3A_227 : vector<16xi1>, vector<16xi32>
        %add3A_229 = arith.addi %add3A_215, %select_n3A_228 : vector<16xi32>
        %get3A_230 = arith.index_cast %scan3A_44 : i32 to index
        %get3A_231 = arith.constant 208 : index
        %get3A_232 = tpu.vector_load %arg6[%get3A_230, %get3A_231] {strides = array<i32>} : memref<16x320xf32, #tpu.memory_space<vmem>>, vector<16xf32>,
        %gt3A_233 = arith.constant 0.000000e+00 : f32
        %gt3A_234 = vector.broadcast %gt3A_233 : f32 to vector<16xf32>
        %gt3A_235 = arith.cmpf ogt, %get3A_232, %gt3A_234 : vector<16xf32>
        %all_reduce_population_count3A_236 = tpu.all_reduce %gt3A_235 {dim = 0 : i64, kind = #tpu.reduction_kind<sum>} : vector<16xi1> -> vector<16xi32>
        %eq3A_237 = arith.constant 13 : i32
        %eq3A_238 = vector.broadcast %eq3A_237 : i32 to vector<16xi32>
        %eq3A_239 = arith.cmpi eq, %iota3A, %eq3A_238 : vector<16xi32>
        %jit3A_240 = arith.constant 0 : i32
        %broadcast_in_dim3A_241 = vector.broadcast %jit3A_240 : i32 to vector<16xi32>
        %select_n3A_242 = arith.select %eq3A_239, %all_reduce_population_count3A_236, %broadcast_in_dim3A_241 : vector<16xi1>, vector<16xi32>
        %add3A_243 = arith.addi %add3A_229, %select_n3A_242 : vector<16xi32>
        %get3A_244 = arith.index_cast %scan3A_44 : i32 to index
        %get3A_245 = arith.constant 224 : index
        %get3A_246 = tpu.vector_load %arg6[%get3A_244, %get3A_245] {strides = array<i32>} : memref<16x320xf32, #tpu.memory_space<vmem>>, vector<16xf32>,
        %gt3A_247 = arith.constant 0.000000e+00 : f32
        %gt3A_248 = vector.broadcast %gt3A_247 : f32 to vector<16xf32>
        %gt3A_249 = arith.cmpf ogt, %get3A_246, %gt3A_248 : vector<16xf32>
        %all_reduce_population_count3A_250 = tpu.all_reduce %gt3A_249 {dim = 0 : i64, kind = #tpu.reduction_kind<sum>} : vector<16xi1> -> vector<16xi32>
        %eq3A_251 = arith.constant 14 : i32
        %eq3A_252 = vector.broadcast %eq3A_251 : i32 to vector<16xi32>
        %eq3A_253 = arith.cmpi eq, %iota3A, %eq3A_252 : vector<16xi32>
        %jit3A_254 = arith.constant 0 : i32
        %broadcast_in_dim3A_255 = vector.broadcast %jit3A_254 : i32 to vector<16xi32>
        %select_n3A_256 = arith.select %eq3A_253, %all_reduce_population_count3A_250, %broadcast_in_dim3A_255 : vector<16xi1>, vector<16xi32>
        %add3A_257 = arith.addi %add3A_243, %select_n3A_256 : vector<16xi32>
        %get3A_258 = arith.index_cast %scan3A_44 : i32 to index
        %get3A_259 = arith.constant 240 : index
        %get3A_260 = tpu.vector_load %arg6[%get3A_258, %get3A_259] {strides = array<i32>} : memref<16x320xf32, #tpu.memory_space<vmem>>, vector<16xf32>,
        %gt3A_261 = arith.constant 0.000000e+00 : f32
        %gt3A_262 = vector.broadcast %gt3A_261 : f32 to vector<16xf32>
        %gt3A_263 = arith.cmpf ogt, %get3A_260, %gt3A_262 : vector<16xf32>
        %all_reduce_population_count3A_264 = tpu.all_reduce %gt3A_263 {dim = 0 : i64, kind = #tpu.reduction_kind<sum>} : vector<16xi1> -> vector<16xi32>
        %eq3A_265 = arith.constant 15 : i32
        %eq3A_266 = vector.broadcast %eq3A_265 : i32 to vector<16xi32>
        %eq3A_267 = arith.cmpi eq, %iota3A, %eq3A_266 : vector<16xi32>
        %jit3A_268 = arith.constant 0 : i32
        %broadcast_in_dim3A_269 = vector.broadcast %jit3A_268 : i32 to vector<16xi32>
        %select_n3A_270 = arith.select %eq3A_267, %all_reduce_population_count3A_264, %broadcast_in_dim3A_269 : vector<16xi1>, vector<16xi32>
        %add3A_271 = arith.addi %add3A_257, %select_n3A_270 : vector<16xi32>
        %get3A_272 = arith.index_cast %scan3A_44 : i32 to index
        %get3A_273 = arith.constant 256 : index
        %get3A_274 = tpu.vector_load %arg6[%get3A_272, %get3A_273] {strides = array<i32>} : memref<16x320xf32, #tpu.memory_space<vmem>>, vector<16xf32>,
        %gt3A_275 = arith.constant 0.000000e+00 : f32
        %gt3A_276 = vector.broadcast %gt3A_275 : f32 to vector<16xf32>
        %gt3A_277 = arith.cmpf ogt, %get3A_274, %gt3A_276 : vector<16xf32>
        %all_reduce_population_count3A_278 = tpu.all_reduce %gt3A_277 {dim = 0 : i64, kind = #tpu.reduction_kind<sum>} : vector<16xi1> -> vector<16xi32>
        %eq3A_279 = arith.constant 0 : i32
        %eq3A_280 = vector.broadcast %eq3A_279 : i32 to vector<16xi32>
        %eq3A_281 = arith.cmpi eq, %iota3A, %eq3A_280 : vector<16xi32>
        %jit3A_282 = arith.constant 0 : i32
        %broadcast_in_dim3A_283 = vector.broadcast %jit3A_282 : i32 to vector<16xi32>
        %select_n3A_284 = arith.select %eq3A_281, %all_reduce_population_count3A_278, %broadcast_in_dim3A_283 : vector<16xi1>, vector<16xi32>
        %add3A_285 = arith.addi %broadcast_in_dim3A_51, %select_n3A_284 : vector<16xi32>
        %get3A_286 = arith.index_cast %scan3A_44 : i32 to index
        %get3A_287 = arith.constant 272 : index
        %get3A_288 = tpu.vector_load %arg6[%get3A_286, %get3A_287] {strides = array<i32>} : memref<16x320xf32, #tpu.memory_space<vmem>>, vector<16xf32>,
        %gt3A_289 = arith.constant 0.000000e+00 : f32
        %gt3A_290 = vector.broadcast %gt3A_289 : f32 to vector<16xf32>
        %gt3A_291 = arith.cmpf ogt, %get3A_288, %gt3A_290 : vector<16xf32>
        %all_reduce_population_count3A_292 = tpu.all_reduce %gt3A_291 {dim = 0 : i64, kind = #tpu.reduction_kind<sum>} : vector<16xi1> -> vector<16xi32>
        %eq3A_293 = arith.constant 1 : i32
        %eq3A_294 = vector.broadcast %eq3A_293 : i32 to vector<16xi32>
        %eq3A_295 = arith.cmpi eq, %iota3A, %eq3A_294 : vector<16xi32>
        %jit3A_296 = arith.constant 0 : i32
        %broadcast_in_dim3A_297 = vector.broadcast %jit3A_296 : i32 to vector<16xi32>
        %select_n3A_298 = arith.select %eq3A_295, %all_reduce_population_count3A_292, %broadcast_in_dim3A_297 : vector<16xi1>, vector<16xi32>
        %add3A_299 = arith.addi %add3A_285, %select_n3A_298 : vector<16xi32>
        %get3A_300 = arith.index_cast %scan3A_44 : i32 to index
        %get3A_301 = arith.constant 288 : index
        %get3A_302 = tpu.vector_load %arg6[%get3A_300, %get3A_301] {strides = array<i32>} : memref<16x320xf32, #tpu.memory_space<vmem>>, vector<16xf32>,
        %gt3A_303 = arith.constant 0.000000e+00 : f32
        %gt3A_304 = vector.broadcast %gt3A_303 : f32 to vector<16xf32>
        %gt3A_305 = arith.cmpf ogt, %get3A_302, %gt3A_304 : vector<16xf32>
        %all_reduce_population_count3A_306 = tpu.all_reduce %gt3A_305 {dim = 0 : i64, kind = #tpu.reduction_kind<sum>} : vector<16xi1> -> vector<16xi32>
        %eq3A_307 = arith.constant 2 : i32
        %eq3A_308 = vector.broadcast %eq3A_307 : i32 to vector<16xi32>
        %eq3A_309 = arith.cmpi eq, %iota3A, %eq3A_308 : vector<16xi32>
        %jit3A_310 = arith.constant 0 : i32
        %broadcast_in_dim3A_311 = vector.broadcast %jit3A_310 : i32 to vector<16xi32>
        %select_n3A_312 = arith.select %eq3A_309, %all_reduce_population_count3A_306, %broadcast_in_dim3A_311 : vector<16xi1>, vector<16xi32>
        %add3A_313 = arith.addi %add3A_299, %select_n3A_312 : vector<16xi32>
        %get3A_314 = arith.index_cast %scan3A_44 : i32 to index
        %get3A_315 = arith.constant 304 : index
        %get3A_316 = tpu.vector_load %arg6[%get3A_314, %get3A_315] {strides = array<i32>} : memref<16x320xf32, #tpu.memory_space<vmem>>, vector<16xf32>,
        %gt3A_317 = arith.constant 0.000000e+00 : f32
        %gt3A_318 = vector.broadcast %gt3A_317 : f32 to vector<16xf32>
        %gt3A_319 = arith.cmpf ogt, %get3A_316, %gt3A_318 : vector<16xf32>
        %all_reduce_population_count3A_320 = tpu.all_reduce %gt3A_319 {dim = 0 : i64, kind = #tpu.reduction_kind<sum>} : vector<16xi1> -> vector<16xi32>
        %eq3A_321 = arith.constant 3 : i32
        %eq3A_322 = vector.broadcast %eq3A_321 : i32 to vector<16xi32>
        %eq3A_323 = arith.cmpi eq, %iota3A, %eq3A_322 : vector<16xi32>
        %jit3A_324 = arith.constant 0 : i32
        %broadcast_in_dim3A_325 = vector.broadcast %jit3A_324 : i32 to vector<16xi32>
        %select_n3A_326 = arith.select %eq3A_323, %all_reduce_population_count3A_320, %broadcast_in_dim3A_325 : vector<16xi1>, vector<16xi32>
        %add3A_327 = arith.addi %add3A_313, %select_n3A_326 : vector<16xi32>
        %broadcast_in_dim3A_328 = arith.constant true
        %broadcast_in_dim3A_329 = vector.broadcast %broadcast_in_dim3A_328 : i1 to vector<16xi1>
        %masked_cumsum3A = tpu.scan <sum>, %add3A_271 masked %broadcast_in_dim3A_329 : vector<16xi32>, vector<16xi1> -> vector<16xi32>
        %broadcast_in_dim3A_330 = arith.constant true
        %broadcast_in_dim3A_331 = vector.broadcast %broadcast_in_dim3A_330 : i1 to vector<16xi1>
        %masked_cumsum3A_332 = tpu.scan <sum>, %add3A_327 masked %broadcast_in_dim3A_331 : vector<16xi32>, vector<16xi1> -> vector<16xi32>
        %slice3A = vector.extract_strided_slice %masked_cumsum3A {offsets = [15], sizes = [1], strides = [1]} : vector<16xi32> to vector<1xi32>
        %squeeze3A = vector.extract %slice3A[0] : i32 from vector<1xi32>
        %add3A_333 = vector.broadcast %squeeze3A : i32 to vector<16xi32>
        %add3A_334 = arith.addi %masked_cumsum3A_332, %add3A_333 : vector<16xi32>
        %slice3A_335 = vector.extract_strided_slice %add3A_334 {offsets = [3], sizes = [1], strides = [1]} : vector<16xi32> to vector<1xi32>
        %squeeze3A_336 = vector.extract %slice3A_335[0] : i32 from vector<1xi32>
        %add3A_337 = arith.constant 0 : i32
        %add3A_338 = vector.broadcast %add3A_337 : i32 to vector<16xi32>
        %add3A_339 = arith.addi %iota3A, %add3A_338 : vector<16xi32>
        %swap3A = arith.constant 0 : index
        %swap3A_340 = tpu.vector_load %arg7[%swap3A] masked %gt3A_55 {strides = array<i32>} : memref<336xi32, #tpu.memory_space<vmem>>, vector<16xi32>, vector<16xi1>
        tpu.vector_store %arg7[%swap3A], %add3A_339 masked %gt3A_55 {strides = array<i32>} : memref<336xi32, #tpu.memory_space<vmem>>, vector<16xi32>, vector<16xi1>
        %slice3A_341 = vector.extract_strided_slice %masked_cumsum3A {offsets = [0], sizes = [1], strides = [1]} : vector<16xi32> to vector<1xi32>
        %squeeze3A_342 = vector.extract %slice3A_341[0] : i32 from vector<1xi32>
        %add3A_343 = arith.constant 16 : i32
        %add3A_344 = vector.broadcast %add3A_343 : i32 to vector<16xi32>
        %add3A_345 = arith.addi %iota3A, %add3A_344 : vector<16xi32>
        %swap3A_346 = arith.index_cast %squeeze3A_342 : i32 to index
        %swap3A_347 = tpu.vector_load %arg7[%swap3A_346] masked %gt3A_67 {strides = array<i32>} : memref<336xi32, #tpu.memory_space<vmem>>, vector<16xi32>, vector<16xi1>
        tpu.vector_store %arg7[%swap3A_346], %add3A_345 masked %gt3A_67 {strides = array<i32>} : memref<336xi32, #tpu.memory_space<vmem>>, vector<16xi32>, vector<16xi1>
        %slice3A_348 = vector.extract_strided_slice %masked_cumsum3A {offsets = [1], sizes = [1], strides = [1]} : vector<16xi32> to vector<1xi32>
        %squeeze3A_349 = vector.extract %slice3A_348[0] : i32 from vector<1xi32>
        %add3A_350 = arith.constant 32 : i32
        %add3A_351 = vector.broadcast %add3A_350 : i32 to vector<16xi32>
        %add3A_352 = arith.addi %iota3A, %add3A_351 : vector<16xi32>
        %swap3A_353 = arith.index_cast %squeeze3A_349 : i32 to index
        %swap3A_354 = tpu.vector_load %arg7[%swap3A_353] masked %gt3A_81 {strides = array<i32>} : memref<336xi32, #tpu.memory_space<vmem>>, vector<16xi32>, vector<16xi1>
        tpu.vector_store %arg7[%swap3A_353], %add3A_352 masked %gt3A_81 {strides = array<i32>} : memref<336xi32, #tpu.memory_space<vmem>>, vector<16xi32>, vector<16xi1>
        %slice3A_355 = vector.extract_strided_slice %masked_cumsum3A {offsets = [2], sizes = [1], strides = [1]} : vector<16xi32> to vector<1xi32>
        %squeeze3A_356 = vector.extract %slice3A_355[0] : i32 from vector<1xi32>
        %add3A_357 = arith.constant 48 : i32
        %add3A_358 = vector.broadcast %add3A_357 : i32 to vector<16xi32>
        %add3A_359 = arith.addi %iota3A, %add3A_358 : vector<16xi32>
        %swap3A_360 = arith.index_cast %squeeze3A_356 : i32 to index
        %swap3A_361 = tpu.vector_load %arg7[%swap3A_360] masked %gt3A_95 {strides = array<i32>} : memref<336xi32, #tpu.memory_space<vmem>>, vector<16xi32>, vector<16xi1>
        tpu.vector_store %arg7[%swap3A_360], %add3A_359 masked %gt3A_95 {strides = array<i32>} : memref<336xi32, #tpu.memory_space<vmem>>, vector<16xi32>, vector<16xi1>
        %slice3A_362 = vector.extract_strided_slice %masked_cumsum3A {offsets = [3], sizes = [1], strides = [1]} : vector<16xi32> to vector<1xi32>
        %squeeze3A_363 = vector.extract %slice3A_362[0] : i32 from vector<1xi32>
        %add3A_364 = arith.constant 64 : i32
        %add3A_365 = vector.broadcast %add3A_364 : i32 to vector<16xi32>
        %add3A_366 = arith.addi %iota3A, %add3A_365 : vector<16xi32>
        %swap3A_367 = arith.index_cast %squeeze3A_363 : i32 to index
        %swap3A_368 = tpu.vector_load %arg7[%swap3A_367] masked %gt3A_109 {strides = array<i32>} : memref<336xi32, #tpu.memory_space<vmem>>, vector<16xi32>, vector<16xi1>
        tpu.vector_store %arg7[%swap3A_367], %add3A_366 masked %gt3A_109 {strides = array<i32>} : memref<336xi32, #tpu.memory_space<vmem>>, vector<16xi32>, vector<16xi1>
        %slice3A_369 = vector.extract_strided_slice %masked_cumsum3A {offsets = [4], sizes = [1], strides = [1]} : vector<16xi32> to vector<1xi32>
        %squeeze3A_370 = vector.extract %slice3A_369[0] : i32 from vector<1xi32>
        %add3A_371 = arith.constant 80 : i32
        %add3A_372 = vector.broadcast %add3A_371 : i32 to vector<16xi32>
        %add3A_373 = arith.addi %iota3A, %add3A_372 : vector<16xi32>
        %swap3A_374 = arith.index_cast %squeeze3A_370 : i32 to index
        %swap3A_375 = tpu.vector_load %arg7[%swap3A_374] masked %gt3A_123 {strides = array<i32>} : memref<336xi32, #tpu.memory_space<vmem>>, vector<16xi32>, vector<16xi1>
        tpu.vector_store %arg7[%swap3A_374], %add3A_373 masked %gt3A_123 {strides = array<i32>} : memref<336xi32, #tpu.memory_space<vmem>>, vector<16xi32>, vector<16xi1>
        %slice3A_376 = vector.extract_strided_slice %masked_cumsum3A {offsets = [5], sizes = [1], strides = [1]} : vector<16xi32> to vector<1xi32>
        %squeeze3A_377 = vector.extract %slice3A_376[0] : i32 from vector<1xi32>
        %add3A_378 = arith.constant 96 : i32
        %add3A_379 = vector.broadcast %add3A_378 : i32 to vector<16xi32>
        %add3A_380 = arith.addi %iota3A, %add3A_379 : vector<16xi32>
        %swap3A_381 = arith.index_cast %squeeze3A_377 : i32 to index
        %swap3A_382 = tpu.vector_load %arg7[%swap3A_381] masked %gt3A_137 {strides = array<i32>} : memref<336xi32, #tpu.memory_space<vmem>>, vector<16xi32>, vector<16xi1>
        tpu.vector_store %arg7[%swap3A_381], %add3A_380 masked %gt3A_137 {strides = array<i32>} : memref<336xi32, #tpu.memory_space<vmem>>, vector<16xi32>, vector<16xi1>
        %slice3A_383 = vector.extract_strided_slice %masked_cumsum3A {offsets = [6], sizes = [1], strides = [1]} : vector<16xi32> to vector<1xi32>
        %squeeze3A_384 = vector.extract %slice3A_383[0] : i32 from vector<1xi32>
        %add3A_385 = arith.constant 112 : i32
        %add3A_386 = vector.broadcast %add3A_385 : i32 to vector<16xi32>
        %add3A_387 = arith.addi %iota3A, %add3A_386 : vector<16xi32>
        %swap3A_388 = arith.index_cast %squeeze3A_384 : i32 to index
        %swap3A_389 = tpu.vector_load %arg7[%swap3A_388] masked %gt3A_151 {strides = array<i32>} : memref<336xi32, #tpu.memory_space<vmem>>, vector<16xi32>, vector<16xi1>
        tpu.vector_store %arg7[%swap3A_388], %add3A_387 masked %gt3A_151 {strides = array<i32>} : memref<336xi32, #tpu.memory_space<vmem>>, vector<16xi32>, vector<16xi1>
        %slice3A_390 = vector.extract_strided_slice %masked_cumsum3A {offsets = [7], sizes = [1], strides = [1]} : vector<16xi32> to vector<1xi32>
        %squeeze3A_391 = vector.extract %slice3A_390[0] : i32 from vector<1xi32>
        %add3A_392 = arith.constant 128 : i32
        %add3A_393 = vector.broadcast %add3A_392 : i32 to vector<16xi32>
        %add3A_394 = arith.addi %iota3A, %add3A_393 : vector<16xi32>
        %swap3A_395 = arith.index_cast %squeeze3A_391 : i32 to index
        %swap3A_396 = tpu.vector_load %arg7[%swap3A_395] masked %gt3A_165 {strides = array<i32>} : memref<336xi32, #tpu.memory_space<vmem>>, vector<16xi32>, vector<16xi1>
        tpu.vector_store %arg7[%swap3A_395], %add3A_394 masked %gt3A_165 {strides = array<i32>} : memref<336xi32, #tpu.memory_space<vmem>>, vector<16xi32>, vector<16xi1>
        %slice3A_397 = vector.extract_strided_slice %masked_cumsum3A {offsets = [8], sizes = [1], strides = [1]} : vector<16xi32> to vector<1xi32>
        %squeeze3A_398 = vector.extract %slice3A_397[0] : i32 from vector<1xi32>
        %add3A_399 = arith.constant 144 : i32
        %add3A_400 = vector.broadcast %add3A_399 : i32 to vector<16xi32>
        %add3A_401 = arith.addi %iota3A, %add3A_400 : vector<16xi32>
        %swap3A_402 = arith.index_cast %squeeze3A_398 : i32 to index
        %swap3A_403 = tpu.vector_load %arg7[%swap3A_402] masked %gt3A_179 {strides = array<i32>} : memref<336xi32, #tpu.memory_space<vmem>>, vector<16xi32>, vector<16xi1>
        tpu.vector_store %arg7[%swap3A_402], %add3A_401 masked %gt3A_179 {strides = array<i32>} : memref<336xi32, #tpu.memory_space<vmem>>, vector<16xi32>, vector<16xi1>
        %slice3A_404 = vector.extract_strided_slice %masked_cumsum3A {offsets = [9], sizes = [1], strides = [1]} : vector<16xi32> to vector<1xi32>
        %squeeze3A_405 = vector.extract %slice3A_404[0] : i32 from vector<1xi32>
        %add3A_406 = arith.constant 160 : i32
        %add3A_407 = vector.broadcast %add3A_406 : i32 to vector<16xi32>
        %add3A_408 = arith.addi %iota3A, %add3A_407 : vector<16xi32>
        %swap3A_409 = arith.index_cast %squeeze3A_405 : i32 to index
        %swap3A_410 = tpu.vector_load %arg7[%swap3A_409] masked %gt3A_193 {strides = array<i32>} : memref<336xi32, #tpu.memory_space<vmem>>, vector<16xi32>, vector<16xi1>
        tpu.vector_store %arg7[%swap3A_409], %add3A_408 masked %gt3A_193 {strides = array<i32>} : memref<336xi32, #tpu.memory_space<vmem>>, vector<16xi32>, vector<16xi1>
        %slice3A_411 = vector.extract_strided_slice %masked_cumsum3A {offsets = [10], sizes = [1], strides = [1]} : vector<16xi32> to vector<1xi32>
        %squeeze3A_412 = vector.extract %slice3A_411[0] : i32 from vector<1xi32>
        %add3A_413 = arith.constant 176 : i32
        %add3A_414 = vector.broadcast %add3A_413 : i32 to vector<16xi32>
        %add3A_415 = arith.addi %iota3A, %add3A_414 : vector<16xi32>
        %swap3A_416 = arith.index_cast %squeeze3A_412 : i32 to index
        %swap3A_417 = tpu.vector_load %arg7[%swap3A_416] masked %gt3A_207 {strides = array<i32>} : memref<336xi32, #tpu.memory_space<vmem>>, vector<16xi32>, vector<16xi1>
        tpu.vector_store %arg7[%swap3A_416], %add3A_415 masked %gt3A_207 {strides = array<i32>} : memref<336xi32, #tpu.memory_space<vmem>>, vector<16xi32>, vector<16xi1>
        %slice3A_418 = vector.extract_strided_slice %masked_cumsum3A {offsets = [11], sizes = [1], strides = [1]} : vector<16xi32> to vector<1xi32>
        %squeeze3A_419 = vector.extract %slice3A_418[0] : i32 from vector<1xi32>
        %add3A_420 = arith.constant 192 : i32
        %add3A_421 = vector.broadcast %add3A_420 : i32 to vector<16xi32>
        %add3A_422 = arith.addi %iota3A, %add3A_421 : vector<16xi32>
        %swap3A_423 = arith.index_cast %squeeze3A_419 : i32 to index
        %swap3A_424 = tpu.vector_load %arg7[%swap3A_423] masked %gt3A_221 {strides = array<i32>} : memref<336xi32, #tpu.memory_space<vmem>>, vector<16xi32>, vector<16xi1>
        tpu.vector_store %arg7[%swap3A_423], %add3A_422 masked %gt3A_221 {strides = array<i32>} : memref<336xi32, #tpu.memory_space<vmem>>, vector<16xi32>, vector<16xi1>
        %slice3A_425 = vector.extract_strided_slice %masked_cumsum3A {offsets = [12], sizes = [1], strides = [1]} : vector<16xi32> to vector<1xi32>
        %squeeze3A_426 = vector.extract %slice3A_425[0] : i32 from vector<1xi32>
        %add3A_427 = arith.constant 208 : i32
        %add3A_428 = vector.broadcast %add3A_427 : i32 to vector<16xi32>
        %add3A_429 = arith.addi %iota3A, %add3A_428 : vector<16xi32>
        %swap3A_430 = arith.index_cast %squeeze3A_426 : i32 to index
        %swap3A_431 = tpu.vector_load %arg7[%swap3A_430] masked %gt3A_235 {strides = array<i32>} : memref<336xi32, #tpu.memory_space<vmem>>, vector<16xi32>, vector<16xi1>
        tpu.vector_store %arg7[%swap3A_430], %add3A_429 masked %gt3A_235 {strides = array<i32>} : memref<336xi32, #tpu.memory_space<vmem>>, vector<16xi32>, vector<16xi1>
        %slice3A_432 = vector.extract_strided_slice %masked_cumsum3A {offsets = [13], sizes = [1], strides = [1]} : vector<16xi32> to vector<1xi32>
        %squeeze3A_433 = vector.extract %slice3A_432[0] : i32 from vector<1xi32>
        %add3A_434 = arith.constant 224 : i32
        %add3A_435 = vector.broadcast %add3A_434 : i32 to vector<16xi32>
        %add3A_436 = arith.addi %iota3A, %add3A_435 : vector<16xi32>
        %swap3A_437 = arith.index_cast %squeeze3A_433 : i32 to index
        %swap3A_438 = tpu.vector_load %arg7[%swap3A_437] masked %gt3A_249 {strides = array<i32>} : memref<336xi32, #tpu.memory_space<vmem>>, vector<16xi32>, vector<16xi1>
        tpu.vector_store %arg7[%swap3A_437], %add3A_436 masked %gt3A_249 {strides = array<i32>} : memref<336xi32, #tpu.memory_space<vmem>>, vector<16xi32>, vector<16xi1>
        %slice3A_439 = vector.extract_strided_slice %masked_cumsum3A {offsets = [14], sizes = [1], strides = [1]} : vector<16xi32> to vector<1xi32>
        %squeeze3A_440 = vector.extract %slice3A_439[0] : i32 from vector<1xi32>
        %add3A_441 = arith.constant 240 : i32
        %add3A_442 = vector.broadcast %add3A_441 : i32 to vector<16xi32>
        %add3A_443 = arith.addi %iota3A, %add3A_442 : vector<16xi32>
        %swap3A_444 = arith.index_cast %squeeze3A_440 : i32 to index
        %swap3A_445 = tpu.vector_load %arg7[%swap3A_444] masked %gt3A_263 {strides = array<i32>} : memref<336xi32, #tpu.memory_space<vmem>>, vector<16xi32>, vector<16xi1>
        tpu.vector_store %arg7[%swap3A_444], %add3A_443 masked %gt3A_263 {strides = array<i32>} : memref<336xi32, #tpu.memory_space<vmem>>, vector<16xi32>, vector<16xi1>
        %slice3A_446 = vector.extract_strided_slice %masked_cumsum3A {offsets = [15], sizes = [1], strides = [1]} : vector<16xi32> to vector<1xi32>
        %squeeze3A_447 = vector.extract %slice3A_446[0] : i32 from vector<1xi32>
        %add3A_448 = arith.constant 256 : i32
        %add3A_449 = vector.broadcast %add3A_448 : i32 to vector<16xi32>
        %add3A_450 = arith.addi %iota3A, %add3A_449 : vector<16xi32>
        %swap3A_451 = arith.index_cast %squeeze3A_447 : i32 to index
        %swap3A_452 = tpu.vector_load %arg7[%swap3A_451] masked %gt3A_277 {strides = array<i32>} : memref<336xi32, #tpu.memory_space<vmem>>, vector<16xi32>, vector<16xi1>
        tpu.vector_store %arg7[%swap3A_451], %add3A_450 masked %gt3A_277 {strides = array<i32>} : memref<336xi32, #tpu.memory_space<vmem>>, vector<16xi32>, vector<16xi1>
        %slice3A_453 = vector.extract_strided_slice %add3A_334 {offsets = [0], sizes = [1], strides = [1]} : vector<16xi32> to vector<1xi32>
        %squeeze3A_454 = vector.extract %slice3A_453[0] : i32 from vector<1xi32>
        %add3A_455 = arith.constant 272 : i32
        %add3A_456 = vector.broadcast %add3A_455 : i32 to vector<16xi32>
        %add3A_457 = arith.addi %iota3A, %add3A_456 : vector<16xi32>
        %swap3A_458 = arith.index_cast %squeeze3A_454 : i32 to index
        %swap3A_459 = tpu.vector_load %arg7[%swap3A_458] masked %gt3A_291 {strides = array<i32>} : memref<336xi32, #tpu.memory_space<vmem>>, vector<16xi32>, vector<16xi1>
        tpu.vector_store %arg7[%swap3A_458], %add3A_457 masked %gt3A_291 {strides = array<i32>} : memref<336xi32, #tpu.memory_space<vmem>>, vector<16xi32>, vector<16xi1>
        %slice3A_460 = vector.extract_strided_slice %add3A_334 {offsets = [1], sizes = [1], strides = [1]} : vector<16xi32> to vector<1xi32>
        %squeeze3A_461 = vector.extract %slice3A_460[0] : i32 from vector<1xi32>
        %add3A_462 = arith.constant 288 : i32
        %add3A_463 = vector.broadcast %add3A_462 : i32 to vector<16xi32>
        %add3A_464 = arith.addi %iota3A, %add3A_463 : vector<16xi32>
        %swap3A_465 = arith.index_cast %squeeze3A_461 : i32 to index
        %swap3A_466 = tpu.vector_load %arg7[%swap3A_465] masked %gt3A_305 {strides = array<i32>} : memref<336xi32, #tpu.memory_space<vmem>>, vector<16xi32>, vector<16xi1>
        tpu.vector_store %arg7[%swap3A_465], %add3A_464 masked %gt3A_305 {strides = array<i32>} : memref<336xi32, #tpu.memory_space<vmem>>, vector<16xi32>, vector<16xi1>
        %slice3A_467 = vector.extract_strided_slice %add3A_334 {offsets = [2], sizes = [1], strides = [1]} : vector<16xi32> to vector<1xi32>
        %squeeze3A_468 = vector.extract %slice3A_467[0] : i32 from vector<1xi32>
        %add3A_469 = arith.constant 304 : i32
        %add3A_470 = vector.broadcast %add3A_469 : i32 to vector<16xi32>
        %add3A_471 = arith.addi %iota3A, %add3A_470 : vector<16xi32>
        %swap3A_472 = arith.index_cast %squeeze3A_468 : i32 to index
        %swap3A_473 = tpu.vector_load %arg7[%swap3A_472] masked %gt3A_319 {strides = array<i32>} : memref<336xi32, #tpu.memory_space<vmem>>, vector<16xi32>, vector<16xi1>
        tpu.vector_store %arg7[%swap3A_472], %add3A_471 masked %gt3A_319 {strides = array<i32>} : memref<336xi32, #tpu.memory_space<vmem>>, vector<16xi32>, vector<16xi1>
        %get3A_474 = arith.constant 16 : i32
        %get3A_475 = arith.index_cast %add3A_47 : i32 to index
        %get3A_476 = arith.index_cast %get3A_474 : i32 to index
        %get3A_477 = arith.constant 0 : index
        %get3A_478 = tpu.vector_load %arg5[%get3A_475, %get3A_476, %get3A_477] {strides = array<i32>} : memref<320x18x16xf32, #tpu.memory_space<vmem>>, vector<16xf32>,
        %add3A_479 = arith.constant 1 : i32
        %add3A_480 = arith.addi %squeeze3A_336, %add3A_479 : i32
        %jit3A_481 = arith.constant 2 : i32
        %div3A_482 = arith.divsi %add3A_480, %jit3A_481 : i32
        %sign3A_483 = arith.constant 0 : i32
        %sign3A_484 = arith.cmpi sgt, %add3A_480, %sign3A_483 : i32
        %sign3A_485 = arith.extui %sign3A_484 : i1 to i32
        %sign3A_486 = arith.constant 0 : i32
        %sign3A_487 = arith.cmpi slt, %add3A_480, %sign3A_486 : i32
        %sign3A_488 = arith.extui %sign3A_487 : i1 to i32
        %sign3A_489 = arith.subi %sign3A_485, %sign3A_488 : i32
        %sign3A_490 = arith.constant 0 : i32
        %sign3A_491 = arith.cmpi sgt, %jit3A_481, %sign3A_490 : i32
        %sign3A_492 = arith.extui %sign3A_491 : i1 to i32
        %sign3A_493 = arith.constant 0 : i32
        %sign3A_494 = arith.cmpi slt, %jit3A_481, %sign3A_493 : i32
        %sign3A_495 = arith.extui %sign3A_494 : i1 to i32
        %sign3A_496 = arith.subi %sign3A_492, %sign3A_495 : i32
        %ne3A_497 = arith.cmpi ne, %sign3A_489, %sign3A_496 : i32
        %rem3A_498 = arith.remsi %add3A_480, %jit3A_481 : i32
        %ne3A_499 = arith.constant 0 : i32
        %ne3A_500 = arith.cmpi ne, %rem3A_498, %ne3A_499 : i32
        %and3A_501 = arith.andi %ne3A_497, %ne3A_500 : i1
        %sub3A_502 = arith.constant 1 : i32
        %sub3A_503 = arith.subi %div3A_482, %sub3A_502 : i32
        %select_n3A_504 = arith.select %and3A_501, %sub3A_503, %div3A_482 : i32
        %while3A_505 = arith.constant 0 : i32
        %while3A_506 = arith.subi %select_n3A_504, %while3A_505 : i32
        %while3A_507 = arith.addi %while3A_505, %while3A_506 : i32
        %while3A_508 = arith.constant 1 : i32
        %while3A_509 = arith.divsi %while3A_506, %while3A_508 : i32
        %while3A_510 = arith.muli %while3A_509, %while3A_508 : i32
        %while3A_511 = arith.addi %while3A_505, %while3A_510 : i32
        %while3A_512 = arith.constant 1 : i32
        %while3A_513:17 = scf.for %while3A_789 = %while3A_505 to %while3A_511 step %while3A_512 iter_args(%while3A_790 = %broadcast_in_dim3A_20, %while3A_791 = %broadcast_in_dim3A_20, %while3A_792 = %broadcast_in_dim3A_20, %while3A_793 = %broadcast_in_dim3A_20, %while3A_794 = %broadcast_in_dim3A_20, %while3A_795 = %broadcast_in_dim3A_20, %while3A_796 = %broadcast_in_dim3A_20, %while3A_797 = %broadcast_in_dim3A_20, %while3A_798 = %broadcast_in_dim3A_20, %while3A_799 = %broadcast_in_dim3A_20, %while3A_800 = %broadcast_in_dim3A_20, %while3A_801 = %broadcast_in_dim3A_20, %while3A_802 = %broadcast_in_dim3A_20, %while3A_803 = %broadcast_in_dim3A_20, %while3A_804 = %broadcast_in_dim3A_20, %while3A_805 = %broadcast_in_dim3A_20, %while3A_806 = %broadcast_in_dim3A_20) -> (vector<16xf32>, vector<16xf32>, vector<16xf32>, vector<16xf32>, vector<16xf32>, vector<16xf32>, vector<16xf32>, vector<16xf32>, vector<16xf32>, vector<16xf32>, vector<16xf32>, vector<16xf32>, vector<16xf32>, vector<16xf32>, vector<16xf32>, vector<16xf32>, vector<16xf32>)  : i32 {
          %mul3A_807 = arith.constant 2 : i32
          %mul3A_808 = arith.muli %mul3A_807, %while3A_789 : i32
          %get3A_809 = arith.index_cast %mul3A_808 : i32 to index
          %get3A_810 = tpu.vector_load %arg7[%get3A_809] {strides = array<i32>} : memref<336xi32, #tpu.memory_space<vmem>>, vector<16xi32>,
          %slice3A_811 = vector.extract_strided_slice %get3A_810 {offsets = [0], sizes = [1], strides = [1]} : vector<16xi32> to vector<1xi32>
          %squeeze3A_812 = vector.extract %slice3A_811[0] : i32 from vector<1xi32>
          %add3A_813 = arith.constant 1 : i32
          %add3A_814 = arith.addi %mul3A_808, %add3A_813 : i32
          %lt3A = arith.cmpi slt, %add3A_814, %squeeze3A_336 : i32
          %slice3A_815 = vector.extract_strided_slice %get3A_810 {offsets = [1], sizes = [1], strides = [1]} : vector<16xi32> to vector<1xi32>
          %squeeze3A_816 = vector.extract %slice3A_815[0] : i32 from vector<1xi32>
          %jit3A_817 = arith.constant 0 : i32
          %select_n3A_818 = arith.select %lt3A, %squeeze3A_816, %jit3A_817 : i32
          %get3A_819 = arith.constant 17 : i32
          %get3A_820 = arith.index_cast %squeeze3A_812 : i32 to index
          %get3A_821 = arith.index_cast %get3A_819 : i32 to index
          %get3A_822 = arith.constant 0 : index
          %get3A_823 = tpu.vector_load %arg5[%get3A_820, %get3A_821, %get3A_822] {strides = array<i32>} : memref<320x18x16xf32, #tpu.memory_space<vmem>>, vector<16xf32>,
          %add3A_824 = arith.addf %get3A_478, %get3A_823 : vector<16xf32>
          %get3A_825 = arith.constant 17 : i32
          %get3A_826 = arith.index_cast %select_n3A_818 : i32 to index
          %get3A_827 = arith.index_cast %get3A_825 : i32 to index
          %get3A_828 = arith.constant 0 : index
          %get3A_829 = tpu.vector_load %arg5[%get3A_826, %get3A_827, %get3A_828] {strides = array<i32>} : memref<320x18x16xf32, #tpu.memory_space<vmem>>, vector<16xf32>,
          %add3A_830 = arith.addf %get3A_478, %get3A_829 : vector<16xf32>
          %gt3A_831 = arith.constant 0.000000e+00 : f32
          %gt3A_832 = vector.broadcast %gt3A_831 : f32 to vector<16xf32>
          %gt3A_833 = arith.cmpf ogt, %add3A_824, %gt3A_832 : vector<16xf32>
          %mul3A_834 = arith.constant 2.000000e-01 : f32
          %mul3A_835 = vector.broadcast %mul3A_834 : f32 to vector<16xf32>
          %mul3A_836 = arith.mulf %mul3A_835, %add3A_824 : vector<16xf32>
          %select_n3A_837 = arith.select %gt3A_833, %add3A_824, %mul3A_836 : vector<16xi1>, vector<16xf32>
          %gt3A_838 = arith.constant 0.000000e+00 : f32
          %gt3A_839 = vector.broadcast %gt3A_838 : f32 to vector<16xf32>
          %gt3A_840 = arith.cmpf ogt, %add3A_830, %gt3A_839 : vector<16xf32>
          %mul3A_841 = arith.constant 2.000000e-01 : f32
          %mul3A_842 = vector.broadcast %mul3A_841 : f32 to vector<16xf32>
          %mul3A_843 = arith.mulf %mul3A_842, %add3A_830 : vector<16xf32>
          %select_n3A_844 = arith.select %gt3A_840, %add3A_830, %mul3A_843 : vector<16xi1>, vector<16xf32>
          %exp3A_845 = math.exp %select_n3A_837 : vector<16xf32>
          %exp3A_846 = math.exp %select_n3A_844 : vector<16xf32>
          %select_n3A_847 = arith.select %lt3A, %exp3A_846, %broadcast_in_dim3A_20 : vector<16xf32>
          %add3A_848 = arith.addf %while3A_790, %exp3A_845 : vector<16xf32>
          %add3A_849 = arith.addf %add3A_848, %select_n3A_847 : vector<16xf32>
          %get3A_850 = arith.constant 0 : i32
          %get3A_851 = arith.index_cast %squeeze3A_812 : i32 to index
          %get3A_852 = arith.index_cast %get3A_850 : i32 to index
          %get3A_853 = arith.constant 0 : index
          %get3A_854 = tpu.vector_load %arg5[%get3A_851, %get3A_852, %get3A_853] {strides = array<i32>} : memref<320x18x16xf32, #tpu.memory_space<vmem>>, vector<16xf32>,
          %mul3A_855 = arith.mulf %exp3A_845, %get3A_854 : vector<16xf32>
          %add3A_856 = arith.addf %while3A_791, %mul3A_855 : vector<16xf32>
          %get3A_857 = arith.constant 0 : i32
          %get3A_858 = arith.index_cast %select_n3A_818 : i32 to index
          %get3A_859 = arith.index_cast %get3A_857 : i32 to index
          %get3A_860 = arith.constant 0 : index
          %get3A_861 = tpu.vector_load %arg5[%get3A_858, %get3A_859, %get3A_860] {strides = array<i32>} : memref<320x18x16xf32, #tpu.memory_space<vmem>>, vector<16xf32>,
          %mul3A_862 = arith.mulf %select_n3A_847, %get3A_861 : vector<16xf32>
          %add3A_863 = arith.addf %add3A_856, %mul3A_862 : vector<16xf32>
          %get3A_864 = arith.constant 1 : i32
          %get3A_865 = arith.index_cast %squeeze3A_812 : i32 to index
          %get3A_866 = arith.index_cast %get3A_864 : i32 to index
          %get3A_867 = arith.constant 0 : index
          %get3A_868 = tpu.vector_load %arg5[%get3A_865, %get3A_866, %get3A_867] {strides = array<i32>} : memref<320x18x16xf32, #tpu.memory_space<vmem>>, vector<16xf32>,
          %mul3A_869 = arith.mulf %exp3A_845, %get3A_868 : vector<16xf32>
          %add3A_870 = arith.addf %while3A_792, %mul3A_869 : vector<16xf32>
          %get3A_871 = arith.constant 1 : i32
          %get3A_872 = arith.index_cast %select_n3A_818 : i32 to index
          %get3A_873 = arith.index_cast %get3A_871 : i32 to index
          %get3A_874 = arith.constant 0 : index
          %get3A_875 = tpu.vector_load %arg5[%get3A_872, %get3A_873, %get3A_874] {strides = array<i32>} : memref<320x18x16xf32, #tpu.memory_space<vmem>>, vector<16xf32>,
          %mul3A_876 = arith.mulf %select_n3A_847, %get3A_875 : vector<16xf32>
          %add3A_877 = arith.addf %add3A_870, %mul3A_876 : vector<16xf32>
          %get3A_878 = arith.constant 2 : i32
          %get3A_879 = arith.index_cast %squeeze3A_812 : i32 to index
          %get3A_880 = arith.index_cast %get3A_878 : i32 to index
          %get3A_881 = arith.constant 0 : index
          %get3A_882 = tpu.vector_load %arg5[%get3A_879, %get3A_880, %get3A_881] {strides = array<i32>} : memref<320x18x16xf32, #tpu.memory_space<vmem>>, vector<16xf32>,
          %mul3A_883 = arith.mulf %exp3A_845, %get3A_882 : vector<16xf32>
          %add3A_884 = arith.addf %while3A_793, %mul3A_883 : vector<16xf32>
          %get3A_885 = arith.constant 2 : i32
          %get3A_886 = arith.index_cast %select_n3A_818 : i32 to index
          %get3A_887 = arith.index_cast %get3A_885 : i32 to index
          %get3A_888 = arith.constant 0 : index
          %get3A_889 = tpu.vector_load %arg5[%get3A_886, %get3A_887, %get3A_888] {strides = array<i32>} : memref<320x18x16xf32, #tpu.memory_space<vmem>>, vector<16xf32>,
          %mul3A_890 = arith.mulf %select_n3A_847, %get3A_889 : vector<16xf32>
          %add3A_891 = arith.addf %add3A_884, %mul3A_890 : vector<16xf32>
          %get3A_892 = arith.constant 3 : i32
          %get3A_893 = arith.index_cast %squeeze3A_812 : i32 to index
          %get3A_894 = arith.index_cast %get3A_892 : i32 to index
          %get3A_895 = arith.constant 0 : index
          %get3A_896 = tpu.vector_load %arg5[%get3A_893, %get3A_894, %get3A_895] {strides = array<i32>} : memref<320x18x16xf32, #tpu.memory_space<vmem>>, vector<16xf32>,
          %mul3A_897 = arith.mulf %exp3A_845, %get3A_896 : vector<16xf32>
          %add3A_898 = arith.addf %while3A_794, %mul3A_897 : vector<16xf32>
          %get3A_899 = arith.constant 3 : i32
          %get3A_900 = arith.index_cast %select_n3A_818 : i32 to index
          %get3A_901 = arith.index_cast %get3A_899 : i32 to index
          %get3A_902 = arith.constant 0 : index
          %get3A_903 = tpu.vector_load %arg5[%get3A_900, %get3A_901, %get3A_902] {strides = array<i32>} : memref<320x18x16xf32, #tpu.memory_space<vmem>>, vector<16xf32>,
          %mul3A_904 = arith.mulf %select_n3A_847, %get3A_903 : vector<16xf32>
          %add3A_905 = arith.addf %add3A_898, %mul3A_904 : vector<16xf32>
          %get3A_906 = arith.constant 4 : i32
          %get3A_907 = arith.index_cast %squeeze3A_812 : i32 to index
          %get3A_908 = arith.index_cast %get3A_906 : i32 to index
          %get3A_909 = arith.constant 0 : index
          %get3A_910 = tpu.vector_load %arg5[%get3A_907, %get3A_908, %get3A_909] {strides = array<i32>} : memref<320x18x16xf32, #tpu.memory_space<vmem>>, vector<16xf32>,
          %mul3A_911 = arith.mulf %exp3A_845, %get3A_910 : vector<16xf32>
          %add3A_912 = arith.addf %while3A_795, %mul3A_911 : vector<16xf32>
          %get3A_913 = arith.constant 4 : i32
          %get3A_914 = arith.index_cast %select_n3A_818 : i32 to index
          %get3A_915 = arith.index_cast %get3A_913 : i32 to index
          %get3A_916 = arith.constant 0 : index
          %get3A_917 = tpu.vector_load %arg5[%get3A_914, %get3A_915, %get3A_916] {strides = array<i32>} : memref<320x18x16xf32, #tpu.memory_space<vmem>>, vector<16xf32>,
          %mul3A_918 = arith.mulf %select_n3A_847, %get3A_917 : vector<16xf32>
          %add3A_919 = arith.addf %add3A_912, %mul3A_918 : vector<16xf32>
          %get3A_920 = arith.constant 5 : i32
          %get3A_921 = arith.index_cast %squeeze3A_812 : i32 to index
          %get3A_922 = arith.index_cast %get3A_920 : i32 to index
          %get3A_923 = arith.constant 0 : index
          %get3A_924 = tpu.vector_load %arg5[%get3A_921, %get3A_922, %get3A_923] {strides = array<i32>} : memref<320x18x16xf32, #tpu.memory_space<vmem>>, vector<16xf32>,
          %mul3A_925 = arith.mulf %exp3A_845, %get3A_924 : vector<16xf32>
          %add3A_926 = arith.addf %while3A_796, %mul3A_925 : vector<16xf32>
          %get3A_927 = arith.constant 5 : i32
          %get3A_928 = arith.index_cast %select_n3A_818 : i32 to index
          %get3A_929 = arith.index_cast %get3A_927 : i32 to index
          %get3A_930 = arith.constant 0 : index
          %get3A_931 = tpu.vector_load %arg5[%get3A_928, %get3A_929, %get3A_930] {strides = array<i32>} : memref<320x18x16xf32, #tpu.memory_space<vmem>>, vector<16xf32>,
          %mul3A_932 = arith.mulf %select_n3A_847, %get3A_931 : vector<16xf32>
          %add3A_933 = arith.addf %add3A_926, %mul3A_932 : vector<16xf32>
          %get3A_934 = arith.constant 6 : i32
          %get3A_935 = arith.index_cast %squeeze3A_812 : i32 to index
          %get3A_936 = arith.index_cast %get3A_934 : i32 to index
          %get3A_937 = arith.constant 0 : index
          %get3A_938 = tpu.vector_load %arg5[%get3A_935, %get3A_936, %get3A_937] {strides = array<i32>} : memref<320x18x16xf32, #tpu.memory_space<vmem>>, vector<16xf32>,
          %mul3A_939 = arith.mulf %exp3A_845, %get3A_938 : vector<16xf32>
          %add3A_940 = arith.addf %while3A_797, %mul3A_939 : vector<16xf32>
          %get3A_941 = arith.constant 6 : i32
          %get3A_942 = arith.index_cast %select_n3A_818 : i32 to index
          %get3A_943 = arith.index_cast %get3A_941 : i32 to index
          %get3A_944 = arith.constant 0 : index
          %get3A_945 = tpu.vector_load %arg5[%get3A_942, %get3A_943, %get3A_944] {strides = array<i32>} : memref<320x18x16xf32, #tpu.memory_space<vmem>>, vector<16xf32>,
          %mul3A_946 = arith.mulf %select_n3A_847, %get3A_945 : vector<16xf32>
          %add3A_947 = arith.addf %add3A_940, %mul3A_946 : vector<16xf32>
          %get3A_948 = arith.constant 7 : i32
          %get3A_949 = arith.index_cast %squeeze3A_812 : i32 to index
          %get3A_950 = arith.index_cast %get3A_948 : i32 to index
          %get3A_951 = arith.constant 0 : index
          %get3A_952 = tpu.vector_load %arg5[%get3A_949, %get3A_950, %get3A_951] {strides = array<i32>} : memref<320x18x16xf32, #tpu.memory_space<vmem>>, vector<16xf32>,
          %mul3A_953 = arith.mulf %exp3A_845, %get3A_952 : vector<16xf32>
          %add3A_954 = arith.addf %while3A_798, %mul3A_953 : vector<16xf32>
          %get3A_955 = arith.constant 7 : i32
          %get3A_956 = arith.index_cast %select_n3A_818 : i32 to index
          %get3A_957 = arith.index_cast %get3A_955 : i32 to index
          %get3A_958 = arith.constant 0 : index
          %get3A_959 = tpu.vector_load %arg5[%get3A_956, %get3A_957, %get3A_958] {strides = array<i32>} : memref<320x18x16xf32, #tpu.memory_space<vmem>>, vector<16xf32>,
          %mul3A_960 = arith.mulf %select_n3A_847, %get3A_959 : vector<16xf32>
          %add3A_961 = arith.addf %add3A_954, %mul3A_960 : vector<16xf32>
          %get3A_962 = arith.constant 8 : i32
          %get3A_963 = arith.index_cast %squeeze3A_812 : i32 to index
          %get3A_964 = arith.index_cast %get3A_962 : i32 to index
          %get3A_965 = arith.constant 0 : index
          %get3A_966 = tpu.vector_load %arg5[%get3A_963, %get3A_964, %get3A_965] {strides = array<i32>} : memref<320x18x16xf32, #tpu.memory_space<vmem>>, vector<16xf32>,
          %mul3A_967 = arith.mulf %exp3A_845, %get3A_966 : vector<16xf32>
          %add3A_968 = arith.addf %while3A_799, %mul3A_967 : vector<16xf32>
          %get3A_969 = arith.constant 8 : i32
          %get3A_970 = arith.index_cast %select_n3A_818 : i32 to index
          %get3A_971 = arith.index_cast %get3A_969 : i32 to index
          %get3A_972 = arith.constant 0 : index
          %get3A_973 = tpu.vector_load %arg5[%get3A_970, %get3A_971, %get3A_972] {strides = array<i32>} : memref<320x18x16xf32, #tpu.memory_space<vmem>>, vector<16xf32>,
          %mul3A_974 = arith.mulf %select_n3A_847, %get3A_973 : vector<16xf32>
          %add3A_975 = arith.addf %add3A_968, %mul3A_974 : vector<16xf32>
          %get3A_976 = arith.constant 9 : i32
          %get3A_977 = arith.index_cast %squeeze3A_812 : i32 to index
          %get3A_978 = arith.index_cast %get3A_976 : i32 to index
          %get3A_979 = arith.constant 0 : index
          %get3A_980 = tpu.vector_load %arg5[%get3A_977, %get3A_978, %get3A_979] {strides = array<i32>} : memref<320x18x16xf32, #tpu.memory_space<vmem>>, vector<16xf32>,
          %mul3A_981 = arith.mulf %exp3A_845, %get3A_980 : vector<16xf32>
          %add3A_982 = arith.addf %while3A_800, %mul3A_981 : vector<16xf32>
          %get3A_983 = arith.constant 9 : i32
          %get3A_984 = arith.index_cast %select_n3A_818 : i32 to index
          %get3A_985 = arith.index_cast %get3A_983 : i32 to index
          %get3A_986 = arith.constant 0 : index
          %get3A_987 = tpu.vector_load %arg5[%get3A_984, %get3A_985, %get3A_986] {strides = array<i32>} : memref<320x18x16xf32, #tpu.memory_space<vmem>>, vector<16xf32>,
          %mul3A_988 = arith.mulf %select_n3A_847, %get3A_987 : vector<16xf32>
          %add3A_989 = arith.addf %add3A_982, %mul3A_988 : vector<16xf32>
          %get3A_990 = arith.constant 10 : i32
          %get3A_991 = arith.index_cast %squeeze3A_812 : i32 to index
          %get3A_992 = arith.index_cast %get3A_990 : i32 to index
          %get3A_993 = arith.constant 0 : index
          %get3A_994 = tpu.vector_load %arg5[%get3A_991, %get3A_992, %get3A_993] {strides = array<i32>} : memref<320x18x16xf32, #tpu.memory_space<vmem>>, vector<16xf32>,
          %mul3A_995 = arith.mulf %exp3A_845, %get3A_994 : vector<16xf32>
          %add3A_996 = arith.addf %while3A_801, %mul3A_995 : vector<16xf32>
          %get3A_997 = arith.constant 10 : i32
          %get3A_998 = arith.index_cast %select_n3A_818 : i32 to index
          %get3A_999 = arith.index_cast %get3A_997 : i32 to index
          %get3A_1000 = arith.constant 0 : index
          %get3A_1001 = tpu.vector_load %arg5[%get3A_998, %get3A_999, %get3A_1000] {strides = array<i32>} : memref<320x18x16xf32, #tpu.memory_space<vmem>>, vector<16xf32>,
          %mul3A_1002 = arith.mulf %select_n3A_847, %get3A_1001 : vector<16xf32>
          %add3A_1003 = arith.addf %add3A_996, %mul3A_1002 : vector<16xf32>
          %get3A_1004 = arith.constant 11 : i32
          %get3A_1005 = arith.index_cast %squeeze3A_812 : i32 to index
          %get3A_1006 = arith.index_cast %get3A_1004 : i32 to index
          %get3A_1007 = arith.constant 0 : index
          %get3A_1008 = tpu.vector_load %arg5[%get3A_1005, %get3A_1006, %get3A_1007] {strides = array<i32>} : memref<320x18x16xf32, #tpu.memory_space<vmem>>, vector<16xf32>,
          %mul3A_1009 = arith.mulf %exp3A_845, %get3A_1008 : vector<16xf32>
          %add3A_1010 = arith.addf %while3A_802, %mul3A_1009 : vector<16xf32>
          %get3A_1011 = arith.constant 11 : i32
          %get3A_1012 = arith.index_cast %select_n3A_818 : i32 to index
          %get3A_1013 = arith.index_cast %get3A_1011 : i32 to index
          %get3A_1014 = arith.constant 0 : index
          %get3A_1015 = tpu.vector_load %arg5[%get3A_1012, %get3A_1013, %get3A_1014] {strides = array<i32>} : memref<320x18x16xf32, #tpu.memory_space<vmem>>, vector<16xf32>,
          %mul3A_1016 = arith.mulf %select_n3A_847, %get3A_1015 : vector<16xf32>
          %add3A_1017 = arith.addf %add3A_1010, %mul3A_1016 : vector<16xf32>
          %get3A_1018 = arith.constant 12 : i32
          %get3A_1019 = arith.index_cast %squeeze3A_812 : i32 to index
          %get3A_1020 = arith.index_cast %get3A_1018 : i32 to index
          %get3A_1021 = arith.constant 0 : index
          %get3A_1022 = tpu.vector_load %arg5[%get3A_1019, %get3A_1020, %get3A_1021] {strides = array<i32>} : memref<320x18x16xf32, #tpu.memory_space<vmem>>, vector<16xf32>,
          %mul3A_1023 = arith.mulf %exp3A_845, %get3A_1022 : vector<16xf32>
          %add3A_1024 = arith.addf %while3A_803, %mul3A_1023 : vector<16xf32>
          %get3A_1025 = arith.constant 12 : i32
          %get3A_1026 = arith.index_cast %select_n3A_818 : i32 to index
          %get3A_1027 = arith.index_cast %get3A_1025 : i32 to index
          %get3A_1028 = arith.constant 0 : index
          %get3A_1029 = tpu.vector_load %arg5[%get3A_1026, %get3A_1027, %get3A_1028] {strides = array<i32>} : memref<320x18x16xf32, #tpu.memory_space<vmem>>, vector<16xf32>,
          %mul3A_1030 = arith.mulf %select_n3A_847, %get3A_1029 : vector<16xf32>
          %add3A_1031 = arith.addf %add3A_1024, %mul3A_1030 : vector<16xf32>
          %get3A_1032 = arith.constant 13 : i32
          %get3A_1033 = arith.index_cast %squeeze3A_812 : i32 to index
          %get3A_1034 = arith.index_cast %get3A_1032 : i32 to index
          %get3A_1035 = arith.constant 0 : index
          %get3A_1036 = tpu.vector_load %arg5[%get3A_1033, %get3A_1034, %get3A_1035] {strides = array<i32>} : memref<320x18x16xf32, #tpu.memory_space<vmem>>, vector<16xf32>,
          %mul3A_1037 = arith.mulf %exp3A_845, %get3A_1036 : vector<16xf32>
          %add3A_1038 = arith.addf %while3A_804, %mul3A_1037 : vector<16xf32>
          %get3A_1039 = arith.constant 13 : i32
          %get3A_1040 = arith.index_cast %select_n3A_818 : i32 to index
          %get3A_1041 = arith.index_cast %get3A_1039 : i32 to index
          %get3A_1042 = arith.constant 0 : index
          %get3A_1043 = tpu.vector_load %arg5[%get3A_1040, %get3A_1041, %get3A_1042] {strides = array<i32>} : memref<320x18x16xf32, #tpu.memory_space<vmem>>, vector<16xf32>,
          %mul3A_1044 = arith.mulf %select_n3A_847, %get3A_1043 : vector<16xf32>
          %add3A_1045 = arith.addf %add3A_1038, %mul3A_1044 : vector<16xf32>
          %get3A_1046 = arith.constant 14 : i32
          %get3A_1047 = arith.index_cast %squeeze3A_812 : i32 to index
          %get3A_1048 = arith.index_cast %get3A_1046 : i32 to index
          %get3A_1049 = arith.constant 0 : index
          %get3A_1050 = tpu.vector_load %arg5[%get3A_1047, %get3A_1048, %get3A_1049] {strides = array<i32>} : memref<320x18x16xf32, #tpu.memory_space<vmem>>, vector<16xf32>,
          %mul3A_1051 = arith.mulf %exp3A_845, %get3A_1050 : vector<16xf32>
          %add3A_1052 = arith.addf %while3A_805, %mul3A_1051 : vector<16xf32>
          %get3A_1053 = arith.constant 14 : i32
          %get3A_1054 = arith.index_cast %select_n3A_818 : i32 to index
          %get3A_1055 = arith.index_cast %get3A_1053 : i32 to index
          %get3A_1056 = arith.constant 0 : index
          %get3A_1057 = tpu.vector_load %arg5[%get3A_1054, %get3A_1055, %get3A_1056] {strides = array<i32>} : memref<320x18x16xf32, #tpu.memory_space<vmem>>, vector<16xf32>,
          %mul3A_1058 = arith.mulf %select_n3A_847, %get3A_1057 : vector<16xf32>
          %add3A_1059 = arith.addf %add3A_1052, %mul3A_1058 : vector<16xf32>
          %get3A_1060 = arith.constant 15 : i32
          %get3A_1061 = arith.index_cast %squeeze3A_812 : i32 to index
          %get3A_1062 = arith.index_cast %get3A_1060 : i32 to index
          %get3A_1063 = arith.constant 0 : index
          %get3A_1064 = tpu.vector_load %arg5[%get3A_1061, %get3A_1062, %get3A_1063] {strides = array<i32>} : memref<320x18x16xf32, #tpu.memory_space<vmem>>, vector<16xf32>,
          %mul3A_1065 = arith.mulf %exp3A_845, %get3A_1064 : vector<16xf32>
          %add3A_1066 = arith.addf %while3A_806, %mul3A_1065 : vector<16xf32>
          %get3A_1067 = arith.constant 15 : i32
          %get3A_1068 = arith.index_cast %select_n3A_818 : i32 to index
          %get3A_1069 = arith.index_cast %get3A_1067 : i32 to index
          %get3A_1070 = arith.constant 0 : index
          %get3A_1071 = tpu.vector_load %arg5[%get3A_1068, %get3A_1069, %get3A_1070] {strides = array<i32>} : memref<320x18x16xf32, #tpu.memory_space<vmem>>, vector<16xf32>,
          %mul3A_1072 = arith.mulf %select_n3A_847, %get3A_1071 : vector<16xf32>
          %add3A_1073 = arith.addf %add3A_1066, %mul3A_1072 : vector<16xf32>
          scf.yield %add3A_849, %add3A_863, %add3A_877, %add3A_891, %add3A_905, %add3A_919, %add3A_933, %add3A_947, %add3A_961, %add3A_975, %add3A_989, %add3A_1003, %add3A_1017, %add3A_1031, %add3A_1045, %add3A_1059, %add3A_1073 : vector<16xf32>, vector<16xf32>, vector<16xf32>, vector<16xf32>, vector<16xf32>, vector<16xf32>, vector<16xf32>, vector<16xf32>, vector<16xf32>, vector<16xf32>, vector<16xf32>, vector<16xf32>, vector<16xf32>, vector<16xf32>, vector<16xf32>, vector<16xf32>, vector<16xf32>
        }
        %while3A_514 = arith.constant 1 : i32
        %while3A_515:17 = scf.for %while3A_789 = %while3A_511 to %while3A_507 step %while3A_514 iter_args(%while3A_790 = %while3A_513#0, %while3A_791 = %while3A_513#1, %while3A_792 = %while3A_513#2, %while3A_793 = %while3A_513#3, %while3A_794 = %while3A_513#4, %while3A_795 = %while3A_513#5, %while3A_796 = %while3A_513#6, %while3A_797 = %while3A_513#7, %while3A_798 = %while3A_513#8, %while3A_799 = %while3A_513#9, %while3A_800 = %while3A_513#10, %while3A_801 = %while3A_513#11, %while3A_802 = %while3A_513#12, %while3A_803 = %while3A_513#13, %while3A_804 = %while3A_513#14, %while3A_805 = %while3A_513#15, %while3A_806 = %while3A_513#16) -> (vector<16xf32>, vector<16xf32>, vector<16xf32>, vector<16xf32>, vector<16xf32>, vector<16xf32>, vector<16xf32>, vector<16xf32>, vector<16xf32>, vector<16xf32>, vector<16xf32>, vector<16xf32>, vector<16xf32>, vector<16xf32>, vector<16xf32>, vector<16xf32>, vector<16xf32>)  : i32 {
          %mul3A_807 = arith.constant 2 : i32
          %mul3A_808 = arith.muli %mul3A_807, %while3A_789 : i32
          %get3A_809 = arith.index_cast %mul3A_808 : i32 to index
          %get3A_810 = tpu.vector_load %arg7[%get3A_809] {strides = array<i32>} : memref<336xi32, #tpu.memory_space<vmem>>, vector<16xi32>,
          %slice3A_811 = vector.extract_strided_slice %get3A_810 {offsets = [0], sizes = [1], strides = [1]} : vector<16xi32> to vector<1xi32>
          %squeeze3A_812 = vector.extract %slice3A_811[0] : i32 from vector<1xi32>
          %add3A_813 = arith.constant 1 : i32
          %add3A_814 = arith.addi %mul3A_808, %add3A_813 : i32
          %lt3A = arith.cmpi slt, %add3A_814, %squeeze3A_336 : i32
          %slice3A_815 = vector.extract_strided_slice %get3A_810 {offsets = [1], sizes = [1], strides = [1]} : vector<16xi32> to vector<1xi32>
          %squeeze3A_816 = vector.extract %slice3A_815[0] : i32 from vector<1xi32>
          %jit3A_817 = arith.constant 0 : i32
          %select_n3A_818 = arith.select %lt3A, %squeeze3A_816, %jit3A_817 : i32
          %get3A_819 = arith.constant 17 : i32
          %get3A_820 = arith.index_cast %squeeze3A_812 : i32 to index
          %get3A_821 = arith.index_cast %get3A_819 : i32 to index
          %get3A_822 = arith.constant 0 : index
          %get3A_823 = tpu.vector_load %arg5[%get3A_820, %get3A_821, %get3A_822] {strides = array<i32>} : memref<320x18x16xf32, #tpu.memory_space<vmem>>, vector<16xf32>,
          %add3A_824 = arith.addf %get3A_478, %get3A_823 : vector<16xf32>
          %get3A_825 = arith.constant 17 : i32
          %get3A_826 = arith.index_cast %select_n3A_818 : i32 to index
          %get3A_827 = arith.index_cast %get3A_825 : i32 to index
          %get3A_828 = arith.constant 0 : index
          %get3A_829 = tpu.vector_load %arg5[%get3A_826, %get3A_827, %get3A_828] {strides = array<i32>} : memref<320x18x16xf32, #tpu.memory_space<vmem>>, vector<16xf32>,
          %add3A_830 = arith.addf %get3A_478, %get3A_829 : vector<16xf32>
          %gt3A_831 = arith.constant 0.000000e+00 : f32
          %gt3A_832 = vector.broadcast %gt3A_831 : f32 to vector<16xf32>
          %gt3A_833 = arith.cmpf ogt, %add3A_824, %gt3A_832 : vector<16xf32>
          %mul3A_834 = arith.constant 2.000000e-01 : f32
          %mul3A_835 = vector.broadcast %mul3A_834 : f32 to vector<16xf32>
          %mul3A_836 = arith.mulf %mul3A_835, %add3A_824 : vector<16xf32>
          %select_n3A_837 = arith.select %gt3A_833, %add3A_824, %mul3A_836 : vector<16xi1>, vector<16xf32>
          %gt3A_838 = arith.constant 0.000000e+00 : f32
          %gt3A_839 = vector.broadcast %gt3A_838 : f32 to vector<16xf32>
          %gt3A_840 = arith.cmpf ogt, %add3A_830, %gt3A_839 : vector<16xf32>
          %mul3A_841 = arith.constant 2.000000e-01 : f32
          %mul3A_842 = vector.broadcast %mul3A_841 : f32 to vector<16xf32>
          %mul3A_843 = arith.mulf %mul3A_842, %add3A_830 : vector<16xf32>
          %select_n3A_844 = arith.select %gt3A_840, %add3A_830, %mul3A_843 : vector<16xi1>, vector<16xf32>
          %exp3A_845 = math.exp %select_n3A_837 : vector<16xf32>
          %exp3A_846 = math.exp %select_n3A_844 : vector<16xf32>
          %select_n3A_847 = arith.select %lt3A, %exp3A_846, %broadcast_in_dim3A_20 : vector<16xf32>
          %add3A_848 = arith.addf %while3A_790, %exp3A_845 : vector<16xf32>
          %add3A_849 = arith.addf %add3A_848, %select_n3A_847 : vector<16xf32>
          %get3A_850 = arith.constant 0 : i32
          %get3A_851 = arith.index_cast %squeeze3A_812 : i32 to index
          %get3A_852 = arith.index_cast %get3A_850 : i32 to index
          %get3A_853 = arith.constant 0 : index
          %get3A_854 = tpu.vector_load %arg5[%get3A_851, %get3A_852, %get3A_853] {strides = array<i32>} : memref<320x18x16xf32, #tpu.memory_space<vmem>>, vector<16xf32>,
          %mul3A_855 = arith.mulf %exp3A_845, %get3A_854 : vector<16xf32>
          %add3A_856 = arith.addf %while3A_791, %mul3A_855 : vector<16xf32>
          %get3A_857 = arith.constant 0 : i32
          %get3A_858 = arith.index_cast %select_n3A_818 : i32 to index
          %get3A_859 = arith.index_cast %get3A_857 : i32 to index
          %get3A_860 = arith.constant 0 : index
          %get3A_861 = tpu.vector_load %arg5[%get3A_858, %get3A_859, %get3A_860] {strides = array<i32>} : memref<320x18x16xf32, #tpu.memory_space<vmem>>, vector<16xf32>,
          %mul3A_862 = arith.mulf %select_n3A_847, %get3A_861 : vector<16xf32>
          %add3A_863 = arith.addf %add3A_856, %mul3A_862 : vector<16xf32>
          %get3A_864 = arith.constant 1 : i32
          %get3A_865 = arith.index_cast %squeeze3A_812 : i32 to index
          %get3A_866 = arith.index_cast %get3A_864 : i32 to index
          %get3A_867 = arith.constant 0 : index
          %get3A_868 = tpu.vector_load %arg5[%get3A_865, %get3A_866, %get3A_867] {strides = array<i32>} : memref<320x18x16xf32, #tpu.memory_space<vmem>>, vector<16xf32>,
          %mul3A_869 = arith.mulf %exp3A_845, %get3A_868 : vector<16xf32>
          %add3A_870 = arith.addf %while3A_792, %mul3A_869 : vector<16xf32>
          %get3A_871 = arith.constant 1 : i32
          %get3A_872 = arith.index_cast %select_n3A_818 : i32 to index
          %get3A_873 = arith.index_cast %get3A_871 : i32 to index
          %get3A_874 = arith.constant 0 : index
          %get3A_875 = tpu.vector_load %arg5[%get3A_872, %get3A_873, %get3A_874] {strides = array<i32>} : memref<320x18x16xf32, #tpu.memory_space<vmem>>, vector<16xf32>,
          %mul3A_876 = arith.mulf %select_n3A_847, %get3A_875 : vector<16xf32>
          %add3A_877 = arith.addf %add3A_870, %mul3A_876 : vector<16xf32>
          %get3A_878 = arith.constant 2 : i32
          %get3A_879 = arith.index_cast %squeeze3A_812 : i32 to index
          %get3A_880 = arith.index_cast %get3A_878 : i32 to index
          %get3A_881 = arith.constant 0 : index
          %get3A_882 = tpu.vector_load %arg5[%get3A_879, %get3A_880, %get3A_881] {strides = array<i32>} : memref<320x18x16xf32, #tpu.memory_space<vmem>>, vector<16xf32>,
          %mul3A_883 = arith.mulf %exp3A_845, %get3A_882 : vector<16xf32>
          %add3A_884 = arith.addf %while3A_793, %mul3A_883 : vector<16xf32>
          %get3A_885 = arith.constant 2 : i32
          %get3A_886 = arith.index_cast %select_n3A_818 : i32 to index
          %get3A_887 = arith.index_cast %get3A_885 : i32 to index
          %get3A_888 = arith.constant 0 : index
          %get3A_889 = tpu.vector_load %arg5[%get3A_886, %get3A_887, %get3A_888] {strides = array<i32>} : memref<320x18x16xf32, #tpu.memory_space<vmem>>, vector<16xf32>,
          %mul3A_890 = arith.mulf %select_n3A_847, %get3A_889 : vector<16xf32>
          %add3A_891 = arith.addf %add3A_884, %mul3A_890 : vector<16xf32>
          %get3A_892 = arith.constant 3 : i32
          %get3A_893 = arith.index_cast %squeeze3A_812 : i32 to index
          %get3A_894 = arith.index_cast %get3A_892 : i32 to index
          %get3A_895 = arith.constant 0 : index
          %get3A_896 = tpu.vector_load %arg5[%get3A_893, %get3A_894, %get3A_895] {strides = array<i32>} : memref<320x18x16xf32, #tpu.memory_space<vmem>>, vector<16xf32>,
          %mul3A_897 = arith.mulf %exp3A_845, %get3A_896 : vector<16xf32>
          %add3A_898 = arith.addf %while3A_794, %mul3A_897 : vector<16xf32>
          %get3A_899 = arith.constant 3 : i32
          %get3A_900 = arith.index_cast %select_n3A_818 : i32 to index
          %get3A_901 = arith.index_cast %get3A_899 : i32 to index
          %get3A_902 = arith.constant 0 : index
          %get3A_903 = tpu.vector_load %arg5[%get3A_900, %get3A_901, %get3A_902] {strides = array<i32>} : memref<320x18x16xf32, #tpu.memory_space<vmem>>, vector<16xf32>,
          %mul3A_904 = arith.mulf %select_n3A_847, %get3A_903 : vector<16xf32>
          %add3A_905 = arith.addf %add3A_898, %mul3A_904 : vector<16xf32>
          %get3A_906 = arith.constant 4 : i32
          %get3A_907 = arith.index_cast %squeeze3A_812 : i32 to index
          %get3A_908 = arith.index_cast %get3A_906 : i32 to index
          %get3A_909 = arith.constant 0 : index
          %get3A_910 = tpu.vector_load %arg5[%get3A_907, %get3A_908, %get3A_909] {strides = array<i32>} : memref<320x18x16xf32, #tpu.memory_space<vmem>>, vector<16xf32>,
          %mul3A_911 = arith.mulf %exp3A_845, %get3A_910 : vector<16xf32>
          %add3A_912 = arith.addf %while3A_795, %mul3A_911 : vector<16xf32>
          %get3A_913 = arith.constant 4 : i32
          %get3A_914 = arith.index_cast %select_n3A_818 : i32 to index
          %get3A_915 = arith.index_cast %get3A_913 : i32 to index
          %get3A_916 = arith.constant 0 : index
          %get3A_917 = tpu.vector_load %arg5[%get3A_914, %get3A_915, %get3A_916] {strides = array<i32>} : memref<320x18x16xf32, #tpu.memory_space<vmem>>, vector<16xf32>,
          %mul3A_918 = arith.mulf %select_n3A_847, %get3A_917 : vector<16xf32>
          %add3A_919 = arith.addf %add3A_912, %mul3A_918 : vector<16xf32>
          %get3A_920 = arith.constant 5 : i32
          %get3A_921 = arith.index_cast %squeeze3A_812 : i32 to index
          %get3A_922 = arith.index_cast %get3A_920 : i32 to index
          %get3A_923 = arith.constant 0 : index
          %get3A_924 = tpu.vector_load %arg5[%get3A_921, %get3A_922, %get3A_923] {strides = array<i32>} : memref<320x18x16xf32, #tpu.memory_space<vmem>>, vector<16xf32>,
          %mul3A_925 = arith.mulf %exp3A_845, %get3A_924 : vector<16xf32>
          %add3A_926 = arith.addf %while3A_796, %mul3A_925 : vector<16xf32>
          %get3A_927 = arith.constant 5 : i32
          %get3A_928 = arith.index_cast %select_n3A_818 : i32 to index
          %get3A_929 = arith.index_cast %get3A_927 : i32 to index
          %get3A_930 = arith.constant 0 : index
          %get3A_931 = tpu.vector_load %arg5[%get3A_928, %get3A_929, %get3A_930] {strides = array<i32>} : memref<320x18x16xf32, #tpu.memory_space<vmem>>, vector<16xf32>,
          %mul3A_932 = arith.mulf %select_n3A_847, %get3A_931 : vector<16xf32>
          %add3A_933 = arith.addf %add3A_926, %mul3A_932 : vector<16xf32>
          %get3A_934 = arith.constant 6 : i32
          %get3A_935 = arith.index_cast %squeeze3A_812 : i32 to index
          %get3A_936 = arith.index_cast %get3A_934 : i32 to index
          %get3A_937 = arith.constant 0 : index
          %get3A_938 = tpu.vector_load %arg5[%get3A_935, %get3A_936, %get3A_937] {strides = array<i32>} : memref<320x18x16xf32, #tpu.memory_space<vmem>>, vector<16xf32>,
          %mul3A_939 = arith.mulf %exp3A_845, %get3A_938 : vector<16xf32>
          %add3A_940 = arith.addf %while3A_797, %mul3A_939 : vector<16xf32>
          %get3A_941 = arith.constant 6 : i32
          %get3A_942 = arith.index_cast %select_n3A_818 : i32 to index
          %get3A_943 = arith.index_cast %get3A_941 : i32 to index
          %get3A_944 = arith.constant 0 : index
          %get3A_945 = tpu.vector_load %arg5[%get3A_942, %get3A_943, %get3A_944] {strides = array<i32>} : memref<320x18x16xf32, #tpu.memory_space<vmem>>, vector<16xf32>,
          %mul3A_946 = arith.mulf %select_n3A_847, %get3A_945 : vector<16xf32>
          %add3A_947 = arith.addf %add3A_940, %mul3A_946 : vector<16xf32>
          %get3A_948 = arith.constant 7 : i32
          %get3A_949 = arith.index_cast %squeeze3A_812 : i32 to index
          %get3A_950 = arith.index_cast %get3A_948 : i32 to index
          %get3A_951 = arith.constant 0 : index
          %get3A_952 = tpu.vector_load %arg5[%get3A_949, %get3A_950, %get3A_951] {strides = array<i32>} : memref<320x18x16xf32, #tpu.memory_space<vmem>>, vector<16xf32>,
          %mul3A_953 = arith.mulf %exp3A_845, %get3A_952 : vector<16xf32>
          %add3A_954 = arith.addf %while3A_798, %mul3A_953 : vector<16xf32>
          %get3A_955 = arith.constant 7 : i32
          %get3A_956 = arith.index_cast %select_n3A_818 : i32 to index
          %get3A_957 = arith.index_cast %get3A_955 : i32 to index
          %get3A_958 = arith.constant 0 : index
          %get3A_959 = tpu.vector_load %arg5[%get3A_956, %get3A_957, %get3A_958] {strides = array<i32>} : memref<320x18x16xf32, #tpu.memory_space<vmem>>, vector<16xf32>,
          %mul3A_960 = arith.mulf %select_n3A_847, %get3A_959 : vector<16xf32>
          %add3A_961 = arith.addf %add3A_954, %mul3A_960 : vector<16xf32>
          %get3A_962 = arith.constant 8 : i32
          %get3A_963 = arith.index_cast %squeeze3A_812 : i32 to index
          %get3A_964 = arith.index_cast %get3A_962 : i32 to index
          %get3A_965 = arith.constant 0 : index
          %get3A_966 = tpu.vector_load %arg5[%get3A_963, %get3A_964, %get3A_965] {strides = array<i32>} : memref<320x18x16xf32, #tpu.memory_space<vmem>>, vector<16xf32>,
          %mul3A_967 = arith.mulf %exp3A_845, %get3A_966 : vector<16xf32>
          %add3A_968 = arith.addf %while3A_799, %mul3A_967 : vector<16xf32>
          %get3A_969 = arith.constant 8 : i32
          %get3A_970 = arith.index_cast %select_n3A_818 : i32 to index
          %get3A_971 = arith.index_cast %get3A_969 : i32 to index
          %get3A_972 = arith.constant 0 : index
          %get3A_973 = tpu.vector_load %arg5[%get3A_970, %get3A_971, %get3A_972] {strides = array<i32>} : memref<320x18x16xf32, #tpu.memory_space<vmem>>, vector<16xf32>,
          %mul3A_974 = arith.mulf %select_n3A_847, %get3A_973 : vector<16xf32>
          %add3A_975 = arith.addf %add3A_968, %mul3A_974 : vector<16xf32>
          %get3A_976 = arith.constant 9 : i32
          %get3A_977 = arith.index_cast %squeeze3A_812 : i32 to index
          %get3A_978 = arith.index_cast %get3A_976 : i32 to index
          %get3A_979 = arith.constant 0 : index
          %get3A_980 = tpu.vector_load %arg5[%get3A_977, %get3A_978, %get3A_979] {strides = array<i32>} : memref<320x18x16xf32, #tpu.memory_space<vmem>>, vector<16xf32>,
          %mul3A_981 = arith.mulf %exp3A_845, %get3A_980 : vector<16xf32>
          %add3A_982 = arith.addf %while3A_800, %mul3A_981 : vector<16xf32>
          %get3A_983 = arith.constant 9 : i32
          %get3A_984 = arith.index_cast %select_n3A_818 : i32 to index
          %get3A_985 = arith.index_cast %get3A_983 : i32 to index
          %get3A_986 = arith.constant 0 : index
          %get3A_987 = tpu.vector_load %arg5[%get3A_984, %get3A_985, %get3A_986] {strides = array<i32>} : memref<320x18x16xf32, #tpu.memory_space<vmem>>, vector<16xf32>,
          %mul3A_988 = arith.mulf %select_n3A_847, %get3A_987 : vector<16xf32>
          %add3A_989 = arith.addf %add3A_982, %mul3A_988 : vector<16xf32>
          %get3A_990 = arith.constant 10 : i32
          %get3A_991 = arith.index_cast %squeeze3A_812 : i32 to index
          %get3A_992 = arith.index_cast %get3A_990 : i32 to index
          %get3A_993 = arith.constant 0 : index
          %get3A_994 = tpu.vector_load %arg5[%get3A_991, %get3A_992, %get3A_993] {strides = array<i32>} : memref<320x18x16xf32, #tpu.memory_space<vmem>>, vector<16xf32>,
          %mul3A_995 = arith.mulf %exp3A_845, %get3A_994 : vector<16xf32>
          %add3A_996 = arith.addf %while3A_801, %mul3A_995 : vector<16xf32>
          %get3A_997 = arith.constant 10 : i32
          %get3A_998 = arith.index_cast %select_n3A_818 : i32 to index
          %get3A_999 = arith.index_cast %get3A_997 : i32 to index
          %get3A_1000 = arith.constant 0 : index
          %get3A_1001 = tpu.vector_load %arg5[%get3A_998, %get3A_999, %get3A_1000] {strides = array<i32>} : memref<320x18x16xf32, #tpu.memory_space<vmem>>, vector<16xf32>,
          %mul3A_1002 = arith.mulf %select_n3A_847, %get3A_1001 : vector<16xf32>
          %add3A_1003 = arith.addf %add3A_996, %mul3A_1002 : vector<16xf32>
          %get3A_1004 = arith.constant 11 : i32
          %get3A_1005 = arith.index_cast %squeeze3A_812 : i32 to index
          %get3A_1006 = arith.index_cast %get3A_1004 : i32 to index
          %get3A_1007 = arith.constant 0 : index
          %get3A_1008 = tpu.vector_load %arg5[%get3A_1005, %get3A_1006, %get3A_1007] {strides = array<i32>} : memref<320x18x16xf32, #tpu.memory_space<vmem>>, vector<16xf32>,
          %mul3A_1009 = arith.mulf %exp3A_845, %get3A_1008 : vector<16xf32>
          %add3A_1010 = arith.addf %while3A_802, %mul3A_1009 : vector<16xf32>
          %get3A_1011 = arith.constant 11 : i32
          %get3A_1012 = arith.index_cast %select_n3A_818 : i32 to index
          %get3A_1013 = arith.index_cast %get3A_1011 : i32 to index
          %get3A_1014 = arith.constant 0 : index
          %get3A_1015 = tpu.vector_load %arg5[%get3A_1012, %get3A_1013, %get3A_1014] {strides = array<i32>} : memref<320x18x16xf32, #tpu.memory_space<vmem>>, vector<16xf32>,
          %mul3A_1016 = arith.mulf %select_n3A_847, %get3A_1015 : vector<16xf32>
          %add3A_1017 = arith.addf %add3A_1010, %mul3A_1016 : vector<16xf32>
          %get3A_1018 = arith.constant 12 : i32
          %get3A_1019 = arith.index_cast %squeeze3A_812 : i32 to index
          %get3A_1020 = arith.index_cast %get3A_1018 : i32 to index
          %get3A_1021 = arith.constant 0 : index
          %get3A_1022 = tpu.vector_load %arg5[%get3A_1019, %get3A_1020, %get3A_1021] {strides = array<i32>} : memref<320x18x16xf32, #tpu.memory_space<vmem>>, vector<16xf32>,
          %mul3A_1023 = arith.mulf %exp3A_845, %get3A_1022 : vector<16xf32>
          %add3A_1024 = arith.addf %while3A_803, %mul3A_1023 : vector<16xf32>
          %get3A_1025 = arith.constant 12 : i32
          %get3A_1026 = arith.index_cast %select_n3A_818 : i32 to index
          %get3A_1027 = arith.index_cast %get3A_1025 : i32 to index
          %get3A_1028 = arith.constant 0 : index
          %get3A_1029 = tpu.vector_load %arg5[%get3A_1026, %get3A_1027, %get3A_1028] {strides = array<i32>} : memref<320x18x16xf32, #tpu.memory_space<vmem>>, vector<16xf32>,
          %mul3A_1030 = arith.mulf %select_n3A_847, %get3A_1029 : vector<16xf32>
          %add3A_1031 = arith.addf %add3A_1024, %mul3A_1030 : vector<16xf32>
          %get3A_1032 = arith.constant 13 : i32
          %get3A_1033 = arith.index_cast %squeeze3A_812 : i32 to index
          %get3A_1034 = arith.index_cast %get3A_1032 : i32 to index
          %get3A_1035 = arith.constant 0 : index
          %get3A_1036 = tpu.vector_load %arg5[%get3A_1033, %get3A_1034, %get3A_1035] {strides = array<i32>} : memref<320x18x16xf32, #tpu.memory_space<vmem>>, vector<16xf32>,
          %mul3A_1037 = arith.mulf %exp3A_845, %get3A_1036 : vector<16xf32>
          %add3A_1038 = arith.addf %while3A_804, %mul3A_1037 : vector<16xf32>
          %get3A_1039 = arith.constant 13 : i32
          %get3A_1040 = arith.index_cast %select_n3A_818 : i32 to index
          %get3A_1041 = arith.index_cast %get3A_1039 : i32 to index
          %get3A_1042 = arith.constant 0 : index
          %get3A_1043 = tpu.vector_load %arg5[%get3A_1040, %get3A_1041, %get3A_1042] {strides = array<i32>} : memref<320x18x16xf32, #tpu.memory_space<vmem>>, vector<16xf32>,
          %mul3A_1044 = arith.mulf %select_n3A_847, %get3A_1043 : vector<16xf32>
          %add3A_1045 = arith.addf %add3A_1038, %mul3A_1044 : vector<16xf32>
          %get3A_1046 = arith.constant 14 : i32
          %get3A_1047 = arith.index_cast %squeeze3A_812 : i32 to index
          %get3A_1048 = arith.index_cast %get3A_1046 : i32 to index
          %get3A_1049 = arith.constant 0 : index
          %get3A_1050 = tpu.vector_load %arg5[%get3A_1047, %get3A_1048, %get3A_1049] {strides = array<i32>} : memref<320x18x16xf32, #tpu.memory_space<vmem>>, vector<16xf32>,
          %mul3A_1051 = arith.mulf %exp3A_845, %get3A_1050 : vector<16xf32>
          %add3A_1052 = arith.addf %while3A_805, %mul3A_1051 : vector<16xf32>
          %get3A_1053 = arith.constant 14 : i32
          %get3A_1054 = arith.index_cast %select_n3A_818 : i32 to index
          %get3A_1055 = arith.index_cast %get3A_1053 : i32 to index
          %get3A_1056 = arith.constant 0 : index
          %get3A_1057 = tpu.vector_load %arg5[%get3A_1054, %get3A_1055, %get3A_1056] {strides = array<i32>} : memref<320x18x16xf32, #tpu.memory_space<vmem>>, vector<16xf32>,
          %mul3A_1058 = arith.mulf %select_n3A_847, %get3A_1057 : vector<16xf32>
          %add3A_1059 = arith.addf %add3A_1052, %mul3A_1058 : vector<16xf32>
          %get3A_1060 = arith.constant 15 : i32
          %get3A_1061 = arith.index_cast %squeeze3A_812 : i32 to index
          %get3A_1062 = arith.index_cast %get3A_1060 : i32 to index
          %get3A_1063 = arith.constant 0 : index
          %get3A_1064 = tpu.vector_load %arg5[%get3A_1061, %get3A_1062, %get3A_1063] {strides = array<i32>} : memref<320x18x16xf32, #tpu.memory_space<vmem>>, vector<16xf32>,
          %mul3A_1065 = arith.mulf %exp3A_845, %get3A_1064 : vector<16xf32>
          %add3A_1066 = arith.addf %while3A_806, %mul3A_1065 : vector<16xf32>
          %get3A_1067 = arith.constant 15 : i32
          %get3A_1068 = arith.index_cast %select_n3A_818 : i32 to index
          %get3A_1069 = arith.index_cast %get3A_1067 : i32 to index
          %get3A_1070 = arith.constant 0 : index
          %get3A_1071 = tpu.vector_load %arg5[%get3A_1068, %get3A_1069, %get3A_1070] {strides = array<i32>} : memref<320x18x16xf32, #tpu.memory_space<vmem>>, vector<16xf32>,
          %mul3A_1072 = arith.mulf %select_n3A_847, %get3A_1071 : vector<16xf32>
          %add3A_1073 = arith.addf %add3A_1066, %mul3A_1072 : vector<16xf32>
          scf.yield %add3A_849, %add3A_863, %add3A_877, %add3A_891, %add3A_905, %add3A_919, %add3A_933, %add3A_947, %add3A_961, %add3A_975, %add3A_989, %add3A_1003, %add3A_1017, %add3A_1031, %add3A_1045, %add3A_1059, %add3A_1073 : vector<16xf32>, vector<16xf32>, vector<16xf32>, vector<16xf32>, vector<16xf32>, vector<16xf32>, vector<16xf32>, vector<16xf32>, vector<16xf32>, vector<16xf32>, vector<16xf32>, vector<16xf32>, vector<16xf32>, vector<16xf32>, vector<16xf32>, vector<16xf32>, vector<16xf32>
        }
        %div3A_516 = arith.constant 1.000000e+00 : f32
        %div3A_517 = vector.broadcast %div3A_516 : f32 to vector<16xf32>
        %div3A_518 = arith.divf %div3A_517, %while3A_515#0 : vector<16xf32>
        %mul3A_519 = arith.mulf %while3A_515#1, %div3A_518 : vector<16xf32>
        %gt3A_520 = arith.constant 0.000000e+00 : f32
        %gt3A_521 = vector.broadcast %gt3A_520 : f32 to vector<16xf32>
        %gt3A_522 = arith.cmpf ogt, %mul3A_519, %gt3A_521 : vector<16xf32>
        %min3A = arith.constant 0.000000e+00 : f32
        %min3A_523 = vector.broadcast %min3A : f32 to vector<16xf32>
        %min3A_524 = arith.minimumf %mul3A_519, %min3A_523 : vector<16xf32>
        %exp3A = math.exp %min3A_524 : vector<16xf32>
        %sub3A_525 = arith.constant 1.000000e+00 : f32
        %sub3A_526 = vector.broadcast %sub3A_525 : f32 to vector<16xf32>
        %sub3A_527 = arith.subf %exp3A, %sub3A_526 : vector<16xf32>
        %select_n3A_528 = arith.select %gt3A_522, %mul3A_519, %sub3A_527 : vector<16xi1>, vector<16xf32>
        %swap3A_529 = arith.constant 0 : i32
        %swap3A_530 = arith.index_cast %scan3A_44 : i32 to index
        %swap3A_531 = arith.index_cast %swap3A_529 : i32 to index
        %swap3A_532 = arith.constant 0 : index
        %swap3A_533 = tpu.vector_load %arg8[%swap3A_530, %swap3A_531, %swap3A_532] {strides = array<i32>} : memref<16x16x16xf32, #tpu.memory_space<vmem>>, vector<16xf32>,
        tpu.vector_store %arg8[%swap3A_530, %swap3A_531, %swap3A_532], %select_n3A_528 {strides = array<i32>} : memref<16x16x16xf32, #tpu.memory_space<vmem>>, vector<16xf32>,
        %mul3A_534 = arith.mulf %while3A_515#2, %div3A_518 : vector<16xf32>
        %gt3A_535 = arith.constant 0.000000e+00 : f32
        %gt3A_536 = vector.broadcast %gt3A_535 : f32 to vector<16xf32>
        %gt3A_537 = arith.cmpf ogt, %mul3A_534, %gt3A_536 : vector<16xf32>
        %min3A_538 = arith.constant 0.000000e+00 : f32
        %min3A_539 = vector.broadcast %min3A_538 : f32 to vector<16xf32>
        %min3A_540 = arith.minimumf %mul3A_534, %min3A_539 : vector<16xf32>
        %exp3A_541 = math.exp %min3A_540 : vector<16xf32>
        %sub3A_542 = arith.constant 1.000000e+00 : f32
        %sub3A_543 = vector.broadcast %sub3A_542 : f32 to vector<16xf32>
        %sub3A_544 = arith.subf %exp3A_541, %sub3A_543 : vector<16xf32>
        %select_n3A_545 = arith.select %gt3A_537, %mul3A_534, %sub3A_544 : vector<16xi1>, vector<16xf32>
        %swap3A_546 = arith.constant 1 : i32
        %swap3A_547 = arith.index_cast %scan3A_44 : i32 to index
        %swap3A_548 = arith.index_cast %swap3A_546 : i32 to index
        %swap3A_549 = arith.constant 0 : index
        %swap3A_550 = tpu.vector_load %arg8[%swap3A_547, %swap3A_548, %swap3A_549] {strides = array<i32>} : memref<16x16x16xf32, #tpu.memory_space<vmem>>, vector<16xf32>,
        tpu.vector_store %arg8[%swap3A_547, %swap3A_548, %swap3A_549], %select_n3A_545 {strides = array<i32>} : memref<16x16x16xf32, #tpu.memory_space<vmem>>, vector<16xf32>,
        %mul3A_551 = arith.mulf %while3A_515#3, %div3A_518 : vector<16xf32>
        %gt3A_552 = arith.constant 0.000000e+00 : f32
        %gt3A_553 = vector.broadcast %gt3A_552 : f32 to vector<16xf32>
        %gt3A_554 = arith.cmpf ogt, %mul3A_551, %gt3A_553 : vector<16xf32>
        %min3A_555 = arith.constant 0.000000e+00 : f32
        %min3A_556 = vector.broadcast %min3A_555 : f32 to vector<16xf32>
        %min3A_557 = arith.minimumf %mul3A_551, %min3A_556 : vector<16xf32>
        %exp3A_558 = math.exp %min3A_557 : vector<16xf32>
        %sub3A_559 = arith.constant 1.000000e+00 : f32
        %sub3A_560 = vector.broadcast %sub3A_559 : f32 to vector<16xf32>
        %sub3A_561 = arith.subf %exp3A_558, %sub3A_560 : vector<16xf32>
        %select_n3A_562 = arith.select %gt3A_554, %mul3A_551, %sub3A_561 : vector<16xi1>, vector<16xf32>
        %swap3A_563 = arith.constant 2 : i32
        %swap3A_564 = arith.index_cast %scan3A_44 : i32 to index
        %swap3A_565 = arith.index_cast %swap3A_563 : i32 to index
        %swap3A_566 = arith.constant 0 : index
        %swap3A_567 = tpu.vector_load %arg8[%swap3A_564, %swap3A_565, %swap3A_566] {strides = array<i32>} : memref<16x16x16xf32, #tpu.memory_space<vmem>>, vector<16xf32>,
        tpu.vector_store %arg8[%swap3A_564, %swap3A_565, %swap3A_566], %select_n3A_562 {strides = array<i32>} : memref<16x16x16xf32, #tpu.memory_space<vmem>>, vector<16xf32>,
        %mul3A_568 = arith.mulf %while3A_515#4, %div3A_518 : vector<16xf32>
        %gt3A_569 = arith.constant 0.000000e+00 : f32
        %gt3A_570 = vector.broadcast %gt3A_569 : f32 to vector<16xf32>
        %gt3A_571 = arith.cmpf ogt, %mul3A_568, %gt3A_570 : vector<16xf32>
        %min3A_572 = arith.constant 0.000000e+00 : f32
        %min3A_573 = vector.broadcast %min3A_572 : f32 to vector<16xf32>
        %min3A_574 = arith.minimumf %mul3A_568, %min3A_573 : vector<16xf32>
        %exp3A_575 = math.exp %min3A_574 : vector<16xf32>
        %sub3A_576 = arith.constant 1.000000e+00 : f32
        %sub3A_577 = vector.broadcast %sub3A_576 : f32 to vector<16xf32>
        %sub3A_578 = arith.subf %exp3A_575, %sub3A_577 : vector<16xf32>
        %select_n3A_579 = arith.select %gt3A_571, %mul3A_568, %sub3A_578 : vector<16xi1>, vector<16xf32>
        %swap3A_580 = arith.constant 3 : i32
        %swap3A_581 = arith.index_cast %scan3A_44 : i32 to index
        %swap3A_582 = arith.index_cast %swap3A_580 : i32 to index
        %swap3A_583 = arith.constant 0 : index
        %swap3A_584 = tpu.vector_load %arg8[%swap3A_581, %swap3A_582, %swap3A_583] {strides = array<i32>} : memref<16x16x16xf32, #tpu.memory_space<vmem>>, vector<16xf32>,
        tpu.vector_store %arg8[%swap3A_581, %swap3A_582, %swap3A_583], %select_n3A_579 {strides = array<i32>} : memref<16x16x16xf32, #tpu.memory_space<vmem>>, vector<16xf32>,
        %mul3A_585 = arith.mulf %while3A_515#5, %div3A_518 : vector<16xf32>
        %gt3A_586 = arith.constant 0.000000e+00 : f32
        %gt3A_587 = vector.broadcast %gt3A_586 : f32 to vector<16xf32>
        %gt3A_588 = arith.cmpf ogt, %mul3A_585, %gt3A_587 : vector<16xf32>
        %min3A_589 = arith.constant 0.000000e+00 : f32
        %min3A_590 = vector.broadcast %min3A_589 : f32 to vector<16xf32>
        %min3A_591 = arith.minimumf %mul3A_585, %min3A_590 : vector<16xf32>
        %exp3A_592 = math.exp %min3A_591 : vector<16xf32>
        %sub3A_593 = arith.constant 1.000000e+00 : f32
        %sub3A_594 = vector.broadcast %sub3A_593 : f32 to vector<16xf32>
        %sub3A_595 = arith.subf %exp3A_592, %sub3A_594 : vector<16xf32>
        %select_n3A_596 = arith.select %gt3A_588, %mul3A_585, %sub3A_595 : vector<16xi1>, vector<16xf32>
        %swap3A_597 = arith.constant 4 : i32
        %swap3A_598 = arith.index_cast %scan3A_44 : i32 to index
        %swap3A_599 = arith.index_cast %swap3A_597 : i32 to index
        %swap3A_600 = arith.constant 0 : index
        %swap3A_601 = tpu.vector_load %arg8[%swap3A_598, %swap3A_599, %swap3A_600] {strides = array<i32>} : memref<16x16x16xf32, #tpu.memory_space<vmem>>, vector<16xf32>,
        tpu.vector_store %arg8[%swap3A_598, %swap3A_599, %swap3A_600], %select_n3A_596 {strides = array<i32>} : memref<16x16x16xf32, #tpu.memory_space<vmem>>, vector<16xf32>,
        %mul3A_602 = arith.mulf %while3A_515#6, %div3A_518 : vector<16xf32>
        %gt3A_603 = arith.constant 0.000000e+00 : f32
        %gt3A_604 = vector.broadcast %gt3A_603 : f32 to vector<16xf32>
        %gt3A_605 = arith.cmpf ogt, %mul3A_602, %gt3A_604 : vector<16xf32>
        %min3A_606 = arith.constant 0.000000e+00 : f32
        %min3A_607 = vector.broadcast %min3A_606 : f32 to vector<16xf32>
        %min3A_608 = arith.minimumf %mul3A_602, %min3A_607 : vector<16xf32>
        %exp3A_609 = math.exp %min3A_608 : vector<16xf32>
        %sub3A_610 = arith.constant 1.000000e+00 : f32
        %sub3A_611 = vector.broadcast %sub3A_610 : f32 to vector<16xf32>
        %sub3A_612 = arith.subf %exp3A_609, %sub3A_611 : vector<16xf32>
        %select_n3A_613 = arith.select %gt3A_605, %mul3A_602, %sub3A_612 : vector<16xi1>, vector<16xf32>
        %swap3A_614 = arith.constant 5 : i32
        %swap3A_615 = arith.index_cast %scan3A_44 : i32 to index
        %swap3A_616 = arith.index_cast %swap3A_614 : i32 to index
        %swap3A_617 = arith.constant 0 : index
        %swap3A_618 = tpu.vector_load %arg8[%swap3A_615, %swap3A_616, %swap3A_617] {strides = array<i32>} : memref<16x16x16xf32, #tpu.memory_space<vmem>>, vector<16xf32>,
        tpu.vector_store %arg8[%swap3A_615, %swap3A_616, %swap3A_617], %select_n3A_613 {strides = array<i32>} : memref<16x16x16xf32, #tpu.memory_space<vmem>>, vector<16xf32>,
        %mul3A_619 = arith.mulf %while3A_515#7, %div3A_518 : vector<16xf32>
        %gt3A_620 = arith.constant 0.000000e+00 : f32
        %gt3A_621 = vector.broadcast %gt3A_620 : f32 to vector<16xf32>
        %gt3A_622 = arith.cmpf ogt, %mul3A_619, %gt3A_621 : vector<16xf32>
        %min3A_623 = arith.constant 0.000000e+00 : f32
        %min3A_624 = vector.broadcast %min3A_623 : f32 to vector<16xf32>
        %min3A_625 = arith.minimumf %mul3A_619, %min3A_624 : vector<16xf32>
        %exp3A_626 = math.exp %min3A_625 : vector<16xf32>
        %sub3A_627 = arith.constant 1.000000e+00 : f32
        %sub3A_628 = vector.broadcast %sub3A_627 : f32 to vector<16xf32>
        %sub3A_629 = arith.subf %exp3A_626, %sub3A_628 : vector<16xf32>
        %select_n3A_630 = arith.select %gt3A_622, %mul3A_619, %sub3A_629 : vector<16xi1>, vector<16xf32>
        %swap3A_631 = arith.constant 6 : i32
        %swap3A_632 = arith.index_cast %scan3A_44 : i32 to index
        %swap3A_633 = arith.index_cast %swap3A_631 : i32 to index
        %swap3A_634 = arith.constant 0 : index
        %swap3A_635 = tpu.vector_load %arg8[%swap3A_632, %swap3A_633, %swap3A_634] {strides = array<i32>} : memref<16x16x16xf32, #tpu.memory_space<vmem>>, vector<16xf32>,
        tpu.vector_store %arg8[%swap3A_632, %swap3A_633, %swap3A_634], %select_n3A_630 {strides = array<i32>} : memref<16x16x16xf32, #tpu.memory_space<vmem>>, vector<16xf32>,
        %mul3A_636 = arith.mulf %while3A_515#8, %div3A_518 : vector<16xf32>
        %gt3A_637 = arith.constant 0.000000e+00 : f32
        %gt3A_638 = vector.broadcast %gt3A_637 : f32 to vector<16xf32>
        %gt3A_639 = arith.cmpf ogt, %mul3A_636, %gt3A_638 : vector<16xf32>
        %min3A_640 = arith.constant 0.000000e+00 : f32
        %min3A_641 = vector.broadcast %min3A_640 : f32 to vector<16xf32>
        %min3A_642 = arith.minimumf %mul3A_636, %min3A_641 : vector<16xf32>
        %exp3A_643 = math.exp %min3A_642 : vector<16xf32>
        %sub3A_644 = arith.constant 1.000000e+00 : f32
        %sub3A_645 = vector.broadcast %sub3A_644 : f32 to vector<16xf32>
        %sub3A_646 = arith.subf %exp3A_643, %sub3A_645 : vector<16xf32>
        %select_n3A_647 = arith.select %gt3A_639, %mul3A_636, %sub3A_646 : vector<16xi1>, vector<16xf32>
        %swap3A_648 = arith.constant 7 : i32
        %swap3A_649 = arith.index_cast %scan3A_44 : i32 to index
        %swap3A_650 = arith.index_cast %swap3A_648 : i32 to index
        %swap3A_651 = arith.constant 0 : index
        %swap3A_652 = tpu.vector_load %arg8[%swap3A_649, %swap3A_650, %swap3A_651] {strides = array<i32>} : memref<16x16x16xf32, #tpu.memory_space<vmem>>, vector<16xf32>,
        tpu.vector_store %arg8[%swap3A_649, %swap3A_650, %swap3A_651], %select_n3A_647 {strides = array<i32>} : memref<16x16x16xf32, #tpu.memory_space<vmem>>, vector<16xf32>,
        %mul3A_653 = arith.mulf %while3A_515#9, %div3A_518 : vector<16xf32>
        %gt3A_654 = arith.constant 0.000000e+00 : f32
        %gt3A_655 = vector.broadcast %gt3A_654 : f32 to vector<16xf32>
        %gt3A_656 = arith.cmpf ogt, %mul3A_653, %gt3A_655 : vector<16xf32>
        %min3A_657 = arith.constant 0.000000e+00 : f32
        %min3A_658 = vector.broadcast %min3A_657 : f32 to vector<16xf32>
        %min3A_659 = arith.minimumf %mul3A_653, %min3A_658 : vector<16xf32>
        %exp3A_660 = math.exp %min3A_659 : vector<16xf32>
        %sub3A_661 = arith.constant 1.000000e+00 : f32
        %sub3A_662 = vector.broadcast %sub3A_661 : f32 to vector<16xf32>
        %sub3A_663 = arith.subf %exp3A_660, %sub3A_662 : vector<16xf32>
        %select_n3A_664 = arith.select %gt3A_656, %mul3A_653, %sub3A_663 : vector<16xi1>, vector<16xf32>
        %swap3A_665 = arith.constant 8 : i32
        %swap3A_666 = arith.index_cast %scan3A_44 : i32 to index
        %swap3A_667 = arith.index_cast %swap3A_665 : i32 to index
        %swap3A_668 = arith.constant 0 : index
        %swap3A_669 = tpu.vector_load %arg8[%swap3A_666, %swap3A_667, %swap3A_668] {strides = array<i32>} : memref<16x16x16xf32, #tpu.memory_space<vmem>>, vector<16xf32>,
        tpu.vector_store %arg8[%swap3A_666, %swap3A_667, %swap3A_668], %select_n3A_664 {strides = array<i32>} : memref<16x16x16xf32, #tpu.memory_space<vmem>>, vector<16xf32>,
        %mul3A_670 = arith.mulf %while3A_515#10, %div3A_518 : vector<16xf32>
        %gt3A_671 = arith.constant 0.000000e+00 : f32
        %gt3A_672 = vector.broadcast %gt3A_671 : f32 to vector<16xf32>
        %gt3A_673 = arith.cmpf ogt, %mul3A_670, %gt3A_672 : vector<16xf32>
        %min3A_674 = arith.constant 0.000000e+00 : f32
        %min3A_675 = vector.broadcast %min3A_674 : f32 to vector<16xf32>
        %min3A_676 = arith.minimumf %mul3A_670, %min3A_675 : vector<16xf32>
        %exp3A_677 = math.exp %min3A_676 : vector<16xf32>
        %sub3A_678 = arith.constant 1.000000e+00 : f32
        %sub3A_679 = vector.broadcast %sub3A_678 : f32 to vector<16xf32>
        %sub3A_680 = arith.subf %exp3A_677, %sub3A_679 : vector<16xf32>
        %select_n3A_681 = arith.select %gt3A_673, %mul3A_670, %sub3A_680 : vector<16xi1>, vector<16xf32>
        %swap3A_682 = arith.constant 9 : i32
        %swap3A_683 = arith.index_cast %scan3A_44 : i32 to index
        %swap3A_684 = arith.index_cast %swap3A_682 : i32 to index
        %swap3A_685 = arith.constant 0 : index
        %swap3A_686 = tpu.vector_load %arg8[%swap3A_683, %swap3A_684, %swap3A_685] {strides = array<i32>} : memref<16x16x16xf32, #tpu.memory_space<vmem>>, vector<16xf32>,
        tpu.vector_store %arg8[%swap3A_683, %swap3A_684, %swap3A_685], %select_n3A_681 {strides = array<i32>} : memref<16x16x16xf32, #tpu.memory_space<vmem>>, vector<16xf32>,
        %mul3A_687 = arith.mulf %while3A_515#11, %div3A_518 : vector<16xf32>
        %gt3A_688 = arith.constant 0.000000e+00 : f32
        %gt3A_689 = vector.broadcast %gt3A_688 : f32 to vector<16xf32>
        %gt3A_690 = arith.cmpf ogt, %mul3A_687, %gt3A_689 : vector<16xf32>
        %min3A_691 = arith.constant 0.000000e+00 : f32
        %min3A_692 = vector.broadcast %min3A_691 : f32 to vector<16xf32>
        %min3A_693 = arith.minimumf %mul3A_687, %min3A_692 : vector<16xf32>
        %exp3A_694 = math.exp %min3A_693 : vector<16xf32>
        %sub3A_695 = arith.constant 1.000000e+00 : f32
        %sub3A_696 = vector.broadcast %sub3A_695 : f32 to vector<16xf32>
        %sub3A_697 = arith.subf %exp3A_694, %sub3A_696 : vector<16xf32>
        %select_n3A_698 = arith.select %gt3A_690, %mul3A_687, %sub3A_697 : vector<16xi1>, vector<16xf32>
        %swap3A_699 = arith.constant 10 : i32
        %swap3A_700 = arith.index_cast %scan3A_44 : i32 to index
        %swap3A_701 = arith.index_cast %swap3A_699 : i32 to index
        %swap3A_702 = arith.constant 0 : index
        %swap3A_703 = tpu.vector_load %arg8[%swap3A_700, %swap3A_701, %swap3A_702] {strides = array<i32>} : memref<16x16x16xf32, #tpu.memory_space<vmem>>, vector<16xf32>,
        tpu.vector_store %arg8[%swap3A_700, %swap3A_701, %swap3A_702], %select_n3A_698 {strides = array<i32>} : memref<16x16x16xf32, #tpu.memory_space<vmem>>, vector<16xf32>,
        %mul3A_704 = arith.mulf %while3A_515#12, %div3A_518 : vector<16xf32>
        %gt3A_705 = arith.constant 0.000000e+00 : f32
        %gt3A_706 = vector.broadcast %gt3A_705 : f32 to vector<16xf32>
        %gt3A_707 = arith.cmpf ogt, %mul3A_704, %gt3A_706 : vector<16xf32>
        %min3A_708 = arith.constant 0.000000e+00 : f32
        %min3A_709 = vector.broadcast %min3A_708 : f32 to vector<16xf32>
        %min3A_710 = arith.minimumf %mul3A_704, %min3A_709 : vector<16xf32>
        %exp3A_711 = math.exp %min3A_710 : vector<16xf32>
        %sub3A_712 = arith.constant 1.000000e+00 : f32
        %sub3A_713 = vector.broadcast %sub3A_712 : f32 to vector<16xf32>
        %sub3A_714 = arith.subf %exp3A_711, %sub3A_713 : vector<16xf32>
        %select_n3A_715 = arith.select %gt3A_707, %mul3A_704, %sub3A_714 : vector<16xi1>, vector<16xf32>
        %swap3A_716 = arith.constant 11 : i32
        %swap3A_717 = arith.index_cast %scan3A_44 : i32 to index
        %swap3A_718 = arith.index_cast %swap3A_716 : i32 to index
        %swap3A_719 = arith.constant 0 : index
        %swap3A_720 = tpu.vector_load %arg8[%swap3A_717, %swap3A_718, %swap3A_719] {strides = array<i32>} : memref<16x16x16xf32, #tpu.memory_space<vmem>>, vector<16xf32>,
        tpu.vector_store %arg8[%swap3A_717, %swap3A_718, %swap3A_719], %select_n3A_715 {strides = array<i32>} : memref<16x16x16xf32, #tpu.memory_space<vmem>>, vector<16xf32>,
        %mul3A_721 = arith.mulf %while3A_515#13, %div3A_518 : vector<16xf32>
        %gt3A_722 = arith.constant 0.000000e+00 : f32
        %gt3A_723 = vector.broadcast %gt3A_722 : f32 to vector<16xf32>
        %gt3A_724 = arith.cmpf ogt, %mul3A_721, %gt3A_723 : vector<16xf32>
        %min3A_725 = arith.constant 0.000000e+00 : f32
        %min3A_726 = vector.broadcast %min3A_725 : f32 to vector<16xf32>
        %min3A_727 = arith.minimumf %mul3A_721, %min3A_726 : vector<16xf32>
        %exp3A_728 = math.exp %min3A_727 : vector<16xf32>
        %sub3A_729 = arith.constant 1.000000e+00 : f32
        %sub3A_730 = vector.broadcast %sub3A_729 : f32 to vector<16xf32>
        %sub3A_731 = arith.subf %exp3A_728, %sub3A_730 : vector<16xf32>
        %select_n3A_732 = arith.select %gt3A_724, %mul3A_721, %sub3A_731 : vector<16xi1>, vector<16xf32>
        %swap3A_733 = arith.constant 12 : i32
        %swap3A_734 = arith.index_cast %scan3A_44 : i32 to index
        %swap3A_735 = arith.index_cast %swap3A_733 : i32 to index
        %swap3A_736 = arith.constant 0 : index
        %swap3A_737 = tpu.vector_load %arg8[%swap3A_734, %swap3A_735, %swap3A_736] {strides = array<i32>} : memref<16x16x16xf32, #tpu.memory_space<vmem>>, vector<16xf32>,
        tpu.vector_store %arg8[%swap3A_734, %swap3A_735, %swap3A_736], %select_n3A_732 {strides = array<i32>} : memref<16x16x16xf32, #tpu.memory_space<vmem>>, vector<16xf32>,
        %mul3A_738 = arith.mulf %while3A_515#14, %div3A_518 : vector<16xf32>
        %gt3A_739 = arith.constant 0.000000e+00 : f32
        %gt3A_740 = vector.broadcast %gt3A_739 : f32 to vector<16xf32>
        %gt3A_741 = arith.cmpf ogt, %mul3A_738, %gt3A_740 : vector<16xf32>
        %min3A_742 = arith.constant 0.000000e+00 : f32
        %min3A_743 = vector.broadcast %min3A_742 : f32 to vector<16xf32>
        %min3A_744 = arith.minimumf %mul3A_738, %min3A_743 : vector<16xf32>
        %exp3A_745 = math.exp %min3A_744 : vector<16xf32>
        %sub3A_746 = arith.constant 1.000000e+00 : f32
        %sub3A_747 = vector.broadcast %sub3A_746 : f32 to vector<16xf32>
        %sub3A_748 = arith.subf %exp3A_745, %sub3A_747 : vector<16xf32>
        %select_n3A_749 = arith.select %gt3A_741, %mul3A_738, %sub3A_748 : vector<16xi1>, vector<16xf32>
        %swap3A_750 = arith.constant 13 : i32
        %swap3A_751 = arith.index_cast %scan3A_44 : i32 to index
        %swap3A_752 = arith.index_cast %swap3A_750 : i32 to index
        %swap3A_753 = arith.constant 0 : index
        %swap3A_754 = tpu.vector_load %arg8[%swap3A_751, %swap3A_752, %swap3A_753] {strides = array<i32>} : memref<16x16x16xf32, #tpu.memory_space<vmem>>, vector<16xf32>,
        tpu.vector_store %arg8[%swap3A_751, %swap3A_752, %swap3A_753], %select_n3A_749 {strides = array<i32>} : memref<16x16x16xf32, #tpu.memory_space<vmem>>, vector<16xf32>,
        %mul3A_755 = arith.mulf %while3A_515#15, %div3A_518 : vector<16xf32>
        %gt3A_756 = arith.constant 0.000000e+00 : f32
        %gt3A_757 = vector.broadcast %gt3A_756 : f32 to vector<16xf32>
        %gt3A_758 = arith.cmpf ogt, %mul3A_755, %gt3A_757 : vector<16xf32>
        %min3A_759 = arith.constant 0.000000e+00 : f32
        %min3A_760 = vector.broadcast %min3A_759 : f32 to vector<16xf32>
        %min3A_761 = arith.minimumf %mul3A_755, %min3A_760 : vector<16xf32>
        %exp3A_762 = math.exp %min3A_761 : vector<16xf32>
        %sub3A_763 = arith.constant 1.000000e+00 : f32
        %sub3A_764 = vector.broadcast %sub3A_763 : f32 to vector<16xf32>
        %sub3A_765 = arith.subf %exp3A_762, %sub3A_764 : vector<16xf32>
        %select_n3A_766 = arith.select %gt3A_758, %mul3A_755, %sub3A_765 : vector<16xi1>, vector<16xf32>
        %swap3A_767 = arith.constant 14 : i32
        %swap3A_768 = arith.index_cast %scan3A_44 : i32 to index
        %swap3A_769 = arith.index_cast %swap3A_767 : i32 to index
        %swap3A_770 = arith.constant 0 : index
        %swap3A_771 = tpu.vector_load %arg8[%swap3A_768, %swap3A_769, %swap3A_770] {strides = array<i32>} : memref<16x16x16xf32, #tpu.memory_space<vmem>>, vector<16xf32>,
        tpu.vector_store %arg8[%swap3A_768, %swap3A_769, %swap3A_770], %select_n3A_766 {strides = array<i32>} : memref<16x16x16xf32, #tpu.memory_space<vmem>>, vector<16xf32>,
        %mul3A_772 = arith.mulf %while3A_515#16, %div3A_518 : vector<16xf32>
        %gt3A_773 = arith.constant 0.000000e+00 : f32
        %gt3A_774 = vector.broadcast %gt3A_773 : f32 to vector<16xf32>
        %gt3A_775 = arith.cmpf ogt, %mul3A_772, %gt3A_774 : vector<16xf32>
        %min3A_776 = arith.constant 0.000000e+00 : f32
        %min3A_777 = vector.broadcast %min3A_776 : f32 to vector<16xf32>
        %min3A_778 = arith.minimumf %mul3A_772, %min3A_777 : vector<16xf32>
        %exp3A_779 = math.exp %min3A_778 : vector<16xf32>
        %sub3A_780 = arith.constant 1.000000e+00 : f32
        %sub3A_781 = vector.broadcast %sub3A_780 : f32 to vector<16xf32>
        %sub3A_782 = arith.subf %exp3A_779, %sub3A_781 : vector<16xf32>
        %select_n3A_783 = arith.select %gt3A_775, %mul3A_772, %sub3A_782 : vector<16xi1>, vector<16xf32>
        %swap3A_784 = arith.constant 15 : i32
        %swap3A_785 = arith.index_cast %scan3A_44 : i32 to index
        %swap3A_786 = arith.index_cast %swap3A_784 : i32 to index
        %swap3A_787 = arith.constant 0 : index
        %swap3A_788 = tpu.vector_load %arg8[%swap3A_785, %swap3A_786, %swap3A_787] {strides = array<i32>} : memref<16x16x16xf32, #tpu.memory_space<vmem>>, vector<16xf32>,
        tpu.vector_store %arg8[%swap3A_785, %swap3A_786, %swap3A_787], %select_n3A_783 {strides = array<i32>} : memref<16x16x16xf32, #tpu.memory_space<vmem>>, vector<16xf32>,
      }
      %scan3A_41 = arith.constant 16 : i32
      %mul3A_42 = arith.constant 16 : i32
      %mul3A_43 = arith.muli %while3A_35, %mul3A_42 : i32
      "tpu.region"() ({
        %run_scoped3A = tpu.sem_alloc : memref<!tpu.dma_semaphore, #tpu.memory_space<semaphore_mem>>
        %dma_start3A = arith.constant 0 : i32
        %dma_start3A_44 = arith.constant 0 : i32
        %dma_start3A_45 = tpu.memref_slice %arg4[%select_n3A, %mul3A_43, %dma_start3A, %dma_start3A_44] : memref<8x320x16x16xf32, #tpu.memory_space<hbm>> -> memref<1x16x16x16xf32, #tpu.memory_space<hbm>>
        %dma_start3A_46 = tpu.memref_squeeze %dma_start3A_45 : memref<1x16x16x16xf32, #tpu.memory_space<hbm>> -> memref<16x16x16xf32, #tpu.memory_space<hbm>>
        %dma_start3A_47 = arith.constant 0 : i32
        %dma_start3A_48 = arith.constant 0 : i32
        %dma_start3A_49 = tpu.memref_slice %arg4[%select_n3A, %mul3A_43, %dma_start3A_47, %dma_start3A_48] : memref<8x320x16x16xf32, #tpu.memory_space<hbm>> -> memref<1x16x16x16xf32, #tpu.memory_space<hbm>>
        %dma_start3A_50 = tpu.memref_squeeze %dma_start3A_49 : memref<1x16x16x16xf32, #tpu.memory_space<hbm>> -> memref<16x16x16xf32, #tpu.memory_space<hbm>>
        tpu.enqueue_dma source(%arg8 : memref<16x16x16xf32, #tpu.memory_space<vmem>>) target(%dma_start3A_50 : memref<16x16x16xf32, #tpu.memory_space<hbm>>) target_semaphore(%run_scoped3A : memref<!tpu.dma_semaphore, #tpu.memory_space<semaphore_mem>>)
        %dma_wait3A = arith.constant 0 : i32
        %dma_wait3A_51 = arith.constant 0 : i32
        %dma_wait3A_52 = tpu.memref_slice %arg4[%select_n3A, %mul3A_43, %dma_wait3A, %dma_wait3A_51] : memref<8x320x16x16xf32, #tpu.memory_space<hbm>> -> memref<1x16x16x16xf32, #tpu.memory_space<hbm>>
        %dma_wait3A_53 = tpu.memref_squeeze %dma_wait3A_52 : memref<1x16x16x16xf32, #tpu.memory_space<hbm>> -> memref<16x16x16xf32, #tpu.memory_space<hbm>>
        %dma_wait3A_54 = arith.constant 0 : i32
        %dma_wait3A_55 = arith.constant 0 : i32
        %dma_wait3A_56 = tpu.memref_slice %arg4[%select_n3A, %mul3A_43, %dma_wait3A_54, %dma_wait3A_55] : memref<8x320x16x16xf32, #tpu.memory_space<hbm>> -> memref<1x16x16x16xf32, #tpu.memory_space<hbm>>
        %dma_wait3A_57 = tpu.memref_squeeze %dma_wait3A_56 : memref<1x16x16x16xf32, #tpu.memory_space<hbm>> -> memref<16x16x16xf32, #tpu.memory_space<hbm>>
        tpu.wait_dma2 semaphore(%run_scoped3A : memref<!tpu.dma_semaphore, #tpu.memory_space<semaphore_mem>>) src(%arg8 : memref<16x16x16xf32, #tpu.memory_space<vmem>>) dst(%dma_wait3A_57 : memref<16x16x16xf32, #tpu.memory_space<hbm>>)
        tpu.yield
      }) : () -> ()
    }
    %while3A_34 = arith.constant 1 : i32
    scf.for %while3A_35 = %while3A_32 to %while3A_28 step %while3A_34  : i32 {
      %mul3A_36 = arith.constant 16 : i32
      %mul3A_37 = arith.muli %while3A_35, %mul3A_36 : i32
      "tpu.region"() ({
        %run_scoped3A = tpu.sem_alloc : memref<!tpu.dma_semaphore, #tpu.memory_space<semaphore_mem>>
        %dma_start3A = arith.constant 0 : i32
        %dma_start3A_44 = tpu.memref_slice %arg3[%mul3A_37, %dma_start3A] : memref<320x320xf32, #tpu.memory_space<hbm>> -> memref<16x320xf32, #tpu.memory_space<hbm>>
        %dma_start3A_45 = arith.constant 0 : i32
        %dma_start3A_46 = tpu.memref_slice %arg3[%mul3A_37, %dma_start3A_45] : memref<320x320xf32, #tpu.memory_space<hbm>> -> memref<16x320xf32, #tpu.memory_space<hbm>>
        tpu.enqueue_dma source(%dma_start3A_46 : memref<16x320xf32, #tpu.memory_space<hbm>>) target(%arg6 : memref<16x320xf32, #tpu.memory_space<vmem>>) target_semaphore(%run_scoped3A : memref<!tpu.dma_semaphore, #tpu.memory_space<semaphore_mem>>)
        %dma_wait3A = arith.constant 0 : i32
        %dma_wait3A_47 = tpu.memref_slice %arg3[%mul3A_37, %dma_wait3A] : memref<320x320xf32, #tpu.memory_space<hbm>> -> memref<16x320xf32, #tpu.memory_space<hbm>>
        %dma_wait3A_48 = arith.constant 0 : i32
        %dma_wait3A_49 = tpu.memref_slice %arg3[%mul3A_37, %dma_wait3A_48] : memref<320x320xf32, #tpu.memory_space<hbm>> -> memref<16x320xf32, #tpu.memory_space<hbm>>
        tpu.wait_dma2 semaphore(%run_scoped3A : memref<!tpu.dma_semaphore, #tpu.memory_space<semaphore_mem>>) src(%dma_wait3A_49 : memref<16x320xf32, #tpu.memory_space<hbm>>) dst(%arg6 : memref<16x320xf32, #tpu.memory_space<vmem>>)
        tpu.yield
      }) : () -> ()
      %scan3A = arith.constant 0 : i32
      %scan3A_38 = arith.constant 16 : i32
      %scan3A_39 = arith.addi %scan3A, %scan3A_38 : i32
      %scan3A_40 = arith.constant 1 : i32
      scf.for %scan3A_44 = %scan3A to %scan3A_39 step %scan3A_40  : i32 {
        %mul3A_45 = arith.constant 16 : i32
        %mul3A_46 = arith.muli %while3A_35, %mul3A_45 : i32
        %add3A_47 = arith.addi %mul3A_46, %scan3A_44 : i32
        %broadcast_in_dim3A_48 = arith.constant 0 : i32
        %broadcast_in_dim3A_49 = vector.broadcast %broadcast_in_dim3A_48 : i32 to vector<16xi32>
        %broadcast_in_dim3A_50 = arith.constant 0 : i32
        %broadcast_in_dim3A_51 = vector.broadcast %broadcast_in_dim3A_50 : i32 to vector<16xi32>
        %get3A = arith.index_cast %scan3A_44 : i32 to index
        %get3A_52 = arith.constant 0 : index
        %get3A_53 = tpu.vector_load %arg6[%get3A, %get3A_52] {strides = array<i32>} : memref<16x320xf32, #tpu.memory_space<vmem>>, vector<16xf32>,
        %gt3A = arith.constant 0.000000e+00 : f32
        %gt3A_54 = vector.broadcast %gt3A : f32 to vector<16xf32>
        %gt3A_55 = arith.cmpf ogt, %get3A_53, %gt3A_54 : vector<16xf32>
        %all_reduce_population_count3A = tpu.all_reduce %gt3A_55 {dim = 0 : i64, kind = #tpu.reduction_kind<sum>} : vector<16xi1> -> vector<16xi32>
        %eq3A = arith.constant 0 : i32
        %eq3A_56 = vector.broadcast %eq3A : i32 to vector<16xi32>
        %eq3A_57 = arith.cmpi eq, %iota3A, %eq3A_56 : vector<16xi32>
        %jit3A_58 = arith.constant 0 : i32
        %broadcast_in_dim3A_59 = vector.broadcast %jit3A_58 : i32 to vector<16xi32>
        %select_n3A_60 = arith.select %eq3A_57, %all_reduce_population_count3A, %broadcast_in_dim3A_59 : vector<16xi1>, vector<16xi32>
        %add3A_61 = arith.addi %broadcast_in_dim3A_49, %select_n3A_60 : vector<16xi32>
        %get3A_62 = arith.index_cast %scan3A_44 : i32 to index
        %get3A_63 = arith.constant 16 : index
        %get3A_64 = tpu.vector_load %arg6[%get3A_62, %get3A_63] {strides = array<i32>} : memref<16x320xf32, #tpu.memory_space<vmem>>, vector<16xf32>,
        %gt3A_65 = arith.constant 0.000000e+00 : f32
        %gt3A_66 = vector.broadcast %gt3A_65 : f32 to vector<16xf32>
        %gt3A_67 = arith.cmpf ogt, %get3A_64, %gt3A_66 : vector<16xf32>
        %all_reduce_population_count3A_68 = tpu.all_reduce %gt3A_67 {dim = 0 : i64, kind = #tpu.reduction_kind<sum>} : vector<16xi1> -> vector<16xi32>
        %eq3A_69 = arith.constant 1 : i32
        %eq3A_70 = vector.broadcast %eq3A_69 : i32 to vector<16xi32>
        %eq3A_71 = arith.cmpi eq, %iota3A, %eq3A_70 : vector<16xi32>
        %jit3A_72 = arith.constant 0 : i32
        %broadcast_in_dim3A_73 = vector.broadcast %jit3A_72 : i32 to vector<16xi32>
        %select_n3A_74 = arith.select %eq3A_71, %all_reduce_population_count3A_68, %broadcast_in_dim3A_73 : vector<16xi1>, vector<16xi32>
        %add3A_75 = arith.addi %add3A_61, %select_n3A_74 : vector<16xi32>
        %get3A_76 = arith.index_cast %scan3A_44 : i32 to index
        %get3A_77 = arith.constant 32 : index
        %get3A_78 = tpu.vector_load %arg6[%get3A_76, %get3A_77] {strides = array<i32>} : memref<16x320xf32, #tpu.memory_space<vmem>>, vector<16xf32>,
        %gt3A_79 = arith.constant 0.000000e+00 : f32
        %gt3A_80 = vector.broadcast %gt3A_79 : f32 to vector<16xf32>
        %gt3A_81 = arith.cmpf ogt, %get3A_78, %gt3A_80 : vector<16xf32>
        %all_reduce_population_count3A_82 = tpu.all_reduce %gt3A_81 {dim = 0 : i64, kind = #tpu.reduction_kind<sum>} : vector<16xi1> -> vector<16xi32>
        %eq3A_83 = arith.constant 2 : i32
        %eq3A_84 = vector.broadcast %eq3A_83 : i32 to vector<16xi32>
        %eq3A_85 = arith.cmpi eq, %iota3A, %eq3A_84 : vector<16xi32>
        %jit3A_86 = arith.constant 0 : i32
        %broadcast_in_dim3A_87 = vector.broadcast %jit3A_86 : i32 to vector<16xi32>
        %select_n3A_88 = arith.select %eq3A_85, %all_reduce_population_count3A_82, %broadcast_in_dim3A_87 : vector<16xi1>, vector<16xi32>
        %add3A_89 = arith.addi %add3A_75, %select_n3A_88 : vector<16xi32>
        %get3A_90 = arith.index_cast %scan3A_44 : i32 to index
        %get3A_91 = arith.constant 48 : index
        %get3A_92 = tpu.vector_load %arg6[%get3A_90, %get3A_91] {strides = array<i32>} : memref<16x320xf32, #tpu.memory_space<vmem>>, vector<16xf32>,
        %gt3A_93 = arith.constant 0.000000e+00 : f32
        %gt3A_94 = vector.broadcast %gt3A_93 : f32 to vector<16xf32>
        %gt3A_95 = arith.cmpf ogt, %get3A_92, %gt3A_94 : vector<16xf32>
        %all_reduce_population_count3A_96 = tpu.all_reduce %gt3A_95 {dim = 0 : i64, kind = #tpu.reduction_kind<sum>} : vector<16xi1> -> vector<16xi32>
        %eq3A_97 = arith.constant 3 : i32
        %eq3A_98 = vector.broadcast %eq3A_97 : i32 to vector<16xi32>
        %eq3A_99 = arith.cmpi eq, %iota3A, %eq3A_98 : vector<16xi32>
        %jit3A_100 = arith.constant 0 : i32
        %broadcast_in_dim3A_101 = vector.broadcast %jit3A_100 : i32 to vector<16xi32>
        %select_n3A_102 = arith.select %eq3A_99, %all_reduce_population_count3A_96, %broadcast_in_dim3A_101 : vector<16xi1>, vector<16xi32>
        %add3A_103 = arith.addi %add3A_89, %select_n3A_102 : vector<16xi32>
        %get3A_104 = arith.index_cast %scan3A_44 : i32 to index
        %get3A_105 = arith.constant 64 : index
        %get3A_106 = tpu.vector_load %arg6[%get3A_104, %get3A_105] {strides = array<i32>} : memref<16x320xf32, #tpu.memory_space<vmem>>, vector<16xf32>,
        %gt3A_107 = arith.constant 0.000000e+00 : f32
        %gt3A_108 = vector.broadcast %gt3A_107 : f32 to vector<16xf32>
        %gt3A_109 = arith.cmpf ogt, %get3A_106, %gt3A_108 : vector<16xf32>
        %all_reduce_population_count3A_110 = tpu.all_reduce %gt3A_109 {dim = 0 : i64, kind = #tpu.reduction_kind<sum>} : vector<16xi1> -> vector<16xi32>
        %eq3A_111 = arith.constant 4 : i32
        %eq3A_112 = vector.broadcast %eq3A_111 : i32 to vector<16xi32>
        %eq3A_113 = arith.cmpi eq, %iota3A, %eq3A_112 : vector<16xi32>
        %jit3A_114 = arith.constant 0 : i32
        %broadcast_in_dim3A_115 = vector.broadcast %jit3A_114 : i32 to vector<16xi32>
        %select_n3A_116 = arith.select %eq3A_113, %all_reduce_population_count3A_110, %broadcast_in_dim3A_115 : vector<16xi1>, vector<16xi32>
        %add3A_117 = arith.addi %add3A_103, %select_n3A_116 : vector<16xi32>
        %get3A_118 = arith.index_cast %scan3A_44 : i32 to index
        %get3A_119 = arith.constant 80 : index
        %get3A_120 = tpu.vector_load %arg6[%get3A_118, %get3A_119] {strides = array<i32>} : memref<16x320xf32, #tpu.memory_space<vmem>>, vector<16xf32>,
        %gt3A_121 = arith.constant 0.000000e+00 : f32
        %gt3A_122 = vector.broadcast %gt3A_121 : f32 to vector<16xf32>
        %gt3A_123 = arith.cmpf ogt, %get3A_120, %gt3A_122 : vector<16xf32>
        %all_reduce_population_count3A_124 = tpu.all_reduce %gt3A_123 {dim = 0 : i64, kind = #tpu.reduction_kind<sum>} : vector<16xi1> -> vector<16xi32>
        %eq3A_125 = arith.constant 5 : i32
        %eq3A_126 = vector.broadcast %eq3A_125 : i32 to vector<16xi32>
        %eq3A_127 = arith.cmpi eq, %iota3A, %eq3A_126 : vector<16xi32>
        %jit3A_128 = arith.constant 0 : i32
        %broadcast_in_dim3A_129 = vector.broadcast %jit3A_128 : i32 to vector<16xi32>
        %select_n3A_130 = arith.select %eq3A_127, %all_reduce_population_count3A_124, %broadcast_in_dim3A_129 : vector<16xi1>, vector<16xi32>
        %add3A_131 = arith.addi %add3A_117, %select_n3A_130 : vector<16xi32>
        %get3A_132 = arith.index_cast %scan3A_44 : i32 to index
        %get3A_133 = arith.constant 96 : index
        %get3A_134 = tpu.vector_load %arg6[%get3A_132, %get3A_133] {strides = array<i32>} : memref<16x320xf32, #tpu.memory_space<vmem>>, vector<16xf32>,
        %gt3A_135 = arith.constant 0.000000e+00 : f32
        %gt3A_136 = vector.broadcast %gt3A_135 : f32 to vector<16xf32>
        %gt3A_137 = arith.cmpf ogt, %get3A_134, %gt3A_136 : vector<16xf32>
        %all_reduce_population_count3A_138 = tpu.all_reduce %gt3A_137 {dim = 0 : i64, kind = #tpu.reduction_kind<sum>} : vector<16xi1> -> vector<16xi32>
        %eq3A_139 = arith.constant 6 : i32
        %eq3A_140 = vector.broadcast %eq3A_139 : i32 to vector<16xi32>
        %eq3A_141 = arith.cmpi eq, %iota3A, %eq3A_140 : vector<16xi32>
        %jit3A_142 = arith.constant 0 : i32
        %broadcast_in_dim3A_143 = vector.broadcast %jit3A_142 : i32 to vector<16xi32>
        %select_n3A_144 = arith.select %eq3A_141, %all_reduce_population_count3A_138, %broadcast_in_dim3A_143 : vector<16xi1>, vector<16xi32>
        %add3A_145 = arith.addi %add3A_131, %select_n3A_144 : vector<16xi32>
        %get3A_146 = arith.index_cast %scan3A_44 : i32 to index
        %get3A_147 = arith.constant 112 : index
        %get3A_148 = tpu.vector_load %arg6[%get3A_146, %get3A_147] {strides = array<i32>} : memref<16x320xf32, #tpu.memory_space<vmem>>, vector<16xf32>,
        %gt3A_149 = arith.constant 0.000000e+00 : f32
        %gt3A_150 = vector.broadcast %gt3A_149 : f32 to vector<16xf32>
        %gt3A_151 = arith.cmpf ogt, %get3A_148, %gt3A_150 : vector<16xf32>
        %all_reduce_population_count3A_152 = tpu.all_reduce %gt3A_151 {dim = 0 : i64, kind = #tpu.reduction_kind<sum>} : vector<16xi1> -> vector<16xi32>
        %eq3A_153 = arith.constant 7 : i32
        %eq3A_154 = vector.broadcast %eq3A_153 : i32 to vector<16xi32>
        %eq3A_155 = arith.cmpi eq, %iota3A, %eq3A_154 : vector<16xi32>
        %jit3A_156 = arith.constant 0 : i32
        %broadcast_in_dim3A_157 = vector.broadcast %jit3A_156 : i32 to vector<16xi32>
        %select_n3A_158 = arith.select %eq3A_155, %all_reduce_population_count3A_152, %broadcast_in_dim3A_157 : vector<16xi1>, vector<16xi32>
        %add3A_159 = arith.addi %add3A_145, %select_n3A_158 : vector<16xi32>
        %get3A_160 = arith.index_cast %scan3A_44 : i32 to index
        %get3A_161 = arith.constant 128 : index
        %get3A_162 = tpu.vector_load %arg6[%get3A_160, %get3A_161] {strides = array<i32>} : memref<16x320xf32, #tpu.memory_space<vmem>>, vector<16xf32>,
        %gt3A_163 = arith.constant 0.000000e+00 : f32
        %gt3A_164 = vector.broadcast %gt3A_163 : f32 to vector<16xf32>
        %gt3A_165 = arith.cmpf ogt, %get3A_162, %gt3A_164 : vector<16xf32>
        %all_reduce_population_count3A_166 = tpu.all_reduce %gt3A_165 {dim = 0 : i64, kind = #tpu.reduction_kind<sum>} : vector<16xi1> -> vector<16xi32>
        %eq3A_167 = arith.constant 8 : i32
        %eq3A_168 = vector.broadcast %eq3A_167 : i32 to vector<16xi32>
        %eq3A_169 = arith.cmpi eq, %iota3A, %eq3A_168 : vector<16xi32>
        %jit3A_170 = arith.constant 0 : i32
        %broadcast_in_dim3A_171 = vector.broadcast %jit3A_170 : i32 to vector<16xi32>
        %select_n3A_172 = arith.select %eq3A_169, %all_reduce_population_count3A_166, %broadcast_in_dim3A_171 : vector<16xi1>, vector<16xi32>
        %add3A_173 = arith.addi %add3A_159, %select_n3A_172 : vector<16xi32>
        %get3A_174 = arith.index_cast %scan3A_44 : i32 to index
        %get3A_175 = arith.constant 144 : index
        %get3A_176 = tpu.vector_load %arg6[%get3A_174, %get3A_175] {strides = array<i32>} : memref<16x320xf32, #tpu.memory_space<vmem>>, vector<16xf32>,
        %gt3A_177 = arith.constant 0.000000e+00 : f32
        %gt3A_178 = vector.broadcast %gt3A_177 : f32 to vector<16xf32>
        %gt3A_179 = arith.cmpf ogt, %get3A_176, %gt3A_178 : vector<16xf32>
        %all_reduce_population_count3A_180 = tpu.all_reduce %gt3A_179 {dim = 0 : i64, kind = #tpu.reduction_kind<sum>} : vector<16xi1> -> vector<16xi32>
        %eq3A_181 = arith.constant 9 : i32
        %eq3A_182 = vector.broadcast %eq3A_181 : i32 to vector<16xi32>
        %eq3A_183 = arith.cmpi eq, %iota3A, %eq3A_182 : vector<16xi32>
        %jit3A_184 = arith.constant 0 : i32
        %broadcast_in_dim3A_185 = vector.broadcast %jit3A_184 : i32 to vector<16xi32>
        %select_n3A_186 = arith.select %eq3A_183, %all_reduce_population_count3A_180, %broadcast_in_dim3A_185 : vector<16xi1>, vector<16xi32>
        %add3A_187 = arith.addi %add3A_173, %select_n3A_186 : vector<16xi32>
        %get3A_188 = arith.index_cast %scan3A_44 : i32 to index
        %get3A_189 = arith.constant 160 : index
        %get3A_190 = tpu.vector_load %arg6[%get3A_188, %get3A_189] {strides = array<i32>} : memref<16x320xf32, #tpu.memory_space<vmem>>, vector<16xf32>,
        %gt3A_191 = arith.constant 0.000000e+00 : f32
        %gt3A_192 = vector.broadcast %gt3A_191 : f32 to vector<16xf32>
        %gt3A_193 = arith.cmpf ogt, %get3A_190, %gt3A_192 : vector<16xf32>
        %all_reduce_population_count3A_194 = tpu.all_reduce %gt3A_193 {dim = 0 : i64, kind = #tpu.reduction_kind<sum>} : vector<16xi1> -> vector<16xi32>
        %eq3A_195 = arith.constant 10 : i32
        %eq3A_196 = vector.broadcast %eq3A_195 : i32 to vector<16xi32>
        %eq3A_197 = arith.cmpi eq, %iota3A, %eq3A_196 : vector<16xi32>
        %jit3A_198 = arith.constant 0 : i32
        %broadcast_in_dim3A_199 = vector.broadcast %jit3A_198 : i32 to vector<16xi32>
        %select_n3A_200 = arith.select %eq3A_197, %all_reduce_population_count3A_194, %broadcast_in_dim3A_199 : vector<16xi1>, vector<16xi32>
        %add3A_201 = arith.addi %add3A_187, %select_n3A_200 : vector<16xi32>
        %get3A_202 = arith.index_cast %scan3A_44 : i32 to index
        %get3A_203 = arith.constant 176 : index
        %get3A_204 = tpu.vector_load %arg6[%get3A_202, %get3A_203] {strides = array<i32>} : memref<16x320xf32, #tpu.memory_space<vmem>>, vector<16xf32>,
        %gt3A_205 = arith.constant 0.000000e+00 : f32
        %gt3A_206 = vector.broadcast %gt3A_205 : f32 to vector<16xf32>
        %gt3A_207 = arith.cmpf ogt, %get3A_204, %gt3A_206 : vector<16xf32>
        %all_reduce_population_count3A_208 = tpu.all_reduce %gt3A_207 {dim = 0 : i64, kind = #tpu.reduction_kind<sum>} : vector<16xi1> -> vector<16xi32>
        %eq3A_209 = arith.constant 11 : i32
        %eq3A_210 = vector.broadcast %eq3A_209 : i32 to vector<16xi32>
        %eq3A_211 = arith.cmpi eq, %iota3A, %eq3A_210 : vector<16xi32>
        %jit3A_212 = arith.constant 0 : i32
        %broadcast_in_dim3A_213 = vector.broadcast %jit3A_212 : i32 to vector<16xi32>
        %select_n3A_214 = arith.select %eq3A_211, %all_reduce_population_count3A_208, %broadcast_in_dim3A_213 : vector<16xi1>, vector<16xi32>
        %add3A_215 = arith.addi %add3A_201, %select_n3A_214 : vector<16xi32>
        %get3A_216 = arith.index_cast %scan3A_44 : i32 to index
        %get3A_217 = arith.constant 192 : index
        %get3A_218 = tpu.vector_load %arg6[%get3A_216, %get3A_217] {strides = array<i32>} : memref<16x320xf32, #tpu.memory_space<vmem>>, vector<16xf32>,
        %gt3A_219 = arith.constant 0.000000e+00 : f32
        %gt3A_220 = vector.broadcast %gt3A_219 : f32 to vector<16xf32>
        %gt3A_221 = arith.cmpf ogt, %get3A_218, %gt3A_220 : vector<16xf32>
        %all_reduce_population_count3A_222 = tpu.all_reduce %gt3A_221 {dim = 0 : i64, kind = #tpu.reduction_kind<sum>} : vector<16xi1> -> vector<16xi32>
        %eq3A_223 = arith.constant 12 : i32
        %eq3A_224 = vector.broadcast %eq3A_223 : i32 to vector<16xi32>
        %eq3A_225 = arith.cmpi eq, %iota3A, %eq3A_224 : vector<16xi32>
        %jit3A_226 = arith.constant 0 : i32
        %broadcast_in_dim3A_227 = vector.broadcast %jit3A_226 : i32 to vector<16xi32>
        %select_n3A_228 = arith.select %eq3A_225, %all_reduce_population_count3A_222, %broadcast_in_dim3A_227 : vector<16xi1>, vector<16xi32>
        %add3A_229 = arith.addi %add3A_215, %select_n3A_228 : vector<16xi32>
        %get3A_230 = arith.index_cast %scan3A_44 : i32 to index
        %get3A_231 = arith.constant 208 : index
        %get3A_232 = tpu.vector_load %arg6[%get3A_230, %get3A_231] {strides = array<i32>} : memref<16x320xf32, #tpu.memory_space<vmem>>, vector<16xf32>,
        %gt3A_233 = arith.constant 0.000000e+00 : f32
        %gt3A_234 = vector.broadcast %gt3A_233 : f32 to vector<16xf32>
        %gt3A_235 = arith.cmpf ogt, %get3A_232, %gt3A_234 : vector<16xf32>
        %all_reduce_population_count3A_236 = tpu.all_reduce %gt3A_235 {dim = 0 : i64, kind = #tpu.reduction_kind<sum>} : vector<16xi1> -> vector<16xi32>
        %eq3A_237 = arith.constant 13 : i32
        %eq3A_238 = vector.broadcast %eq3A_237 : i32 to vector<16xi32>
        %eq3A_239 = arith.cmpi eq, %iota3A, %eq3A_238 : vector<16xi32>
        %jit3A_240 = arith.constant 0 : i32
        %broadcast_in_dim3A_241 = vector.broadcast %jit3A_240 : i32 to vector<16xi32>
        %select_n3A_242 = arith.select %eq3A_239, %all_reduce_population_count3A_236, %broadcast_in_dim3A_241 : vector<16xi1>, vector<16xi32>
        %add3A_243 = arith.addi %add3A_229, %select_n3A_242 : vector<16xi32>
        %get3A_244 = arith.index_cast %scan3A_44 : i32 to index
        %get3A_245 = arith.constant 224 : index
        %get3A_246 = tpu.vector_load %arg6[%get3A_244, %get3A_245] {strides = array<i32>} : memref<16x320xf32, #tpu.memory_space<vmem>>, vector<16xf32>,
        %gt3A_247 = arith.constant 0.000000e+00 : f32
        %gt3A_248 = vector.broadcast %gt3A_247 : f32 to vector<16xf32>
        %gt3A_249 = arith.cmpf ogt, %get3A_246, %gt3A_248 : vector<16xf32>
        %all_reduce_population_count3A_250 = tpu.all_reduce %gt3A_249 {dim = 0 : i64, kind = #tpu.reduction_kind<sum>} : vector<16xi1> -> vector<16xi32>
        %eq3A_251 = arith.constant 14 : i32
        %eq3A_252 = vector.broadcast %eq3A_251 : i32 to vector<16xi32>
        %eq3A_253 = arith.cmpi eq, %iota3A, %eq3A_252 : vector<16xi32>
        %jit3A_254 = arith.constant 0 : i32
        %broadcast_in_dim3A_255 = vector.broadcast %jit3A_254 : i32 to vector<16xi32>
        %select_n3A_256 = arith.select %eq3A_253, %all_reduce_population_count3A_250, %broadcast_in_dim3A_255 : vector<16xi1>, vector<16xi32>
        %add3A_257 = arith.addi %add3A_243, %select_n3A_256 : vector<16xi32>
        %get3A_258 = arith.index_cast %scan3A_44 : i32 to index
        %get3A_259 = arith.constant 240 : index
        %get3A_260 = tpu.vector_load %arg6[%get3A_258, %get3A_259] {strides = array<i32>} : memref<16x320xf32, #tpu.memory_space<vmem>>, vector<16xf32>,
        %gt3A_261 = arith.constant 0.000000e+00 : f32
        %gt3A_262 = vector.broadcast %gt3A_261 : f32 to vector<16xf32>
        %gt3A_263 = arith.cmpf ogt, %get3A_260, %gt3A_262 : vector<16xf32>
        %all_reduce_population_count3A_264 = tpu.all_reduce %gt3A_263 {dim = 0 : i64, kind = #tpu.reduction_kind<sum>} : vector<16xi1> -> vector<16xi32>
        %eq3A_265 = arith.constant 15 : i32
        %eq3A_266 = vector.broadcast %eq3A_265 : i32 to vector<16xi32>
        %eq3A_267 = arith.cmpi eq, %iota3A, %eq3A_266 : vector<16xi32>
        %jit3A_268 = arith.constant 0 : i32
        %broadcast_in_dim3A_269 = vector.broadcast %jit3A_268 : i32 to vector<16xi32>
        %select_n3A_270 = arith.select %eq3A_267, %all_reduce_population_count3A_264, %broadcast_in_dim3A_269 : vector<16xi1>, vector<16xi32>
        %add3A_271 = arith.addi %add3A_257, %select_n3A_270 : vector<16xi32>
        %get3A_272 = arith.index_cast %scan3A_44 : i32 to index
        %get3A_273 = arith.constant 256 : index
        %get3A_274 = tpu.vector_load %arg6[%get3A_272, %get3A_273] {strides = array<i32>} : memref<16x320xf32, #tpu.memory_space<vmem>>, vector<16xf32>,
        %gt3A_275 = arith.constant 0.000000e+00 : f32
        %gt3A_276 = vector.broadcast %gt3A_275 : f32 to vector<16xf32>
        %gt3A_277 = arith.cmpf ogt, %get3A_274, %gt3A_276 : vector<16xf32>
        %all_reduce_population_count3A_278 = tpu.all_reduce %gt3A_277 {dim = 0 : i64, kind = #tpu.reduction_kind<sum>} : vector<16xi1> -> vector<16xi32>
        %eq3A_279 = arith.constant 0 : i32
        %eq3A_280 = vector.broadcast %eq3A_279 : i32 to vector<16xi32>
        %eq3A_281 = arith.cmpi eq, %iota3A, %eq3A_280 : vector<16xi32>
        %jit3A_282 = arith.constant 0 : i32
        %broadcast_in_dim3A_283 = vector.broadcast %jit3A_282 : i32 to vector<16xi32>
        %select_n3A_284 = arith.select %eq3A_281, %all_reduce_population_count3A_278, %broadcast_in_dim3A_283 : vector<16xi1>, vector<16xi32>
        %add3A_285 = arith.addi %broadcast_in_dim3A_51, %select_n3A_284 : vector<16xi32>
        %get3A_286 = arith.index_cast %scan3A_44 : i32 to index
        %get3A_287 = arith.constant 272 : index
        %get3A_288 = tpu.vector_load %arg6[%get3A_286, %get3A_287] {strides = array<i32>} : memref<16x320xf32, #tpu.memory_space<vmem>>, vector<16xf32>,
        %gt3A_289 = arith.constant 0.000000e+00 : f32
        %gt3A_290 = vector.broadcast %gt3A_289 : f32 to vector<16xf32>
        %gt3A_291 = arith.cmpf ogt, %get3A_288, %gt3A_290 : vector<16xf32>
        %all_reduce_population_count3A_292 = tpu.all_reduce %gt3A_291 {dim = 0 : i64, kind = #tpu.reduction_kind<sum>} : vector<16xi1> -> vector<16xi32>
        %eq3A_293 = arith.constant 1 : i32
        %eq3A_294 = vector.broadcast %eq3A_293 : i32 to vector<16xi32>
        %eq3A_295 = arith.cmpi eq, %iota3A, %eq3A_294 : vector<16xi32>
        %jit3A_296 = arith.constant 0 : i32
        %broadcast_in_dim3A_297 = vector.broadcast %jit3A_296 : i32 to vector<16xi32>
        %select_n3A_298 = arith.select %eq3A_295, %all_reduce_population_count3A_292, %broadcast_in_dim3A_297 : vector<16xi1>, vector<16xi32>
        %add3A_299 = arith.addi %add3A_285, %select_n3A_298 : vector<16xi32>
        %get3A_300 = arith.index_cast %scan3A_44 : i32 to index
        %get3A_301 = arith.constant 288 : index
        %get3A_302 = tpu.vector_load %arg6[%get3A_300, %get3A_301] {strides = array<i32>} : memref<16x320xf32, #tpu.memory_space<vmem>>, vector<16xf32>,
        %gt3A_303 = arith.constant 0.000000e+00 : f32
        %gt3A_304 = vector.broadcast %gt3A_303 : f32 to vector<16xf32>
        %gt3A_305 = arith.cmpf ogt, %get3A_302, %gt3A_304 : vector<16xf32>
        %all_reduce_population_count3A_306 = tpu.all_reduce %gt3A_305 {dim = 0 : i64, kind = #tpu.reduction_kind<sum>} : vector<16xi1> -> vector<16xi32>
        %eq3A_307 = arith.constant 2 : i32
        %eq3A_308 = vector.broadcast %eq3A_307 : i32 to vector<16xi32>
        %eq3A_309 = arith.cmpi eq, %iota3A, %eq3A_308 : vector<16xi32>
        %jit3A_310 = arith.constant 0 : i32
        %broadcast_in_dim3A_311 = vector.broadcast %jit3A_310 : i32 to vector<16xi32>
        %select_n3A_312 = arith.select %eq3A_309, %all_reduce_population_count3A_306, %broadcast_in_dim3A_311 : vector<16xi1>, vector<16xi32>
        %add3A_313 = arith.addi %add3A_299, %select_n3A_312 : vector<16xi32>
        %get3A_314 = arith.index_cast %scan3A_44 : i32 to index
        %get3A_315 = arith.constant 304 : index
        %get3A_316 = tpu.vector_load %arg6[%get3A_314, %get3A_315] {strides = array<i32>} : memref<16x320xf32, #tpu.memory_space<vmem>>, vector<16xf32>,
        %gt3A_317 = arith.constant 0.000000e+00 : f32
        %gt3A_318 = vector.broadcast %gt3A_317 : f32 to vector<16xf32>
        %gt3A_319 = arith.cmpf ogt, %get3A_316, %gt3A_318 : vector<16xf32>
        %all_reduce_population_count3A_320 = tpu.all_reduce %gt3A_319 {dim = 0 : i64, kind = #tpu.reduction_kind<sum>} : vector<16xi1> -> vector<16xi32>
        %eq3A_321 = arith.constant 3 : i32
        %eq3A_322 = vector.broadcast %eq3A_321 : i32 to vector<16xi32>
        %eq3A_323 = arith.cmpi eq, %iota3A, %eq3A_322 : vector<16xi32>
        %jit3A_324 = arith.constant 0 : i32
        %broadcast_in_dim3A_325 = vector.broadcast %jit3A_324 : i32 to vector<16xi32>
        %select_n3A_326 = arith.select %eq3A_323, %all_reduce_population_count3A_320, %broadcast_in_dim3A_325 : vector<16xi1>, vector<16xi32>
        %add3A_327 = arith.addi %add3A_313, %select_n3A_326 : vector<16xi32>
        %broadcast_in_dim3A_328 = arith.constant true
        %broadcast_in_dim3A_329 = vector.broadcast %broadcast_in_dim3A_328 : i1 to vector<16xi1>
        %masked_cumsum3A = tpu.scan <sum>, %add3A_271 masked %broadcast_in_dim3A_329 : vector<16xi32>, vector<16xi1> -> vector<16xi32>
        %broadcast_in_dim3A_330 = arith.constant true
        %broadcast_in_dim3A_331 = vector.broadcast %broadcast_in_dim3A_330 : i1 to vector<16xi1>
        %masked_cumsum3A_332 = tpu.scan <sum>, %add3A_327 masked %broadcast_in_dim3A_331 : vector<16xi32>, vector<16xi1> -> vector<16xi32>
        %slice3A = vector.extract_strided_slice %masked_cumsum3A {offsets = [15], sizes = [1], strides = [1]} : vector<16xi32> to vector<1xi32>
        %squeeze3A = vector.extract %slice3A[0] : i32 from vector<1xi32>
        %add3A_333 = vector.broadcast %squeeze3A : i32 to vector<16xi32>
        %add3A_334 = arith.addi %masked_cumsum3A_332, %add3A_333 : vector<16xi32>
        %slice3A_335 = vector.extract_strided_slice %add3A_334 {offsets = [3], sizes = [1], strides = [1]} : vector<16xi32> to vector<1xi32>
        %squeeze3A_336 = vector.extract %slice3A_335[0] : i32 from vector<1xi32>
        %add3A_337 = arith.constant 0 : i32
        %add3A_338 = vector.broadcast %add3A_337 : i32 to vector<16xi32>
        %add3A_339 = arith.addi %iota3A, %add3A_338 : vector<16xi32>
        %swap3A = arith.constant 0 : index
        %swap3A_340 = tpu.vector_load %arg7[%swap3A] masked %gt3A_55 {strides = array<i32>} : memref<336xi32, #tpu.memory_space<vmem>>, vector<16xi32>, vector<16xi1>
        tpu.vector_store %arg7[%swap3A], %add3A_339 masked %gt3A_55 {strides = array<i32>} : memref<336xi32, #tpu.memory_space<vmem>>, vector<16xi32>, vector<16xi1>
        %slice3A_341 = vector.extract_strided_slice %masked_cumsum3A {offsets = [0], sizes = [1], strides = [1]} : vector<16xi32> to vector<1xi32>
        %squeeze3A_342 = vector.extract %slice3A_341[0] : i32 from vector<1xi32>
        %add3A_343 = arith.constant 16 : i32
        %add3A_344 = vector.broadcast %add3A_343 : i32 to vector<16xi32>
        %add3A_345 = arith.addi %iota3A, %add3A_344 : vector<16xi32>
        %swap3A_346 = arith.index_cast %squeeze3A_342 : i32 to index
        %swap3A_347 = tpu.vector_load %arg7[%swap3A_346] masked %gt3A_67 {strides = array<i32>} : memref<336xi32, #tpu.memory_space<vmem>>, vector<16xi32>, vector<16xi1>
        tpu.vector_store %arg7[%swap3A_346], %add3A_345 masked %gt3A_67 {strides = array<i32>} : memref<336xi32, #tpu.memory_space<vmem>>, vector<16xi32>, vector<16xi1>
        %slice3A_348 = vector.extract_strided_slice %masked_cumsum3A {offsets = [1], sizes = [1], strides = [1]} : vector<16xi32> to vector<1xi32>
        %squeeze3A_349 = vector.extract %slice3A_348[0] : i32 from vector<1xi32>
        %add3A_350 = arith.constant 32 : i32
        %add3A_351 = vector.broadcast %add3A_350 : i32 to vector<16xi32>
        %add3A_352 = arith.addi %iota3A, %add3A_351 : vector<16xi32>
        %swap3A_353 = arith.index_cast %squeeze3A_349 : i32 to index
        %swap3A_354 = tpu.vector_load %arg7[%swap3A_353] masked %gt3A_81 {strides = array<i32>} : memref<336xi32, #tpu.memory_space<vmem>>, vector<16xi32>, vector<16xi1>
        tpu.vector_store %arg7[%swap3A_353], %add3A_352 masked %gt3A_81 {strides = array<i32>} : memref<336xi32, #tpu.memory_space<vmem>>, vector<16xi32>, vector<16xi1>
        %slice3A_355 = vector.extract_strided_slice %masked_cumsum3A {offsets = [2], sizes = [1], strides = [1]} : vector<16xi32> to vector<1xi32>
        %squeeze3A_356 = vector.extract %slice3A_355[0] : i32 from vector<1xi32>
        %add3A_357 = arith.constant 48 : i32
        %add3A_358 = vector.broadcast %add3A_357 : i32 to vector<16xi32>
        %add3A_359 = arith.addi %iota3A, %add3A_358 : vector<16xi32>
        %swap3A_360 = arith.index_cast %squeeze3A_356 : i32 to index
        %swap3A_361 = tpu.vector_load %arg7[%swap3A_360] masked %gt3A_95 {strides = array<i32>} : memref<336xi32, #tpu.memory_space<vmem>>, vector<16xi32>, vector<16xi1>
        tpu.vector_store %arg7[%swap3A_360], %add3A_359 masked %gt3A_95 {strides = array<i32>} : memref<336xi32, #tpu.memory_space<vmem>>, vector<16xi32>, vector<16xi1>
        %slice3A_362 = vector.extract_strided_slice %masked_cumsum3A {offsets = [3], sizes = [1], strides = [1]} : vector<16xi32> to vector<1xi32>
        %squeeze3A_363 = vector.extract %slice3A_362[0] : i32 from vector<1xi32>
        %add3A_364 = arith.constant 64 : i32
        %add3A_365 = vector.broadcast %add3A_364 : i32 to vector<16xi32>
        %add3A_366 = arith.addi %iota3A, %add3A_365 : vector<16xi32>
        %swap3A_367 = arith.index_cast %squeeze3A_363 : i32 to index
        %swap3A_368 = tpu.vector_load %arg7[%swap3A_367] masked %gt3A_109 {strides = array<i32>} : memref<336xi32, #tpu.memory_space<vmem>>, vector<16xi32>, vector<16xi1>
        tpu.vector_store %arg7[%swap3A_367], %add3A_366 masked %gt3A_109 {strides = array<i32>} : memref<336xi32, #tpu.memory_space<vmem>>, vector<16xi32>, vector<16xi1>
        %slice3A_369 = vector.extract_strided_slice %masked_cumsum3A {offsets = [4], sizes = [1], strides = [1]} : vector<16xi32> to vector<1xi32>
        %squeeze3A_370 = vector.extract %slice3A_369[0] : i32 from vector<1xi32>
        %add3A_371 = arith.constant 80 : i32
        %add3A_372 = vector.broadcast %add3A_371 : i32 to vector<16xi32>
        %add3A_373 = arith.addi %iota3A, %add3A_372 : vector<16xi32>
        %swap3A_374 = arith.index_cast %squeeze3A_370 : i32 to index
        %swap3A_375 = tpu.vector_load %arg7[%swap3A_374] masked %gt3A_123 {strides = array<i32>} : memref<336xi32, #tpu.memory_space<vmem>>, vector<16xi32>, vector<16xi1>
        tpu.vector_store %arg7[%swap3A_374], %add3A_373 masked %gt3A_123 {strides = array<i32>} : memref<336xi32, #tpu.memory_space<vmem>>, vector<16xi32>, vector<16xi1>
        %slice3A_376 = vector.extract_strided_slice %masked_cumsum3A {offsets = [5], sizes = [1], strides = [1]} : vector<16xi32> to vector<1xi32>
        %squeeze3A_377 = vector.extract %slice3A_376[0] : i32 from vector<1xi32>
        %add3A_378 = arith.constant 96 : i32
        %add3A_379 = vector.broadcast %add3A_378 : i32 to vector<16xi32>
        %add3A_380 = arith.addi %iota3A, %add3A_379 : vector<16xi32>
        %swap3A_381 = arith.index_cast %squeeze3A_377 : i32 to index
        %swap3A_382 = tpu.vector_load %arg7[%swap3A_381] masked %gt3A_137 {strides = array<i32>} : memref<336xi32, #tpu.memory_space<vmem>>, vector<16xi32>, vector<16xi1>
        tpu.vector_store %arg7[%swap3A_381], %add3A_380 masked %gt3A_137 {strides = array<i32>} : memref<336xi32, #tpu.memory_space<vmem>>, vector<16xi32>, vector<16xi1>
        %slice3A_383 = vector.extract_strided_slice %masked_cumsum3A {offsets = [6], sizes = [1], strides = [1]} : vector<16xi32> to vector<1xi32>
        %squeeze3A_384 = vector.extract %slice3A_383[0] : i32 from vector<1xi32>
        %add3A_385 = arith.constant 112 : i32
        %add3A_386 = vector.broadcast %add3A_385 : i32 to vector<16xi32>
        %add3A_387 = arith.addi %iota3A, %add3A_386 : vector<16xi32>
        %swap3A_388 = arith.index_cast %squeeze3A_384 : i32 to index
        %swap3A_389 = tpu.vector_load %arg7[%swap3A_388] masked %gt3A_151 {strides = array<i32>} : memref<336xi32, #tpu.memory_space<vmem>>, vector<16xi32>, vector<16xi1>
        tpu.vector_store %arg7[%swap3A_388], %add3A_387 masked %gt3A_151 {strides = array<i32>} : memref<336xi32, #tpu.memory_space<vmem>>, vector<16xi32>, vector<16xi1>
        %slice3A_390 = vector.extract_strided_slice %masked_cumsum3A {offsets = [7], sizes = [1], strides = [1]} : vector<16xi32> to vector<1xi32>
        %squeeze3A_391 = vector.extract %slice3A_390[0] : i32 from vector<1xi32>
        %add3A_392 = arith.constant 128 : i32
        %add3A_393 = vector.broadcast %add3A_392 : i32 to vector<16xi32>
        %add3A_394 = arith.addi %iota3A, %add3A_393 : vector<16xi32>
        %swap3A_395 = arith.index_cast %squeeze3A_391 : i32 to index
        %swap3A_396 = tpu.vector_load %arg7[%swap3A_395] masked %gt3A_165 {strides = array<i32>} : memref<336xi32, #tpu.memory_space<vmem>>, vector<16xi32>, vector<16xi1>
        tpu.vector_store %arg7[%swap3A_395], %add3A_394 masked %gt3A_165 {strides = array<i32>} : memref<336xi32, #tpu.memory_space<vmem>>, vector<16xi32>, vector<16xi1>
        %slice3A_397 = vector.extract_strided_slice %masked_cumsum3A {offsets = [8], sizes = [1], strides = [1]} : vector<16xi32> to vector<1xi32>
        %squeeze3A_398 = vector.extract %slice3A_397[0] : i32 from vector<1xi32>
        %add3A_399 = arith.constant 144 : i32
        %add3A_400 = vector.broadcast %add3A_399 : i32 to vector<16xi32>
        %add3A_401 = arith.addi %iota3A, %add3A_400 : vector<16xi32>
        %swap3A_402 = arith.index_cast %squeeze3A_398 : i32 to index
        %swap3A_403 = tpu.vector_load %arg7[%swap3A_402] masked %gt3A_179 {strides = array<i32>} : memref<336xi32, #tpu.memory_space<vmem>>, vector<16xi32>, vector<16xi1>
        tpu.vector_store %arg7[%swap3A_402], %add3A_401 masked %gt3A_179 {strides = array<i32>} : memref<336xi32, #tpu.memory_space<vmem>>, vector<16xi32>, vector<16xi1>
        %slice3A_404 = vector.extract_strided_slice %masked_cumsum3A {offsets = [9], sizes = [1], strides = [1]} : vector<16xi32> to vector<1xi32>
        %squeeze3A_405 = vector.extract %slice3A_404[0] : i32 from vector<1xi32>
        %add3A_406 = arith.constant 160 : i32
        %add3A_407 = vector.broadcast %add3A_406 : i32 to vector<16xi32>
        %add3A_408 = arith.addi %iota3A, %add3A_407 : vector<16xi32>
        %swap3A_409 = arith.index_cast %squeeze3A_405 : i32 to index
        %swap3A_410 = tpu.vector_load %arg7[%swap3A_409] masked %gt3A_193 {strides = array<i32>} : memref<336xi32, #tpu.memory_space<vmem>>, vector<16xi32>, vector<16xi1>
        tpu.vector_store %arg7[%swap3A_409], %add3A_408 masked %gt3A_193 {strides = array<i32>} : memref<336xi32, #tpu.memory_space<vmem>>, vector<16xi32>, vector<16xi1>
        %slice3A_411 = vector.extract_strided_slice %masked_cumsum3A {offsets = [10], sizes = [1], strides = [1]} : vector<16xi32> to vector<1xi32>
        %squeeze3A_412 = vector.extract %slice3A_411[0] : i32 from vector<1xi32>
        %add3A_413 = arith.constant 176 : i32
        %add3A_414 = vector.broadcast %add3A_413 : i32 to vector<16xi32>
        %add3A_415 = arith.addi %iota3A, %add3A_414 : vector<16xi32>
        %swap3A_416 = arith.index_cast %squeeze3A_412 : i32 to index
        %swap3A_417 = tpu.vector_load %arg7[%swap3A_416] masked %gt3A_207 {strides = array<i32>} : memref<336xi32, #tpu.memory_space<vmem>>, vector<16xi32>, vector<16xi1>
        tpu.vector_store %arg7[%swap3A_416], %add3A_415 masked %gt3A_207 {strides = array<i32>} : memref<336xi32, #tpu.memory_space<vmem>>, vector<16xi32>, vector<16xi1>
        %slice3A_418 = vector.extract_strided_slice %masked_cumsum3A {offsets = [11], sizes = [1], strides = [1]} : vector<16xi32> to vector<1xi32>
        %squeeze3A_419 = vector.extract %slice3A_418[0] : i32 from vector<1xi32>
        %add3A_420 = arith.constant 192 : i32
        %add3A_421 = vector.broadcast %add3A_420 : i32 to vector<16xi32>
        %add3A_422 = arith.addi %iota3A, %add3A_421 : vector<16xi32>
        %swap3A_423 = arith.index_cast %squeeze3A_419 : i32 to index
        %swap3A_424 = tpu.vector_load %arg7[%swap3A_423] masked %gt3A_221 {strides = array<i32>} : memref<336xi32, #tpu.memory_space<vmem>>, vector<16xi32>, vector<16xi1>
        tpu.vector_store %arg7[%swap3A_423], %add3A_422 masked %gt3A_221 {strides = array<i32>} : memref<336xi32, #tpu.memory_space<vmem>>, vector<16xi32>, vector<16xi1>
        %slice3A_425 = vector.extract_strided_slice %masked_cumsum3A {offsets = [12], sizes = [1], strides = [1]} : vector<16xi32> to vector<1xi32>
        %squeeze3A_426 = vector.extract %slice3A_425[0] : i32 from vector<1xi32>
        %add3A_427 = arith.constant 208 : i32
        %add3A_428 = vector.broadcast %add3A_427 : i32 to vector<16xi32>
        %add3A_429 = arith.addi %iota3A, %add3A_428 : vector<16xi32>
        %swap3A_430 = arith.index_cast %squeeze3A_426 : i32 to index
        %swap3A_431 = tpu.vector_load %arg7[%swap3A_430] masked %gt3A_235 {strides = array<i32>} : memref<336xi32, #tpu.memory_space<vmem>>, vector<16xi32>, vector<16xi1>
        tpu.vector_store %arg7[%swap3A_430], %add3A_429 masked %gt3A_235 {strides = array<i32>} : memref<336xi32, #tpu.memory_space<vmem>>, vector<16xi32>, vector<16xi1>
        %slice3A_432 = vector.extract_strided_slice %masked_cumsum3A {offsets = [13], sizes = [1], strides = [1]} : vector<16xi32> to vector<1xi32>
        %squeeze3A_433 = vector.extract %slice3A_432[0] : i32 from vector<1xi32>
        %add3A_434 = arith.constant 224 : i32
        %add3A_435 = vector.broadcast %add3A_434 : i32 to vector<16xi32>
        %add3A_436 = arith.addi %iota3A, %add3A_435 : vector<16xi32>
        %swap3A_437 = arith.index_cast %squeeze3A_433 : i32 to index
        %swap3A_438 = tpu.vector_load %arg7[%swap3A_437] masked %gt3A_249 {strides = array<i32>} : memref<336xi32, #tpu.memory_space<vmem>>, vector<16xi32>, vector<16xi1>
        tpu.vector_store %arg7[%swap3A_437], %add3A_436 masked %gt3A_249 {strides = array<i32>} : memref<336xi32, #tpu.memory_space<vmem>>, vector<16xi32>, vector<16xi1>
        %slice3A_439 = vector.extract_strided_slice %masked_cumsum3A {offsets = [14], sizes = [1], strides = [1]} : vector<16xi32> to vector<1xi32>
        %squeeze3A_440 = vector.extract %slice3A_439[0] : i32 from vector<1xi32>
        %add3A_441 = arith.constant 240 : i32
        %add3A_442 = vector.broadcast %add3A_441 : i32 to vector<16xi32>
        %add3A_443 = arith.addi %iota3A, %add3A_442 : vector<16xi32>
        %swap3A_444 = arith.index_cast %squeeze3A_440 : i32 to index
        %swap3A_445 = tpu.vector_load %arg7[%swap3A_444] masked %gt3A_263 {strides = array<i32>} : memref<336xi32, #tpu.memory_space<vmem>>, vector<16xi32>, vector<16xi1>
        tpu.vector_store %arg7[%swap3A_444], %add3A_443 masked %gt3A_263 {strides = array<i32>} : memref<336xi32, #tpu.memory_space<vmem>>, vector<16xi32>, vector<16xi1>
        %slice3A_446 = vector.extract_strided_slice %masked_cumsum3A {offsets = [15], sizes = [1], strides = [1]} : vector<16xi32> to vector<1xi32>
        %squeeze3A_447 = vector.extract %slice3A_446[0] : i32 from vector<1xi32>
        %add3A_448 = arith.constant 256 : i32
        %add3A_449 = vector.broadcast %add3A_448 : i32 to vector<16xi32>
        %add3A_450 = arith.addi %iota3A, %add3A_449 : vector<16xi32>
        %swap3A_451 = arith.index_cast %squeeze3A_447 : i32 to index
        %swap3A_452 = tpu.vector_load %arg7[%swap3A_451] masked %gt3A_277 {strides = array<i32>} : memref<336xi32, #tpu.memory_space<vmem>>, vector<16xi32>, vector<16xi1>
        tpu.vector_store %arg7[%swap3A_451], %add3A_450 masked %gt3A_277 {strides = array<i32>} : memref<336xi32, #tpu.memory_space<vmem>>, vector<16xi32>, vector<16xi1>
        %slice3A_453 = vector.extract_strided_slice %add3A_334 {offsets = [0], sizes = [1], strides = [1]} : vector<16xi32> to vector<1xi32>
        %squeeze3A_454 = vector.extract %slice3A_453[0] : i32 from vector<1xi32>
        %add3A_455 = arith.constant 272 : i32
        %add3A_456 = vector.broadcast %add3A_455 : i32 to vector<16xi32>
        %add3A_457 = arith.addi %iota3A, %add3A_456 : vector<16xi32>
        %swap3A_458 = arith.index_cast %squeeze3A_454 : i32 to index
        %swap3A_459 = tpu.vector_load %arg7[%swap3A_458] masked %gt3A_291 {strides = array<i32>} : memref<336xi32, #tpu.memory_space<vmem>>, vector<16xi32>, vector<16xi1>
        tpu.vector_store %arg7[%swap3A_458], %add3A_457 masked %gt3A_291 {strides = array<i32>} : memref<336xi32, #tpu.memory_space<vmem>>, vector<16xi32>, vector<16xi1>
        %slice3A_460 = vector.extract_strided_slice %add3A_334 {offsets = [1], sizes = [1], strides = [1]} : vector<16xi32> to vector<1xi32>
        %squeeze3A_461 = vector.extract %slice3A_460[0] : i32 from vector<1xi32>
        %add3A_462 = arith.constant 288 : i32
        %add3A_463 = vector.broadcast %add3A_462 : i32 to vector<16xi32>
        %add3A_464 = arith.addi %iota3A, %add3A_463 : vector<16xi32>
        %swap3A_465 = arith.index_cast %squeeze3A_461 : i32 to index
        %swap3A_466 = tpu.vector_load %arg7[%swap3A_465] masked %gt3A_305 {strides = array<i32>} : memref<336xi32, #tpu.memory_space<vmem>>, vector<16xi32>, vector<16xi1>
        tpu.vector_store %arg7[%swap3A_465], %add3A_464 masked %gt3A_305 {strides = array<i32>} : memref<336xi32, #tpu.memory_space<vmem>>, vector<16xi32>, vector<16xi1>
        %slice3A_467 = vector.extract_strided_slice %add3A_334 {offsets = [2], sizes = [1], strides = [1]} : vector<16xi32> to vector<1xi32>
        %squeeze3A_468 = vector.extract %slice3A_467[0] : i32 from vector<1xi32>
        %add3A_469 = arith.constant 304 : i32
        %add3A_470 = vector.broadcast %add3A_469 : i32 to vector<16xi32>
        %add3A_471 = arith.addi %iota3A, %add3A_470 : vector<16xi32>
        %swap3A_472 = arith.index_cast %squeeze3A_468 : i32 to index
        %swap3A_473 = tpu.vector_load %arg7[%swap3A_472] masked %gt3A_319 {strides = array<i32>} : memref<336xi32, #tpu.memory_space<vmem>>, vector<16xi32>, vector<16xi1>
        tpu.vector_store %arg7[%swap3A_472], %add3A_471 masked %gt3A_319 {strides = array<i32>} : memref<336xi32, #tpu.memory_space<vmem>>, vector<16xi32>, vector<16xi1>
        %get3A_474 = arith.constant 16 : i32
        %get3A_475 = arith.index_cast %add3A_47 : i32 to index
        %get3A_476 = arith.index_cast %get3A_474 : i32 to index
        %get3A_477 = arith.constant 0 : index
        %get3A_478 = tpu.vector_load %arg5[%get3A_475, %get3A_476, %get3A_477] {strides = array<i32>} : memref<320x18x16xf32, #tpu.memory_space<vmem>>, vector<16xf32>,
        %add3A_479 = arith.constant 1 : i32
        %add3A_480 = arith.addi %squeeze3A_336, %add3A_479 : i32
        %jit3A_481 = arith.constant 2 : i32
        %div3A_482 = arith.divsi %add3A_480, %jit3A_481 : i32
        %sign3A_483 = arith.constant 0 : i32
        %sign3A_484 = arith.cmpi sgt, %add3A_480, %sign3A_483 : i32
        %sign3A_485 = arith.extui %sign3A_484 : i1 to i32
        %sign3A_486 = arith.constant 0 : i32
        %sign3A_487 = arith.cmpi slt, %add3A_480, %sign3A_486 : i32
        %sign3A_488 = arith.extui %sign3A_487 : i1 to i32
        %sign3A_489 = arith.subi %sign3A_485, %sign3A_488 : i32
        %sign3A_490 = arith.constant 0 : i32
        %sign3A_491 = arith.cmpi sgt, %jit3A_481, %sign3A_490 : i32
        %sign3A_492 = arith.extui %sign3A_491 : i1 to i32
        %sign3A_493 = arith.constant 0 : i32
        %sign3A_494 = arith.cmpi slt, %jit3A_481, %sign3A_493 : i32
        %sign3A_495 = arith.extui %sign3A_494 : i1 to i32
        %sign3A_496 = arith.subi %sign3A_492, %sign3A_495 : i32
        %ne3A_497 = arith.cmpi ne, %sign3A_489, %sign3A_496 : i32
        %rem3A_498 = arith.remsi %add3A_480, %jit3A_481 : i32
        %ne3A_499 = arith.constant 0 : i32
        %ne3A_500 = arith.cmpi ne, %rem3A_498, %ne3A_499 : i32
        %and3A_501 = arith.andi %ne3A_497, %ne3A_500 : i1
        %sub3A_502 = arith.constant 1 : i32
        %sub3A_503 = arith.subi %div3A_482, %sub3A_502 : i32
        %select_n3A_504 = arith.select %and3A_501, %sub3A_503, %div3A_482 : i32
        %while3A_505 = arith.constant 0 : i32
        %while3A_506 = arith.subi %select_n3A_504, %while3A_505 : i32
        %while3A_507 = arith.addi %while3A_505, %while3A_506 : i32
        %while3A_508 = arith.constant 1 : i32
        %while3A_509 = arith.divsi %while3A_506, %while3A_508 : i32
        %while3A_510 = arith.muli %while3A_509, %while3A_508 : i32
        %while3A_511 = arith.addi %while3A_505, %while3A_510 : i32
        %while3A_512 = arith.constant 1 : i32
        %while3A_513:17 = scf.for %while3A_789 = %while3A_505 to %while3A_511 step %while3A_512 iter_args(%while3A_790 = %broadcast_in_dim3A_20, %while3A_791 = %broadcast_in_dim3A_20, %while3A_792 = %broadcast_in_dim3A_20, %while3A_793 = %broadcast_in_dim3A_20, %while3A_794 = %broadcast_in_dim3A_20, %while3A_795 = %broadcast_in_dim3A_20, %while3A_796 = %broadcast_in_dim3A_20, %while3A_797 = %broadcast_in_dim3A_20, %while3A_798 = %broadcast_in_dim3A_20, %while3A_799 = %broadcast_in_dim3A_20, %while3A_800 = %broadcast_in_dim3A_20, %while3A_801 = %broadcast_in_dim3A_20, %while3A_802 = %broadcast_in_dim3A_20, %while3A_803 = %broadcast_in_dim3A_20, %while3A_804 = %broadcast_in_dim3A_20, %while3A_805 = %broadcast_in_dim3A_20, %while3A_806 = %broadcast_in_dim3A_20) -> (vector<16xf32>, vector<16xf32>, vector<16xf32>, vector<16xf32>, vector<16xf32>, vector<16xf32>, vector<16xf32>, vector<16xf32>, vector<16xf32>, vector<16xf32>, vector<16xf32>, vector<16xf32>, vector<16xf32>, vector<16xf32>, vector<16xf32>, vector<16xf32>, vector<16xf32>)  : i32 {
          %mul3A_807 = arith.constant 2 : i32
          %mul3A_808 = arith.muli %mul3A_807, %while3A_789 : i32
          %get3A_809 = arith.index_cast %mul3A_808 : i32 to index
          %get3A_810 = tpu.vector_load %arg7[%get3A_809] {strides = array<i32>} : memref<336xi32, #tpu.memory_space<vmem>>, vector<16xi32>,
          %slice3A_811 = vector.extract_strided_slice %get3A_810 {offsets = [0], sizes = [1], strides = [1]} : vector<16xi32> to vector<1xi32>
          %squeeze3A_812 = vector.extract %slice3A_811[0] : i32 from vector<1xi32>
          %add3A_813 = arith.constant 1 : i32
          %add3A_814 = arith.addi %mul3A_808, %add3A_813 : i32
          %lt3A = arith.cmpi slt, %add3A_814, %squeeze3A_336 : i32
          %slice3A_815 = vector.extract_strided_slice %get3A_810 {offsets = [1], sizes = [1], strides = [1]} : vector<16xi32> to vector<1xi32>
          %squeeze3A_816 = vector.extract %slice3A_815[0] : i32 from vector<1xi32>
          %jit3A_817 = arith.constant 0 : i32
          %select_n3A_818 = arith.select %lt3A, %squeeze3A_816, %jit3A_817 : i32
          %get3A_819 = arith.constant 17 : i32
          %get3A_820 = arith.index_cast %squeeze3A_812 : i32 to index
          %get3A_821 = arith.index_cast %get3A_819 : i32 to index
          %get3A_822 = arith.constant 0 : index
          %get3A_823 = tpu.vector_load %arg5[%get3A_820, %get3A_821, %get3A_822] {strides = array<i32>} : memref<320x18x16xf32, #tpu.memory_space<vmem>>, vector<16xf32>,
          %add3A_824 = arith.addf %get3A_478, %get3A_823 : vector<16xf32>
          %get3A_825 = arith.constant 17 : i32
          %get3A_826 = arith.index_cast %select_n3A_818 : i32 to index
          %get3A_827 = arith.index_cast %get3A_825 : i32 to index
          %get3A_828 = arith.constant 0 : index
          %get3A_829 = tpu.vector_load %arg5[%get3A_826, %get3A_827, %get3A_828] {strides = array<i32>} : memref<320x18x16xf32, #tpu.memory_space<vmem>>, vector<16xf32>,
          %add3A_830 = arith.addf %get3A_478, %get3A_829 : vector<16xf32>
          %gt3A_831 = arith.constant 0.000000e+00 : f32
          %gt3A_832 = vector.broadcast %gt3A_831 : f32 to vector<16xf32>
          %gt3A_833 = arith.cmpf ogt, %add3A_824, %gt3A_832 : vector<16xf32>
          %mul3A_834 = arith.constant 2.000000e-01 : f32
          %mul3A_835 = vector.broadcast %mul3A_834 : f32 to vector<16xf32>
          %mul3A_836 = arith.mulf %mul3A_835, %add3A_824 : vector<16xf32>
          %select_n3A_837 = arith.select %gt3A_833, %add3A_824, %mul3A_836 : vector<16xi1>, vector<16xf32>
          %gt3A_838 = arith.constant 0.000000e+00 : f32
          %gt3A_839 = vector.broadcast %gt3A_838 : f32 to vector<16xf32>
          %gt3A_840 = arith.cmpf ogt, %add3A_830, %gt3A_839 : vector<16xf32>
          %mul3A_841 = arith.constant 2.000000e-01 : f32
          %mul3A_842 = vector.broadcast %mul3A_841 : f32 to vector<16xf32>
          %mul3A_843 = arith.mulf %mul3A_842, %add3A_830 : vector<16xf32>
          %select_n3A_844 = arith.select %gt3A_840, %add3A_830, %mul3A_843 : vector<16xi1>, vector<16xf32>
          %exp3A_845 = math.exp %select_n3A_837 : vector<16xf32>
          %exp3A_846 = math.exp %select_n3A_844 : vector<16xf32>
          %select_n3A_847 = arith.select %lt3A, %exp3A_846, %broadcast_in_dim3A_20 : vector<16xf32>
          %add3A_848 = arith.addf %while3A_790, %exp3A_845 : vector<16xf32>
          %add3A_849 = arith.addf %add3A_848, %select_n3A_847 : vector<16xf32>
          %get3A_850 = arith.constant 0 : i32
          %get3A_851 = arith.index_cast %squeeze3A_812 : i32 to index
          %get3A_852 = arith.index_cast %get3A_850 : i32 to index
          %get3A_853 = arith.constant 0 : index
          %get3A_854 = tpu.vector_load %arg5[%get3A_851, %get3A_852, %get3A_853] {strides = array<i32>} : memref<320x18x16xf32, #tpu.memory_space<vmem>>, vector<16xf32>,
          %mul3A_855 = arith.mulf %exp3A_845, %get3A_854 : vector<16xf32>
          %add3A_856 = arith.addf %while3A_791, %mul3A_855 : vector<16xf32>
          %get3A_857 = arith.constant 0 : i32
          %get3A_858 = arith.index_cast %select_n3A_818 : i32 to index
          %get3A_859 = arith.index_cast %get3A_857 : i32 to index
          %get3A_860 = arith.constant 0 : index
          %get3A_861 = tpu.vector_load %arg5[%get3A_858, %get3A_859, %get3A_860] {strides = array<i32>} : memref<320x18x16xf32, #tpu.memory_space<vmem>>, vector<16xf32>,
          %mul3A_862 = arith.mulf %select_n3A_847, %get3A_861 : vector<16xf32>
          %add3A_863 = arith.addf %add3A_856, %mul3A_862 : vector<16xf32>
          %get3A_864 = arith.constant 1 : i32
          %get3A_865 = arith.index_cast %squeeze3A_812 : i32 to index
          %get3A_866 = arith.index_cast %get3A_864 : i32 to index
          %get3A_867 = arith.constant 0 : index
          %get3A_868 = tpu.vector_load %arg5[%get3A_865, %get3A_866, %get3A_867] {strides = array<i32>} : memref<320x18x16xf32, #tpu.memory_space<vmem>>, vector<16xf32>,
          %mul3A_869 = arith.mulf %exp3A_845, %get3A_868 : vector<16xf32>
          %add3A_870 = arith.addf %while3A_792, %mul3A_869 : vector<16xf32>
          %get3A_871 = arith.constant 1 : i32
          %get3A_872 = arith.index_cast %select_n3A_818 : i32 to index
          %get3A_873 = arith.index_cast %get3A_871 : i32 to index
          %get3A_874 = arith.constant 0 : index
          %get3A_875 = tpu.vector_load %arg5[%get3A_872, %get3A_873, %get3A_874] {strides = array<i32>} : memref<320x18x16xf32, #tpu.memory_space<vmem>>, vector<16xf32>,
          %mul3A_876 = arith.mulf %select_n3A_847, %get3A_875 : vector<16xf32>
          %add3A_877 = arith.addf %add3A_870, %mul3A_876 : vector<16xf32>
          %get3A_878 = arith.constant 2 : i32
          %get3A_879 = arith.index_cast %squeeze3A_812 : i32 to index
          %get3A_880 = arith.index_cast %get3A_878 : i32 to index
          %get3A_881 = arith.constant 0 : index
          %get3A_882 = tpu.vector_load %arg5[%get3A_879, %get3A_880, %get3A_881] {strides = array<i32>} : memref<320x18x16xf32, #tpu.memory_space<vmem>>, vector<16xf32>,
          %mul3A_883 = arith.mulf %exp3A_845, %get3A_882 : vector<16xf32>
          %add3A_884 = arith.addf %while3A_793, %mul3A_883 : vector<16xf32>
          %get3A_885 = arith.constant 2 : i32
          %get3A_886 = arith.index_cast %select_n3A_818 : i32 to index
          %get3A_887 = arith.index_cast %get3A_885 : i32 to index
          %get3A_888 = arith.constant 0 : index
          %get3A_889 = tpu.vector_load %arg5[%get3A_886, %get3A_887, %get3A_888] {strides = array<i32>} : memref<320x18x16xf32, #tpu.memory_space<vmem>>, vector<16xf32>,
          %mul3A_890 = arith.mulf %select_n3A_847, %get3A_889 : vector<16xf32>
          %add3A_891 = arith.addf %add3A_884, %mul3A_890 : vector<16xf32>
          %get3A_892 = arith.constant 3 : i32
          %get3A_893 = arith.index_cast %squeeze3A_812 : i32 to index
          %get3A_894 = arith.index_cast %get3A_892 : i32 to index
          %get3A_895 = arith.constant 0 : index
          %get3A_896 = tpu.vector_load %arg5[%get3A_893, %get3A_894, %get3A_895] {strides = array<i32>} : memref<320x18x16xf32, #tpu.memory_space<vmem>>, vector<16xf32>,
          %mul3A_897 = arith.mulf %exp3A_845, %get3A_896 : vector<16xf32>
          %add3A_898 = arith.addf %while3A_794, %mul3A_897 : vector<16xf32>
          %get3A_899 = arith.constant 3 : i32
          %get3A_900 = arith.index_cast %select_n3A_818 : i32 to index
          %get3A_901 = arith.index_cast %get3A_899 : i32 to index
          %get3A_902 = arith.constant 0 : index
          %get3A_903 = tpu.vector_load %arg5[%get3A_900, %get3A_901, %get3A_902] {strides = array<i32>} : memref<320x18x16xf32, #tpu.memory_space<vmem>>, vector<16xf32>,
          %mul3A_904 = arith.mulf %select_n3A_847, %get3A_903 : vector<16xf32>
          %add3A_905 = arith.addf %add3A_898, %mul3A_904 : vector<16xf32>
          %get3A_906 = arith.constant 4 : i32
          %get3A_907 = arith.index_cast %squeeze3A_812 : i32 to index
          %get3A_908 = arith.index_cast %get3A_906 : i32 to index
          %get3A_909 = arith.constant 0 : index
          %get3A_910 = tpu.vector_load %arg5[%get3A_907, %get3A_908, %get3A_909] {strides = array<i32>} : memref<320x18x16xf32, #tpu.memory_space<vmem>>, vector<16xf32>,
          %mul3A_911 = arith.mulf %exp3A_845, %get3A_910 : vector<16xf32>
          %add3A_912 = arith.addf %while3A_795, %mul3A_911 : vector<16xf32>
          %get3A_913 = arith.constant 4 : i32
          %get3A_914 = arith.index_cast %select_n3A_818 : i32 to index
          %get3A_915 = arith.index_cast %get3A_913 : i32 to index
          %get3A_916 = arith.constant 0 : index
          %get3A_917 = tpu.vector_load %arg5[%get3A_914, %get3A_915, %get3A_916] {strides = array<i32>} : memref<320x18x16xf32, #tpu.memory_space<vmem>>, vector<16xf32>,
          %mul3A_918 = arith.mulf %select_n3A_847, %get3A_917 : vector<16xf32>
          %add3A_919 = arith.addf %add3A_912, %mul3A_918 : vector<16xf32>
          %get3A_920 = arith.constant 5 : i32
          %get3A_921 = arith.index_cast %squeeze3A_812 : i32 to index
          %get3A_922 = arith.index_cast %get3A_920 : i32 to index
          %get3A_923 = arith.constant 0 : index
          %get3A_924 = tpu.vector_load %arg5[%get3A_921, %get3A_922, %get3A_923] {strides = array<i32>} : memref<320x18x16xf32, #tpu.memory_space<vmem>>, vector<16xf32>,
          %mul3A_925 = arith.mulf %exp3A_845, %get3A_924 : vector<16xf32>
          %add3A_926 = arith.addf %while3A_796, %mul3A_925 : vector<16xf32>
          %get3A_927 = arith.constant 5 : i32
          %get3A_928 = arith.index_cast %select_n3A_818 : i32 to index
          %get3A_929 = arith.index_cast %get3A_927 : i32 to index
          %get3A_930 = arith.constant 0 : index
          %get3A_931 = tpu.vector_load %arg5[%get3A_928, %get3A_929, %get3A_930] {strides = array<i32>} : memref<320x18x16xf32, #tpu.memory_space<vmem>>, vector<16xf32>,
          %mul3A_932 = arith.mulf %select_n3A_847, %get3A_931 : vector<16xf32>
          %add3A_933 = arith.addf %add3A_926, %mul3A_932 : vector<16xf32>
          %get3A_934 = arith.constant 6 : i32
          %get3A_935 = arith.index_cast %squeeze3A_812 : i32 to index
          %get3A_936 = arith.index_cast %get3A_934 : i32 to index
          %get3A_937 = arith.constant 0 : index
          %get3A_938 = tpu.vector_load %arg5[%get3A_935, %get3A_936, %get3A_937] {strides = array<i32>} : memref<320x18x16xf32, #tpu.memory_space<vmem>>, vector<16xf32>,
          %mul3A_939 = arith.mulf %exp3A_845, %get3A_938 : vector<16xf32>
          %add3A_940 = arith.addf %while3A_797, %mul3A_939 : vector<16xf32>
          %get3A_941 = arith.constant 6 : i32
          %get3A_942 = arith.index_cast %select_n3A_818 : i32 to index
          %get3A_943 = arith.index_cast %get3A_941 : i32 to index
          %get3A_944 = arith.constant 0 : index
          %get3A_945 = tpu.vector_load %arg5[%get3A_942, %get3A_943, %get3A_944] {strides = array<i32>} : memref<320x18x16xf32, #tpu.memory_space<vmem>>, vector<16xf32>,
          %mul3A_946 = arith.mulf %select_n3A_847, %get3A_945 : vector<16xf32>
          %add3A_947 = arith.addf %add3A_940, %mul3A_946 : vector<16xf32>
          %get3A_948 = arith.constant 7 : i32
          %get3A_949 = arith.index_cast %squeeze3A_812 : i32 to index
          %get3A_950 = arith.index_cast %get3A_948 : i32 to index
          %get3A_951 = arith.constant 0 : index
          %get3A_952 = tpu.vector_load %arg5[%get3A_949, %get3A_950, %get3A_951] {strides = array<i32>} : memref<320x18x16xf32, #tpu.memory_space<vmem>>, vector<16xf32>,
          %mul3A_953 = arith.mulf %exp3A_845, %get3A_952 : vector<16xf32>
          %add3A_954 = arith.addf %while3A_798, %mul3A_953 : vector<16xf32>
          %get3A_955 = arith.constant 7 : i32
          %get3A_956 = arith.index_cast %select_n3A_818 : i32 to index
          %get3A_957 = arith.index_cast %get3A_955 : i32 to index
          %get3A_958 = arith.constant 0 : index
          %get3A_959 = tpu.vector_load %arg5[%get3A_956, %get3A_957, %get3A_958] {strides = array<i32>} : memref<320x18x16xf32, #tpu.memory_space<vmem>>, vector<16xf32>,
          %mul3A_960 = arith.mulf %select_n3A_847, %get3A_959 : vector<16xf32>
          %add3A_961 = arith.addf %add3A_954, %mul3A_960 : vector<16xf32>
          %get3A_962 = arith.constant 8 : i32
          %get3A_963 = arith.index_cast %squeeze3A_812 : i32 to index
          %get3A_964 = arith.index_cast %get3A_962 : i32 to index
          %get3A_965 = arith.constant 0 : index
          %get3A_966 = tpu.vector_load %arg5[%get3A_963, %get3A_964, %get3A_965] {strides = array<i32>} : memref<320x18x16xf32, #tpu.memory_space<vmem>>, vector<16xf32>,
          %mul3A_967 = arith.mulf %exp3A_845, %get3A_966 : vector<16xf32>
          %add3A_968 = arith.addf %while3A_799, %mul3A_967 : vector<16xf32>
          %get3A_969 = arith.constant 8 : i32
          %get3A_970 = arith.index_cast %select_n3A_818 : i32 to index
          %get3A_971 = arith.index_cast %get3A_969 : i32 to index
          %get3A_972 = arith.constant 0 : index
          %get3A_973 = tpu.vector_load %arg5[%get3A_970, %get3A_971, %get3A_972] {strides = array<i32>} : memref<320x18x16xf32, #tpu.memory_space<vmem>>, vector<16xf32>,
          %mul3A_974 = arith.mulf %select_n3A_847, %get3A_973 : vector<16xf32>
          %add3A_975 = arith.addf %add3A_968, %mul3A_974 : vector<16xf32>
          %get3A_976 = arith.constant 9 : i32
          %get3A_977 = arith.index_cast %squeeze3A_812 : i32 to index
          %get3A_978 = arith.index_cast %get3A_976 : i32 to index
          %get3A_979 = arith.constant 0 : index
          %get3A_980 = tpu.vector_load %arg5[%get3A_977, %get3A_978, %get3A_979] {strides = array<i32>} : memref<320x18x16xf32, #tpu.memory_space<vmem>>, vector<16xf32>,
          %mul3A_981 = arith.mulf %exp3A_845, %get3A_980 : vector<16xf32>
          %add3A_982 = arith.addf %while3A_800, %mul3A_981 : vector<16xf32>
          %get3A_983 = arith.constant 9 : i32
          %get3A_984 = arith.index_cast %select_n3A_818 : i32 to index
          %get3A_985 = arith.index_cast %get3A_983 : i32 to index
          %get3A_986 = arith.constant 0 : index
          %get3A_987 = tpu.vector_load %arg5[%get3A_984, %get3A_985, %get3A_986] {strides = array<i32>} : memref<320x18x16xf32, #tpu.memory_space<vmem>>, vector<16xf32>,
          %mul3A_988 = arith.mulf %select_n3A_847, %get3A_987 : vector<16xf32>
          %add3A_989 = arith.addf %add3A_982, %mul3A_988 : vector<16xf32>
          %get3A_990 = arith.constant 10 : i32
          %get3A_991 = arith.index_cast %squeeze3A_812 : i32 to index
          %get3A_992 = arith.index_cast %get3A_990 : i32 to index
          %get3A_993 = arith.constant 0 : index
          %get3A_994 = tpu.vector_load %arg5[%get3A_991, %get3A_992, %get3A_993] {strides = array<i32>} : memref<320x18x16xf32, #tpu.memory_space<vmem>>, vector<16xf32>,
          %mul3A_995 = arith.mulf %exp3A_845, %get3A_994 : vector<16xf32>
          %add3A_996 = arith.addf %while3A_801, %mul3A_995 : vector<16xf32>
          %get3A_997 = arith.constant 10 : i32
          %get3A_998 = arith.index_cast %select_n3A_818 : i32 to index
          %get3A_999 = arith.index_cast %get3A_997 : i32 to index
          %get3A_1000 = arith.constant 0 : index
          %get3A_1001 = tpu.vector_load %arg5[%get3A_998, %get3A_999, %get3A_1000] {strides = array<i32>} : memref<320x18x16xf32, #tpu.memory_space<vmem>>, vector<16xf32>,
          %mul3A_1002 = arith.mulf %select_n3A_847, %get3A_1001 : vector<16xf32>
          %add3A_1003 = arith.addf %add3A_996, %mul3A_1002 : vector<16xf32>
          %get3A_1004 = arith.constant 11 : i32
          %get3A_1005 = arith.index_cast %squeeze3A_812 : i32 to index
          %get3A_1006 = arith.index_cast %get3A_1004 : i32 to index
          %get3A_1007 = arith.constant 0 : index
          %get3A_1008 = tpu.vector_load %arg5[%get3A_1005, %get3A_1006, %get3A_1007] {strides = array<i32>} : memref<320x18x16xf32, #tpu.memory_space<vmem>>, vector<16xf32>,
          %mul3A_1009 = arith.mulf %exp3A_845, %get3A_1008 : vector<16xf32>
          %add3A_1010 = arith.addf %while3A_802, %mul3A_1009 : vector<16xf32>
          %get3A_1011 = arith.constant 11 : i32
          %get3A_1012 = arith.index_cast %select_n3A_818 : i32 to index
          %get3A_1013 = arith.index_cast %get3A_1011 : i32 to index
          %get3A_1014 = arith.constant 0 : index
          %get3A_1015 = tpu.vector_load %arg5[%get3A_1012, %get3A_1013, %get3A_1014] {strides = array<i32>} : memref<320x18x16xf32, #tpu.memory_space<vmem>>, vector<16xf32>,
          %mul3A_1016 = arith.mulf %select_n3A_847, %get3A_1015 : vector<16xf32>
          %add3A_1017 = arith.addf %add3A_1010, %mul3A_1016 : vector<16xf32>
          %get3A_1018 = arith.constant 12 : i32
          %get3A_1019 = arith.index_cast %squeeze3A_812 : i32 to index
          %get3A_1020 = arith.index_cast %get3A_1018 : i32 to index
          %get3A_1021 = arith.constant 0 : index
          %get3A_1022 = tpu.vector_load %arg5[%get3A_1019, %get3A_1020, %get3A_1021] {strides = array<i32>} : memref<320x18x16xf32, #tpu.memory_space<vmem>>, vector<16xf32>,
          %mul3A_1023 = arith.mulf %exp3A_845, %get3A_1022 : vector<16xf32>
          %add3A_1024 = arith.addf %while3A_803, %mul3A_1023 : vector<16xf32>
          %get3A_1025 = arith.constant 12 : i32
          %get3A_1026 = arith.index_cast %select_n3A_818 : i32 to index
          %get3A_1027 = arith.index_cast %get3A_1025 : i32 to index
          %get3A_1028 = arith.constant 0 : index
          %get3A_1029 = tpu.vector_load %arg5[%get3A_1026, %get3A_1027, %get3A_1028] {strides = array<i32>} : memref<320x18x16xf32, #tpu.memory_space<vmem>>, vector<16xf32>,
          %mul3A_1030 = arith.mulf %select_n3A_847, %get3A_1029 : vector<16xf32>
          %add3A_1031 = arith.addf %add3A_1024, %mul3A_1030 : vector<16xf32>
          %get3A_1032 = arith.constant 13 : i32
          %get3A_1033 = arith.index_cast %squeeze3A_812 : i32 to index
          %get3A_1034 = arith.index_cast %get3A_1032 : i32 to index
          %get3A_1035 = arith.constant 0 : index
          %get3A_1036 = tpu.vector_load %arg5[%get3A_1033, %get3A_1034, %get3A_1035] {strides = array<i32>} : memref<320x18x16xf32, #tpu.memory_space<vmem>>, vector<16xf32>,
          %mul3A_1037 = arith.mulf %exp3A_845, %get3A_1036 : vector<16xf32>
          %add3A_1038 = arith.addf %while3A_804, %mul3A_1037 : vector<16xf32>
          %get3A_1039 = arith.constant 13 : i32
          %get3A_1040 = arith.index_cast %select_n3A_818 : i32 to index
          %get3A_1041 = arith.index_cast %get3A_1039 : i32 to index
          %get3A_1042 = arith.constant 0 : index
          %get3A_1043 = tpu.vector_load %arg5[%get3A_1040, %get3A_1041, %get3A_1042] {strides = array<i32>} : memref<320x18x16xf32, #tpu.memory_space<vmem>>, vector<16xf32>,
          %mul3A_1044 = arith.mulf %select_n3A_847, %get3A_1043 : vector<16xf32>
          %add3A_1045 = arith.addf %add3A_1038, %mul3A_1044 : vector<16xf32>
          %get3A_1046 = arith.constant 14 : i32
          %get3A_1047 = arith.index_cast %squeeze3A_812 : i32 to index
          %get3A_1048 = arith.index_cast %get3A_1046 : i32 to index
          %get3A_1049 = arith.constant 0 : index
          %get3A_1050 = tpu.vector_load %arg5[%get3A_1047, %get3A_1048, %get3A_1049] {strides = array<i32>} : memref<320x18x16xf32, #tpu.memory_space<vmem>>, vector<16xf32>,
          %mul3A_1051 = arith.mulf %exp3A_845, %get3A_1050 : vector<16xf32>
          %add3A_1052 = arith.addf %while3A_805, %mul3A_1051 : vector<16xf32>
          %get3A_1053 = arith.constant 14 : i32
          %get3A_1054 = arith.index_cast %select_n3A_818 : i32 to index
          %get3A_1055 = arith.index_cast %get3A_1053 : i32 to index
          %get3A_1056 = arith.constant 0 : index
          %get3A_1057 = tpu.vector_load %arg5[%get3A_1054, %get3A_1055, %get3A_1056] {strides = array<i32>} : memref<320x18x16xf32, #tpu.memory_space<vmem>>, vector<16xf32>,
          %mul3A_1058 = arith.mulf %select_n3A_847, %get3A_1057 : vector<16xf32>
          %add3A_1059 = arith.addf %add3A_1052, %mul3A_1058 : vector<16xf32>
          %get3A_1060 = arith.constant 15 : i32
          %get3A_1061 = arith.index_cast %squeeze3A_812 : i32 to index
          %get3A_1062 = arith.index_cast %get3A_1060 : i32 to index
          %get3A_1063 = arith.constant 0 : index
          %get3A_1064 = tpu.vector_load %arg5[%get3A_1061, %get3A_1062, %get3A_1063] {strides = array<i32>} : memref<320x18x16xf32, #tpu.memory_space<vmem>>, vector<16xf32>,
          %mul3A_1065 = arith.mulf %exp3A_845, %get3A_1064 : vector<16xf32>
          %add3A_1066 = arith.addf %while3A_806, %mul3A_1065 : vector<16xf32>
          %get3A_1067 = arith.constant 15 : i32
          %get3A_1068 = arith.index_cast %select_n3A_818 : i32 to index
          %get3A_1069 = arith.index_cast %get3A_1067 : i32 to index
          %get3A_1070 = arith.constant 0 : index
          %get3A_1071 = tpu.vector_load %arg5[%get3A_1068, %get3A_1069, %get3A_1070] {strides = array<i32>} : memref<320x18x16xf32, #tpu.memory_space<vmem>>, vector<16xf32>,
          %mul3A_1072 = arith.mulf %select_n3A_847, %get3A_1071 : vector<16xf32>
          %add3A_1073 = arith.addf %add3A_1066, %mul3A_1072 : vector<16xf32>
          scf.yield %add3A_849, %add3A_863, %add3A_877, %add3A_891, %add3A_905, %add3A_919, %add3A_933, %add3A_947, %add3A_961, %add3A_975, %add3A_989, %add3A_1003, %add3A_1017, %add3A_1031, %add3A_1045, %add3A_1059, %add3A_1073 : vector<16xf32>, vector<16xf32>, vector<16xf32>, vector<16xf32>, vector<16xf32>, vector<16xf32>, vector<16xf32>, vector<16xf32>, vector<16xf32>, vector<16xf32>, vector<16xf32>, vector<16xf32>, vector<16xf32>, vector<16xf32>, vector<16xf32>, vector<16xf32>, vector<16xf32>
        }
        %while3A_514 = arith.constant 1 : i32
        %while3A_515:17 = scf.for %while3A_789 = %while3A_511 to %while3A_507 step %while3A_514 iter_args(%while3A_790 = %while3A_513#0, %while3A_791 = %while3A_513#1, %while3A_792 = %while3A_513#2, %while3A_793 = %while3A_513#3, %while3A_794 = %while3A_513#4, %while3A_795 = %while3A_513#5, %while3A_796 = %while3A_513#6, %while3A_797 = %while3A_513#7, %while3A_798 = %while3A_513#8, %while3A_799 = %while3A_513#9, %while3A_800 = %while3A_513#10, %while3A_801 = %while3A_513#11, %while3A_802 = %while3A_513#12, %while3A_803 = %while3A_513#13, %while3A_804 = %while3A_513#14, %while3A_805 = %while3A_513#15, %while3A_806 = %while3A_513#16) -> (vector<16xf32>, vector<16xf32>, vector<16xf32>, vector<16xf32>, vector<16xf32>, vector<16xf32>, vector<16xf32>, vector<16xf32>, vector<16xf32>, vector<16xf32>, vector<16xf32>, vector<16xf32>, vector<16xf32>, vector<16xf32>, vector<16xf32>, vector<16xf32>, vector<16xf32>)  : i32 {
          %mul3A_807 = arith.constant 2 : i32
          %mul3A_808 = arith.muli %mul3A_807, %while3A_789 : i32
          %get3A_809 = arith.index_cast %mul3A_808 : i32 to index
          %get3A_810 = tpu.vector_load %arg7[%get3A_809] {strides = array<i32>} : memref<336xi32, #tpu.memory_space<vmem>>, vector<16xi32>,
          %slice3A_811 = vector.extract_strided_slice %get3A_810 {offsets = [0], sizes = [1], strides = [1]} : vector<16xi32> to vector<1xi32>
          %squeeze3A_812 = vector.extract %slice3A_811[0] : i32 from vector<1xi32>
          %add3A_813 = arith.constant 1 : i32
          %add3A_814 = arith.addi %mul3A_808, %add3A_813 : i32
          %lt3A = arith.cmpi slt, %add3A_814, %squeeze3A_336 : i32
          %slice3A_815 = vector.extract_strided_slice %get3A_810 {offsets = [1], sizes = [1], strides = [1]} : vector<16xi32> to vector<1xi32>
          %squeeze3A_816 = vector.extract %slice3A_815[0] : i32 from vector<1xi32>
          %jit3A_817 = arith.constant 0 : i32
          %select_n3A_818 = arith.select %lt3A, %squeeze3A_816, %jit3A_817 : i32
          %get3A_819 = arith.constant 17 : i32
          %get3A_820 = arith.index_cast %squeeze3A_812 : i32 to index
          %get3A_821 = arith.index_cast %get3A_819 : i32 to index
          %get3A_822 = arith.constant 0 : index
          %get3A_823 = tpu.vector_load %arg5[%get3A_820, %get3A_821, %get3A_822] {strides = array<i32>} : memref<320x18x16xf32, #tpu.memory_space<vmem>>, vector<16xf32>,
          %add3A_824 = arith.addf %get3A_478, %get3A_823 : vector<16xf32>
          %get3A_825 = arith.constant 17 : i32
          %get3A_826 = arith.index_cast %select_n3A_818 : i32 to index
          %get3A_827 = arith.index_cast %get3A_825 : i32 to index
          %get3A_828 = arith.constant 0 : index
          %get3A_829 = tpu.vector_load %arg5[%get3A_826, %get3A_827, %get3A_828] {strides = array<i32>} : memref<320x18x16xf32, #tpu.memory_space<vmem>>, vector<16xf32>,
          %add3A_830 = arith.addf %get3A_478, %get3A_829 : vector<16xf32>
          %gt3A_831 = arith.constant 0.000000e+00 : f32
          %gt3A_832 = vector.broadcast %gt3A_831 : f32 to vector<16xf32>
          %gt3A_833 = arith.cmpf ogt, %add3A_824, %gt3A_832 : vector<16xf32>
          %mul3A_834 = arith.constant 2.000000e-01 : f32
          %mul3A_835 = vector.broadcast %mul3A_834 : f32 to vector<16xf32>
          %mul3A_836 = arith.mulf %mul3A_835, %add3A_824 : vector<16xf32>
          %select_n3A_837 = arith.select %gt3A_833, %add3A_824, %mul3A_836 : vector<16xi1>, vector<16xf32>
          %gt3A_838 = arith.constant 0.000000e+00 : f32
          %gt3A_839 = vector.broadcast %gt3A_838 : f32 to vector<16xf32>
          %gt3A_840 = arith.cmpf ogt, %add3A_830, %gt3A_839 : vector<16xf32>
          %mul3A_841 = arith.constant 2.000000e-01 : f32
          %mul3A_842 = vector.broadcast %mul3A_841 : f32 to vector<16xf32>
          %mul3A_843 = arith.mulf %mul3A_842, %add3A_830 : vector<16xf32>
          %select_n3A_844 = arith.select %gt3A_840, %add3A_830, %mul3A_843 : vector<16xi1>, vector<16xf32>
          %exp3A_845 = math.exp %select_n3A_837 : vector<16xf32>
          %exp3A_846 = math.exp %select_n3A_844 : vector<16xf32>
          %select_n3A_847 = arith.select %lt3A, %exp3A_846, %broadcast_in_dim3A_20 : vector<16xf32>
          %add3A_848 = arith.addf %while3A_790, %exp3A_845 : vector<16xf32>
          %add3A_849 = arith.addf %add3A_848, %select_n3A_847 : vector<16xf32>
          %get3A_850 = arith.constant 0 : i32
          %get3A_851 = arith.index_cast %squeeze3A_812 : i32 to index
          %get3A_852 = arith.index_cast %get3A_850 : i32 to index
          %get3A_853 = arith.constant 0 : index
          %get3A_854 = tpu.vector_load %arg5[%get3A_851, %get3A_852, %get3A_853] {strides = array<i32>} : memref<320x18x16xf32, #tpu.memory_space<vmem>>, vector<16xf32>,
          %mul3A_855 = arith.mulf %exp3A_845, %get3A_854 : vector<16xf32>
          %add3A_856 = arith.addf %while3A_791, %mul3A_855 : vector<16xf32>
          %get3A_857 = arith.constant 0 : i32
          %get3A_858 = arith.index_cast %select_n3A_818 : i32 to index
          %get3A_859 = arith.index_cast %get3A_857 : i32 to index
          %get3A_860 = arith.constant 0 : index
          %get3A_861 = tpu.vector_load %arg5[%get3A_858, %get3A_859, %get3A_860] {strides = array<i32>} : memref<320x18x16xf32, #tpu.memory_space<vmem>>, vector<16xf32>,
          %mul3A_862 = arith.mulf %select_n3A_847, %get3A_861 : vector<16xf32>
          %add3A_863 = arith.addf %add3A_856, %mul3A_862 : vector<16xf32>
          %get3A_864 = arith.constant 1 : i32
          %get3A_865 = arith.index_cast %squeeze3A_812 : i32 to index
          %get3A_866 = arith.index_cast %get3A_864 : i32 to index
          %get3A_867 = arith.constant 0 : index
          %get3A_868 = tpu.vector_load %arg5[%get3A_865, %get3A_866, %get3A_867] {strides = array<i32>} : memref<320x18x16xf32, #tpu.memory_space<vmem>>, vector<16xf32>,
          %mul3A_869 = arith.mulf %exp3A_845, %get3A_868 : vector<16xf32>
          %add3A_870 = arith.addf %while3A_792, %mul3A_869 : vector<16xf32>
          %get3A_871 = arith.constant 1 : i32
          %get3A_872 = arith.index_cast %select_n3A_818 : i32 to index
          %get3A_873 = arith.index_cast %get3A_871 : i32 to index
          %get3A_874 = arith.constant 0 : index
          %get3A_875 = tpu.vector_load %arg5[%get3A_872, %get3A_873, %get3A_874] {strides = array<i32>} : memref<320x18x16xf32, #tpu.memory_space<vmem>>, vector<16xf32>,
          %mul3A_876 = arith.mulf %select_n3A_847, %get3A_875 : vector<16xf32>
          %add3A_877 = arith.addf %add3A_870, %mul3A_876 : vector<16xf32>
          %get3A_878 = arith.constant 2 : i32
          %get3A_879 = arith.index_cast %squeeze3A_812 : i32 to index
          %get3A_880 = arith.index_cast %get3A_878 : i32 to index
          %get3A_881 = arith.constant 0 : index
          %get3A_882 = tpu.vector_load %arg5[%get3A_879, %get3A_880, %get3A_881] {strides = array<i32>} : memref<320x18x16xf32, #tpu.memory_space<vmem>>, vector<16xf32>,
          %mul3A_883 = arith.mulf %exp3A_845, %get3A_882 : vector<16xf32>
          %add3A_884 = arith.addf %while3A_793, %mul3A_883 : vector<16xf32>
          %get3A_885 = arith.constant 2 : i32
          %get3A_886 = arith.index_cast %select_n3A_818 : i32 to index
          %get3A_887 = arith.index_cast %get3A_885 : i32 to index
          %get3A_888 = arith.constant 0 : index
          %get3A_889 = tpu.vector_load %arg5[%get3A_886, %get3A_887, %get3A_888] {strides = array<i32>} : memref<320x18x16xf32, #tpu.memory_space<vmem>>, vector<16xf32>,
          %mul3A_890 = arith.mulf %select_n3A_847, %get3A_889 : vector<16xf32>
          %add3A_891 = arith.addf %add3A_884, %mul3A_890 : vector<16xf32>
          %get3A_892 = arith.constant 3 : i32
          %get3A_893 = arith.index_cast %squeeze3A_812 : i32 to index
          %get3A_894 = arith.index_cast %get3A_892 : i32 to index
          %get3A_895 = arith.constant 0 : index
          %get3A_896 = tpu.vector_load %arg5[%get3A_893, %get3A_894, %get3A_895] {strides = array<i32>} : memref<320x18x16xf32, #tpu.memory_space<vmem>>, vector<16xf32>,
          %mul3A_897 = arith.mulf %exp3A_845, %get3A_896 : vector<16xf32>
          %add3A_898 = arith.addf %while3A_794, %mul3A_897 : vector<16xf32>
          %get3A_899 = arith.constant 3 : i32
          %get3A_900 = arith.index_cast %select_n3A_818 : i32 to index
          %get3A_901 = arith.index_cast %get3A_899 : i32 to index
          %get3A_902 = arith.constant 0 : index
          %get3A_903 = tpu.vector_load %arg5[%get3A_900, %get3A_901, %get3A_902] {strides = array<i32>} : memref<320x18x16xf32, #tpu.memory_space<vmem>>, vector<16xf32>,
          %mul3A_904 = arith.mulf %select_n3A_847, %get3A_903 : vector<16xf32>
          %add3A_905 = arith.addf %add3A_898, %mul3A_904 : vector<16xf32>
          %get3A_906 = arith.constant 4 : i32
          %get3A_907 = arith.index_cast %squeeze3A_812 : i32 to index
          %get3A_908 = arith.index_cast %get3A_906 : i32 to index
          %get3A_909 = arith.constant 0 : index
          %get3A_910 = tpu.vector_load %arg5[%get3A_907, %get3A_908, %get3A_909] {strides = array<i32>} : memref<320x18x16xf32, #tpu.memory_space<vmem>>, vector<16xf32>,
          %mul3A_911 = arith.mulf %exp3A_845, %get3A_910 : vector<16xf32>
          %add3A_912 = arith.addf %while3A_795, %mul3A_911 : vector<16xf32>
          %get3A_913 = arith.constant 4 : i32
          %get3A_914 = arith.index_cast %select_n3A_818 : i32 to index
          %get3A_915 = arith.index_cast %get3A_913 : i32 to index
          %get3A_916 = arith.constant 0 : index
          %get3A_917 = tpu.vector_load %arg5[%get3A_914, %get3A_915, %get3A_916] {strides = array<i32>} : memref<320x18x16xf32, #tpu.memory_space<vmem>>, vector<16xf32>,
          %mul3A_918 = arith.mulf %select_n3A_847, %get3A_917 : vector<16xf32>
          %add3A_919 = arith.addf %add3A_912, %mul3A_918 : vector<16xf32>
          %get3A_920 = arith.constant 5 : i32
          %get3A_921 = arith.index_cast %squeeze3A_812 : i32 to index
          %get3A_922 = arith.index_cast %get3A_920 : i32 to index
          %get3A_923 = arith.constant 0 : index
          %get3A_924 = tpu.vector_load %arg5[%get3A_921, %get3A_922, %get3A_923] {strides = array<i32>} : memref<320x18x16xf32, #tpu.memory_space<vmem>>, vector<16xf32>,
          %mul3A_925 = arith.mulf %exp3A_845, %get3A_924 : vector<16xf32>
          %add3A_926 = arith.addf %while3A_796, %mul3A_925 : vector<16xf32>
          %get3A_927 = arith.constant 5 : i32
          %get3A_928 = arith.index_cast %select_n3A_818 : i32 to index
          %get3A_929 = arith.index_cast %get3A_927 : i32 to index
          %get3A_930 = arith.constant 0 : index
          %get3A_931 = tpu.vector_load %arg5[%get3A_928, %get3A_929, %get3A_930] {strides = array<i32>} : memref<320x18x16xf32, #tpu.memory_space<vmem>>, vector<16xf32>,
          %mul3A_932 = arith.mulf %select_n3A_847, %get3A_931 : vector<16xf32>
          %add3A_933 = arith.addf %add3A_926, %mul3A_932 : vector<16xf32>
          %get3A_934 = arith.constant 6 : i32
          %get3A_935 = arith.index_cast %squeeze3A_812 : i32 to index
          %get3A_936 = arith.index_cast %get3A_934 : i32 to index
          %get3A_937 = arith.constant 0 : index
          %get3A_938 = tpu.vector_load %arg5[%get3A_935, %get3A_936, %get3A_937] {strides = array<i32>} : memref<320x18x16xf32, #tpu.memory_space<vmem>>, vector<16xf32>,
          %mul3A_939 = arith.mulf %exp3A_845, %get3A_938 : vector<16xf32>
          %add3A_940 = arith.addf %while3A_797, %mul3A_939 : vector<16xf32>
          %get3A_941 = arith.constant 6 : i32
          %get3A_942 = arith.index_cast %select_n3A_818 : i32 to index
          %get3A_943 = arith.index_cast %get3A_941 : i32 to index
          %get3A_944 = arith.constant 0 : index
          %get3A_945 = tpu.vector_load %arg5[%get3A_942, %get3A_943, %get3A_944] {strides = array<i32>} : memref<320x18x16xf32, #tpu.memory_space<vmem>>, vector<16xf32>,
          %mul3A_946 = arith.mulf %select_n3A_847, %get3A_945 : vector<16xf32>
          %add3A_947 = arith.addf %add3A_940, %mul3A_946 : vector<16xf32>
          %get3A_948 = arith.constant 7 : i32
          %get3A_949 = arith.index_cast %squeeze3A_812 : i32 to index
          %get3A_950 = arith.index_cast %get3A_948 : i32 to index
          %get3A_951 = arith.constant 0 : index
          %get3A_952 = tpu.vector_load %arg5[%get3A_949, %get3A_950, %get3A_951] {strides = array<i32>} : memref<320x18x16xf32, #tpu.memory_space<vmem>>, vector<16xf32>,
          %mul3A_953 = arith.mulf %exp3A_845, %get3A_952 : vector<16xf32>
          %add3A_954 = arith.addf %while3A_798, %mul3A_953 : vector<16xf32>
          %get3A_955 = arith.constant 7 : i32
          %get3A_956 = arith.index_cast %select_n3A_818 : i32 to index
          %get3A_957 = arith.index_cast %get3A_955 : i32 to index
          %get3A_958 = arith.constant 0 : index
          %get3A_959 = tpu.vector_load %arg5[%get3A_956, %get3A_957, %get3A_958] {strides = array<i32>} : memref<320x18x16xf32, #tpu.memory_space<vmem>>, vector<16xf32>,
          %mul3A_960 = arith.mulf %select_n3A_847, %get3A_959 : vector<16xf32>
          %add3A_961 = arith.addf %add3A_954, %mul3A_960 : vector<16xf32>
          %get3A_962 = arith.constant 8 : i32
          %get3A_963 = arith.index_cast %squeeze3A_812 : i32 to index
          %get3A_964 = arith.index_cast %get3A_962 : i32 to index
          %get3A_965 = arith.constant 0 : index
          %get3A_966 = tpu.vector_load %arg5[%get3A_963, %get3A_964, %get3A_965] {strides = array<i32>} : memref<320x18x16xf32, #tpu.memory_space<vmem>>, vector<16xf32>,
          %mul3A_967 = arith.mulf %exp3A_845, %get3A_966 : vector<16xf32>
          %add3A_968 = arith.addf %while3A_799, %mul3A_967 : vector<16xf32>
          %get3A_969 = arith.constant 8 : i32
          %get3A_970 = arith.index_cast %select_n3A_818 : i32 to index
          %get3A_971 = arith.index_cast %get3A_969 : i32 to index
          %get3A_972 = arith.constant 0 : index
          %get3A_973 = tpu.vector_load %arg5[%get3A_970, %get3A_971, %get3A_972] {strides = array<i32>} : memref<320x18x16xf32, #tpu.memory_space<vmem>>, vector<16xf32>,
          %mul3A_974 = arith.mulf %select_n3A_847, %get3A_973 : vector<16xf32>
          %add3A_975 = arith.addf %add3A_968, %mul3A_974 : vector<16xf32>
          %get3A_976 = arith.constant 9 : i32
          %get3A_977 = arith.index_cast %squeeze3A_812 : i32 to index
          %get3A_978 = arith.index_cast %get3A_976 : i32 to index
          %get3A_979 = arith.constant 0 : index
          %get3A_980 = tpu.vector_load %arg5[%get3A_977, %get3A_978, %get3A_979] {strides = array<i32>} : memref<320x18x16xf32, #tpu.memory_space<vmem>>, vector<16xf32>,
          %mul3A_981 = arith.mulf %exp3A_845, %get3A_980 : vector<16xf32>
          %add3A_982 = arith.addf %while3A_800, %mul3A_981 : vector<16xf32>
          %get3A_983 = arith.constant 9 : i32
          %get3A_984 = arith.index_cast %select_n3A_818 : i32 to index
          %get3A_985 = arith.index_cast %get3A_983 : i32 to index
          %get3A_986 = arith.constant 0 : index
          %get3A_987 = tpu.vector_load %arg5[%get3A_984, %get3A_985, %get3A_986] {strides = array<i32>} : memref<320x18x16xf32, #tpu.memory_space<vmem>>, vector<16xf32>,
          %mul3A_988 = arith.mulf %select_n3A_847, %get3A_987 : vector<16xf32>
          %add3A_989 = arith.addf %add3A_982, %mul3A_988 : vector<16xf32>
          %get3A_990 = arith.constant 10 : i32
          %get3A_991 = arith.index_cast %squeeze3A_812 : i32 to index
          %get3A_992 = arith.index_cast %get3A_990 : i32 to index
          %get3A_993 = arith.constant 0 : index
          %get3A_994 = tpu.vector_load %arg5[%get3A_991, %get3A_992, %get3A_993] {strides = array<i32>} : memref<320x18x16xf32, #tpu.memory_space<vmem>>, vector<16xf32>,
          %mul3A_995 = arith.mulf %exp3A_845, %get3A_994 : vector<16xf32>
          %add3A_996 = arith.addf %while3A_801, %mul3A_995 : vector<16xf32>
          %get3A_997 = arith.constant 10 : i32
          %get3A_998 = arith.index_cast %select_n3A_818 : i32 to index
          %get3A_999 = arith.index_cast %get3A_997 : i32 to index
          %get3A_1000 = arith.constant 0 : index
          %get3A_1001 = tpu.vector_load %arg5[%get3A_998, %get3A_999, %get3A_1000] {strides = array<i32>} : memref<320x18x16xf32, #tpu.memory_space<vmem>>, vector<16xf32>,
          %mul3A_1002 = arith.mulf %select_n3A_847, %get3A_1001 : vector<16xf32>
          %add3A_1003 = arith.addf %add3A_996, %mul3A_1002 : vector<16xf32>
          %get3A_1004 = arith.constant 11 : i32
          %get3A_1005 = arith.index_cast %squeeze3A_812 : i32 to index
          %get3A_1006 = arith.index_cast %get3A_1004 : i32 to index
          %get3A_1007 = arith.constant 0 : index
          %get3A_1008 = tpu.vector_load %arg5[%get3A_1005, %get3A_1006, %get3A_1007] {strides = array<i32>} : memref<320x18x16xf32, #tpu.memory_space<vmem>>, vector<16xf32>,
          %mul3A_1009 = arith.mulf %exp3A_845, %get3A_1008 : vector<16xf32>
          %add3A_1010 = arith.addf %while3A_802, %mul3A_1009 : vector<16xf32>
          %get3A_1011 = arith.constant 11 : i32
          %get3A_1012 = arith.index_cast %select_n3A_818 : i32 to index
          %get3A_1013 = arith.index_cast %get3A_1011 : i32 to index
          %get3A_1014 = arith.constant 0 : index
          %get3A_1015 = tpu.vector_load %arg5[%get3A_1012, %get3A_1013, %get3A_1014] {strides = array<i32>} : memref<320x18x16xf32, #tpu.memory_space<vmem>>, vector<16xf32>,
          %mul3A_1016 = arith.mulf %select_n3A_847, %get3A_1015 : vector<16xf32>
          %add3A_1017 = arith.addf %add3A_1010, %mul3A_1016 : vector<16xf32>
          %get3A_1018 = arith.constant 12 : i32
          %get3A_1019 = arith.index_cast %squeeze3A_812 : i32 to index
          %get3A_1020 = arith.index_cast %get3A_1018 : i32 to index
          %get3A_1021 = arith.constant 0 : index
          %get3A_1022 = tpu.vector_load %arg5[%get3A_1019, %get3A_1020, %get3A_1021] {strides = array<i32>} : memref<320x18x16xf32, #tpu.memory_space<vmem>>, vector<16xf32>,
          %mul3A_1023 = arith.mulf %exp3A_845, %get3A_1022 : vector<16xf32>
          %add3A_1024 = arith.addf %while3A_803, %mul3A_1023 : vector<16xf32>
          %get3A_1025 = arith.constant 12 : i32
          %get3A_1026 = arith.index_cast %select_n3A_818 : i32 to index
          %get3A_1027 = arith.index_cast %get3A_1025 : i32 to index
          %get3A_1028 = arith.constant 0 : index
          %get3A_1029 = tpu.vector_load %arg5[%get3A_1026, %get3A_1027, %get3A_1028] {strides = array<i32>} : memref<320x18x16xf32, #tpu.memory_space<vmem>>, vector<16xf32>,
          %mul3A_1030 = arith.mulf %select_n3A_847, %get3A_1029 : vector<16xf32>
          %add3A_1031 = arith.addf %add3A_1024, %mul3A_1030 : vector<16xf32>
          %get3A_1032 = arith.constant 13 : i32
          %get3A_1033 = arith.index_cast %squeeze3A_812 : i32 to index
          %get3A_1034 = arith.index_cast %get3A_1032 : i32 to index
          %get3A_1035 = arith.constant 0 : index
          %get3A_1036 = tpu.vector_load %arg5[%get3A_1033, %get3A_1034, %get3A_1035] {strides = array<i32>} : memref<320x18x16xf32, #tpu.memory_space<vmem>>, vector<16xf32>,
          %mul3A_1037 = arith.mulf %exp3A_845, %get3A_1036 : vector<16xf32>
          %add3A_1038 = arith.addf %while3A_804, %mul3A_1037 : vector<16xf32>
          %get3A_1039 = arith.constant 13 : i32
          %get3A_1040 = arith.index_cast %select_n3A_818 : i32 to index
          %get3A_1041 = arith.index_cast %get3A_1039 : i32 to index
          %get3A_1042 = arith.constant 0 : index
          %get3A_1043 = tpu.vector_load %arg5[%get3A_1040, %get3A_1041, %get3A_1042] {strides = array<i32>} : memref<320x18x16xf32, #tpu.memory_space<vmem>>, vector<16xf32>,
          %mul3A_1044 = arith.mulf %select_n3A_847, %get3A_1043 : vector<16xf32>
          %add3A_1045 = arith.addf %add3A_1038, %mul3A_1044 : vector<16xf32>
          %get3A_1046 = arith.constant 14 : i32
          %get3A_1047 = arith.index_cast %squeeze3A_812 : i32 to index
          %get3A_1048 = arith.index_cast %get3A_1046 : i32 to index
          %get3A_1049 = arith.constant 0 : index
          %get3A_1050 = tpu.vector_load %arg5[%get3A_1047, %get3A_1048, %get3A_1049] {strides = array<i32>} : memref<320x18x16xf32, #tpu.memory_space<vmem>>, vector<16xf32>,
          %mul3A_1051 = arith.mulf %exp3A_845, %get3A_1050 : vector<16xf32>
          %add3A_1052 = arith.addf %while3A_805, %mul3A_1051 : vector<16xf32>
          %get3A_1053 = arith.constant 14 : i32
          %get3A_1054 = arith.index_cast %select_n3A_818 : i32 to index
          %get3A_1055 = arith.index_cast %get3A_1053 : i32 to index
          %get3A_1056 = arith.constant 0 : index
          %get3A_1057 = tpu.vector_load %arg5[%get3A_1054, %get3A_1055, %get3A_1056] {strides = array<i32>} : memref<320x18x16xf32, #tpu.memory_space<vmem>>, vector<16xf32>,
          %mul3A_1058 = arith.mulf %select_n3A_847, %get3A_1057 : vector<16xf32>
          %add3A_1059 = arith.addf %add3A_1052, %mul3A_1058 : vector<16xf32>
          %get3A_1060 = arith.constant 15 : i32
          %get3A_1061 = arith.index_cast %squeeze3A_812 : i32 to index
          %get3A_1062 = arith.index_cast %get3A_1060 : i32 to index
          %get3A_1063 = arith.constant 0 : index
          %get3A_1064 = tpu.vector_load %arg5[%get3A_1061, %get3A_1062, %get3A_1063] {strides = array<i32>} : memref<320x18x16xf32, #tpu.memory_space<vmem>>, vector<16xf32>,
          %mul3A_1065 = arith.mulf %exp3A_845, %get3A_1064 : vector<16xf32>
          %add3A_1066 = arith.addf %while3A_806, %mul3A_1065 : vector<16xf32>
          %get3A_1067 = arith.constant 15 : i32
          %get3A_1068 = arith.index_cast %select_n3A_818 : i32 to index
          %get3A_1069 = arith.index_cast %get3A_1067 : i32 to index
          %get3A_1070 = arith.constant 0 : index
          %get3A_1071 = tpu.vector_load %arg5[%get3A_1068, %get3A_1069, %get3A_1070] {strides = array<i32>} : memref<320x18x16xf32, #tpu.memory_space<vmem>>, vector<16xf32>,
          %mul3A_1072 = arith.mulf %select_n3A_847, %get3A_1071 : vector<16xf32>
          %add3A_1073 = arith.addf %add3A_1066, %mul3A_1072 : vector<16xf32>
          scf.yield %add3A_849, %add3A_863, %add3A_877, %add3A_891, %add3A_905, %add3A_919, %add3A_933, %add3A_947, %add3A_961, %add3A_975, %add3A_989, %add3A_1003, %add3A_1017, %add3A_1031, %add3A_1045, %add3A_1059, %add3A_1073 : vector<16xf32>, vector<16xf32>, vector<16xf32>, vector<16xf32>, vector<16xf32>, vector<16xf32>, vector<16xf32>, vector<16xf32>, vector<16xf32>, vector<16xf32>, vector<16xf32>, vector<16xf32>, vector<16xf32>, vector<16xf32>, vector<16xf32>, vector<16xf32>, vector<16xf32>
        }
        %div3A_516 = arith.constant 1.000000e+00 : f32
        %div3A_517 = vector.broadcast %div3A_516 : f32 to vector<16xf32>
        %div3A_518 = arith.divf %div3A_517, %while3A_515#0 : vector<16xf32>
        %mul3A_519 = arith.mulf %while3A_515#1, %div3A_518 : vector<16xf32>
        %gt3A_520 = arith.constant 0.000000e+00 : f32
        %gt3A_521 = vector.broadcast %gt3A_520 : f32 to vector<16xf32>
        %gt3A_522 = arith.cmpf ogt, %mul3A_519, %gt3A_521 : vector<16xf32>
        %min3A = arith.constant 0.000000e+00 : f32
        %min3A_523 = vector.broadcast %min3A : f32 to vector<16xf32>
        %min3A_524 = arith.minimumf %mul3A_519, %min3A_523 : vector<16xf32>
        %exp3A = math.exp %min3A_524 : vector<16xf32>
        %sub3A_525 = arith.constant 1.000000e+00 : f32
        %sub3A_526 = vector.broadcast %sub3A_525 : f32 to vector<16xf32>
        %sub3A_527 = arith.subf %exp3A, %sub3A_526 : vector<16xf32>
        %select_n3A_528 = arith.select %gt3A_522, %mul3A_519, %sub3A_527 : vector<16xi1>, vector<16xf32>
        %swap3A_529 = arith.constant 0 : i32
        %swap3A_530 = arith.index_cast %scan3A_44 : i32 to index
        %swap3A_531 = arith.index_cast %swap3A_529 : i32 to index
        %swap3A_532 = arith.constant 0 : index
        %swap3A_533 = tpu.vector_load %arg8[%swap3A_530, %swap3A_531, %swap3A_532] {strides = array<i32>} : memref<16x16x16xf32, #tpu.memory_space<vmem>>, vector<16xf32>,
        tpu.vector_store %arg8[%swap3A_530, %swap3A_531, %swap3A_532], %select_n3A_528 {strides = array<i32>} : memref<16x16x16xf32, #tpu.memory_space<vmem>>, vector<16xf32>,
        %mul3A_534 = arith.mulf %while3A_515#2, %div3A_518 : vector<16xf32>
        %gt3A_535 = arith.constant 0.000000e+00 : f32
        %gt3A_536 = vector.broadcast %gt3A_535 : f32 to vector<16xf32>
        %gt3A_537 = arith.cmpf ogt, %mul3A_534, %gt3A_536 : vector<16xf32>
        %min3A_538 = arith.constant 0.000000e+00 : f32
        %min3A_539 = vector.broadcast %min3A_538 : f32 to vector<16xf32>
        %min3A_540 = arith.minimumf %mul3A_534, %min3A_539 : vector<16xf32>
        %exp3A_541 = math.exp %min3A_540 : vector<16xf32>
        %sub3A_542 = arith.constant 1.000000e+00 : f32
        %sub3A_543 = vector.broadcast %sub3A_542 : f32 to vector<16xf32>
        %sub3A_544 = arith.subf %exp3A_541, %sub3A_543 : vector<16xf32>
        %select_n3A_545 = arith.select %gt3A_537, %mul3A_534, %sub3A_544 : vector<16xi1>, vector<16xf32>
        %swap3A_546 = arith.constant 1 : i32
        %swap3A_547 = arith.index_cast %scan3A_44 : i32 to index
        %swap3A_548 = arith.index_cast %swap3A_546 : i32 to index
        %swap3A_549 = arith.constant 0 : index
        %swap3A_550 = tpu.vector_load %arg8[%swap3A_547, %swap3A_548, %swap3A_549] {strides = array<i32>} : memref<16x16x16xf32, #tpu.memory_space<vmem>>, vector<16xf32>,
        tpu.vector_store %arg8[%swap3A_547, %swap3A_548, %swap3A_549], %select_n3A_545 {strides = array<i32>} : memref<16x16x16xf32, #tpu.memory_space<vmem>>, vector<16xf32>,
        %mul3A_551 = arith.mulf %while3A_515#3, %div3A_518 : vector<16xf32>
        %gt3A_552 = arith.constant 0.000000e+00 : f32
        %gt3A_553 = vector.broadcast %gt3A_552 : f32 to vector<16xf32>
        %gt3A_554 = arith.cmpf ogt, %mul3A_551, %gt3A_553 : vector<16xf32>
        %min3A_555 = arith.constant 0.000000e+00 : f32
        %min3A_556 = vector.broadcast %min3A_555 : f32 to vector<16xf32>
        %min3A_557 = arith.minimumf %mul3A_551, %min3A_556 : vector<16xf32>
        %exp3A_558 = math.exp %min3A_557 : vector<16xf32>
        %sub3A_559 = arith.constant 1.000000e+00 : f32
        %sub3A_560 = vector.broadcast %sub3A_559 : f32 to vector<16xf32>
        %sub3A_561 = arith.subf %exp3A_558, %sub3A_560 : vector<16xf32>
        %select_n3A_562 = arith.select %gt3A_554, %mul3A_551, %sub3A_561 : vector<16xi1>, vector<16xf32>
        %swap3A_563 = arith.constant 2 : i32
        %swap3A_564 = arith.index_cast %scan3A_44 : i32 to index
        %swap3A_565 = arith.index_cast %swap3A_563 : i32 to index
        %swap3A_566 = arith.constant 0 : index
        %swap3A_567 = tpu.vector_load %arg8[%swap3A_564, %swap3A_565, %swap3A_566] {strides = array<i32>} : memref<16x16x16xf32, #tpu.memory_space<vmem>>, vector<16xf32>,
        tpu.vector_store %arg8[%swap3A_564, %swap3A_565, %swap3A_566], %select_n3A_562 {strides = array<i32>} : memref<16x16x16xf32, #tpu.memory_space<vmem>>, vector<16xf32>,
        %mul3A_568 = arith.mulf %while3A_515#4, %div3A_518 : vector<16xf32>
        %gt3A_569 = arith.constant 0.000000e+00 : f32
        %gt3A_570 = vector.broadcast %gt3A_569 : f32 to vector<16xf32>
        %gt3A_571 = arith.cmpf ogt, %mul3A_568, %gt3A_570 : vector<16xf32>
        %min3A_572 = arith.constant 0.000000e+00 : f32
        %min3A_573 = vector.broadcast %min3A_572 : f32 to vector<16xf32>
        %min3A_574 = arith.minimumf %mul3A_568, %min3A_573 : vector<16xf32>
        %exp3A_575 = math.exp %min3A_574 : vector<16xf32>
        %sub3A_576 = arith.constant 1.000000e+00 : f32
        %sub3A_577 = vector.broadcast %sub3A_576 : f32 to vector<16xf32>
        %sub3A_578 = arith.subf %exp3A_575, %sub3A_577 : vector<16xf32>
        %select_n3A_579 = arith.select %gt3A_571, %mul3A_568, %sub3A_578 : vector<16xi1>, vector<16xf32>
        %swap3A_580 = arith.constant 3 : i32
        %swap3A_581 = arith.index_cast %scan3A_44 : i32 to index
        %swap3A_582 = arith.index_cast %swap3A_580 : i32 to index
        %swap3A_583 = arith.constant 0 : index
        %swap3A_584 = tpu.vector_load %arg8[%swap3A_581, %swap3A_582, %swap3A_583] {strides = array<i32>} : memref<16x16x16xf32, #tpu.memory_space<vmem>>, vector<16xf32>,
        tpu.vector_store %arg8[%swap3A_581, %swap3A_582, %swap3A_583], %select_n3A_579 {strides = array<i32>} : memref<16x16x16xf32, #tpu.memory_space<vmem>>, vector<16xf32>,
        %mul3A_585 = arith.mulf %while3A_515#5, %div3A_518 : vector<16xf32>
        %gt3A_586 = arith.constant 0.000000e+00 : f32
        %gt3A_587 = vector.broadcast %gt3A_586 : f32 to vector<16xf32>
        %gt3A_588 = arith.cmpf ogt, %mul3A_585, %gt3A_587 : vector<16xf32>
        %min3A_589 = arith.constant 0.000000e+00 : f32
        %min3A_590 = vector.broadcast %min3A_589 : f32 to vector<16xf32>
        %min3A_591 = arith.minimumf %mul3A_585, %min3A_590 : vector<16xf32>
        %exp3A_592 = math.exp %min3A_591 : vector<16xf32>
        %sub3A_593 = arith.constant 1.000000e+00 : f32
        %sub3A_594 = vector.broadcast %sub3A_593 : f32 to vector<16xf32>
        %sub3A_595 = arith.subf %exp3A_592, %sub3A_594 : vector<16xf32>
        %select_n3A_596 = arith.select %gt3A_588, %mul3A_585, %sub3A_595 : vector<16xi1>, vector<16xf32>
        %swap3A_597 = arith.constant 4 : i32
        %swap3A_598 = arith.index_cast %scan3A_44 : i32 to index
        %swap3A_599 = arith.index_cast %swap3A_597 : i32 to index
        %swap3A_600 = arith.constant 0 : index
        %swap3A_601 = tpu.vector_load %arg8[%swap3A_598, %swap3A_599, %swap3A_600] {strides = array<i32>} : memref<16x16x16xf32, #tpu.memory_space<vmem>>, vector<16xf32>,
        tpu.vector_store %arg8[%swap3A_598, %swap3A_599, %swap3A_600], %select_n3A_596 {strides = array<i32>} : memref<16x16x16xf32, #tpu.memory_space<vmem>>, vector<16xf32>,
        %mul3A_602 = arith.mulf %while3A_515#6, %div3A_518 : vector<16xf32>
        %gt3A_603 = arith.constant 0.000000e+00 : f32
        %gt3A_604 = vector.broadcast %gt3A_603 : f32 to vector<16xf32>
        %gt3A_605 = arith.cmpf ogt, %mul3A_602, %gt3A_604 : vector<16xf32>
        %min3A_606 = arith.constant 0.000000e+00 : f32
        %min3A_607 = vector.broadcast %min3A_606 : f32 to vector<16xf32>
        %min3A_608 = arith.minimumf %mul3A_602, %min3A_607 : vector<16xf32>
        %exp3A_609 = math.exp %min3A_608 : vector<16xf32>
        %sub3A_610 = arith.constant 1.000000e+00 : f32
        %sub3A_611 = vector.broadcast %sub3A_610 : f32 to vector<16xf32>
        %sub3A_612 = arith.subf %exp3A_609, %sub3A_611 : vector<16xf32>
        %select_n3A_613 = arith.select %gt3A_605, %mul3A_602, %sub3A_612 : vector<16xi1>, vector<16xf32>
        %swap3A_614 = arith.constant 5 : i32
        %swap3A_615 = arith.index_cast %scan3A_44 : i32 to index
        %swap3A_616 = arith.index_cast %swap3A_614 : i32 to index
        %swap3A_617 = arith.constant 0 : index
        %swap3A_618 = tpu.vector_load %arg8[%swap3A_615, %swap3A_616, %swap3A_617] {strides = array<i32>} : memref<16x16x16xf32, #tpu.memory_space<vmem>>, vector<16xf32>,
        tpu.vector_store %arg8[%swap3A_615, %swap3A_616, %swap3A_617], %select_n3A_613 {strides = array<i32>} : memref<16x16x16xf32, #tpu.memory_space<vmem>>, vector<16xf32>,
        %mul3A_619 = arith.mulf %while3A_515#7, %div3A_518 : vector<16xf32>
        %gt3A_620 = arith.constant 0.000000e+00 : f32
        %gt3A_621 = vector.broadcast %gt3A_620 : f32 to vector<16xf32>
        %gt3A_622 = arith.cmpf ogt, %mul3A_619, %gt3A_621 : vector<16xf32>
        %min3A_623 = arith.constant 0.000000e+00 : f32
        %min3A_624 = vector.broadcast %min3A_623 : f32 to vector<16xf32>
        %min3A_625 = arith.minimumf %mul3A_619, %min3A_624 : vector<16xf32>
        %exp3A_626 = math.exp %min3A_625 : vector<16xf32>
        %sub3A_627 = arith.constant 1.000000e+00 : f32
        %sub3A_628 = vector.broadcast %sub3A_627 : f32 to vector<16xf32>
        %sub3A_629 = arith.subf %exp3A_626, %sub3A_628 : vector<16xf32>
        %select_n3A_630 = arith.select %gt3A_622, %mul3A_619, %sub3A_629 : vector<16xi1>, vector<16xf32>
        %swap3A_631 = arith.constant 6 : i32
        %swap3A_632 = arith.index_cast %scan3A_44 : i32 to index
        %swap3A_633 = arith.index_cast %swap3A_631 : i32 to index
        %swap3A_634 = arith.constant 0 : index
        %swap3A_635 = tpu.vector_load %arg8[%swap3A_632, %swap3A_633, %swap3A_634] {strides = array<i32>} : memref<16x16x16xf32, #tpu.memory_space<vmem>>, vector<16xf32>,
        tpu.vector_store %arg8[%swap3A_632, %swap3A_633, %swap3A_634], %select_n3A_630 {strides = array<i32>} : memref<16x16x16xf32, #tpu.memory_space<vmem>>, vector<16xf32>,
        %mul3A_636 = arith.mulf %while3A_515#8, %div3A_518 : vector<16xf32>
        %gt3A_637 = arith.constant 0.000000e+00 : f32
        %gt3A_638 = vector.broadcast %gt3A_637 : f32 to vector<16xf32>
        %gt3A_639 = arith.cmpf ogt, %mul3A_636, %gt3A_638 : vector<16xf32>
        %min3A_640 = arith.constant 0.000000e+00 : f32
        %min3A_641 = vector.broadcast %min3A_640 : f32 to vector<16xf32>
        %min3A_642 = arith.minimumf %mul3A_636, %min3A_641 : vector<16xf32>
        %exp3A_643 = math.exp %min3A_642 : vector<16xf32>
        %sub3A_644 = arith.constant 1.000000e+00 : f32
        %sub3A_645 = vector.broadcast %sub3A_644 : f32 to vector<16xf32>
        %sub3A_646 = arith.subf %exp3A_643, %sub3A_645 : vector<16xf32>
        %select_n3A_647 = arith.select %gt3A_639, %mul3A_636, %sub3A_646 : vector<16xi1>, vector<16xf32>
        %swap3A_648 = arith.constant 7 : i32
        %swap3A_649 = arith.index_cast %scan3A_44 : i32 to index
        %swap3A_650 = arith.index_cast %swap3A_648 : i32 to index
        %swap3A_651 = arith.constant 0 : index
        %swap3A_652 = tpu.vector_load %arg8[%swap3A_649, %swap3A_650, %swap3A_651] {strides = array<i32>} : memref<16x16x16xf32, #tpu.memory_space<vmem>>, vector<16xf32>,
        tpu.vector_store %arg8[%swap3A_649, %swap3A_650, %swap3A_651], %select_n3A_647 {strides = array<i32>} : memref<16x16x16xf32, #tpu.memory_space<vmem>>, vector<16xf32>,
        %mul3A_653 = arith.mulf %while3A_515#9, %div3A_518 : vector<16xf32>
        %gt3A_654 = arith.constant 0.000000e+00 : f32
        %gt3A_655 = vector.broadcast %gt3A_654 : f32 to vector<16xf32>
        %gt3A_656 = arith.cmpf ogt, %mul3A_653, %gt3A_655 : vector<16xf32>
        %min3A_657 = arith.constant 0.000000e+00 : f32
        %min3A_658 = vector.broadcast %min3A_657 : f32 to vector<16xf32>
        %min3A_659 = arith.minimumf %mul3A_653, %min3A_658 : vector<16xf32>
        %exp3A_660 = math.exp %min3A_659 : vector<16xf32>
        %sub3A_661 = arith.constant 1.000000e+00 : f32
        %sub3A_662 = vector.broadcast %sub3A_661 : f32 to vector<16xf32>
        %sub3A_663 = arith.subf %exp3A_660, %sub3A_662 : vector<16xf32>
        %select_n3A_664 = arith.select %gt3A_656, %mul3A_653, %sub3A_663 : vector<16xi1>, vector<16xf32>
        %swap3A_665 = arith.constant 8 : i32
        %swap3A_666 = arith.index_cast %scan3A_44 : i32 to index
        %swap3A_667 = arith.index_cast %swap3A_665 : i32 to index
        %swap3A_668 = arith.constant 0 : index
        %swap3A_669 = tpu.vector_load %arg8[%swap3A_666, %swap3A_667, %swap3A_668] {strides = array<i32>} : memref<16x16x16xf32, #tpu.memory_space<vmem>>, vector<16xf32>,
        tpu.vector_store %arg8[%swap3A_666, %swap3A_667, %swap3A_668], %select_n3A_664 {strides = array<i32>} : memref<16x16x16xf32, #tpu.memory_space<vmem>>, vector<16xf32>,
        %mul3A_670 = arith.mulf %while3A_515#10, %div3A_518 : vector<16xf32>
        %gt3A_671 = arith.constant 0.000000e+00 : f32
        %gt3A_672 = vector.broadcast %gt3A_671 : f32 to vector<16xf32>
        %gt3A_673 = arith.cmpf ogt, %mul3A_670, %gt3A_672 : vector<16xf32>
        %min3A_674 = arith.constant 0.000000e+00 : f32
        %min3A_675 = vector.broadcast %min3A_674 : f32 to vector<16xf32>
        %min3A_676 = arith.minimumf %mul3A_670, %min3A_675 : vector<16xf32>
        %exp3A_677 = math.exp %min3A_676 : vector<16xf32>
        %sub3A_678 = arith.constant 1.000000e+00 : f32
        %sub3A_679 = vector.broadcast %sub3A_678 : f32 to vector<16xf32>
        %sub3A_680 = arith.subf %exp3A_677, %sub3A_679 : vector<16xf32>
        %select_n3A_681 = arith.select %gt3A_673, %mul3A_670, %sub3A_680 : vector<16xi1>, vector<16xf32>
        %swap3A_682 = arith.constant 9 : i32
        %swap3A_683 = arith.index_cast %scan3A_44 : i32 to index
        %swap3A_684 = arith.index_cast %swap3A_682 : i32 to index
        %swap3A_685 = arith.constant 0 : index
        %swap3A_686 = tpu.vector_load %arg8[%swap3A_683, %swap3A_684, %swap3A_685] {strides = array<i32>} : memref<16x16x16xf32, #tpu.memory_space<vmem>>, vector<16xf32>,
        tpu.vector_store %arg8[%swap3A_683, %swap3A_684, %swap3A_685], %select_n3A_681 {strides = array<i32>} : memref<16x16x16xf32, #tpu.memory_space<vmem>>, vector<16xf32>,
        %mul3A_687 = arith.mulf %while3A_515#11, %div3A_518 : vector<16xf32>
        %gt3A_688 = arith.constant 0.000000e+00 : f32
        %gt3A_689 = vector.broadcast %gt3A_688 : f32 to vector<16xf32>
        %gt3A_690 = arith.cmpf ogt, %mul3A_687, %gt3A_689 : vector<16xf32>
        %min3A_691 = arith.constant 0.000000e+00 : f32
        %min3A_692 = vector.broadcast %min3A_691 : f32 to vector<16xf32>
        %min3A_693 = arith.minimumf %mul3A_687, %min3A_692 : vector<16xf32>
        %exp3A_694 = math.exp %min3A_693 : vector<16xf32>
        %sub3A_695 = arith.constant 1.000000e+00 : f32
        %sub3A_696 = vector.broadcast %sub3A_695 : f32 to vector<16xf32>
        %sub3A_697 = arith.subf %exp3A_694, %sub3A_696 : vector<16xf32>
        %select_n3A_698 = arith.select %gt3A_690, %mul3A_687, %sub3A_697 : vector<16xi1>, vector<16xf32>
        %swap3A_699 = arith.constant 10 : i32
        %swap3A_700 = arith.index_cast %scan3A_44 : i32 to index
        %swap3A_701 = arith.index_cast %swap3A_699 : i32 to index
        %swap3A_702 = arith.constant 0 : index
        %swap3A_703 = tpu.vector_load %arg8[%swap3A_700, %swap3A_701, %swap3A_702] {strides = array<i32>} : memref<16x16x16xf32, #tpu.memory_space<vmem>>, vector<16xf32>,
        tpu.vector_store %arg8[%swap3A_700, %swap3A_701, %swap3A_702], %select_n3A_698 {strides = array<i32>} : memref<16x16x16xf32, #tpu.memory_space<vmem>>, vector<16xf32>,
        %mul3A_704 = arith.mulf %while3A_515#12, %div3A_518 : vector<16xf32>
        %gt3A_705 = arith.constant 0.000000e+00 : f32
        %gt3A_706 = vector.broadcast %gt3A_705 : f32 to vector<16xf32>
        %gt3A_707 = arith.cmpf ogt, %mul3A_704, %gt3A_706 : vector<16xf32>
        %min3A_708 = arith.constant 0.000000e+00 : f32
        %min3A_709 = vector.broadcast %min3A_708 : f32 to vector<16xf32>
        %min3A_710 = arith.minimumf %mul3A_704, %min3A_709 : vector<16xf32>
        %exp3A_711 = math.exp %min3A_710 : vector<16xf32>
        %sub3A_712 = arith.constant 1.000000e+00 : f32
        %sub3A_713 = vector.broadcast %sub3A_712 : f32 to vector<16xf32>
        %sub3A_714 = arith.subf %exp3A_711, %sub3A_713 : vector<16xf32>
        %select_n3A_715 = arith.select %gt3A_707, %mul3A_704, %sub3A_714 : vector<16xi1>, vector<16xf32>
        %swap3A_716 = arith.constant 11 : i32
        %swap3A_717 = arith.index_cast %scan3A_44 : i32 to index
        %swap3A_718 = arith.index_cast %swap3A_716 : i32 to index
        %swap3A_719 = arith.constant 0 : index
        %swap3A_720 = tpu.vector_load %arg8[%swap3A_717, %swap3A_718, %swap3A_719] {strides = array<i32>} : memref<16x16x16xf32, #tpu.memory_space<vmem>>, vector<16xf32>,
        tpu.vector_store %arg8[%swap3A_717, %swap3A_718, %swap3A_719], %select_n3A_715 {strides = array<i32>} : memref<16x16x16xf32, #tpu.memory_space<vmem>>, vector<16xf32>,
        %mul3A_721 = arith.mulf %while3A_515#13, %div3A_518 : vector<16xf32>
        %gt3A_722 = arith.constant 0.000000e+00 : f32
        %gt3A_723 = vector.broadcast %gt3A_722 : f32 to vector<16xf32>
        %gt3A_724 = arith.cmpf ogt, %mul3A_721, %gt3A_723 : vector<16xf32>
        %min3A_725 = arith.constant 0.000000e+00 : f32
        %min3A_726 = vector.broadcast %min3A_725 : f32 to vector<16xf32>
        %min3A_727 = arith.minimumf %mul3A_721, %min3A_726 : vector<16xf32>
        %exp3A_728 = math.exp %min3A_727 : vector<16xf32>
        %sub3A_729 = arith.constant 1.000000e+00 : f32
        %sub3A_730 = vector.broadcast %sub3A_729 : f32 to vector<16xf32>
        %sub3A_731 = arith.subf %exp3A_728, %sub3A_730 : vector<16xf32>
        %select_n3A_732 = arith.select %gt3A_724, %mul3A_721, %sub3A_731 : vector<16xi1>, vector<16xf32>
        %swap3A_733 = arith.constant 12 : i32
        %swap3A_734 = arith.index_cast %scan3A_44 : i32 to index
        %swap3A_735 = arith.index_cast %swap3A_733 : i32 to index
        %swap3A_736 = arith.constant 0 : index
        %swap3A_737 = tpu.vector_load %arg8[%swap3A_734, %swap3A_735, %swap3A_736] {strides = array<i32>} : memref<16x16x16xf32, #tpu.memory_space<vmem>>, vector<16xf32>,
        tpu.vector_store %arg8[%swap3A_734, %swap3A_735, %swap3A_736], %select_n3A_732 {strides = array<i32>} : memref<16x16x16xf32, #tpu.memory_space<vmem>>, vector<16xf32>,
        %mul3A_738 = arith.mulf %while3A_515#14, %div3A_518 : vector<16xf32>
        %gt3A_739 = arith.constant 0.000000e+00 : f32
        %gt3A_740 = vector.broadcast %gt3A_739 : f32 to vector<16xf32>
        %gt3A_741 = arith.cmpf ogt, %mul3A_738, %gt3A_740 : vector<16xf32>
        %min3A_742 = arith.constant 0.000000e+00 : f32
        %min3A_743 = vector.broadcast %min3A_742 : f32 to vector<16xf32>
        %min3A_744 = arith.minimumf %mul3A_738, %min3A_743 : vector<16xf32>
        %exp3A_745 = math.exp %min3A_744 : vector<16xf32>
        %sub3A_746 = arith.constant 1.000000e+00 : f32
        %sub3A_747 = vector.broadcast %sub3A_746 : f32 to vector<16xf32>
        %sub3A_748 = arith.subf %exp3A_745, %sub3A_747 : vector<16xf32>
        %select_n3A_749 = arith.select %gt3A_741, %mul3A_738, %sub3A_748 : vector<16xi1>, vector<16xf32>
        %swap3A_750 = arith.constant 13 : i32
        %swap3A_751 = arith.index_cast %scan3A_44 : i32 to index
        %swap3A_752 = arith.index_cast %swap3A_750 : i32 to index
        %swap3A_753 = arith.constant 0 : index
        %swap3A_754 = tpu.vector_load %arg8[%swap3A_751, %swap3A_752, %swap3A_753] {strides = array<i32>} : memref<16x16x16xf32, #tpu.memory_space<vmem>>, vector<16xf32>,
        tpu.vector_store %arg8[%swap3A_751, %swap3A_752, %swap3A_753], %select_n3A_749 {strides = array<i32>} : memref<16x16x16xf32, #tpu.memory_space<vmem>>, vector<16xf32>,
        %mul3A_755 = arith.mulf %while3A_515#15, %div3A_518 : vector<16xf32>
        %gt3A_756 = arith.constant 0.000000e+00 : f32
        %gt3A_757 = vector.broadcast %gt3A_756 : f32 to vector<16xf32>
        %gt3A_758 = arith.cmpf ogt, %mul3A_755, %gt3A_757 : vector<16xf32>
        %min3A_759 = arith.constant 0.000000e+00 : f32
        %min3A_760 = vector.broadcast %min3A_759 : f32 to vector<16xf32>
        %min3A_761 = arith.minimumf %mul3A_755, %min3A_760 : vector<16xf32>
        %exp3A_762 = math.exp %min3A_761 : vector<16xf32>
        %sub3A_763 = arith.constant 1.000000e+00 : f32
        %sub3A_764 = vector.broadcast %sub3A_763 : f32 to vector<16xf32>
        %sub3A_765 = arith.subf %exp3A_762, %sub3A_764 : vector<16xf32>
        %select_n3A_766 = arith.select %gt3A_758, %mul3A_755, %sub3A_765 : vector<16xi1>, vector<16xf32>
        %swap3A_767 = arith.constant 14 : i32
        %swap3A_768 = arith.index_cast %scan3A_44 : i32 to index
        %swap3A_769 = arith.index_cast %swap3A_767 : i32 to index
        %swap3A_770 = arith.constant 0 : index
        %swap3A_771 = tpu.vector_load %arg8[%swap3A_768, %swap3A_769, %swap3A_770] {strides = array<i32>} : memref<16x16x16xf32, #tpu.memory_space<vmem>>, vector<16xf32>,
        tpu.vector_store %arg8[%swap3A_768, %swap3A_769, %swap3A_770], %select_n3A_766 {strides = array<i32>} : memref<16x16x16xf32, #tpu.memory_space<vmem>>, vector<16xf32>,
        %mul3A_772 = arith.mulf %while3A_515#16, %div3A_518 : vector<16xf32>
        %gt3A_773 = arith.constant 0.000000e+00 : f32
        %gt3A_774 = vector.broadcast %gt3A_773 : f32 to vector<16xf32>
        %gt3A_775 = arith.cmpf ogt, %mul3A_772, %gt3A_774 : vector<16xf32>
        %min3A_776 = arith.constant 0.000000e+00 : f32
        %min3A_777 = vector.broadcast %min3A_776 : f32 to vector<16xf32>
        %min3A_778 = arith.minimumf %mul3A_772, %min3A_777 : vector<16xf32>
        %exp3A_779 = math.exp %min3A_778 : vector<16xf32>
        %sub3A_780 = arith.constant 1.000000e+00 : f32
        %sub3A_781 = vector.broadcast %sub3A_780 : f32 to vector<16xf32>
        %sub3A_782 = arith.subf %exp3A_779, %sub3A_781 : vector<16xf32>
        %select_n3A_783 = arith.select %gt3A_775, %mul3A_772, %sub3A_782 : vector<16xi1>, vector<16xf32>
        %swap3A_784 = arith.constant 15 : i32
        %swap3A_785 = arith.index_cast %scan3A_44 : i32 to index
        %swap3A_786 = arith.index_cast %swap3A_784 : i32 to index
        %swap3A_787 = arith.constant 0 : index
        %swap3A_788 = tpu.vector_load %arg8[%swap3A_785, %swap3A_786, %swap3A_787] {strides = array<i32>} : memref<16x16x16xf32, #tpu.memory_space<vmem>>, vector<16xf32>,
        tpu.vector_store %arg8[%swap3A_785, %swap3A_786, %swap3A_787], %select_n3A_783 {strides = array<i32>} : memref<16x16x16xf32, #tpu.memory_space<vmem>>, vector<16xf32>,
      }
      %scan3A_41 = arith.constant 16 : i32
      %mul3A_42 = arith.constant 16 : i32
      %mul3A_43 = arith.muli %while3A_35, %mul3A_42 : i32
      "tpu.region"() ({
        %run_scoped3A = tpu.sem_alloc : memref<!tpu.dma_semaphore, #tpu.memory_space<semaphore_mem>>
        %dma_start3A = arith.constant 0 : i32
        %dma_start3A_44 = arith.constant 0 : i32
        %dma_start3A_45 = tpu.memref_slice %arg4[%select_n3A, %mul3A_43, %dma_start3A, %dma_start3A_44] : memref<8x320x16x16xf32, #tpu.memory_space<hbm>> -> memref<1x16x16x16xf32, #tpu.memory_space<hbm>>
        %dma_start3A_46 = tpu.memref_squeeze %dma_start3A_45 : memref<1x16x16x16xf32, #tpu.memory_space<hbm>> -> memref<16x16x16xf32, #tpu.memory_space<hbm>>
        %dma_start3A_47 = arith.constant 0 : i32
        %dma_start3A_48 = arith.constant 0 : i32
        %dma_start3A_49 = tpu.memref_slice %arg4[%select_n3A, %mul3A_43, %dma_start3A_47, %dma_start3A_48] : memref<8x320x16x16xf32, #tpu.memory_space<hbm>> -> memref<1x16x16x16xf32, #tpu.memory_space<hbm>>
        %dma_start3A_50 = tpu.memref_squeeze %dma_start3A_49 : memref<1x16x16x16xf32, #tpu.memory_space<hbm>> -> memref<16x16x16xf32, #tpu.memory_space<hbm>>
        tpu.enqueue_dma source(%arg8 : memref<16x16x16xf32, #tpu.memory_space<vmem>>) target(%dma_start3A_50 : memref<16x16x16xf32, #tpu.memory_space<hbm>>) target_semaphore(%run_scoped3A : memref<!tpu.dma_semaphore, #tpu.memory_space<semaphore_mem>>)
        %dma_wait3A = arith.constant 0 : i32
        %dma_wait3A_51 = arith.constant 0 : i32
        %dma_wait3A_52 = tpu.memref_slice %arg4[%select_n3A, %mul3A_43, %dma_wait3A, %dma_wait3A_51] : memref<8x320x16x16xf32, #tpu.memory_space<hbm>> -> memref<1x16x16x16xf32, #tpu.memory_space<hbm>>
        %dma_wait3A_53 = tpu.memref_squeeze %dma_wait3A_52 : memref<1x16x16x16xf32, #tpu.memory_space<hbm>> -> memref<16x16x16xf32, #tpu.memory_space<hbm>>
        %dma_wait3A_54 = arith.constant 0 : i32
        %dma_wait3A_55 = arith.constant 0 : i32
        %dma_wait3A_56 = tpu.memref_slice %arg4[%select_n3A, %mul3A_43, %dma_wait3A_54, %dma_wait3A_55] : memref<8x320x16x16xf32, #tpu.memory_space<hbm>> -> memref<1x16x16x16xf32, #tpu.memory_space<hbm>>
        %dma_wait3A_57 = tpu.memref_squeeze %dma_wait3A_56 : memref<1x16x16x16xf32, #tpu.memory_space<hbm>> -> memref<16x16x16xf32, #tpu.memory_space<hbm>>
        tpu.wait_dma2 semaphore(%run_scoped3A : memref<!tpu.dma_semaphore, #tpu.memory_space<semaphore_mem>>) src(%arg8 : memref<16x16x16xf32, #tpu.memory_space<vmem>>) dst(%dma_wait3A_57 : memref<16x16x16xf32, #tpu.memory_space<hbm>>)
        tpu.yield
      }) : () -> ()
    }
    return
  }
}

module attributes {stable_mosaic.version = 14 : i64} {
  func.func @_proj_tc_kernel(%arg0: i32, %arg1: memref<32x16x320xf32, #tpu.memory_space<vmem>>, %arg2: memref<16x16xf32, #tpu.memory_space<vmem>>, %arg3: memref<2x16xf32, #tpu.memory_space<vmem>>, %arg4: memref<32x18x320xf32, #tpu.memory_space<vmem>>) attributes {dimension_semantics = [#tpu.dimension_semantics<arbitrary>], iteration_bounds = array<i64: 4>, scalar_prefetch = 0 : i64, scratch_operands = 0 : i64, tpu.core_type = #tpu.core_type<tc>, window_params = [{transform_indices = @transform_0, window_bounds = array<i64: 32, 16, 320>}, {pipeline_mode = #tpu.pipeline_mode<synchronous>, transform_indices = @transform_1, window_bounds = array<i64: 16, 16>}, {pipeline_mode = #tpu.pipeline_mode<synchronous>, transform_indices = @transform_2, window_bounds = array<i64: 2, 16>}, {transform_indices = @transform_3, window_bounds = array<i64: 32, 18, 320>}]} {
    %get3A = arith.constant 0 : index
    %get3A_0 = arith.constant 0 : index
    %get3A_1 = vector.load %arg2[%get3A, %get3A_0] : memref<16x16xf32, #tpu.memory_space<vmem>>, vector<16x16xf32>
    %get3A_2 = arith.constant 0 : index
    %get3A_3 = arith.constant 0 : index
    %get3A_4 = vector.load %arg3[%get3A_2, %get3A_3] : memref<2x16xf32, #tpu.memory_space<vmem>>, vector<1x16xf32>
    %get3A_5 = arith.constant 1 : index
    %get3A_6 = arith.constant 0 : index
    %get3A_7 = vector.load %arg3[%get3A_5, %get3A_6] : memref<2x16xf32, #tpu.memory_space<vmem>>, vector<1x16xf32>
    %dot_general3A = arith.constant dense<0.000000e+00> : vector<16x1xf32>
    %dot_general3A_8 = tpu.matmul %get3A_1, %get3A_4, %dot_general3A {dimension_numbers = #tpu.dot_dimension_numbers<[1], [1], [0], [0], [0, 0, 1, 0], [], []>, transpose_lhs_hint = false} : vector<16x16xf32>, vector<1x16xf32>, vector<16x1xf32> -> vector<16x1xf32>
    %dot_general3A_9 = arith.constant dense<0.000000e+00> : vector<16x1xf32>
    %dot_general3A_10 = tpu.matmul %get3A_1, %get3A_7, %dot_general3A_9 {dimension_numbers = #tpu.dot_dimension_numbers<[1], [1], [0], [0], [0, 0, 1, 0], [], []>, transpose_lhs_hint = false} : vector<16x16xf32>, vector<1x16xf32>, vector<16x1xf32> -> vector<16x1xf32>
    %concatenate3A = tpu.concatenate %get3A_1, %dot_general3A_8, %dot_general3A_10 in 1 : vector<16x16xf32>, vector<16x1xf32>, vector<16x1xf32> -> vector<16x18xf32>
    %get3A_11 = arith.constant 0 : index
    %get3A_12 = arith.constant 0 : index
    %get3A_13 = arith.constant 0 : index
    %get3A_14 = vector.load %arg1[%get3A_11, %get3A_12, %get3A_13] : memref<32x16x320xf32, #tpu.memory_space<vmem>>, vector<1x16x320xf32>
    %get3A_15 = vector.shape_cast %get3A_14 : vector<1x16x320xf32> to vector<16x320xf32>
    %dot_general3A_16 = arith.constant dense<0.000000e+00> : vector<18x320xf32>
    %dot_general3A_17 = tpu.matmul %concatenate3A, %get3A_15, %dot_general3A_16 {dimension_numbers = #tpu.dot_dimension_numbers<[0], [0], [1], [1], [0, 1, 1, 1], [], []>, transpose_lhs_hint = false} : vector<16x18xf32>, vector<16x320xf32>, vector<18x320xf32> -> vector<18x320xf32>
    %swap3A = arith.constant 0 : index
    %swap3A_18 = arith.constant 0 : index
    %swap3A_19 = arith.constant 0 : index
    %swap3A_20 = vector.load %arg4[%swap3A, %swap3A_18, %swap3A_19] : memref<32x18x320xf32, #tpu.memory_space<vmem>>, vector<1x18x320xf32>
    %swap3A_21 = vector.shape_cast %swap3A_20 : vector<1x18x320xf32> to vector<18x320xf32>
    %swap3A_22 = vector.shape_cast %dot_general3A_17 : vector<18x320xf32> to vector<1x18x320xf32>
    tpu.vector_store %arg4[%swap3A, %swap3A_18, %swap3A_19], %swap3A_22 {strides = array<i32>} : memref<32x18x320xf32, #tpu.memory_space<vmem>>, vector<1x18x320xf32>,
    %get3A_23 = arith.constant 1 : index
    %get3A_24 = arith.constant 0 : index
    %get3A_25 = arith.constant 0 : index
    %get3A_26 = vector.load %arg1[%get3A_23, %get3A_24, %get3A_25] : memref<32x16x320xf32, #tpu.memory_space<vmem>>, vector<1x16x320xf32>
    %get3A_27 = vector.shape_cast %get3A_26 : vector<1x16x320xf32> to vector<16x320xf32>
    %dot_general3A_28 = arith.constant dense<0.000000e+00> : vector<18x320xf32>
    %dot_general3A_29 = tpu.matmul %concatenate3A, %get3A_27, %dot_general3A_28 {dimension_numbers = #tpu.dot_dimension_numbers<[0], [0], [1], [1], [0, 1, 1, 1], [], []>, transpose_lhs_hint = false} : vector<16x18xf32>, vector<16x320xf32>, vector<18x320xf32> -> vector<18x320xf32>
    %swap3A_30 = arith.constant 1 : index
    %swap3A_31 = arith.constant 0 : index
    %swap3A_32 = arith.constant 0 : index
    %swap3A_33 = vector.load %arg4[%swap3A_30, %swap3A_31, %swap3A_32] : memref<32x18x320xf32, #tpu.memory_space<vmem>>, vector<1x18x320xf32>
    %swap3A_34 = vector.shape_cast %swap3A_33 : vector<1x18x320xf32> to vector<18x320xf32>
    %swap3A_35 = vector.shape_cast %dot_general3A_29 : vector<18x320xf32> to vector<1x18x320xf32>
    tpu.vector_store %arg4[%swap3A_30, %swap3A_31, %swap3A_32], %swap3A_35 {strides = array<i32>} : memref<32x18x320xf32, #tpu.memory_space<vmem>>, vector<1x18x320xf32>,
    %get3A_36 = arith.constant 2 : index
    %get3A_37 = arith.constant 0 : index
    %get3A_38 = arith.constant 0 : index
    %get3A_39 = vector.load %arg1[%get3A_36, %get3A_37, %get3A_38] : memref<32x16x320xf32, #tpu.memory_space<vmem>>, vector<1x16x320xf32>
    %get3A_40 = vector.shape_cast %get3A_39 : vector<1x16x320xf32> to vector<16x320xf32>
    %dot_general3A_41 = arith.constant dense<0.000000e+00> : vector<18x320xf32>
    %dot_general3A_42 = tpu.matmul %concatenate3A, %get3A_40, %dot_general3A_41 {dimension_numbers = #tpu.dot_dimension_numbers<[0], [0], [1], [1], [0, 1, 1, 1], [], []>, transpose_lhs_hint = false} : vector<16x18xf32>, vector<16x320xf32>, vector<18x320xf32> -> vector<18x320xf32>
    %swap3A_43 = arith.constant 2 : index
    %swap3A_44 = arith.constant 0 : index
    %swap3A_45 = arith.constant 0 : index
    %swap3A_46 = vector.load %arg4[%swap3A_43, %swap3A_44, %swap3A_45] : memref<32x18x320xf32, #tpu.memory_space<vmem>>, vector<1x18x320xf32>
    %swap3A_47 = vector.shape_cast %swap3A_46 : vector<1x18x320xf32> to vector<18x320xf32>
    %swap3A_48 = vector.shape_cast %dot_general3A_42 : vector<18x320xf32> to vector<1x18x320xf32>
    tpu.vector_store %arg4[%swap3A_43, %swap3A_44, %swap3A_45], %swap3A_48 {strides = array<i32>} : memref<32x18x320xf32, #tpu.memory_space<vmem>>, vector<1x18x320xf32>,
    %get3A_49 = arith.constant 3 : index
    %get3A_50 = arith.constant 0 : index
    %get3A_51 = arith.constant 0 : index
    %get3A_52 = vector.load %arg1[%get3A_49, %get3A_50, %get3A_51] : memref<32x16x320xf32, #tpu.memory_space<vmem>>, vector<1x16x320xf32>
    %get3A_53 = vector.shape_cast %get3A_52 : vector<1x16x320xf32> to vector<16x320xf32>
    %dot_general3A_54 = arith.constant dense<0.000000e+00> : vector<18x320xf32>
    %dot_general3A_55 = tpu.matmul %concatenate3A, %get3A_53, %dot_general3A_54 {dimension_numbers = #tpu.dot_dimension_numbers<[0], [0], [1], [1], [0, 1, 1, 1], [], []>, transpose_lhs_hint = false} : vector<16x18xf32>, vector<16x320xf32>, vector<18x320xf32> -> vector<18x320xf32>
    %swap3A_56 = arith.constant 3 : index
    %swap3A_57 = arith.constant 0 : index
    %swap3A_58 = arith.constant 0 : index
    %swap3A_59 = vector.load %arg4[%swap3A_56, %swap3A_57, %swap3A_58] : memref<32x18x320xf32, #tpu.memory_space<vmem>>, vector<1x18x320xf32>
    %swap3A_60 = vector.shape_cast %swap3A_59 : vector<1x18x320xf32> to vector<18x320xf32>
    %swap3A_61 = vector.shape_cast %dot_general3A_55 : vector<18x320xf32> to vector<1x18x320xf32>
    tpu.vector_store %arg4[%swap3A_56, %swap3A_57, %swap3A_58], %swap3A_61 {strides = array<i32>} : memref<32x18x320xf32, #tpu.memory_space<vmem>>, vector<1x18x320xf32>,
    %get3A_62 = arith.constant 4 : index
    %get3A_63 = arith.constant 0 : index
    %get3A_64 = arith.constant 0 : index
    %get3A_65 = vector.load %arg1[%get3A_62, %get3A_63, %get3A_64] : memref<32x16x320xf32, #tpu.memory_space<vmem>>, vector<1x16x320xf32>
    %get3A_66 = vector.shape_cast %get3A_65 : vector<1x16x320xf32> to vector<16x320xf32>
    %dot_general3A_67 = arith.constant dense<0.000000e+00> : vector<18x320xf32>
    %dot_general3A_68 = tpu.matmul %concatenate3A, %get3A_66, %dot_general3A_67 {dimension_numbers = #tpu.dot_dimension_numbers<[0], [0], [1], [1], [0, 1, 1, 1], [], []>, transpose_lhs_hint = false} : vector<16x18xf32>, vector<16x320xf32>, vector<18x320xf32> -> vector<18x320xf32>
    %swap3A_69 = arith.constant 4 : index
    %swap3A_70 = arith.constant 0 : index
    %swap3A_71 = arith.constant 0 : index
    %swap3A_72 = vector.load %arg4[%swap3A_69, %swap3A_70, %swap3A_71] : memref<32x18x320xf32, #tpu.memory_space<vmem>>, vector<1x18x320xf32>
    %swap3A_73 = vector.shape_cast %swap3A_72 : vector<1x18x320xf32> to vector<18x320xf32>
    %swap3A_74 = vector.shape_cast %dot_general3A_68 : vector<18x320xf32> to vector<1x18x320xf32>
    tpu.vector_store %arg4[%swap3A_69, %swap3A_70, %swap3A_71], %swap3A_74 {strides = array<i32>} : memref<32x18x320xf32, #tpu.memory_space<vmem>>, vector<1x18x320xf32>,
    %get3A_75 = arith.constant 5 : index
    %get3A_76 = arith.constant 0 : index
    %get3A_77 = arith.constant 0 : index
    %get3A_78 = vector.load %arg1[%get3A_75, %get3A_76, %get3A_77] : memref<32x16x320xf32, #tpu.memory_space<vmem>>, vector<1x16x320xf32>
    %get3A_79 = vector.shape_cast %get3A_78 : vector<1x16x320xf32> to vector<16x320xf32>
    %dot_general3A_80 = arith.constant dense<0.000000e+00> : vector<18x320xf32>
    %dot_general3A_81 = tpu.matmul %concatenate3A, %get3A_79, %dot_general3A_80 {dimension_numbers = #tpu.dot_dimension_numbers<[0], [0], [1], [1], [0, 1, 1, 1], [], []>, transpose_lhs_hint = false} : vector<16x18xf32>, vector<16x320xf32>, vector<18x320xf32> -> vector<18x320xf32>
    %swap3A_82 = arith.constant 5 : index
    %swap3A_83 = arith.constant 0 : index
    %swap3A_84 = arith.constant 0 : index
    %swap3A_85 = vector.load %arg4[%swap3A_82, %swap3A_83, %swap3A_84] : memref<32x18x320xf32, #tpu.memory_space<vmem>>, vector<1x18x320xf32>
    %swap3A_86 = vector.shape_cast %swap3A_85 : vector<1x18x320xf32> to vector<18x320xf32>
    %swap3A_87 = vector.shape_cast %dot_general3A_81 : vector<18x320xf32> to vector<1x18x320xf32>
    tpu.vector_store %arg4[%swap3A_82, %swap3A_83, %swap3A_84], %swap3A_87 {strides = array<i32>} : memref<32x18x320xf32, #tpu.memory_space<vmem>>, vector<1x18x320xf32>,
    %get3A_88 = arith.constant 6 : index
    %get3A_89 = arith.constant 0 : index
    %get3A_90 = arith.constant 0 : index
    %get3A_91 = vector.load %arg1[%get3A_88, %get3A_89, %get3A_90] : memref<32x16x320xf32, #tpu.memory_space<vmem>>, vector<1x16x320xf32>
    %get3A_92 = vector.shape_cast %get3A_91 : vector<1x16x320xf32> to vector<16x320xf32>
    %dot_general3A_93 = arith.constant dense<0.000000e+00> : vector<18x320xf32>
    %dot_general3A_94 = tpu.matmul %concatenate3A, %get3A_92, %dot_general3A_93 {dimension_numbers = #tpu.dot_dimension_numbers<[0], [0], [1], [1], [0, 1, 1, 1], [], []>, transpose_lhs_hint = false} : vector<16x18xf32>, vector<16x320xf32>, vector<18x320xf32> -> vector<18x320xf32>
    %swap3A_95 = arith.constant 6 : index
    %swap3A_96 = arith.constant 0 : index
    %swap3A_97 = arith.constant 0 : index
    %swap3A_98 = vector.load %arg4[%swap3A_95, %swap3A_96, %swap3A_97] : memref<32x18x320xf32, #tpu.memory_space<vmem>>, vector<1x18x320xf32>
    %swap3A_99 = vector.shape_cast %swap3A_98 : vector<1x18x320xf32> to vector<18x320xf32>
    %swap3A_100 = vector.shape_cast %dot_general3A_94 : vector<18x320xf32> to vector<1x18x320xf32>
    tpu.vector_store %arg4[%swap3A_95, %swap3A_96, %swap3A_97], %swap3A_100 {strides = array<i32>} : memref<32x18x320xf32, #tpu.memory_space<vmem>>, vector<1x18x320xf32>,
    %get3A_101 = arith.constant 7 : index
    %get3A_102 = arith.constant 0 : index
    %get3A_103 = arith.constant 0 : index
    %get3A_104 = vector.load %arg1[%get3A_101, %get3A_102, %get3A_103] : memref<32x16x320xf32, #tpu.memory_space<vmem>>, vector<1x16x320xf32>
    %get3A_105 = vector.shape_cast %get3A_104 : vector<1x16x320xf32> to vector<16x320xf32>
    %dot_general3A_106 = arith.constant dense<0.000000e+00> : vector<18x320xf32>
    %dot_general3A_107 = tpu.matmul %concatenate3A, %get3A_105, %dot_general3A_106 {dimension_numbers = #tpu.dot_dimension_numbers<[0], [0], [1], [1], [0, 1, 1, 1], [], []>, transpose_lhs_hint = false} : vector<16x18xf32>, vector<16x320xf32>, vector<18x320xf32> -> vector<18x320xf32>
    %swap3A_108 = arith.constant 7 : index
    %swap3A_109 = arith.constant 0 : index
    %swap3A_110 = arith.constant 0 : index
    %swap3A_111 = vector.load %arg4[%swap3A_108, %swap3A_109, %swap3A_110] : memref<32x18x320xf32, #tpu.memory_space<vmem>>, vector<1x18x320xf32>
    %swap3A_112 = vector.shape_cast %swap3A_111 : vector<1x18x320xf32> to vector<18x320xf32>
    %swap3A_113 = vector.shape_cast %dot_general3A_107 : vector<18x320xf32> to vector<1x18x320xf32>
    tpu.vector_store %arg4[%swap3A_108, %swap3A_109, %swap3A_110], %swap3A_113 {strides = array<i32>} : memref<32x18x320xf32, #tpu.memory_space<vmem>>, vector<1x18x320xf32>,
    %get3A_114 = arith.constant 8 : index
    %get3A_115 = arith.constant 0 : index
    %get3A_116 = arith.constant 0 : index
    %get3A_117 = vector.load %arg1[%get3A_114, %get3A_115, %get3A_116] : memref<32x16x320xf32, #tpu.memory_space<vmem>>, vector<1x16x320xf32>
    %get3A_118 = vector.shape_cast %get3A_117 : vector<1x16x320xf32> to vector<16x320xf32>
    %dot_general3A_119 = arith.constant dense<0.000000e+00> : vector<18x320xf32>
    %dot_general3A_120 = tpu.matmul %concatenate3A, %get3A_118, %dot_general3A_119 {dimension_numbers = #tpu.dot_dimension_numbers<[0], [0], [1], [1], [0, 1, 1, 1], [], []>, transpose_lhs_hint = false} : vector<16x18xf32>, vector<16x320xf32>, vector<18x320xf32> -> vector<18x320xf32>
    %swap3A_121 = arith.constant 8 : index
    %swap3A_122 = arith.constant 0 : index
    %swap3A_123 = arith.constant 0 : index
    %swap3A_124 = vector.load %arg4[%swap3A_121, %swap3A_122, %swap3A_123] : memref<32x18x320xf32, #tpu.memory_space<vmem>>, vector<1x18x320xf32>
    %swap3A_125 = vector.shape_cast %swap3A_124 : vector<1x18x320xf32> to vector<18x320xf32>
    %swap3A_126 = vector.shape_cast %dot_general3A_120 : vector<18x320xf32> to vector<1x18x320xf32>
    tpu.vector_store %arg4[%swap3A_121, %swap3A_122, %swap3A_123], %swap3A_126 {strides = array<i32>} : memref<32x18x320xf32, #tpu.memory_space<vmem>>, vector<1x18x320xf32>,
    %get3A_127 = arith.constant 9 : index
    %get3A_128 = arith.constant 0 : index
    %get3A_129 = arith.constant 0 : index
    %get3A_130 = vector.load %arg1[%get3A_127, %get3A_128, %get3A_129] : memref<32x16x320xf32, #tpu.memory_space<vmem>>, vector<1x16x320xf32>
    %get3A_131 = vector.shape_cast %get3A_130 : vector<1x16x320xf32> to vector<16x320xf32>
    %dot_general3A_132 = arith.constant dense<0.000000e+00> : vector<18x320xf32>
    %dot_general3A_133 = tpu.matmul %concatenate3A, %get3A_131, %dot_general3A_132 {dimension_numbers = #tpu.dot_dimension_numbers<[0], [0], [1], [1], [0, 1, 1, 1], [], []>, transpose_lhs_hint = false} : vector<16x18xf32>, vector<16x320xf32>, vector<18x320xf32> -> vector<18x320xf32>
    %swap3A_134 = arith.constant 9 : index
    %swap3A_135 = arith.constant 0 : index
    %swap3A_136 = arith.constant 0 : index
    %swap3A_137 = vector.load %arg4[%swap3A_134, %swap3A_135, %swap3A_136] : memref<32x18x320xf32, #tpu.memory_space<vmem>>, vector<1x18x320xf32>
    %swap3A_138 = vector.shape_cast %swap3A_137 : vector<1x18x320xf32> to vector<18x320xf32>
    %swap3A_139 = vector.shape_cast %dot_general3A_133 : vector<18x320xf32> to vector<1x18x320xf32>
    tpu.vector_store %arg4[%swap3A_134, %swap3A_135, %swap3A_136], %swap3A_139 {strides = array<i32>} : memref<32x18x320xf32, #tpu.memory_space<vmem>>, vector<1x18x320xf32>,
    %get3A_140 = arith.constant 10 : index
    %get3A_141 = arith.constant 0 : index
    %get3A_142 = arith.constant 0 : index
    %get3A_143 = vector.load %arg1[%get3A_140, %get3A_141, %get3A_142] : memref<32x16x320xf32, #tpu.memory_space<vmem>>, vector<1x16x320xf32>
    %get3A_144 = vector.shape_cast %get3A_143 : vector<1x16x320xf32> to vector<16x320xf32>
    %dot_general3A_145 = arith.constant dense<0.000000e+00> : vector<18x320xf32>
    %dot_general3A_146 = tpu.matmul %concatenate3A, %get3A_144, %dot_general3A_145 {dimension_numbers = #tpu.dot_dimension_numbers<[0], [0], [1], [1], [0, 1, 1, 1], [], []>, transpose_lhs_hint = false} : vector<16x18xf32>, vector<16x320xf32>, vector<18x320xf32> -> vector<18x320xf32>
    %swap3A_147 = arith.constant 10 : index
    %swap3A_148 = arith.constant 0 : index
    %swap3A_149 = arith.constant 0 : index
    %swap3A_150 = vector.load %arg4[%swap3A_147, %swap3A_148, %swap3A_149] : memref<32x18x320xf32, #tpu.memory_space<vmem>>, vector<1x18x320xf32>
    %swap3A_151 = vector.shape_cast %swap3A_150 : vector<1x18x320xf32> to vector<18x320xf32>
    %swap3A_152 = vector.shape_cast %dot_general3A_146 : vector<18x320xf32> to vector<1x18x320xf32>
    tpu.vector_store %arg4[%swap3A_147, %swap3A_148, %swap3A_149], %swap3A_152 {strides = array<i32>} : memref<32x18x320xf32, #tpu.memory_space<vmem>>, vector<1x18x320xf32>,
    %get3A_153 = arith.constant 11 : index
    %get3A_154 = arith.constant 0 : index
    %get3A_155 = arith.constant 0 : index
    %get3A_156 = vector.load %arg1[%get3A_153, %get3A_154, %get3A_155] : memref<32x16x320xf32, #tpu.memory_space<vmem>>, vector<1x16x320xf32>
    %get3A_157 = vector.shape_cast %get3A_156 : vector<1x16x320xf32> to vector<16x320xf32>
    %dot_general3A_158 = arith.constant dense<0.000000e+00> : vector<18x320xf32>
    %dot_general3A_159 = tpu.matmul %concatenate3A, %get3A_157, %dot_general3A_158 {dimension_numbers = #tpu.dot_dimension_numbers<[0], [0], [1], [1], [0, 1, 1, 1], [], []>, transpose_lhs_hint = false} : vector<16x18xf32>, vector<16x320xf32>, vector<18x320xf32> -> vector<18x320xf32>
    %swap3A_160 = arith.constant 11 : index
    %swap3A_161 = arith.constant 0 : index
    %swap3A_162 = arith.constant 0 : index
    %swap3A_163 = vector.load %arg4[%swap3A_160, %swap3A_161, %swap3A_162] : memref<32x18x320xf32, #tpu.memory_space<vmem>>, vector<1x18x320xf32>
    %swap3A_164 = vector.shape_cast %swap3A_163 : vector<1x18x320xf32> to vector<18x320xf32>
    %swap3A_165 = vector.shape_cast %dot_general3A_159 : vector<18x320xf32> to vector<1x18x320xf32>
    tpu.vector_store %arg4[%swap3A_160, %swap3A_161, %swap3A_162], %swap3A_165 {strides = array<i32>} : memref<32x18x320xf32, #tpu.memory_space<vmem>>, vector<1x18x320xf32>,
    %get3A_166 = arith.constant 12 : index
    %get3A_167 = arith.constant 0 : index
    %get3A_168 = arith.constant 0 : index
    %get3A_169 = vector.load %arg1[%get3A_166, %get3A_167, %get3A_168] : memref<32x16x320xf32, #tpu.memory_space<vmem>>, vector<1x16x320xf32>
    %get3A_170 = vector.shape_cast %get3A_169 : vector<1x16x320xf32> to vector<16x320xf32>
    %dot_general3A_171 = arith.constant dense<0.000000e+00> : vector<18x320xf32>
    %dot_general3A_172 = tpu.matmul %concatenate3A, %get3A_170, %dot_general3A_171 {dimension_numbers = #tpu.dot_dimension_numbers<[0], [0], [1], [1], [0, 1, 1, 1], [], []>, transpose_lhs_hint = false} : vector<16x18xf32>, vector<16x320xf32>, vector<18x320xf32> -> vector<18x320xf32>
    %swap3A_173 = arith.constant 12 : index
    %swap3A_174 = arith.constant 0 : index
    %swap3A_175 = arith.constant 0 : index
    %swap3A_176 = vector.load %arg4[%swap3A_173, %swap3A_174, %swap3A_175] : memref<32x18x320xf32, #tpu.memory_space<vmem>>, vector<1x18x320xf32>
    %swap3A_177 = vector.shape_cast %swap3A_176 : vector<1x18x320xf32> to vector<18x320xf32>
    %swap3A_178 = vector.shape_cast %dot_general3A_172 : vector<18x320xf32> to vector<1x18x320xf32>
    tpu.vector_store %arg4[%swap3A_173, %swap3A_174, %swap3A_175], %swap3A_178 {strides = array<i32>} : memref<32x18x320xf32, #tpu.memory_space<vmem>>, vector<1x18x320xf32>,
    %get3A_179 = arith.constant 13 : index
    %get3A_180 = arith.constant 0 : index
    %get3A_181 = arith.constant 0 : index
    %get3A_182 = vector.load %arg1[%get3A_179, %get3A_180, %get3A_181] : memref<32x16x320xf32, #tpu.memory_space<vmem>>, vector<1x16x320xf32>
    %get3A_183 = vector.shape_cast %get3A_182 : vector<1x16x320xf32> to vector<16x320xf32>
    %dot_general3A_184 = arith.constant dense<0.000000e+00> : vector<18x320xf32>
    %dot_general3A_185 = tpu.matmul %concatenate3A, %get3A_183, %dot_general3A_184 {dimension_numbers = #tpu.dot_dimension_numbers<[0], [0], [1], [1], [0, 1, 1, 1], [], []>, transpose_lhs_hint = false} : vector<16x18xf32>, vector<16x320xf32>, vector<18x320xf32> -> vector<18x320xf32>
    %swap3A_186 = arith.constant 13 : index
    %swap3A_187 = arith.constant 0 : index
    %swap3A_188 = arith.constant 0 : index
    %swap3A_189 = vector.load %arg4[%swap3A_186, %swap3A_187, %swap3A_188] : memref<32x18x320xf32, #tpu.memory_space<vmem>>, vector<1x18x320xf32>
    %swap3A_190 = vector.shape_cast %swap3A_189 : vector<1x18x320xf32> to vector<18x320xf32>
    %swap3A_191 = vector.shape_cast %dot_general3A_185 : vector<18x320xf32> to vector<1x18x320xf32>
    tpu.vector_store %arg4[%swap3A_186, %swap3A_187, %swap3A_188], %swap3A_191 {strides = array<i32>} : memref<32x18x320xf32, #tpu.memory_space<vmem>>, vector<1x18x320xf32>,
    %get3A_192 = arith.constant 14 : index
    %get3A_193 = arith.constant 0 : index
    %get3A_194 = arith.constant 0 : index
    %get3A_195 = vector.load %arg1[%get3A_192, %get3A_193, %get3A_194] : memref<32x16x320xf32, #tpu.memory_space<vmem>>, vector<1x16x320xf32>
    %get3A_196 = vector.shape_cast %get3A_195 : vector<1x16x320xf32> to vector<16x320xf32>
    %dot_general3A_197 = arith.constant dense<0.000000e+00> : vector<18x320xf32>
    %dot_general3A_198 = tpu.matmul %concatenate3A, %get3A_196, %dot_general3A_197 {dimension_numbers = #tpu.dot_dimension_numbers<[0], [0], [1], [1], [0, 1, 1, 1], [], []>, transpose_lhs_hint = false} : vector<16x18xf32>, vector<16x320xf32>, vector<18x320xf32> -> vector<18x320xf32>
    %swap3A_199 = arith.constant 14 : index
    %swap3A_200 = arith.constant 0 : index
    %swap3A_201 = arith.constant 0 : index
    %swap3A_202 = vector.load %arg4[%swap3A_199, %swap3A_200, %swap3A_201] : memref<32x18x320xf32, #tpu.memory_space<vmem>>, vector<1x18x320xf32>
    %swap3A_203 = vector.shape_cast %swap3A_202 : vector<1x18x320xf32> to vector<18x320xf32>
    %swap3A_204 = vector.shape_cast %dot_general3A_198 : vector<18x320xf32> to vector<1x18x320xf32>
    tpu.vector_store %arg4[%swap3A_199, %swap3A_200, %swap3A_201], %swap3A_204 {strides = array<i32>} : memref<32x18x320xf32, #tpu.memory_space<vmem>>, vector<1x18x320xf32>,
    %get3A_205 = arith.constant 15 : index
    %get3A_206 = arith.constant 0 : index
    %get3A_207 = arith.constant 0 : index
    %get3A_208 = vector.load %arg1[%get3A_205, %get3A_206, %get3A_207] : memref<32x16x320xf32, #tpu.memory_space<vmem>>, vector<1x16x320xf32>
    %get3A_209 = vector.shape_cast %get3A_208 : vector<1x16x320xf32> to vector<16x320xf32>
    %dot_general3A_210 = arith.constant dense<0.000000e+00> : vector<18x320xf32>
    %dot_general3A_211 = tpu.matmul %concatenate3A, %get3A_209, %dot_general3A_210 {dimension_numbers = #tpu.dot_dimension_numbers<[0], [0], [1], [1], [0, 1, 1, 1], [], []>, transpose_lhs_hint = false} : vector<16x18xf32>, vector<16x320xf32>, vector<18x320xf32> -> vector<18x320xf32>
    %swap3A_212 = arith.constant 15 : index
    %swap3A_213 = arith.constant 0 : index
    %swap3A_214 = arith.constant 0 : index
    %swap3A_215 = vector.load %arg4[%swap3A_212, %swap3A_213, %swap3A_214] : memref<32x18x320xf32, #tpu.memory_space<vmem>>, vector<1x18x320xf32>
    %swap3A_216 = vector.shape_cast %swap3A_215 : vector<1x18x320xf32> to vector<18x320xf32>
    %swap3A_217 = vector.shape_cast %dot_general3A_211 : vector<18x320xf32> to vector<1x18x320xf32>
    tpu.vector_store %arg4[%swap3A_212, %swap3A_213, %swap3A_214], %swap3A_217 {strides = array<i32>} : memref<32x18x320xf32, #tpu.memory_space<vmem>>, vector<1x18x320xf32>,
    %get3A_218 = arith.constant 16 : index
    %get3A_219 = arith.constant 0 : index
    %get3A_220 = arith.constant 0 : index
    %get3A_221 = vector.load %arg1[%get3A_218, %get3A_219, %get3A_220] : memref<32x16x320xf32, #tpu.memory_space<vmem>>, vector<1x16x320xf32>
    %get3A_222 = vector.shape_cast %get3A_221 : vector<1x16x320xf32> to vector<16x320xf32>
    %dot_general3A_223 = arith.constant dense<0.000000e+00> : vector<18x320xf32>
    %dot_general3A_224 = tpu.matmul %concatenate3A, %get3A_222, %dot_general3A_223 {dimension_numbers = #tpu.dot_dimension_numbers<[0], [0], [1], [1], [0, 1, 1, 1], [], []>, transpose_lhs_hint = false} : vector<16x18xf32>, vector<16x320xf32>, vector<18x320xf32> -> vector<18x320xf32>
    %swap3A_225 = arith.constant 16 : index
    %swap3A_226 = arith.constant 0 : index
    %swap3A_227 = arith.constant 0 : index
    %swap3A_228 = vector.load %arg4[%swap3A_225, %swap3A_226, %swap3A_227] : memref<32x18x320xf32, #tpu.memory_space<vmem>>, vector<1x18x320xf32>
    %swap3A_229 = vector.shape_cast %swap3A_228 : vector<1x18x320xf32> to vector<18x320xf32>
    %swap3A_230 = vector.shape_cast %dot_general3A_224 : vector<18x320xf32> to vector<1x18x320xf32>
    tpu.vector_store %arg4[%swap3A_225, %swap3A_226, %swap3A_227], %swap3A_230 {strides = array<i32>} : memref<32x18x320xf32, #tpu.memory_space<vmem>>, vector<1x18x320xf32>,
    %get3A_231 = arith.constant 17 : index
    %get3A_232 = arith.constant 0 : index
    %get3A_233 = arith.constant 0 : index
    %get3A_234 = vector.load %arg1[%get3A_231, %get3A_232, %get3A_233] : memref<32x16x320xf32, #tpu.memory_space<vmem>>, vector<1x16x320xf32>
    %get3A_235 = vector.shape_cast %get3A_234 : vector<1x16x320xf32> to vector<16x320xf32>
    %dot_general3A_236 = arith.constant dense<0.000000e+00> : vector<18x320xf32>
    %dot_general3A_237 = tpu.matmul %concatenate3A, %get3A_235, %dot_general3A_236 {dimension_numbers = #tpu.dot_dimension_numbers<[0], [0], [1], [1], [0, 1, 1, 1], [], []>, transpose_lhs_hint = false} : vector<16x18xf32>, vector<16x320xf32>, vector<18x320xf32> -> vector<18x320xf32>
    %swap3A_238 = arith.constant 17 : index
    %swap3A_239 = arith.constant 0 : index
    %swap3A_240 = arith.constant 0 : index
    %swap3A_241 = vector.load %arg4[%swap3A_238, %swap3A_239, %swap3A_240] : memref<32x18x320xf32, #tpu.memory_space<vmem>>, vector<1x18x320xf32>
    %swap3A_242 = vector.shape_cast %swap3A_241 : vector<1x18x320xf32> to vector<18x320xf32>
    %swap3A_243 = vector.shape_cast %dot_general3A_237 : vector<18x320xf32> to vector<1x18x320xf32>
    tpu.vector_store %arg4[%swap3A_238, %swap3A_239, %swap3A_240], %swap3A_243 {strides = array<i32>} : memref<32x18x320xf32, #tpu.memory_space<vmem>>, vector<1x18x320xf32>,
    %get3A_244 = arith.constant 18 : index
    %get3A_245 = arith.constant 0 : index
    %get3A_246 = arith.constant 0 : index
    %get3A_247 = vector.load %arg1[%get3A_244, %get3A_245, %get3A_246] : memref<32x16x320xf32, #tpu.memory_space<vmem>>, vector<1x16x320xf32>
    %get3A_248 = vector.shape_cast %get3A_247 : vector<1x16x320xf32> to vector<16x320xf32>
    %dot_general3A_249 = arith.constant dense<0.000000e+00> : vector<18x320xf32>
    %dot_general3A_250 = tpu.matmul %concatenate3A, %get3A_248, %dot_general3A_249 {dimension_numbers = #tpu.dot_dimension_numbers<[0], [0], [1], [1], [0, 1, 1, 1], [], []>, transpose_lhs_hint = false} : vector<16x18xf32>, vector<16x320xf32>, vector<18x320xf32> -> vector<18x320xf32>
    %swap3A_251 = arith.constant 18 : index
    %swap3A_252 = arith.constant 0 : index
    %swap3A_253 = arith.constant 0 : index
    %swap3A_254 = vector.load %arg4[%swap3A_251, %swap3A_252, %swap3A_253] : memref<32x18x320xf32, #tpu.memory_space<vmem>>, vector<1x18x320xf32>
    %swap3A_255 = vector.shape_cast %swap3A_254 : vector<1x18x320xf32> to vector<18x320xf32>
    %swap3A_256 = vector.shape_cast %dot_general3A_250 : vector<18x320xf32> to vector<1x18x320xf32>
    tpu.vector_store %arg4[%swap3A_251, %swap3A_252, %swap3A_253], %swap3A_256 {strides = array<i32>} : memref<32x18x320xf32, #tpu.memory_space<vmem>>, vector<1x18x320xf32>,
    %get3A_257 = arith.constant 19 : index
    %get3A_258 = arith.constant 0 : index
    %get3A_259 = arith.constant 0 : index
    %get3A_260 = vector.load %arg1[%get3A_257, %get3A_258, %get3A_259] : memref<32x16x320xf32, #tpu.memory_space<vmem>>, vector<1x16x320xf32>
    %get3A_261 = vector.shape_cast %get3A_260 : vector<1x16x320xf32> to vector<16x320xf32>
    %dot_general3A_262 = arith.constant dense<0.000000e+00> : vector<18x320xf32>
    %dot_general3A_263 = tpu.matmul %concatenate3A, %get3A_261, %dot_general3A_262 {dimension_numbers = #tpu.dot_dimension_numbers<[0], [0], [1], [1], [0, 1, 1, 1], [], []>, transpose_lhs_hint = false} : vector<16x18xf32>, vector<16x320xf32>, vector<18x320xf32> -> vector<18x320xf32>
    %swap3A_264 = arith.constant 19 : index
    %swap3A_265 = arith.constant 0 : index
    %swap3A_266 = arith.constant 0 : index
    %swap3A_267 = vector.load %arg4[%swap3A_264, %swap3A_265, %swap3A_266] : memref<32x18x320xf32, #tpu.memory_space<vmem>>, vector<1x18x320xf32>
    %swap3A_268 = vector.shape_cast %swap3A_267 : vector<1x18x320xf32> to vector<18x320xf32>
    %swap3A_269 = vector.shape_cast %dot_general3A_263 : vector<18x320xf32> to vector<1x18x320xf32>
    tpu.vector_store %arg4[%swap3A_264, %swap3A_265, %swap3A_266], %swap3A_269 {strides = array<i32>} : memref<32x18x320xf32, #tpu.memory_space<vmem>>, vector<1x18x320xf32>,
    %get3A_270 = arith.constant 20 : index
    %get3A_271 = arith.constant 0 : index
    %get3A_272 = arith.constant 0 : index
    %get3A_273 = vector.load %arg1[%get3A_270, %get3A_271, %get3A_272] : memref<32x16x320xf32, #tpu.memory_space<vmem>>, vector<1x16x320xf32>
    %get3A_274 = vector.shape_cast %get3A_273 : vector<1x16x320xf32> to vector<16x320xf32>
    %dot_general3A_275 = arith.constant dense<0.000000e+00> : vector<18x320xf32>
    %dot_general3A_276 = tpu.matmul %concatenate3A, %get3A_274, %dot_general3A_275 {dimension_numbers = #tpu.dot_dimension_numbers<[0], [0], [1], [1], [0, 1, 1, 1], [], []>, transpose_lhs_hint = false} : vector<16x18xf32>, vector<16x320xf32>, vector<18x320xf32> -> vector<18x320xf32>
    %swap3A_277 = arith.constant 20 : index
    %swap3A_278 = arith.constant 0 : index
    %swap3A_279 = arith.constant 0 : index
    %swap3A_280 = vector.load %arg4[%swap3A_277, %swap3A_278, %swap3A_279] : memref<32x18x320xf32, #tpu.memory_space<vmem>>, vector<1x18x320xf32>
    %swap3A_281 = vector.shape_cast %swap3A_280 : vector<1x18x320xf32> to vector<18x320xf32>
    %swap3A_282 = vector.shape_cast %dot_general3A_276 : vector<18x320xf32> to vector<1x18x320xf32>
    tpu.vector_store %arg4[%swap3A_277, %swap3A_278, %swap3A_279], %swap3A_282 {strides = array<i32>} : memref<32x18x320xf32, #tpu.memory_space<vmem>>, vector<1x18x320xf32>,
    %get3A_283 = arith.constant 21 : index
    %get3A_284 = arith.constant 0 : index
    %get3A_285 = arith.constant 0 : index
    %get3A_286 = vector.load %arg1[%get3A_283, %get3A_284, %get3A_285] : memref<32x16x320xf32, #tpu.memory_space<vmem>>, vector<1x16x320xf32>
    %get3A_287 = vector.shape_cast %get3A_286 : vector<1x16x320xf32> to vector<16x320xf32>
    %dot_general3A_288 = arith.constant dense<0.000000e+00> : vector<18x320xf32>
    %dot_general3A_289 = tpu.matmul %concatenate3A, %get3A_287, %dot_general3A_288 {dimension_numbers = #tpu.dot_dimension_numbers<[0], [0], [1], [1], [0, 1, 1, 1], [], []>, transpose_lhs_hint = false} : vector<16x18xf32>, vector<16x320xf32>, vector<18x320xf32> -> vector<18x320xf32>
    %swap3A_290 = arith.constant 21 : index
    %swap3A_291 = arith.constant 0 : index
    %swap3A_292 = arith.constant 0 : index
    %swap3A_293 = vector.load %arg4[%swap3A_290, %swap3A_291, %swap3A_292] : memref<32x18x320xf32, #tpu.memory_space<vmem>>, vector<1x18x320xf32>
    %swap3A_294 = vector.shape_cast %swap3A_293 : vector<1x18x320xf32> to vector<18x320xf32>
    %swap3A_295 = vector.shape_cast %dot_general3A_289 : vector<18x320xf32> to vector<1x18x320xf32>
    tpu.vector_store %arg4[%swap3A_290, %swap3A_291, %swap3A_292], %swap3A_295 {strides = array<i32>} : memref<32x18x320xf32, #tpu.memory_space<vmem>>, vector<1x18x320xf32>,
    %get3A_296 = arith.constant 22 : index
    %get3A_297 = arith.constant 0 : index
    %get3A_298 = arith.constant 0 : index
    %get3A_299 = vector.load %arg1[%get3A_296, %get3A_297, %get3A_298] : memref<32x16x320xf32, #tpu.memory_space<vmem>>, vector<1x16x320xf32>
    %get3A_300 = vector.shape_cast %get3A_299 : vector<1x16x320xf32> to vector<16x320xf32>
    %dot_general3A_301 = arith.constant dense<0.000000e+00> : vector<18x320xf32>
    %dot_general3A_302 = tpu.matmul %concatenate3A, %get3A_300, %dot_general3A_301 {dimension_numbers = #tpu.dot_dimension_numbers<[0], [0], [1], [1], [0, 1, 1, 1], [], []>, transpose_lhs_hint = false} : vector<16x18xf32>, vector<16x320xf32>, vector<18x320xf32> -> vector<18x320xf32>
    %swap3A_303 = arith.constant 22 : index
    %swap3A_304 = arith.constant 0 : index
    %swap3A_305 = arith.constant 0 : index
    %swap3A_306 = vector.load %arg4[%swap3A_303, %swap3A_304, %swap3A_305] : memref<32x18x320xf32, #tpu.memory_space<vmem>>, vector<1x18x320xf32>
    %swap3A_307 = vector.shape_cast %swap3A_306 : vector<1x18x320xf32> to vector<18x320xf32>
    %swap3A_308 = vector.shape_cast %dot_general3A_302 : vector<18x320xf32> to vector<1x18x320xf32>
    tpu.vector_store %arg4[%swap3A_303, %swap3A_304, %swap3A_305], %swap3A_308 {strides = array<i32>} : memref<32x18x320xf32, #tpu.memory_space<vmem>>, vector<1x18x320xf32>,
    %get3A_309 = arith.constant 23 : index
    %get3A_310 = arith.constant 0 : index
    %get3A_311 = arith.constant 0 : index
    %get3A_312 = vector.load %arg1[%get3A_309, %get3A_310, %get3A_311] : memref<32x16x320xf32, #tpu.memory_space<vmem>>, vector<1x16x320xf32>
    %get3A_313 = vector.shape_cast %get3A_312 : vector<1x16x320xf32> to vector<16x320xf32>
    %dot_general3A_314 = arith.constant dense<0.000000e+00> : vector<18x320xf32>
    %dot_general3A_315 = tpu.matmul %concatenate3A, %get3A_313, %dot_general3A_314 {dimension_numbers = #tpu.dot_dimension_numbers<[0], [0], [1], [1], [0, 1, 1, 1], [], []>, transpose_lhs_hint = false} : vector<16x18xf32>, vector<16x320xf32>, vector<18x320xf32> -> vector<18x320xf32>
    %swap3A_316 = arith.constant 23 : index
    %swap3A_317 = arith.constant 0 : index
    %swap3A_318 = arith.constant 0 : index
    %swap3A_319 = vector.load %arg4[%swap3A_316, %swap3A_317, %swap3A_318] : memref<32x18x320xf32, #tpu.memory_space<vmem>>, vector<1x18x320xf32>
    %swap3A_320 = vector.shape_cast %swap3A_319 : vector<1x18x320xf32> to vector<18x320xf32>
    %swap3A_321 = vector.shape_cast %dot_general3A_315 : vector<18x320xf32> to vector<1x18x320xf32>
    tpu.vector_store %arg4[%swap3A_316, %swap3A_317, %swap3A_318], %swap3A_321 {strides = array<i32>} : memref<32x18x320xf32, #tpu.memory_space<vmem>>, vector<1x18x320xf32>,
    %get3A_322 = arith.constant 24 : index
    %get3A_323 = arith.constant 0 : index
    %get3A_324 = arith.constant 0 : index
    %get3A_325 = vector.load %arg1[%get3A_322, %get3A_323, %get3A_324] : memref<32x16x320xf32, #tpu.memory_space<vmem>>, vector<1x16x320xf32>
    %get3A_326 = vector.shape_cast %get3A_325 : vector<1x16x320xf32> to vector<16x320xf32>
    %dot_general3A_327 = arith.constant dense<0.000000e+00> : vector<18x320xf32>
    %dot_general3A_328 = tpu.matmul %concatenate3A, %get3A_326, %dot_general3A_327 {dimension_numbers = #tpu.dot_dimension_numbers<[0], [0], [1], [1], [0, 1, 1, 1], [], []>, transpose_lhs_hint = false} : vector<16x18xf32>, vector<16x320xf32>, vector<18x320xf32> -> vector<18x320xf32>
    %swap3A_329 = arith.constant 24 : index
    %swap3A_330 = arith.constant 0 : index
    %swap3A_331 = arith.constant 0 : index
    %swap3A_332 = vector.load %arg4[%swap3A_329, %swap3A_330, %swap3A_331] : memref<32x18x320xf32, #tpu.memory_space<vmem>>, vector<1x18x320xf32>
    %swap3A_333 = vector.shape_cast %swap3A_332 : vector<1x18x320xf32> to vector<18x320xf32>
    %swap3A_334 = vector.shape_cast %dot_general3A_328 : vector<18x320xf32> to vector<1x18x320xf32>
    tpu.vector_store %arg4[%swap3A_329, %swap3A_330, %swap3A_331], %swap3A_334 {strides = array<i32>} : memref<32x18x320xf32, #tpu.memory_space<vmem>>, vector<1x18x320xf32>,
    %get3A_335 = arith.constant 25 : index
    %get3A_336 = arith.constant 0 : index
    %get3A_337 = arith.constant 0 : index
    %get3A_338 = vector.load %arg1[%get3A_335, %get3A_336, %get3A_337] : memref<32x16x320xf32, #tpu.memory_space<vmem>>, vector<1x16x320xf32>
    %get3A_339 = vector.shape_cast %get3A_338 : vector<1x16x320xf32> to vector<16x320xf32>
    %dot_general3A_340 = arith.constant dense<0.000000e+00> : vector<18x320xf32>
    %dot_general3A_341 = tpu.matmul %concatenate3A, %get3A_339, %dot_general3A_340 {dimension_numbers = #tpu.dot_dimension_numbers<[0], [0], [1], [1], [0, 1, 1, 1], [], []>, transpose_lhs_hint = false} : vector<16x18xf32>, vector<16x320xf32>, vector<18x320xf32> -> vector<18x320xf32>
    %swap3A_342 = arith.constant 25 : index
    %swap3A_343 = arith.constant 0 : index
    %swap3A_344 = arith.constant 0 : index
    %swap3A_345 = vector.load %arg4[%swap3A_342, %swap3A_343, %swap3A_344] : memref<32x18x320xf32, #tpu.memory_space<vmem>>, vector<1x18x320xf32>
    %swap3A_346 = vector.shape_cast %swap3A_345 : vector<1x18x320xf32> to vector<18x320xf32>
    %swap3A_347 = vector.shape_cast %dot_general3A_341 : vector<18x320xf32> to vector<1x18x320xf32>
    tpu.vector_store %arg4[%swap3A_342, %swap3A_343, %swap3A_344], %swap3A_347 {strides = array<i32>} : memref<32x18x320xf32, #tpu.memory_space<vmem>>, vector<1x18x320xf32>,
    %get3A_348 = arith.constant 26 : index
    %get3A_349 = arith.constant 0 : index
    %get3A_350 = arith.constant 0 : index
    %get3A_351 = vector.load %arg1[%get3A_348, %get3A_349, %get3A_350] : memref<32x16x320xf32, #tpu.memory_space<vmem>>, vector<1x16x320xf32>
    %get3A_352 = vector.shape_cast %get3A_351 : vector<1x16x320xf32> to vector<16x320xf32>
    %dot_general3A_353 = arith.constant dense<0.000000e+00> : vector<18x320xf32>
    %dot_general3A_354 = tpu.matmul %concatenate3A, %get3A_352, %dot_general3A_353 {dimension_numbers = #tpu.dot_dimension_numbers<[0], [0], [1], [1], [0, 1, 1, 1], [], []>, transpose_lhs_hint = false} : vector<16x18xf32>, vector<16x320xf32>, vector<18x320xf32> -> vector<18x320xf32>
    %swap3A_355 = arith.constant 26 : index
    %swap3A_356 = arith.constant 0 : index
    %swap3A_357 = arith.constant 0 : index
    %swap3A_358 = vector.load %arg4[%swap3A_355, %swap3A_356, %swap3A_357] : memref<32x18x320xf32, #tpu.memory_space<vmem>>, vector<1x18x320xf32>
    %swap3A_359 = vector.shape_cast %swap3A_358 : vector<1x18x320xf32> to vector<18x320xf32>
    %swap3A_360 = vector.shape_cast %dot_general3A_354 : vector<18x320xf32> to vector<1x18x320xf32>
    tpu.vector_store %arg4[%swap3A_355, %swap3A_356, %swap3A_357], %swap3A_360 {strides = array<i32>} : memref<32x18x320xf32, #tpu.memory_space<vmem>>, vector<1x18x320xf32>,
    %get3A_361 = arith.constant 27 : index
    %get3A_362 = arith.constant 0 : index
    %get3A_363 = arith.constant 0 : index
    %get3A_364 = vector.load %arg1[%get3A_361, %get3A_362, %get3A_363] : memref<32x16x320xf32, #tpu.memory_space<vmem>>, vector<1x16x320xf32>
    %get3A_365 = vector.shape_cast %get3A_364 : vector<1x16x320xf32> to vector<16x320xf32>
    %dot_general3A_366 = arith.constant dense<0.000000e+00> : vector<18x320xf32>
    %dot_general3A_367 = tpu.matmul %concatenate3A, %get3A_365, %dot_general3A_366 {dimension_numbers = #tpu.dot_dimension_numbers<[0], [0], [1], [1], [0, 1, 1, 1], [], []>, transpose_lhs_hint = false} : vector<16x18xf32>, vector<16x320xf32>, vector<18x320xf32> -> vector<18x320xf32>
    %swap3A_368 = arith.constant 27 : index
    %swap3A_369 = arith.constant 0 : index
    %swap3A_370 = arith.constant 0 : index
    %swap3A_371 = vector.load %arg4[%swap3A_368, %swap3A_369, %swap3A_370] : memref<32x18x320xf32, #tpu.memory_space<vmem>>, vector<1x18x320xf32>
    %swap3A_372 = vector.shape_cast %swap3A_371 : vector<1x18x320xf32> to vector<18x320xf32>
    %swap3A_373 = vector.shape_cast %dot_general3A_367 : vector<18x320xf32> to vector<1x18x320xf32>
    tpu.vector_store %arg4[%swap3A_368, %swap3A_369, %swap3A_370], %swap3A_373 {strides = array<i32>} : memref<32x18x320xf32, #tpu.memory_space<vmem>>, vector<1x18x320xf32>,
    %get3A_374 = arith.constant 28 : index
    %get3A_375 = arith.constant 0 : index
    %get3A_376 = arith.constant 0 : index
    %get3A_377 = vector.load %arg1[%get3A_374, %get3A_375, %get3A_376] : memref<32x16x320xf32, #tpu.memory_space<vmem>>, vector<1x16x320xf32>
    %get3A_378 = vector.shape_cast %get3A_377 : vector<1x16x320xf32> to vector<16x320xf32>
    %dot_general3A_379 = arith.constant dense<0.000000e+00> : vector<18x320xf32>
    %dot_general3A_380 = tpu.matmul %concatenate3A, %get3A_378, %dot_general3A_379 {dimension_numbers = #tpu.dot_dimension_numbers<[0], [0], [1], [1], [0, 1, 1, 1], [], []>, transpose_lhs_hint = false} : vector<16x18xf32>, vector<16x320xf32>, vector<18x320xf32> -> vector<18x320xf32>
    %swap3A_381 = arith.constant 28 : index
    %swap3A_382 = arith.constant 0 : index
    %swap3A_383 = arith.constant 0 : index
    %swap3A_384 = vector.load %arg4[%swap3A_381, %swap3A_382, %swap3A_383] : memref<32x18x320xf32, #tpu.memory_space<vmem>>, vector<1x18x320xf32>
    %swap3A_385 = vector.shape_cast %swap3A_384 : vector<1x18x320xf32> to vector<18x320xf32>
    %swap3A_386 = vector.shape_cast %dot_general3A_380 : vector<18x320xf32> to vector<1x18x320xf32>
    tpu.vector_store %arg4[%swap3A_381, %swap3A_382, %swap3A_383], %swap3A_386 {strides = array<i32>} : memref<32x18x320xf32, #tpu.memory_space<vmem>>, vector<1x18x320xf32>,
    %get3A_387 = arith.constant 29 : index
    %get3A_388 = arith.constant 0 : index
    %get3A_389 = arith.constant 0 : index
    %get3A_390 = vector.load %arg1[%get3A_387, %get3A_388, %get3A_389] : memref<32x16x320xf32, #tpu.memory_space<vmem>>, vector<1x16x320xf32>
    %get3A_391 = vector.shape_cast %get3A_390 : vector<1x16x320xf32> to vector<16x320xf32>
    %dot_general3A_392 = arith.constant dense<0.000000e+00> : vector<18x320xf32>
    %dot_general3A_393 = tpu.matmul %concatenate3A, %get3A_391, %dot_general3A_392 {dimension_numbers = #tpu.dot_dimension_numbers<[0], [0], [1], [1], [0, 1, 1, 1], [], []>, transpose_lhs_hint = false} : vector<16x18xf32>, vector<16x320xf32>, vector<18x320xf32> -> vector<18x320xf32>
    %swap3A_394 = arith.constant 29 : index
    %swap3A_395 = arith.constant 0 : index
    %swap3A_396 = arith.constant 0 : index
    %swap3A_397 = vector.load %arg4[%swap3A_394, %swap3A_395, %swap3A_396] : memref<32x18x320xf32, #tpu.memory_space<vmem>>, vector<1x18x320xf32>
    %swap3A_398 = vector.shape_cast %swap3A_397 : vector<1x18x320xf32> to vector<18x320xf32>
    %swap3A_399 = vector.shape_cast %dot_general3A_393 : vector<18x320xf32> to vector<1x18x320xf32>
    tpu.vector_store %arg4[%swap3A_394, %swap3A_395, %swap3A_396], %swap3A_399 {strides = array<i32>} : memref<32x18x320xf32, #tpu.memory_space<vmem>>, vector<1x18x320xf32>,
    %get3A_400 = arith.constant 30 : index
    %get3A_401 = arith.constant 0 : index
    %get3A_402 = arith.constant 0 : index
    %get3A_403 = vector.load %arg1[%get3A_400, %get3A_401, %get3A_402] : memref<32x16x320xf32, #tpu.memory_space<vmem>>, vector<1x16x320xf32>
    %get3A_404 = vector.shape_cast %get3A_403 : vector<1x16x320xf32> to vector<16x320xf32>
    %dot_general3A_405 = arith.constant dense<0.000000e+00> : vector<18x320xf32>
    %dot_general3A_406 = tpu.matmul %concatenate3A, %get3A_404, %dot_general3A_405 {dimension_numbers = #tpu.dot_dimension_numbers<[0], [0], [1], [1], [0, 1, 1, 1], [], []>, transpose_lhs_hint = false} : vector<16x18xf32>, vector<16x320xf32>, vector<18x320xf32> -> vector<18x320xf32>
    %swap3A_407 = arith.constant 30 : index
    %swap3A_408 = arith.constant 0 : index
    %swap3A_409 = arith.constant 0 : index
    %swap3A_410 = vector.load %arg4[%swap3A_407, %swap3A_408, %swap3A_409] : memref<32x18x320xf32, #tpu.memory_space<vmem>>, vector<1x18x320xf32>
    %swap3A_411 = vector.shape_cast %swap3A_410 : vector<1x18x320xf32> to vector<18x320xf32>
    %swap3A_412 = vector.shape_cast %dot_general3A_406 : vector<18x320xf32> to vector<1x18x320xf32>
    tpu.vector_store %arg4[%swap3A_407, %swap3A_408, %swap3A_409], %swap3A_412 {strides = array<i32>} : memref<32x18x320xf32, #tpu.memory_space<vmem>>, vector<1x18x320xf32>,
    %get3A_413 = arith.constant 31 : index
    %get3A_414 = arith.constant 0 : index
    %get3A_415 = arith.constant 0 : index
    %get3A_416 = vector.load %arg1[%get3A_413, %get3A_414, %get3A_415] : memref<32x16x320xf32, #tpu.memory_space<vmem>>, vector<1x16x320xf32>
    %get3A_417 = vector.shape_cast %get3A_416 : vector<1x16x320xf32> to vector<16x320xf32>
    %dot_general3A_418 = arith.constant dense<0.000000e+00> : vector<18x320xf32>
    %dot_general3A_419 = tpu.matmul %concatenate3A, %get3A_417, %dot_general3A_418 {dimension_numbers = #tpu.dot_dimension_numbers<[0], [0], [1], [1], [0, 1, 1, 1], [], []>, transpose_lhs_hint = false} : vector<16x18xf32>, vector<16x320xf32>, vector<18x320xf32> -> vector<18x320xf32>
    %swap3A_420 = arith.constant 31 : index
    %swap3A_421 = arith.constant 0 : index
    %swap3A_422 = arith.constant 0 : index
    %swap3A_423 = vector.load %arg4[%swap3A_420, %swap3A_421, %swap3A_422] : memref<32x18x320xf32, #tpu.memory_space<vmem>>, vector<1x18x320xf32>
    %swap3A_424 = vector.shape_cast %swap3A_423 : vector<1x18x320xf32> to vector<18x320xf32>
    %swap3A_425 = vector.shape_cast %dot_general3A_419 : vector<18x320xf32> to vector<1x18x320xf32>
    tpu.vector_store %arg4[%swap3A_420, %swap3A_421, %swap3A_422], %swap3A_425 {strides = array<i32>} : memref<32x18x320xf32, #tpu.memory_space<vmem>>, vector<1x18x320xf32>,
    return
  }
  func.func @transform_0(%arg0: i32) -> (i32, i32, i32) {
    %c0_i32 = arith.constant 0 : i32
    %c0_i32_0 = arith.constant 0 : i32
    %c0_i32_1 = arith.constant 0 : i32
    return %arg0, %c0_i32, %c0_i32_0 : i32, i32, i32
  }
  func.func @transform_1(%arg0: i32) -> (i32, i32) {
    %c0_i32 = arith.constant 0 : i32
    %c0_i32_0 = arith.constant 0 : i32
    %c0_i32_1 = arith.constant 0 : i32
    return %c0_i32, %c0_i32_0 : i32, i32
  }
  func.func @transform_2(%arg0: i32) -> (i32, i32) {
    %c0_i32 = arith.constant 0 : i32
    %c0_i32_0 = arith.constant 0 : i32
    %c0_i32_1 = arith.constant 0 : i32
    return %c0_i32, %c0_i32_0 : i32, i32
  }
  func.func @transform_3(%arg0: i32) -> (i32, i32, i32) {
    %c0_i32 = arith.constant 0 : i32
    %c0_i32_0 = arith.constant 0 : i32
    %c0_i32_1 = arith.constant 0 : i32
    return %arg0, %c0_i32, %c0_i32_0 : i32, i32, i32
  }
}

module attributes {stable_mosaic.version = 14 : i64} {
  func.func @_gat_attn_tc_kernel(%arg0: i32, %arg1: memref<4x307x16xf32, #tpu.memory_space<vmem>>, %arg2: memref<307x307xf32, #tpu.memory_space<vmem>>, %arg3: memref<16x16xf32, #tpu.memory_space<vmem>>, %arg4: memref<2x16xf32, #tpu.memory_space<vmem>>, %arg5: memref<4x307x16xf32, #tpu.memory_space<vmem>>) attributes {dimension_semantics = [#tpu.dimension_semantics<arbitrary>], iteration_bounds = array<i64: 64>, scalar_prefetch = 0 : i64, scratch_operands = 0 : i64, tpu.core_type = #tpu.core_type<tc>, window_params = [{transform_indices = @transform_0, window_bounds = array<i64: 4, 307, 16>}, {pipeline_mode = #tpu.pipeline_mode<synchronous>, transform_indices = @transform_1, window_bounds = array<i64: 307, 307>}, {pipeline_mode = #tpu.pipeline_mode<synchronous>, transform_indices = @transform_2, window_bounds = array<i64: 16, 16>}, {pipeline_mode = #tpu.pipeline_mode<synchronous>, transform_indices = @transform_3, window_bounds = array<i64: 2, 16>}, {transform_indices = @transform_4, window_bounds = array<i64: 4, 307, 16>}]} {
    %get3A = arith.constant 0 : index
    %get3A_0 = arith.constant 0 : index
    %get3A_1 = vector.load %arg3[%get3A, %get3A_0] : memref<16x16xf32, #tpu.memory_space<vmem>>, vector<16x16xf32>
    %get3A_2 = arith.constant 0 : index
    %get3A_3 = arith.constant 0 : index
    %get3A_4 = vector.load %arg4[%get3A_2, %get3A_3] : memref<2x16xf32, #tpu.memory_space<vmem>>, vector<1x16xf32>
    %get3A_5 = arith.constant 1 : index
    %get3A_6 = arith.constant 0 : index
    %get3A_7 = vector.load %arg4[%get3A_5, %get3A_6] : memref<2x16xf32, #tpu.memory_space<vmem>>, vector<1x16xf32>
    %get3A_8 = arith.constant 0 : index
    %get3A_9 = arith.constant 0 : index
    %get3A_10 = vector.load %arg2[%get3A_8, %get3A_9] : memref<307x307xf32, #tpu.memory_space<vmem>>, vector<307x307xf32>
    %get3A_11 = arith.constant 0 : index
    %get3A_12 = arith.constant 0 : index
    %get3A_13 = arith.constant 0 : index
    %get3A_14 = vector.load %arg1[%get3A_11, %get3A_12, %get3A_13] : memref<4x307x16xf32, #tpu.memory_space<vmem>>, vector<1x307x16xf32>
    %get3A_15 = vector.shape_cast %get3A_14 : vector<1x307x16xf32> to vector<307x16xf32>
    %dot_general3A = arith.constant dense<0.000000e+00> : vector<307x16xf32>
    %dot_general3A_16 = tpu.matmul %get3A_15, %get3A_1, %dot_general3A {dimension_numbers = #tpu.dot_dimension_numbers<[1], [0], [0], [1], [0, 0, 1, 1], [], []>, transpose_lhs_hint = false} : vector<307x16xf32>, vector<16x16xf32>, vector<307x16xf32> -> vector<307x16xf32>
    %mul3A = vector.broadcast %get3A_4 : vector<1x16xf32> to vector<307x16xf32>
    %mul3A_17 = arith.mulf %dot_general3A_16, %mul3A : vector<307x16xf32>
    %reduce_sum3A = arith.constant dense<0.000000e+00> : vector<307xf32>
    %reduce_sum3A_18 = vector.multi_reduction <add>, %mul3A_17, %reduce_sum3A [1] : vector<307x16xf32> to vector<307xf32>
    %broadcast_in_dim3A = vector.shape_cast %reduce_sum3A_18 : vector<307xf32> to vector<307x1xf32>
    %mul3A_19 = vector.broadcast %get3A_7 : vector<1x16xf32> to vector<307x16xf32>
    %mul3A_20 = arith.mulf %dot_general3A_16, %mul3A_19 : vector<307x16xf32>
    %reduce_sum3A_21 = arith.constant dense<0.000000e+00> : vector<307xf32>
    %reduce_sum3A_22 = vector.multi_reduction <add>, %mul3A_20, %reduce_sum3A_21 [1] : vector<307x16xf32> to vector<307xf32>
    %broadcast_in_dim3A_23 = vector.shape_cast %reduce_sum3A_22 : vector<307xf32> to vector<307x1xf32>
    %broadcast_in_dim3A_24 = arith.constant 1.000000e+00 : f32
    %broadcast_in_dim3A_25 = vector.broadcast %broadcast_in_dim3A_24 : f32 to vector<1x1xf32>
    %dot_general3A_26 = arith.constant dense<0.000000e+00> : vector<1x307xf32>
    %dot_general3A_27 = tpu.matmul %broadcast_in_dim3A_25, %broadcast_in_dim3A_23, %dot_general3A_26 {dimension_numbers = #tpu.dot_dimension_numbers<[1], [1], [0], [0], [0, 0, 1, 0], [], []>, transpose_lhs_hint = false} : vector<1x1xf32>, vector<307x1xf32>, vector<1x307xf32> -> vector<1x307xf32>
    %add3A = vector.broadcast %broadcast_in_dim3A : vector<307x1xf32> to vector<307x307xf32>
    %add3A_28 = vector.broadcast %dot_general3A_27 : vector<1x307xf32> to vector<307x307xf32>
    %add3A_29 = arith.addf %add3A, %add3A_28 : vector<307x307xf32>
    %gt3A = arith.constant 0.000000e+00 : f32
    %gt3A_30 = vector.broadcast %gt3A : f32 to vector<307x307xf32>
    %gt3A_31 = arith.cmpf ogt, %add3A_29, %gt3A_30 : vector<307x307xf32>
    %mul3A_32 = arith.constant 2.000000e-01 : f32
    %mul3A_33 = vector.broadcast %mul3A_32 : f32 to vector<307x307xf32>
    %mul3A_34 = arith.mulf %mul3A_33, %add3A_29 : vector<307x307xf32>
    %select_n3A = arith.select %gt3A_31, %add3A_29, %mul3A_34 : vector<307x307xi1>, vector<307x307xf32>
    %exp3A = math.exp %select_n3A : vector<307x307xf32>
    %mul3A_35 = arith.mulf %exp3A, %get3A_10 : vector<307x307xf32>
    %reduce_sum3A_36 = arith.constant dense<0.000000e+00> : vector<307xf32>
    %reduce_sum3A_37 = vector.multi_reduction <add>, %mul3A_35, %reduce_sum3A_36 [1] : vector<307x307xf32> to vector<307xf32>
    %broadcast_in_dim3A_38 = vector.shape_cast %reduce_sum3A_37 : vector<307xf32> to vector<307x1xf32>
    %dot_general3A_39 = arith.constant dense<0.000000e+00> : vector<307x16xf32>
    %dot_general3A_40 = tpu.matmul %mul3A_35, %dot_general3A_16, %dot_general3A_39 {dimension_numbers = #tpu.dot_dimension_numbers<[1], [0], [0], [1], [0, 0, 1, 1], [], []>, transpose_lhs_hint = false} : vector<307x307xf32>, vector<307x16xf32>, vector<307x16xf32> -> vector<307x16xf32>
    %div3A = vector.broadcast %broadcast_in_dim3A_38 : vector<307x1xf32> to vector<307x16xf32>
    %div3A_41 = arith.divf %dot_general3A_40, %div3A : vector<307x16xf32>
    %gt3A_42 = arith.constant 0.000000e+00 : f32
    %gt3A_43 = vector.broadcast %gt3A_42 : f32 to vector<307x16xf32>
    %gt3A_44 = arith.cmpf ogt, %div3A_41, %gt3A_43 : vector<307x16xf32>
    %min3A = arith.constant 0.000000e+00 : f32
    %min3A_45 = vector.broadcast %min3A : f32 to vector<307x16xf32>
    %min3A_46 = arith.minimumf %div3A_41, %min3A_45 : vector<307x16xf32>
    %exp3A_47 = math.exp %min3A_46 : vector<307x16xf32>
    %sub3A = arith.constant 1.000000e+00 : f32
    %sub3A_48 = vector.broadcast %sub3A : f32 to vector<307x16xf32>
    %sub3A_49 = arith.subf %exp3A_47, %sub3A_48 : vector<307x16xf32>
    %select_n3A_50 = arith.select %gt3A_44, %div3A_41, %sub3A_49 : vector<307x16xi1>, vector<307x16xf32>
    %swap3A = arith.constant 0 : index
    %swap3A_51 = arith.constant 0 : index
    %swap3A_52 = arith.constant 0 : index
    %swap3A_53 = vector.load %arg5[%swap3A, %swap3A_51, %swap3A_52] : memref<4x307x16xf32, #tpu.memory_space<vmem>>, vector<1x307x16xf32>
    %swap3A_54 = vector.shape_cast %swap3A_53 : vector<1x307x16xf32> to vector<307x16xf32>
    %swap3A_55 = vector.shape_cast %select_n3A_50 : vector<307x16xf32> to vector<1x307x16xf32>
    tpu.vector_store %arg5[%swap3A, %swap3A_51, %swap3A_52], %swap3A_55 {strides = array<i32>} : memref<4x307x16xf32, #tpu.memory_space<vmem>>, vector<1x307x16xf32>,
    %get3A_56 = arith.constant 1 : index
    %get3A_57 = arith.constant 0 : index
    %get3A_58 = arith.constant 0 : index
    %get3A_59 = vector.load %arg1[%get3A_56, %get3A_57, %get3A_58] : memref<4x307x16xf32, #tpu.memory_space<vmem>>, vector<1x307x16xf32>
    %get3A_60 = vector.shape_cast %get3A_59 : vector<1x307x16xf32> to vector<307x16xf32>
    %dot_general3A_61 = arith.constant dense<0.000000e+00> : vector<307x16xf32>
    %dot_general3A_62 = tpu.matmul %get3A_60, %get3A_1, %dot_general3A_61 {dimension_numbers = #tpu.dot_dimension_numbers<[1], [0], [0], [1], [0, 0, 1, 1], [], []>, transpose_lhs_hint = false} : vector<307x16xf32>, vector<16x16xf32>, vector<307x16xf32> -> vector<307x16xf32>
    %mul3A_63 = vector.broadcast %get3A_4 : vector<1x16xf32> to vector<307x16xf32>
    %mul3A_64 = arith.mulf %dot_general3A_62, %mul3A_63 : vector<307x16xf32>
    %reduce_sum3A_65 = arith.constant dense<0.000000e+00> : vector<307xf32>
    %reduce_sum3A_66 = vector.multi_reduction <add>, %mul3A_64, %reduce_sum3A_65 [1] : vector<307x16xf32> to vector<307xf32>
    %broadcast_in_dim3A_67 = vector.shape_cast %reduce_sum3A_66 : vector<307xf32> to vector<307x1xf32>
    %mul3A_68 = vector.broadcast %get3A_7 : vector<1x16xf32> to vector<307x16xf32>
    %mul3A_69 = arith.mulf %dot_general3A_62, %mul3A_68 : vector<307x16xf32>
    %reduce_sum3A_70 = arith.constant dense<0.000000e+00> : vector<307xf32>
    %reduce_sum3A_71 = vector.multi_reduction <add>, %mul3A_69, %reduce_sum3A_70 [1] : vector<307x16xf32> to vector<307xf32>
    %broadcast_in_dim3A_72 = vector.shape_cast %reduce_sum3A_71 : vector<307xf32> to vector<307x1xf32>
    %broadcast_in_dim3A_73 = arith.constant 1.000000e+00 : f32
    %broadcast_in_dim3A_74 = vector.broadcast %broadcast_in_dim3A_73 : f32 to vector<1x1xf32>
    %dot_general3A_75 = arith.constant dense<0.000000e+00> : vector<1x307xf32>
    %dot_general3A_76 = tpu.matmul %broadcast_in_dim3A_74, %broadcast_in_dim3A_72, %dot_general3A_75 {dimension_numbers = #tpu.dot_dimension_numbers<[1], [1], [0], [0], [0, 0, 1, 0], [], []>, transpose_lhs_hint = false} : vector<1x1xf32>, vector<307x1xf32>, vector<1x307xf32> -> vector<1x307xf32>
    %add3A_77 = vector.broadcast %broadcast_in_dim3A_67 : vector<307x1xf32> to vector<307x307xf32>
    %add3A_78 = vector.broadcast %dot_general3A_76 : vector<1x307xf32> to vector<307x307xf32>
    %add3A_79 = arith.addf %add3A_77, %add3A_78 : vector<307x307xf32>
    %gt3A_80 = arith.constant 0.000000e+00 : f32
    %gt3A_81 = vector.broadcast %gt3A_80 : f32 to vector<307x307xf32>
    %gt3A_82 = arith.cmpf ogt, %add3A_79, %gt3A_81 : vector<307x307xf32>
    %mul3A_83 = arith.constant 2.000000e-01 : f32
    %mul3A_84 = vector.broadcast %mul3A_83 : f32 to vector<307x307xf32>
    %mul3A_85 = arith.mulf %mul3A_84, %add3A_79 : vector<307x307xf32>
    %select_n3A_86 = arith.select %gt3A_82, %add3A_79, %mul3A_85 : vector<307x307xi1>, vector<307x307xf32>
    %exp3A_87 = math.exp %select_n3A_86 : vector<307x307xf32>
    %mul3A_88 = arith.mulf %exp3A_87, %get3A_10 : vector<307x307xf32>
    %reduce_sum3A_89 = arith.constant dense<0.000000e+00> : vector<307xf32>
    %reduce_sum3A_90 = vector.multi_reduction <add>, %mul3A_88, %reduce_sum3A_89 [1] : vector<307x307xf32> to vector<307xf32>
    %broadcast_in_dim3A_91 = vector.shape_cast %reduce_sum3A_90 : vector<307xf32> to vector<307x1xf32>
    %dot_general3A_92 = arith.constant dense<0.000000e+00> : vector<307x16xf32>
    %dot_general3A_93 = tpu.matmul %mul3A_88, %dot_general3A_62, %dot_general3A_92 {dimension_numbers = #tpu.dot_dimension_numbers<[1], [0], [0], [1], [0, 0, 1, 1], [], []>, transpose_lhs_hint = false} : vector<307x307xf32>, vector<307x16xf32>, vector<307x16xf32> -> vector<307x16xf32>
    %div3A_94 = vector.broadcast %broadcast_in_dim3A_91 : vector<307x1xf32> to vector<307x16xf32>
    %div3A_95 = arith.divf %dot_general3A_93, %div3A_94 : vector<307x16xf32>
    %gt3A_96 = arith.constant 0.000000e+00 : f32
    %gt3A_97 = vector.broadcast %gt3A_96 : f32 to vector<307x16xf32>
    %gt3A_98 = arith.cmpf ogt, %div3A_95, %gt3A_97 : vector<307x16xf32>
    %min3A_99 = arith.constant 0.000000e+00 : f32
    %min3A_100 = vector.broadcast %min3A_99 : f32 to vector<307x16xf32>
    %min3A_101 = arith.minimumf %div3A_95, %min3A_100 : vector<307x16xf32>
    %exp3A_102 = math.exp %min3A_101 : vector<307x16xf32>
    %sub3A_103 = arith.constant 1.000000e+00 : f32
    %sub3A_104 = vector.broadcast %sub3A_103 : f32 to vector<307x16xf32>
    %sub3A_105 = arith.subf %exp3A_102, %sub3A_104 : vector<307x16xf32>
    %select_n3A_106 = arith.select %gt3A_98, %div3A_95, %sub3A_105 : vector<307x16xi1>, vector<307x16xf32>
    %swap3A_107 = arith.constant 1 : index
    %swap3A_108 = arith.constant 0 : index
    %swap3A_109 = arith.constant 0 : index
    %swap3A_110 = vector.load %arg5[%swap3A_107, %swap3A_108, %swap3A_109] : memref<4x307x16xf32, #tpu.memory_space<vmem>>, vector<1x307x16xf32>
    %swap3A_111 = vector.shape_cast %swap3A_110 : vector<1x307x16xf32> to vector<307x16xf32>
    %swap3A_112 = vector.shape_cast %select_n3A_106 : vector<307x16xf32> to vector<1x307x16xf32>
    tpu.vector_store %arg5[%swap3A_107, %swap3A_108, %swap3A_109], %swap3A_112 {strides = array<i32>} : memref<4x307x16xf32, #tpu.memory_space<vmem>>, vector<1x307x16xf32>,
    %get3A_113 = arith.constant 2 : index
    %get3A_114 = arith.constant 0 : index
    %get3A_115 = arith.constant 0 : index
    %get3A_116 = vector.load %arg1[%get3A_113, %get3A_114, %get3A_115] : memref<4x307x16xf32, #tpu.memory_space<vmem>>, vector<1x307x16xf32>
    %get3A_117 = vector.shape_cast %get3A_116 : vector<1x307x16xf32> to vector<307x16xf32>
    %dot_general3A_118 = arith.constant dense<0.000000e+00> : vector<307x16xf32>
    %dot_general3A_119 = tpu.matmul %get3A_117, %get3A_1, %dot_general3A_118 {dimension_numbers = #tpu.dot_dimension_numbers<[1], [0], [0], [1], [0, 0, 1, 1], [], []>, transpose_lhs_hint = false} : vector<307x16xf32>, vector<16x16xf32>, vector<307x16xf32> -> vector<307x16xf32>
    %mul3A_120 = vector.broadcast %get3A_4 : vector<1x16xf32> to vector<307x16xf32>
    %mul3A_121 = arith.mulf %dot_general3A_119, %mul3A_120 : vector<307x16xf32>
    %reduce_sum3A_122 = arith.constant dense<0.000000e+00> : vector<307xf32>
    %reduce_sum3A_123 = vector.multi_reduction <add>, %mul3A_121, %reduce_sum3A_122 [1] : vector<307x16xf32> to vector<307xf32>
    %broadcast_in_dim3A_124 = vector.shape_cast %reduce_sum3A_123 : vector<307xf32> to vector<307x1xf32>
    %mul3A_125 = vector.broadcast %get3A_7 : vector<1x16xf32> to vector<307x16xf32>
    %mul3A_126 = arith.mulf %dot_general3A_119, %mul3A_125 : vector<307x16xf32>
    %reduce_sum3A_127 = arith.constant dense<0.000000e+00> : vector<307xf32>
    %reduce_sum3A_128 = vector.multi_reduction <add>, %mul3A_126, %reduce_sum3A_127 [1] : vector<307x16xf32> to vector<307xf32>
    %broadcast_in_dim3A_129 = vector.shape_cast %reduce_sum3A_128 : vector<307xf32> to vector<307x1xf32>
    %broadcast_in_dim3A_130 = arith.constant 1.000000e+00 : f32
    %broadcast_in_dim3A_131 = vector.broadcast %broadcast_in_dim3A_130 : f32 to vector<1x1xf32>
    %dot_general3A_132 = arith.constant dense<0.000000e+00> : vector<1x307xf32>
    %dot_general3A_133 = tpu.matmul %broadcast_in_dim3A_131, %broadcast_in_dim3A_129, %dot_general3A_132 {dimension_numbers = #tpu.dot_dimension_numbers<[1], [1], [0], [0], [0, 0, 1, 0], [], []>, transpose_lhs_hint = false} : vector<1x1xf32>, vector<307x1xf32>, vector<1x307xf32> -> vector<1x307xf32>
    %add3A_134 = vector.broadcast %broadcast_in_dim3A_124 : vector<307x1xf32> to vector<307x307xf32>
    %add3A_135 = vector.broadcast %dot_general3A_133 : vector<1x307xf32> to vector<307x307xf32>
    %add3A_136 = arith.addf %add3A_134, %add3A_135 : vector<307x307xf32>
    %gt3A_137 = arith.constant 0.000000e+00 : f32
    %gt3A_138 = vector.broadcast %gt3A_137 : f32 to vector<307x307xf32>
    %gt3A_139 = arith.cmpf ogt, %add3A_136, %gt3A_138 : vector<307x307xf32>
    %mul3A_140 = arith.constant 2.000000e-01 : f32
    %mul3A_141 = vector.broadcast %mul3A_140 : f32 to vector<307x307xf32>
    %mul3A_142 = arith.mulf %mul3A_141, %add3A_136 : vector<307x307xf32>
    %select_n3A_143 = arith.select %gt3A_139, %add3A_136, %mul3A_142 : vector<307x307xi1>, vector<307x307xf32>
    %exp3A_144 = math.exp %select_n3A_143 : vector<307x307xf32>
    %mul3A_145 = arith.mulf %exp3A_144, %get3A_10 : vector<307x307xf32>
    %reduce_sum3A_146 = arith.constant dense<0.000000e+00> : vector<307xf32>
    %reduce_sum3A_147 = vector.multi_reduction <add>, %mul3A_145, %reduce_sum3A_146 [1] : vector<307x307xf32> to vector<307xf32>
    %broadcast_in_dim3A_148 = vector.shape_cast %reduce_sum3A_147 : vector<307xf32> to vector<307x1xf32>
    %dot_general3A_149 = arith.constant dense<0.000000e+00> : vector<307x16xf32>
    %dot_general3A_150 = tpu.matmul %mul3A_145, %dot_general3A_119, %dot_general3A_149 {dimension_numbers = #tpu.dot_dimension_numbers<[1], [0], [0], [1], [0, 0, 1, 1], [], []>, transpose_lhs_hint = false} : vector<307x307xf32>, vector<307x16xf32>, vector<307x16xf32> -> vector<307x16xf32>
    %div3A_151 = vector.broadcast %broadcast_in_dim3A_148 : vector<307x1xf32> to vector<307x16xf32>
    %div3A_152 = arith.divf %dot_general3A_150, %div3A_151 : vector<307x16xf32>
    %gt3A_153 = arith.constant 0.000000e+00 : f32
    %gt3A_154 = vector.broadcast %gt3A_153 : f32 to vector<307x16xf32>
    %gt3A_155 = arith.cmpf ogt, %div3A_152, %gt3A_154 : vector<307x16xf32>
    %min3A_156 = arith.constant 0.000000e+00 : f32
    %min3A_157 = vector.broadcast %min3A_156 : f32 to vector<307x16xf32>
    %min3A_158 = arith.minimumf %div3A_152, %min3A_157 : vector<307x16xf32>
    %exp3A_159 = math.exp %min3A_158 : vector<307x16xf32>
    %sub3A_160 = arith.constant 1.000000e+00 : f32
    %sub3A_161 = vector.broadcast %sub3A_160 : f32 to vector<307x16xf32>
    %sub3A_162 = arith.subf %exp3A_159, %sub3A_161 : vector<307x16xf32>
    %select_n3A_163 = arith.select %gt3A_155, %div3A_152, %sub3A_162 : vector<307x16xi1>, vector<307x16xf32>
    %swap3A_164 = arith.constant 2 : index
    %swap3A_165 = arith.constant 0 : index
    %swap3A_166 = arith.constant 0 : index
    %swap3A_167 = vector.load %arg5[%swap3A_164, %swap3A_165, %swap3A_166] : memref<4x307x16xf32, #tpu.memory_space<vmem>>, vector<1x307x16xf32>
    %swap3A_168 = vector.shape_cast %swap3A_167 : vector<1x307x16xf32> to vector<307x16xf32>
    %swap3A_169 = vector.shape_cast %select_n3A_163 : vector<307x16xf32> to vector<1x307x16xf32>
    tpu.vector_store %arg5[%swap3A_164, %swap3A_165, %swap3A_166], %swap3A_169 {strides = array<i32>} : memref<4x307x16xf32, #tpu.memory_space<vmem>>, vector<1x307x16xf32>,
    %get3A_170 = arith.constant 3 : index
    %get3A_171 = arith.constant 0 : index
    %get3A_172 = arith.constant 0 : index
    %get3A_173 = vector.load %arg1[%get3A_170, %get3A_171, %get3A_172] : memref<4x307x16xf32, #tpu.memory_space<vmem>>, vector<1x307x16xf32>
    %get3A_174 = vector.shape_cast %get3A_173 : vector<1x307x16xf32> to vector<307x16xf32>
    %dot_general3A_175 = arith.constant dense<0.000000e+00> : vector<307x16xf32>
    %dot_general3A_176 = tpu.matmul %get3A_174, %get3A_1, %dot_general3A_175 {dimension_numbers = #tpu.dot_dimension_numbers<[1], [0], [0], [1], [0, 0, 1, 1], [], []>, transpose_lhs_hint = false} : vector<307x16xf32>, vector<16x16xf32>, vector<307x16xf32> -> vector<307x16xf32>
    %mul3A_177 = vector.broadcast %get3A_4 : vector<1x16xf32> to vector<307x16xf32>
    %mul3A_178 = arith.mulf %dot_general3A_176, %mul3A_177 : vector<307x16xf32>
    %reduce_sum3A_179 = arith.constant dense<0.000000e+00> : vector<307xf32>
    %reduce_sum3A_180 = vector.multi_reduction <add>, %mul3A_178, %reduce_sum3A_179 [1] : vector<307x16xf32> to vector<307xf32>
    %broadcast_in_dim3A_181 = vector.shape_cast %reduce_sum3A_180 : vector<307xf32> to vector<307x1xf32>
    %mul3A_182 = vector.broadcast %get3A_7 : vector<1x16xf32> to vector<307x16xf32>
    %mul3A_183 = arith.mulf %dot_general3A_176, %mul3A_182 : vector<307x16xf32>
    %reduce_sum3A_184 = arith.constant dense<0.000000e+00> : vector<307xf32>
    %reduce_sum3A_185 = vector.multi_reduction <add>, %mul3A_183, %reduce_sum3A_184 [1] : vector<307x16xf32> to vector<307xf32>
    %broadcast_in_dim3A_186 = vector.shape_cast %reduce_sum3A_185 : vector<307xf32> to vector<307x1xf32>
    %broadcast_in_dim3A_187 = arith.constant 1.000000e+00 : f32
    %broadcast_in_dim3A_188 = vector.broadcast %broadcast_in_dim3A_187 : f32 to vector<1x1xf32>
    %dot_general3A_189 = arith.constant dense<0.000000e+00> : vector<1x307xf32>
    %dot_general3A_190 = tpu.matmul %broadcast_in_dim3A_188, %broadcast_in_dim3A_186, %dot_general3A_189 {dimension_numbers = #tpu.dot_dimension_numbers<[1], [1], [0], [0], [0, 0, 1, 0], [], []>, transpose_lhs_hint = false} : vector<1x1xf32>, vector<307x1xf32>, vector<1x307xf32> -> vector<1x307xf32>
    %add3A_191 = vector.broadcast %broadcast_in_dim3A_181 : vector<307x1xf32> to vector<307x307xf32>
    %add3A_192 = vector.broadcast %dot_general3A_190 : vector<1x307xf32> to vector<307x307xf32>
    %add3A_193 = arith.addf %add3A_191, %add3A_192 : vector<307x307xf32>
    %gt3A_194 = arith.constant 0.000000e+00 : f32
    %gt3A_195 = vector.broadcast %gt3A_194 : f32 to vector<307x307xf32>
    %gt3A_196 = arith.cmpf ogt, %add3A_193, %gt3A_195 : vector<307x307xf32>
    %mul3A_197 = arith.constant 2.000000e-01 : f32
    %mul3A_198 = vector.broadcast %mul3A_197 : f32 to vector<307x307xf32>
    %mul3A_199 = arith.mulf %mul3A_198, %add3A_193 : vector<307x307xf32>
    %select_n3A_200 = arith.select %gt3A_196, %add3A_193, %mul3A_199 : vector<307x307xi1>, vector<307x307xf32>
    %exp3A_201 = math.exp %select_n3A_200 : vector<307x307xf32>
    %mul3A_202 = arith.mulf %exp3A_201, %get3A_10 : vector<307x307xf32>
    %reduce_sum3A_203 = arith.constant dense<0.000000e+00> : vector<307xf32>
    %reduce_sum3A_204 = vector.multi_reduction <add>, %mul3A_202, %reduce_sum3A_203 [1] : vector<307x307xf32> to vector<307xf32>
    %broadcast_in_dim3A_205 = vector.shape_cast %reduce_sum3A_204 : vector<307xf32> to vector<307x1xf32>
    %dot_general3A_206 = arith.constant dense<0.000000e+00> : vector<307x16xf32>
    %dot_general3A_207 = tpu.matmul %mul3A_202, %dot_general3A_176, %dot_general3A_206 {dimension_numbers = #tpu.dot_dimension_numbers<[1], [0], [0], [1], [0, 0, 1, 1], [], []>, transpose_lhs_hint = false} : vector<307x307xf32>, vector<307x16xf32>, vector<307x16xf32> -> vector<307x16xf32>
    %div3A_208 = vector.broadcast %broadcast_in_dim3A_205 : vector<307x1xf32> to vector<307x16xf32>
    %div3A_209 = arith.divf %dot_general3A_207, %div3A_208 : vector<307x16xf32>
    %gt3A_210 = arith.constant 0.000000e+00 : f32
    %gt3A_211 = vector.broadcast %gt3A_210 : f32 to vector<307x16xf32>
    %gt3A_212 = arith.cmpf ogt, %div3A_209, %gt3A_211 : vector<307x16xf32>
    %min3A_213 = arith.constant 0.000000e+00 : f32
    %min3A_214 = vector.broadcast %min3A_213 : f32 to vector<307x16xf32>
    %min3A_215 = arith.minimumf %div3A_209, %min3A_214 : vector<307x16xf32>
    %exp3A_216 = math.exp %min3A_215 : vector<307x16xf32>
    %sub3A_217 = arith.constant 1.000000e+00 : f32
    %sub3A_218 = vector.broadcast %sub3A_217 : f32 to vector<307x16xf32>
    %sub3A_219 = arith.subf %exp3A_216, %sub3A_218 : vector<307x16xf32>
    %select_n3A_220 = arith.select %gt3A_212, %div3A_209, %sub3A_219 : vector<307x16xi1>, vector<307x16xf32>
    %swap3A_221 = arith.constant 3 : index
    %swap3A_222 = arith.constant 0 : index
    %swap3A_223 = arith.constant 0 : index
    %swap3A_224 = vector.load %arg5[%swap3A_221, %swap3A_222, %swap3A_223] : memref<4x307x16xf32, #tpu.memory_space<vmem>>, vector<1x307x16xf32>
    %swap3A_225 = vector.shape_cast %swap3A_224 : vector<1x307x16xf32> to vector<307x16xf32>
    %swap3A_226 = vector.shape_cast %select_n3A_220 : vector<307x16xf32> to vector<1x307x16xf32>
    tpu.vector_store %arg5[%swap3A_221, %swap3A_222, %swap3A_223], %swap3A_226 {strides = array<i32>} : memref<4x307x16xf32, #tpu.memory_space<vmem>>, vector<1x307x16xf32>,
    return
  }
  func.func @transform_0(%arg0: i32) -> (i32, i32, i32) {
    %c0_i32 = arith.constant 0 : i32
    %c0_i32_0 = arith.constant 0 : i32
    %c0_i32_1 = arith.constant 0 : i32
    return %arg0, %c0_i32, %c0_i32_0 : i32, i32, i32
  }
  func.func @transform_1(%arg0: i32) -> (i32, i32) {
    %c0_i32 = arith.constant 0 : i32
    %c0_i32_0 = arith.constant 0 : i32
    %c0_i32_1 = arith.constant 0 : i32
    return %c0_i32, %c0_i32_0 : i32, i32
  }
  func.func @transform_2(%arg0: i32) -> (i32, i32) {
    %c0_i32 = arith.constant 0 : i32
    %c0_i32_0 = arith.constant 0 : i32
    %c0_i32_1 = arith.constant 0 : i32
    return %c0_i32, %c0_i32_0 : i32, i32
  }
  func.func @transform_3(%arg0: i32) -> (i32, i32) {
    %c0_i32 = arith.constant 0 : i32
    %c0_i32_0 = arith.constant 0 : i32
    %c0_i32_1 = arith.constant 0 : i32
    return %c0_i32, %c0_i32_0 : i32, i32
  }
  func.func @transform_4(%arg0: i32) -> (i32, i32, i32) {
    %c0_i32 = arith.constant 0 : i32
    %c0_i32_0 = arith.constant 0 : i32
    %c0_i32_1 = arith.constant 0 : i32
    return %arg0, %c0_i32, %c0_i32_0 : i32, i32, i32
  }
}

</mosaic_0001>

<sc_bundles>
// kernel: kernel.5.cloned.1.call-start
scs
__scs_entry_jumppad:
0x0: {  	(pc) =	sbr.rel $0x88, $3  }
0x1: {  	(tag) =	ssettag $0x0;
	lr =	simm.s32 $0x1  }
0x2: {  	[smem:$0x3F9D] =	sst lr;
	_ =	strace $0xD0000000  }
0x3: {  	_ = 	snop  }
0x4: {  	_ = 	snop  }
0x5: {  	_ = 	snop  }
0x6: {  	_ = 	snop  }
0x7: {  	_ = 	snop  }
__scs_overlays_trampoline_lowered:
0x8: {  	[smem:$0x3FAC] =	sst s0  }
0x9: {  	[smem:$0x3FAD] =	sst s1  }
0xa: {  	[smem:$0x3FAE] =	sst s2  }
0xb: {  	[smem:$0x3FAF] =	sst s3  }
0xc: {  	[smem:$0x3FB0] =	sst s4  }
0xd: {  	[smem:$0x3FB1] =	sst s5  }
0xe: {  	[smem:$0x3FB2] =	sst s6  }
0xf: {  	[smem:$0x3FB3] =	sst s7  }
0x10: {  	[smem:$0x3FB4] =	sst s8  }
0x11: {  	[smem:$0x3FB5] =	sst s9;
	s0 =	simm.s32 @!p0 $0x0  }
0x12: {  	s1 =	sld [smem:$0x3F9B];
	s0 =	simm.s32 @p0 $0x1  }
0x13: {  	[smem:$0x3FB6] =	sst s0;
	s0 =	simm.s32 @!p1 $0x0  }
0x14: {  	s2 =	sld [smem:$0x3F9A];
	s0 =	simm.s32 @p1 $0x1  }
0x15: {  	[smem:$0x3FB7] =	sst s0;
	s0 =	simm.s32 @!p2 $0x0  }
0x16: {  	s3 =	sld [smem:$0x3FDB];
	s0 =	simm.s32 @p2 $0x1  }
0x17: {  	s4 =	simm.s32 $0x1BF5;
	[smem:$0x3FB9] =	sst s0  }
0x18: {  	s0 =	sld [smem:$0x3F9C];
	_ =	swait.ge [sflag:s4], $0x0  }
0x19: {  	s7 =	sld [smem:$0x3F9D]  }
0x1a: {  	s8 =	sadd.s32 $0xFFFFE003, lr  }
0x1b: {  	s9 =	sadd.s32 $0xFFFFFEF7, lr;
	s5 =	simm.s32 $0xFFFFFFFF;
	p2 =	slt.u32 s8, $0xFFFFF086  }
0x1c: {  	p1 =	slt.u32 s9, $0xF7A;
	s5 =	simm.s32 @!p2 $0x0  }
0x1d: {  	s5 =	simm.s32 @p1 $0x1;
	p0 =	seq.s32 s7, s2  }
0x1e: {  	s7 =	smul.u32 @!p0 $0xF7A, s2;
	p2 =	seq.s32 @!p0 s5, $0x0  }
0x1f: {  	s9 =	smul.u32 $0xF7A, s1;
	s8 =	simm.s32 @!p0 $0x1BF5;
	p2 =	por !p2, p0  }
0x20: {  	[sflag:s8] =	ssyncset.s32 @!p0 $0xFFFFF086;
	s6 =	sadd.s32 @!p0 s3, s7;
	s7 =	simm.s32 @!p0 $0x108  }
0x21: {  	s3 =	sadd.s32 s3, s9;
	s6 =	sadd.s32 @!p0 $0x88, s6;
	s7 =	simm.s32 @p2 $0x1082  }
0x22: {  	[simem:s7], [sflag:s8] =	dma.local @!p0 [hbm:s6], $0xF7A  }
0x23: {  	s9 =	sor.u32 $0xD0000000, s2;
	s6 =	simm.s32 $0x108;
	_ =	swait.ge @!p0 [sflag:s8], $0x0  }
0x24: {  	s3 =	sadd.s32 $0x88, s3;
	s6 =	simm.s32 @!p1 $0x1082;
	[sflag:s4] =	ssyncset.s32 $0xFFFFF086  }
0x25: {  	[simem:s6], [sflag:s4] =	dma.local [hbm:s3], $0xF7A  }
0x26: {  	[smem:$0x3F9D] =	sst s1;
	(tag) =	ssettag s2;
	_ =	strace s9  }
0x27: {  	s1 =	sld [smem:$0x3FAD]  }
0x28: {  	s2 =	sld [smem:$0x3FAE]  }
0x29: {  	s4 =	sld [smem:$0x3FB0]  }
0x2a: {  	p0 =	seq.s32 s5, $0x0;
	s5 =	sld [smem:$0x3FB1]  }
0x2b: {  	s6 =	sld [smem:$0x3FB2]  }
0x2c: {  	s7 =	sld [smem:$0x3FB3]  }
0x2d: {  	s3 =	simm.s32 $0x108;
	s8 =	sld [smem:$0x3FB4]  }
0x2e: {  	s3 =	simm.s32 @!p0 $0x1082;
	s9 =	sld [smem:$0x3FB5]  }
0x2f: {  	lr =	sadd.s32 s0, s3;
	s0 =	sld [smem:$0x3FAC]  }
0x30: {  	s3 =	sld [smem:$0x3FAF]  }
0x31: {  	[smem:$0x3FB8] =	sst s10  }
0x32: {  	s10 =	sld [smem:$0x3FB6];
	_ =	sdelay $0x3  }
0x33: {  	p0 =	seq.s32 s10, $0x1;
	s10 =	sld [smem:$0x3FB8];
	_ =	sdelay $0x3  }
0x34: {  	[smem:$0x3FB8] =	sst s10  }
0x35: {  	s10 =	sld [smem:$0x3FB7];
	_ =	sdelay $0x3  }
0x36: {  	p1 =	seq.s32 s10, $0x1;
	s10 =	sld [smem:$0x3FB8];
	_ =	sdelay $0x3  }
0x37: {  	[smem:$0x3FB8] =	sst s10  }
0x38: {  	s10 =	sld [smem:$0x3FB9]  }
0x39: {  	_ = 	snop;
	(pc) =	sbr.ind lr, $3  }
0x3a: {  	_ = 	snop  }
0x3b: {  	_ = 	snop  }
0x3c: {  	p2 =	seq.s32 s10, $0x1;
	s10 =	sld [smem:$0x3FB8]  }
0x3d: {  	_ =	shalt  }
0x3e: {  	_ =	shalt  }
0x3f: {  	_ =	shalt  }
0x40: {  	_ =	shalt  }
0x41: {  	_ =	shalt  }
0x42: {  	_ =	shalt  }
0x43: {  	_ =	shalt  }
0x44: {  	_ =	shalt  }
0x45: {  	_ =	shalt  }
0x46: {  	_ =	shalt  }
0x47: {  	_ =	shalt  }
0x48: {  	_ =	shalt  }
0x49: {  	_ =	shalt  }
0x4a: {  	_ =	shalt  }
0x4b: {  	_ =	shalt  }
0x4c: {  	_ =	shalt  }
0x4d: {  	_ =	shalt  }
0x4e: {  	_ =	shalt  }
0x4f: {  	_ =	shalt  }
0x50: {  	_ =	shalt  }
0x51: {  	_ =	shalt  }
0x52: {  	_ =	shalt  }
0x53: {  	_ =	shalt  }
0x54: {  	_ =	shalt  }
0x55: {  	_ =	shalt  }
0x56: {  	_ =	shalt  }
0x57: {  	_ =	shalt  }
0x58: {  	_ =	shalt  }
0x59: {  	_ =	shalt  }
0x5a: {  	_ =	shalt  }
0x5b: {  	_ =	shalt  }
0x5c: {  	_ =	shalt  }
0x5d: {  	_ =	shalt  }
0x5e: {  	_ =	shalt  }
0x5f: {  	_ =	shalt  }
0x60: {  	_ =	shalt  }
0x61: {  	_ =	shalt  }
0x62: {  	_ =	shalt  }
0x63: {  	_ =	shalt  }
0x64: {  	_ =	shalt  }
0x65: {  	_ =	shalt  }
0x66: {  	_ =	shalt  }
0x67: {  	_ =	shalt  }
0x68: {  	_ =	shalt  }
0x69: {  	_ =	shalt  }
0x6a: {  	_ =	shalt  }
0x6b: {  	_ =	shalt  }
0x6c: {  	_ =	shalt  }
0x6d: {  	_ =	shalt  }
0x6e: {  	_ =	shalt  }
0x6f: {  	_ =	shalt  }
0x70: {  	_ =	shalt  }
0x71: {  	_ =	shalt  }
0x72: {  	_ =	shalt  }
0x73: {  	_ =	shalt  }
0x74: {  	_ =	shalt  }
0x75: {  	_ =	shalt  }
0x76: {  	_ =	shalt  }
0x77: {  	_ =	shalt  }
0x78: {  	_ =	shalt  }
0x79: {  	_ =	shalt  }
0x7a: {  	_ =	shalt  }
0x7b: {  	_ =	shalt  }
0x7c: {  	_ =	shalt  }
0x7d: {  	_ =	shalt  }
0x7e: {  	_ =	shalt  }
0x7f: {  	_ =	shalt  }
0x80: {  	_ =	shalt  }
0x81: {  	_ =	shalt  }
0x82: {  	_ =	shalt  }
0x83: {  	_ =	shalt  }
0x84: {  	_ =	shalt  }
0x85: {  	_ =	shalt  }
0x86: {  	_ =	shalt  }
0x87: {  	_ =	shalt  }
.Lfunc_end0:
.L_simem_size_0:
called_computation_lowered:
.L_overlay_start_0:
0x88: {  	s2 =	sld [smem:$0x3FD9]  }
0x89: {  	s3 =	sld [smem:$0x3FFE];
	_ =	sdelay $0x1  }
0x8a: {  	s1 =	srdreg.scid  }
0x8b: {  	s0 =	sand.u32 $0x1, s1  }
0x8c: {  	s17 =	sshll.u32 s0, $0xA;
	s2 =	sadd.s32 s3, s2  }
0x8d: {  	s2 =	sadd.s32 s2, s17  }
0x8e: {  	[smem:$0x3FC4] =	sst s2  }
0x8f: {  	_ = 	snop  }
0x90: {  	s2 =	sld [smem:$0x3FD0];
	(tm) =	ssettm $0x1  }
0x91: {  	s18 =	sld [smem:$0x3FFB];
	_ =	sdelay $0x3  }
0x92: {  	_ =	strace s18  }
0x93: {  	s3 =	sld [smem:$0x3FFC];
	_ =	sdelay $0x3  }
0x94: {  	_ =	strace s3  }
0x95: {  	s3 =	sld [smem:$0x3FFD];
	_ =	sdelay $0x3  }
0x96: {  	_ =	strace s3  }
0x97: {  	_ =	strace $0x8FFFFFFF  }
0x98: {  	s19 =	sld [smem:$0x3FDB];
	_ =	sdelay $0x1  }
0x99: {  	s4 =	simm.s32 $_scs_section_size  }
0x9a: {  	s5 =	simm.s32 $_size__tile_overlayer_lowered;
	s6 =	simm.s32 $_tile_overlayer_lowered  }
0x9b: {  	s22 =	simm.s32 $0x1BFF;
	s21 =	sshll.u32 s6, $0x1;
	s3 =	sadd.s32 s4, s19  }
0x9c: {  	s7 =	simm.s32 $0x0;
	s20 =	sshll.u32 s5, $0x1;
	s5 =	sadd.s32 s21, s3  }
0x9d: {  	[timem:s7], [sflag:s22] =	dma.local [hbm:s5], s20  }
0x9e: {  	_ =	swait.ge [sflag:s22], s20  }
0x9f: {  	s4 =	ssub.s32 $0x0, s20;
	[sflag:s22] =	ssyncset.done $0x0  }
0xa0: {  	[sflag:s22] =	ssyncadd.s32 s4;
	_ =	sdelay $0x1  }
0xa1: {  	s23 =	simm.s32 $0x1B8B  }
0xa2: {  	_ =	swait.ge [sflag:s23], $0x1  }
0xa3: {  	[sflag:s23] =	ssyncset.done $0x0  }
0xa4: {  	s25 =	simm.s32 $0x1B8E;
	s24 =	sld [smem:$0x3FFE];
	[sflag:s23] =	ssyncadd.s32 $0xFFFFFFFF  }
0xa5: {  	s26 =	simm.s32 $execute0_lowered;
	[smem:$0x3FD2] =	sst s25  }
0xa6: {  	s5 =	sshll.u32 s26, $0x1;
	_ =	strace $0x80000046;
	[dreg:$0x1] =	wrdreg $0xFFFFFFFF  }
0xa7: {  	s28 =	simm.s32 $_size_execute0_lowered;
	s3 =	sadd.s32 s3, s5;
	[dreg:$0x0] =	wrdreg $0x0  }
0xa8: {  	s5 =	sshll.u32 s28, $0x1;
	[dreg:$0x2] =	wrdreg s3  }
0xa9: {  	[dreg:$0x3] =	wrdreg s5  }
0xaa: {  	[dreg:$0x4] =	wrdreg $0xC0  }
0xab: {  	_ =	task [dreg:s7], $0x5FFFF  }
0xac: {  	[dreg:$0x1] =	wrdreg $0xFFFFFFFF  }
0xad: {  	[dreg:$0x0] =	wrdreg $0x60  }
0xae: {  	[dreg:$0x2] =	wrdreg s2  }
0xaf: {  	[dreg:$0x3] =	wrdreg s24  }
0xb0: {  	[dreg:$0x4] =	wrdreg $0x9  }
0xb1: {  	_ =	task.clear_ibuf [dreg:s7], $0x5FFFF;
	_ =	strace $0x90000046  }
0xb2: {  	s29 =	simm.s32 $0x9;
	_ =	strace $0x80000048  }
0xb3: {  	_ =	swait.ge [sflag:s29], $0x1  }
0xb4: {  	[sflag:s29] =	ssyncadd.s32 $0xFFFFFFFF  }
0xb5: {  	_ =	strace $0x90000048  }
0xb6: {  	_ =	sfence  }
0xb7: {  	s30 =	sld [smem:$0x0];
	_ =	sdelay $0x2  }
0xb8: {  	s31 =	sshll.u32 s1, $0xD;
	s1 =	sshrl.u32 s1, $0x2  }
0xb9: {  	s3 =	sand.u32 $0x4000, s31;
	s1 =	sadd.s32 s1, s30  }
0xba: {  	s0 =	sor.u32 s3, s0;
	s1 =	sshll.u32 s1, $0x11  }
0xbb: {  	s0 =	sor.u32 s1, s0  }
0xbc: {  	s0 =	sadd.s32 $0x8F2B, s0  }
0xbd: {  	[sflag:s0] =	ssyncadd.remote.s32 $0x1  }
0xbe: {  	_ =	sfence.sel $0xFFFF  }
0xbf: {  	[dreg:$0x0] =	wrdreg $0xFFFFFFFF;
	(pc) =	sbr.abs _section_cstart, $3  }
0xc0: {  	[dreg:$0x1] =	wrdreg $0xFFFFFFFF  }
0xc1: {  	_ =	task.clear_ibuf [dreg:s7], $0x2FFFF;
	_ =	strace $0x9FFFFFFF  }
0xc2: {  	(tm) =	ssettm $0x7FFFFFFF  }
0xc3: {  	_ =	shalt  }
tec
execute0_lowered:
.L_overlay_start_1:
0x0: {  	(tag) =	ssettag $0x1  }
0x1: {  	s6 =	rddreg [dreg:$0x0];
	vm0 =	vmmov $0x1;
	v0 =	vimm.s32 $0x0  }
0x2: {  	s4 =	rddreg [dreg:$0x1];
	s1 =	simm.s32 $0x0;
	vm15 =	vmmov $0x7fff;
	v1 =	vimm.s32 $0x0;
	v0 =	vsel vm0, $0xFFFFFFFF, v0  }
0x3: {  	v49 =	vlaneseq.u32;
	[smem:$0x7FF] =	sst s1;
	v1 =	vsel vm15, $0xFFFFFFFF, v1;
	[tilespmem:$0x1FF00] =	vst v0  }
0x4: {  	s0 =	rddreg [dreg:$0x2];
	v50 =	vor.u32 $0x10, v49;
	_ =	strace $0x80000047;
	[tilespmem:$0x1FF10] =	vst v1  }
0x5: {  	v51 =	vor.u32 $0x20, v49;
	[tilespmem:$0x1FF20] =	vst v50  }
0x6: {  	v52 =	vor.u32 $0x30, v49;
	[tilespmem:$0x1FF30] =	vst v51  }
0x7: {  	v53 =	vor.u32 $0x40, v49;
	[tilespmem:$0x1FF40] =	vst v52  }
0x8: {  	v54 =	vor.u32 $0x50, v49;
	[tilespmem:$0x1FF50] =	vst v53  }
0x9: {  	v55 =	vor.u32 $0x60, v49;
	[tilespmem:$0x1FF60] =	vst v54  }
0xa: {  	v56 =	vor.u32 $0x70, v49;
	[tilespmem:$0x1FF70] =	vst v55  }
0xb: {  	s3 =	srdreg.scid;
	s2 =	stileid.u32;
	s11 =	simm.s32 $0x16800;
	v57 =	vor.u32 $0x80, v49;
	[tilespmem:$0x1FF80] =	vst v56  }
0xc: {  	s12 =	simm.s32 $0x17D50;
	s13 =	simm.s32 $0x0;
	s5 =	sand.u32 $0x1, s3;
	v58 =	vor.u32 $0x90, v49;
	[tilespmem:$0x1FF90] =	vst v57  }
0xd: {  	s7 =	sshrl.u32 s2, $0x1;
	s8 =	sshll.u32 s2, $0x1;
	s3 =	sadd.s32 $0x1000, s4;
	v59 =	vor.u32 $0xA0, v49;
	[tilespmem:$0x1FFA0] =	vst v58  }
.Ltmp0:
0xe: {  	v60 =	vor.u32 $0xB0, v49;
	s8 =	sor.u32 s5, s8;
	s9 =	sshll.u32 s7, $0x2;
	[tilespmem:$0x1FFB0] =	vst v59;
	(pc) =	sbr.rel .LBB2_1-.Ltmp0, $4  }
0xf: {  	v61 =	vor.u32 $0xC0, v49;
	s10 =	ssub.s32 $0x2, s5;
	s30 =	smul.u32 $0x2D00, s7;
	s29 =	ssub.s32 s8, s9;
	[tilespmem:$0x1FFC0] =	vst v60  }
0x10: {  	s4 =	sadd.s32 $0x4200, s4;
	v62 =	vor.u32 $0xD0, v49;
	s31 =	sshrl.u32 s10, $0x1;
	[tilespmem:$0x1FFD0] =	vst v61;
	s5 =	smul.u32 $0x5, s29  }
0x11: {  	v63 =	vor.u32 $0xE0, v49;
	v15 =	vor.u32 $0xF0, v49;
	v16 =	vor.u32 $0x100, v49;
	s7 =	smul.u32 $0x14000, s7;
	[tilespmem:$0x1FFE0] =	vst v62;
	s9 =	ssub.s32 s10, s31;
	s6 =	sadd.s32 s6, s30  }
0x12: {  	v17 =	vor.u32 $0x110, v49;
	v18 =	vor.u32 $0x120, v49;
	v19 =	vor.u32 $0x130, v49;
	[tilespmem:$0x1FFF0] =	vst v63;
	s10 =	simm.s32 $0x1;
	s8 =	smax.u32 s9, $0x1;
	s9 =	sadd.s32 $0x4, s5  }
.LBB2_13:
0x13: {  	s13 =	sadd.s32 $0x1, s13  }
0x14: {  	p0 =	sne.s32 s13, s8  }
.Ltmp1:
0x15: {  	_ = 	snop;
	(pc) =	sbr.rel @!p0 .LBB2_14-.Ltmp1, $1  }
0x16: {  	_ =	sdelay $0x3  }
.LBB2_1:
.Ltmp2:
0x17: {  	(pc) =	sbr.rel .LBB2_2-.Ltmp2, $4  }
0x18: {  	[tilespmem:s1], [sflag:$0x1] =	stream.linear.gather [hbm4b:s6+s1], $0x16800, $0x38;
	[tilespmem:$0x18D50] =	vst v63  }
0x19: {  	_ =	swait.ge [sflag:s10], $0x16800  }
0x1a: {  	[sflag:s10] =	ssyncset.done $0x0  }
0x1b: {  	s14 =	smov.u32 s5;
	[sflag:s10] =	ssyncadd.s32 $0xFFFE9800  }
.LBB2_12:
0x1c: {  	s15 =	sshll.u32 s14, $0xC  }
0x1d: {  	s15 =	sadd.s32 s7, s15  }
0x1e: {  	p0 =	sne.s32 s14, s9;
	s15 =	sshrl.u32 s15, $0x3  }
.Ltmp3:
0x1f: {  	s15 =	sadd.s32 s4, s15;
	(pc) =	sbr.rel @!p0 .LBB2_13-.Ltmp3, $4  }
0x20: {  	[hbm4b:s15+s1] =	stream.linear.scatter [tilespmem:s12], [sflag:$0x1], $0x1000, $0x38;
	[tilespmem:$0x18D50] =	vst v63  }
0x21: {  	_ =	swait.ge [sflag:s10], $0x1000  }
0x22: {  	s31 =	sadd.s32 $0x1, s14;
	[sflag:s10] =	ssyncset.done $0x0  }
0x23: {  	s14 =	smov.u32 s31;
	[sflag:s10] =	ssyncadd.s32 $0xFFFFF000  }
.LBB2_2:
0x24: {  	s15 =	smul.u32 $0x1400, s14;
	_ =	sdelay $0x1  }
0x25: {  	s15 =	sshrl.u32 s15, $0x3  }
.Ltmp4:
0x26: {  	s16 =	sadd.s32 s3, s15;
	s15 =	simm.s32 $0x0;
	(pc) =	sbr.rel .LBB2_3-.Ltmp4, $4  }
0x27: {  	[tilespmem:s11], [sflag:$0x1] =	stream.linear.gather [hbm4b:s16+s15], $0x1400, $0x38;
	[tilespmem:$0x18D50] =	vst v63  }
0x28: {  	_ =	swait.ge [sflag:s10], $0x1400  }
0x29: {  	[sflag:s10] =	ssyncset.done $0x0  }
0x2a: {  	s16 =	sshll.u32 s14, $0x4;
	[sflag:s10] =	ssyncadd.s32 $0xFFFFEC00  }
.LBB2_4:
0x2b: {  	v35 =	vimm.f32 $0.0e+00  }
0x2c: {  	v33 =	vimm.f32 $0.0e+00;
	v36 =	vimm.f32 $0.0e+00;
	v32 =	vimm.f32 $0.0e+00  }
0x2d: {  	v34 =	vimm.f32 $0.0e+00;
	v30 =	vimm.f32 $0.0e+00;
	v31 =	vimm.f32 $0.0e+00  }
0x2e: {  	v28 =	vimm.f32 $0.0e+00;
	v29 =	vimm.f32 $0.0e+00;
	v23 =	vimm.f32 $0.0e+00  }
0x2f: {  	v25 =	vimm.f32 $0.0e+00;
	v24 =	vimm.f32 $0.0e+00;
	v22 =	vimm.f32 $0.0e+00  }
0x30: {  	v26 =	vimm.f32 $0.0e+00;
	v27 =	vimm.f32 $0.0e+00;
	v21 =	vimm.f32 $0.0e+00  }
.LBB2_11:
0x31: {  	(erf) = vrcp.f32 v20;
	_ =	sdelay $0x8  }
0x32: {  	v0 =	vpop (erf)  }
0x33: {  	v1 =	vmul.f32 v0, v35;
	_ =	sdelay $0x1  }
0x34: {  	v48 =	vmul.f32 v33, v0;
	v2 =	vmin.f32 v1, $0.0e+00  }
0x35: {  	v2 =	vmul.f32 $1.442695020e+00, v2  }
0x36: {  	v49 =	vmul.f32 v36, v0;
	v5 =	vmul.f32 v32, v0;
	v3 =	vmin.f32 v48, $0.0e+00  }
0x37: {  	v3 =	vmul.f32 $1.442695020e+00, v3;
	(erf) = vpow2.f32 v2  }
0x38: {  	v7 =	vmul.f32 v34, v0;
	v9 =	vmul.f32 v30, v0;
	v4 =	vmin.f32 v49, $0.0e+00  }
0x39: {  	v4 =	vmul.f32 $1.442695020e+00, v4;
	(erf) = vpow2.f32 v3  }
0x3a: {  	v10 =	vmul.f32 v31, v0;
	v11 =	vmul.f32 v28, v0  }
0x3b: {  	v54 =	vmul.f32 v29, v0;
	(erf) = vpow2.f32 v4  }
0x3c: {  	v12 =	vmul.f32 v23, v0;
	v14 =	vmul.f32 v25, v0  }
0x3d: {  	v20 =	vmul.f32 v24, v0;
	v59 =	vmul.f32 v22, v0;
	v50 =	vmin.f32 v5, $0.0e+00  }
0x3e: {  	v61 =	vmul.f32 v26, v0;
	v4 =	vmul.f32 $1.442695020e+00, v50  }
0x3f: {  	v63 =	vmul.f32 v27, v0;
	v0 =	vmul.f32 v21, v0;
	v8 =	vmin.f32 v7, $0.0e+00  }
0x40: {  	vm0 =	vgt.f32 v1, $0.0e+00;
	v51 =	vmin.f32 v9, $0.0e+00;
	(erf) = vpow2.f32 v4;
	v6 =	vpop (erf)  }
0x41: {  	v53 =	vmin.f32 v10, $0.0e+00;
	v8 =	vmul.f32 $1.442695020e+00, v8;
	v6 =	vadd.f32 $-1.000000000e+00, v6  }
0x42: {  	vm13 =	vgt.f32 v48, $0.0e+00;
	v55 =	vmin.f32 v11, $0.0e+00;
	v4 =	vmul.f32 $1.442695020e+00, v51;
	v52 =	vpop (erf)  }
0x43: {  	(erf) = vpow2.f32 v8;
	v1 =	vsel vm0, v1, v6;
	v6 =	vadd.f32 $-1.000000000e+00, v52  }
0x44: {  	v56 =	vmin.f32 v54, $0.0e+00;
	v8 =	vmul.f32 $1.442695020e+00, v53;
	(erf) = vpow2.f32 v4;
	v13 =	vpop (erf)  }
0x45: {  	v13 =	vadd.f32 $-1.000000000e+00, v13;
	v2 =	vsel vm13, v48, v6;
	v6 =	vmul.f32 $1.442695020e+00, v55  }
0x46: {  	v57 =	vmin.f32 v12, $0.0e+00;
	(erf) = vpow2.f32 v8;
	v8 =	vmul.f32 $1.442695020e+00, v56  }
0x47: {  	v58 =	vmin.f32 v14, $0.0e+00;
	(erf) = vpow2.f32 v6;
	v6 =	vmul.f32 $1.442695020e+00, v57  }
0x48: {  	vm14 =	vgt.f32 v49, $0.0e+00;
	(erf) = vpow2.f32 v8;
	v8 =	vmul.f32 $1.442695020e+00, v58  }
0x49: {  	v60 =	vmin.f32 v20, $0.0e+00;
	v3 =	vsel vm14, v49, v13;
	v13 =	vpop (erf);
	(erf) = vpow2.f32 v6  }
0x4a: {  	v62 =	vmin.f32 v59, $0.0e+00;
	(erf) = vpow2.f32 v8;
	v8 =	vmul.f32 $1.442695020e+00, v60  }
0x4b: {  	v25 =	vmin.f32 v61, $0.0e+00;
	v27 =	vmin.f32 v63, $0.0e+00;
	v23 =	vmul.f32 $1.442695020e+00, v62  }
0x4c: {  	s17 =	sshll.u32 s15, $0x8;
	v28 =	vmin.f32 v0, $0.0e+00;
	v26 =	vmul.f32 $1.442695020e+00, v25;
	(erf) = vpow2.f32 v8  }
0x4d: {  	s17 =	sand.u32 $0x3FFFFF00, s17;
	vm15 =	vgt.f32 v5, $0.0e+00;
	v21 =	vmul.f32 $1.442695020e+00, v27;
	(erf) = vpow2.f32 v23  }
0x4e: {  	v30 =	vmul.f32 $1.442695020e+00, v28;
	[tilespmem:s17+$0x17D50] =	vst v1;
	v13 =	vadd.f32 $-1.000000000e+00, v13;
	v29 =	vpop (erf);
	(erf) = vpow2.f32 v26  }
0x4f: {  	vm4 =	vgt.f32 v7, $0.0e+00;
	[tilespmem:s17+$0x17D60] =	vst v2;
	v1 =	vadd.f32 $-1.000000000e+00, v29;
	v32 =	vpop (erf);
	(erf) = vpow2.f32 v21  }
0x50: {  	[tilespmem:s17+$0x17D70] =	vst v3;
	v31 =	vsel vm15, v5, v13;
	v33 =	vadd.f32 $-1.000000000e+00, v32;
	v34 =	vpop (erf);
	(erf) = vpow2.f32 v30  }
0x51: {  	vm5 =	vgt.f32 v9, $0.0e+00;
	[tilespmem:s17+$0x17D80] =	vst v31;
	v1 =	vsel vm4, v7, v1;
	v36 =	vadd.f32 $-1.000000000e+00, v34;
	v35 =	vpop (erf)  }
0x52: {  	vm6 =	vgt.f32 v10, $0.0e+00;
	[tilespmem:s17+$0x17D90] =	vst v1;
	v38 =	vsel vm5, v9, v33;
	v37 =	vpop (erf);
	v39 =	vadd.f32 $-1.000000000e+00, v35  }
0x53: {  	vm7 =	vgt.f32 v11, $0.0e+00;
	[tilespmem:s17+$0x17DA0] =	vst v38;
	v41 =	vsel vm6, v10, v36;
	v40 =	vpop (erf);
	v42 =	vadd.f32 $-1.000000000e+00, v37  }
0x54: {  	vm8 =	vgt.f32 v54, $0.0e+00;
	[tilespmem:s17+$0x17DB0] =	vst v41;
	v43 =	vpop (erf);
	v44 =	vsel vm7, v11, v39;
	v45 =	vadd.f32 $-1.000000000e+00, v40  }
0x55: {  	vm9 =	vgt.f32 v12, $0.0e+00;
	[tilespmem:s17+$0x17DC0] =	vst v44;
	v47 =	vsel vm8, v54, v42;
	v48 =	vadd.f32 $-1.000000000e+00, v43;
	v46 =	vpop (erf)  }
0x56: {  	vm10 =	vgt.f32 v14, $0.0e+00;
	[tilespmem:s17+$0x17DD0] =	vst v47;
	v50 =	vsel vm9, v12, v45;
	v49 =	vpop (erf);
	v51 =	vadd.f32 $-1.000000000e+00, v46  }
0x57: {  	s15 =	sadd.s32 $0x1, s15;
	vm11 =	vgt.f32 v20, $0.0e+00;
	[tilespmem:s17+$0x17DE0] =	vst v50;
	v53 =	vsel vm10, v14, v48;
	v52 =	vpop (erf);
	v54 =	vadd.f32 $-1.000000000e+00, v49  }
0x58: {  	p0 =	sne.s32 s15, $0x10;
	vm12 =	vgt.f32 v59, $0.0e+00;
	[tilespmem:s17+$0x17DF0] =	vst v53;
	v55 =	vpop (erf);
	v56 =	vsel vm11, v20, v51;
	v57 =	vadd.f32 $-1.000000000e+00, v52  }
.Ltmp5:
0x59: {  	vm13 =	vgt.f32 v61, $0.0e+00;
	[tilespmem:s17+$0x17E00] =	vst v56;
	v58 =	vsel vm12, v59, v54;
	v59 =	vadd.f32 $-1.000000000e+00, v55;
	v60 =	vpop (erf);
	(pc) =	sbr.rel @!p0 .LBB2_12-.Ltmp5, $4  }
0x5a: {  	vm14 =	vgt.f32 v63, $0.0e+00;
	[tilespmem:s17+$0x17E10] =	vst v58;
	v61 =	vsel vm13, v61, v57;
	v62 =	vadd.f32 $-1.000000000e+00, v60  }
0x5b: {  	vm15 =	vgt.f32 v0, $0.0e+00;
	[tilespmem:s17+$0x17E20] =	vst v61;
	v63 =	vsel vm14, v63, v59  }
0x5c: {  	[tilespmem:s17+$0x17E30] =	vst v63;
	v0 =	vsel vm15, v0, v62  }
0x5d: {  	[tilespmem:s17+$0x17E40] =	vst v0  }
.LBB2_3:
0x5e: {  	s17 =	smul.u32 $0x500, s15;
	_ =	sdelay $0x1  }
0x5f: {  	v42 =	vld [tilespmem:$0x1FF10];
	s17 =	sshra.s32 s17, $0x2  }
0x60: {  	v20 =	vld [tilespmem:s17+$0x16800]  }
0x61: {  	v21 =	vld [tilespmem:s17+$0x16810]  }
0x62: {  	v0 =	vimm.s32 $0x0;
	v5 =	vimm.s32 $0x0;
	v22 =	vld [tilespmem:s17+$0x16820]  }
0x63: {  	v6 =	vimm.s32 $0x0;
	v8 =	vimm.s32 $0x0;
	vm10 =	vcmask $0x308;
	v23 =	vld [tilespmem:s17+$0x16830]  }
0x64: {  	v9 =	vimm.s32 $0x0;
	vm12 =	vcmask $0x70C;
	vm13 =	vcmask $0xB10;
	v24 =	vld [tilespmem:s17+$0x16840]  }
0x65: {  	v7 =	vld [tilespmem:$0x1FF00];
	vm14 =	vcmask $0xF14;
	vm15 =	vcmask $0x1318;
	vm4 =	vcmask $0x171C  }
0x66: {  	vm5 =	vcmask $0x1B20;
	vm6 =	vcmask $0x1F24;
	vm7 =	vcmask $0x2328  }
0x67: {  	vm8 =	vcmask $0x272C;
	vm3 =	vnez.u8 v42;
	vm0 =	vgt.f32 v20, $0.0e+00  }
0x68: {  	v27 =	vld [tilespmem:s17+$0x16880];
	vm9 =	vgt.f32 v21, $0.0e+00;
	vm1 =	vgt.f32 v22, $0.0e+00;
	vm2 =	vgt.f32 v23, $0.0e+00  }
0x69: {  	v37 =	vld [tilespmem:s17+$0x16900];
	vm11 =	vgt.f32 v24, $0.0e+00;
	v0 =	vsel vm0, $0xFFFFFFFF, v0;
	v20 =	vmpcnt.ones.xlane vm0  }
0x6a: {  	v21 =	vld [tilespmem:s17+$0x16850];
	v25 =	vmpcnt.ones.xlane vm9;
	vm0 =	vnez.u8 v7;
	v22 =	vmpcnt.ones.xlane vm1  }
0x6b: {  	v26 =	vmpcnt.ones.xlane vm2;
	v11 =	vmpcnt.ones.xlane vm11;
	[tilespmem:$0x1FEB0] =	vst v0;
	v0 =	vsel vm9, $0xFFFFFFFF, v5  }
0x6c: {  	v23 =	vld [tilespmem:s17+$0x16860];
	[tilespmem:$0x1FEC0] =	vst v0;
	v0 =	vsel vm1, $0xFFFFFFFF, v6;
	v20 =	vnsel vm0, $0x0, v20;
	v25 =	vsel vm10, $0x0, v25  }
0x6d: {  	v10 =	vld [tilespmem:s17+$0x16870];
	v22 =	vsel vm12, $0x0, v22;
	vm12 =	vgt.f32 v27, $0.0e+00;
	[tilespmem:$0x1FED0] =	vst v0;
	v0 =	vsel vm2, $0xFFFFFFFF, v8  }
0x6e: {  	v32 =	vld [tilespmem:s17+$0x168B0];
	v20 =	vadd.s32 v20, v25;
	v33 =	vmpcnt.ones.xlane vm12;
	vm2 =	vgt.f32 v37, $0.0e+00  }
0x6f: {  	v20 =	vadd.s32 v22, v20;
	v22 =	vsel vm13, $0x0, v26;
	vm9 =	vgt.f32 v21, $0.0e+00;
	v21 =	vld [tilespmem:s17+$0x16890]  }
0x70: {  	v20 =	vadd.s32 v22, v20;
	v22 =	vsel vm14, $0x0, v11;
	v30 =	vmpcnt.ones.xlane vm9  }
0x71: {  	[tilespmem:$0x1FEE0] =	vst v0;
	v0 =	vsel vm11, $0xFFFFFFFF, v9;
	vm10 =	vgt.f32 v23, $0.0e+00;
	v20 =	vadd.s32 v22, v20;
	v22 =	vld [tilespmem:s17+$0x168A0]  }
0x72: {  	vm11 =	vgt.f32 v10, $0.0e+00;
	v31 =	vmpcnt.ones.xlane vm10;
	v23 =	vsel vm15, $0x0, v30  }
0x73: {  	vm15 =	vgt.f32 v32, $0.0e+00;
	v20 =	vadd.s32 v23, v20;
	v23 =	vmpcnt.ones.xlane vm11  }
0x74: {  	v25 =	vsel vm4, $0x0, v31;
	v24 =	vmpcnt.ones.xlane vm15;
	vm13 =	vgt.f32 v21, $0.0e+00;
	v21 =	vld [tilespmem:s17+$0x168C0]  }
0x75: {  	v35 =	vld [tilespmem:s17+$0x168D0];
	vm4 =	vcmask $0x2B30;
	v20 =	vadd.s32 v25, v20;
	v23 =	vsel vm5, $0x0, v23  }
0x76: {  	v34 =	vmpcnt.ones.xlane vm13;
	v24 =	vsel vm4, $0x0, v24;
	vm14 =	vgt.f32 v22, $0.0e+00;
	v22 =	vld [tilespmem:s17+$0x168E0]  }
0x77: {  	v20 =	vadd.s32 v23, v20;
	v23 =	vsel vm6, $0x0, v33;
	v36 =	vmpcnt.ones.xlane vm14  }
0x78: {  	vm5 =	vcmask $0x2F34;
	v20 =	vadd.s32 v23, v20;
	v23 =	vsel vm7, $0x0, v34  }
0x79: {  	v20 =	vadd.s32 v23, v20;
	v23 =	vsel vm8, $0x0, v36;
	vm7 =	vgt.f32 v21, $0.0e+00;
	v21 =	vld [tilespmem:s17+$0x168F0]  }
0x7a: {  	v40 =	vld [tilespmem:s17+$0x16920];
	vm8 =	vgt.f32 v35, $0.0e+00;
	v20 =	vadd.s32 v23, v20;
	v23 =	vmpcnt.ones.xlane vm7  }
0x7b: {  	vm4 =	vcmask $0x3338;
	v38 =	vmpcnt.ones.xlane vm8;
	vm6 =	vgt.f32 v22, $0.0e+00;
	v22 =	vld [tilespmem:s17+$0x16910]  }
0x7c: {  	v41 =	vld [tilespmem:s17+$0x16930];
	v20 =	vadd.s32 v24, v20;
	v23 =	vsel vm5, $0x0, v23;
	v39 =	vmpcnt.ones.xlane vm6  }
0x7d: {  	vm5 =	vcmask $0x373C;
	v20 =	vadd.s32 v23, v20;
	v23 =	vsel vm4, $0x0, v38  }
0x7e: {  	v20 =	vadd.s32 v23, v20;
	v23 =	vsel vm5, $0x0, v39;
	vm1 =	vgt.f32 v21, $0.0e+00  }
0x7f: {  	vm5 =	vgt.f32 v40, $0.0e+00;
	v20 =	vadd.s32 v23, v20;
	v21 =	vmpcnt.ones.xlane vm1  }
0x80: {  	v43 =	vmpcnt.ones.xlane vm5;
	vm4 =	vgt.f32 v22, $0.0e+00;
	v22 =	vmpcnt.ones.xlane vm2  }
0x81: {  	v23 =	vmpcnt.ones.xlane vm4;
	v21 =	vsel vm3, $0x0, v21;
	vm3 =	vgt.f32 v41, $0.0e+00  }
0x82: {  	v22 =	vnsel vm0, $0x0, v22;
	vm0 =	vcmask $0x308;
	v44 =	vmpcnt.ones.xlane vm3  }
0x83: {  	v20 =	vadd.s32 v21, v20;
	v23 =	vsel vm0, $0x0, v23;
	vm0 =	vcmask $0x70C  }
0x84: {  	v21 =	vadd.s32 v22, v23;
	v22 =	vsel vm0, $0x0, v43;
	vm0 =	vcmask $0xB10  }
0x85: {  	(xrf0) =	vadd.scan.msk.s32 $0xffff, v20;
	v21 =	vadd.s32 v22, v21;
	v22 =	vsel vm0, $0x0, v44  }
0x86: {  	v20 =	vadd.s32 v22, v21  }
0x87: {  	(xrf0) =	vadd.scan.msk.s32 $0xffff, v20;
	_ =	sdelay $0x3  }
0x88: {  	v20, _, _ =	vpop (xrf0)  }
0x89: {  	v21 =	vbroadcast v20, $0xF  }
0x8a: {  	v22, _, _ =	vpop (xrf0)  }
0x8b: {  	v21 =	vadd.s32 v21, v22  }
0x8c: {  	(v2sf) =	vpush v21, $0x3  }
0x8d: {  	v20 =	vadd.s32 $0x17C00, v20  }
0x8e: {  	(v2sf) =	vpush v20, $0x1  }
0x8f: {  	(v2sf) =	vpush v20, $0x0  }
0x90: {  	(v2sf) =	vpush v20, $0x3  }
0x91: {  	(v2sf) =	vpush v20, $0x2  }
0x92: {  	(v2sf) =	vpush v20, $0x5  }
0x93: {  	(v2sf) =	vpush v20, $0x4  }
0x94: {  	(v2sf) =	vpush v20, $0x7  }
0x95: {  	v46 =	vld [tilespmem:$0x1FF20];
	(v2sf) =	vpush v20, $0x6  }
0x96: {  	v48 =	vld [tilespmem:$0x1FF30];
	(v2sf) =	vpush v20, $0x9  }
0x97: {  	v50 =	vld [tilespmem:$0x1FF40];
	(v2sf) =	vpush v20, $0x8  }
0x98: {  	v1 =	vld [tilespmem:$0x1FEB0];
	(v2sf) =	vpush v20, $0xB  }
0x99: {  	v47 =	vld [tilespmem:$0x1FEC0];
	(v2sf) =	vpush v20, $0xA  }
0x9a: {  	v49 =	vld [tilespmem:$0x1FED0];
	(v2sf) =	vpush v20, $0xD  }
0x9b: {  	[tilespmem:$0x1FEF0] =	vst v0;
	v51 =	vld [tilespmem:$0x1FEE0];
	s17 =	spop (v2sf);
	(v2sf) =	vpush v20, $0xC  }
0x9c: {  	v53 =	vld [tilespmem:$0x1FEF0]  }
0x9d: {  	s18 =	simm.s32 $0x17C00;
	v45 =	vlaneseq.u32;
	v52 =	vld [tilespmem:$0x1FF50];
	vm0 =	vnez.u8 v1;
	s19 =	spop (v2sf)  }
0x9e: {  	v54 =	vld [tilespmem:$0x1FF60];
	[tilespmem:s18+$0x0] =	vst.msk vm0, v45;
	vm0 =	vnez.u8 v47;
	s20 =	spop (v2sf)  }
0x9f: {  	v55 =	vld [tilespmem:$0x1FF70];
	s21 =	spop (v2sf);
	[tilespmem:s20+$0x0] =	vst.msk vm0, v46;
	vm0 =	vnez.u8 v49  }
0xa0: {  	v56 =	vld [tilespmem:$0x1FF80];
	(v2sf) =	vpush v20, $0xF;
	s22 =	spop (v2sf);
	[tilespmem:s19+$0x0] =	vst.msk vm0, v48;
	vm0 =	vnez.u8 v51  }
0xa1: {  	v57 =	vld [tilespmem:$0x1FF90];
	(v2sf) =	vpush v20, $0xE;
	s29 =	spop (v2sf);
	[tilespmem:s22+$0x0] =	vst.msk vm0, v50;
	vm0 =	vnez.u8 v53  }
0xa2: {  	v58 =	vld [tilespmem:$0x1FFA0];
	v20 =	vadd.s32 $0x17C00, v21;
	(v2sf) =	vpush v21, $0x0;
	s30 =	spop (v2sf);
	[tilespmem:s21+$0x0] =	vst.msk vm0, v52  }
0xa3: {  	v59 =	vld [tilespmem:$0x1FFB0];
	(v2sf) =	vpush v20, $0x2;
	s31 =	spop (v2sf);
	[tilespmem:s30+$0x0] =	vst.msk vm9, v54  }
0xa4: {  	v60 =	vld [tilespmem:$0x1FFC0];
	(v2sf) =	vpush v20, $0x1;
	s23 =	spop (v2sf);
	[tilespmem:s29+$0x0] =	vst.msk vm10, v55  }
0xa5: {  	v61 =	vld [tilespmem:$0x1FFD0];
	s24 =	spop (v2sf);
	[tilespmem:s23+$0x0] =	vst.msk vm11, v56  }
0xa6: {  	v62 =	vld [tilespmem:$0x1FFE0];
	s25 =	spop (v2sf);
	[tilespmem:s31+$0x0] =	vst.msk vm12, v57  }
0xa7: {  	v63 =	vld [tilespmem:$0x1FFF0];
	p0 =	slt.u32 s17, $0x7FFFFFFF;
	s26 =	spop (v2sf);
	[tilespmem:s25+$0x0] =	vst.msk vm13, v58  }
0xa8: {  	s19 =	sadd.s32 $0x1, s17;
	s23 =	simm.s32 $0x1;
	s28 =	spop (v2sf);
	[tilespmem:s24+$0x0] =	vst.msk vm14, v59  }
0xa9: {  	s23 =	simm.s32 @!p0 $0x0;
	s24 =	sshra.s32 s19, $0x1F;
	s29 =	spop (v2sf);
	[tilespmem:s28+$0x0] =	vst.msk vm15, v60  }
0xaa: {  	s25 =	sand.u32 $0x1, s19;
	s23 =	sadd.s32 s23, s24;
	[tilespmem:s26+$0x0] =	vst.msk vm7, v61;
	s30 =	spop (v2sf)  }
0xab: {  	p1 =	seq.s32 s25, $0x1;
	p6 =	sne.s32 s23, $0x1;
	[tilespmem:s30+$0x0] =	vst.msk vm8, v62  }
0xac: {  	p0 =	por !p6, !p1;
	[tilespmem:s29+$0x0] =	vst.msk vm6, v63;
	s29 =	sshrl.u32 s19, $0x1F  }
0xad: {  	s22 =	simm.s32 $0x1;
	p0 =	por !p0, !p0;
	s19 =	sadd.s32 s29, s19  }
0xae: {  	s22 =	simm.s32 @!p0 $0x0;
	s19 =	sshra.s32 s19, $0x1  }
0xaf: {  	s31 =	spop (v2sf);
	s19 =	ssub.s32 s19, s22  }
0xb0: {  	s26 =	spop (v2sf);
	p0 =	slt.s32 s19, $0x1  }
.Ltmp6:
0xb1: {  	s28 =	spop (v2sf);
	[tilespmem:s26+$0x0] =	vst.msk vm1, v15;
	(pc) =	sbr.rel @p0 .LBB2_4-.Ltmp6, $4  }
0xb2: {  	[tilespmem:s31+$0x0] =	vst.msk vm2, v16;
	s30 =	spop (v2sf)  }
0xb3: {  	[tilespmem:s28+$0x17C00] =	vst.msk vm4, v17;
	s31 =	spop (v2sf)  }
0xb4: {  	[tilespmem:s31+$0x0] =	vst.msk vm5, v18  }
0xb5: {  	v20 =	vimm.f32 $0.0e+00;
	[tilespmem:s30+$0x0] =	vst.msk vm3, v19  }
0xb6: {  	v22 =	vld [tilespmem:s18+$0x0]  }
0xb7: {  	p1 =	sne.s32 s19, $0x1  }
.Ltmp7:
0xb8: {  	s31 =	sadd.s32 s16, s15;
	(pc) =	sbr.rel @!p1 .LBB2_6-.Ltmp7, $3  }
0xb9: {  	s18 =	smul.u32 $0x480, s31;
	_ =	sdelay $0x1  }
0xba: {  	s18 =	sshra.s32 s18, $0x2;
	(v2sf) =	vpush v22, $0x0  }
0xbb: {  	s21 =	sadd.s32 $0xFFFFFFFF, s19;
	p0 =	por $0x0, $0x0;
	v21 =	vld [tilespmem:s18+$0x100];
	s18 =	simm.s32 $0x1;
	(v2sf) =	vpush v22, $0x1  }
0xbc: {  	_ =	sdelay $0xc  }
0xbd: {  	s19 =	spop (v2sf)  }
0xbe: {  	s20 =	smul.u32 $0x480, s19  }
0xbf: {  	s22 =	simm.s32 $0x17C02  }
0xc0: {  	v30 =	vld [tilespmem:s22+$0x0];
	s20 =	sshra.s32 s20, $0x2  }
0xc1: {  	v25 =	vld [tilespmem:s20+$0x40]  }
0xc2: {  	v38 =	vld [tilespmem:s20+$0x90]  }
0xc3: {  	v31 =	vld [tilespmem:s20+$0x70]  }
0xc4: {  	v26 =	vld [tilespmem:s20+$0x20]  }
0xc5: {  	v23 =	vld [tilespmem:s20+$0x110]  }
0xc6: {  	v33 =	vld [tilespmem:s20+$0x50]  }
0xc7: {  	v27 =	vld [tilespmem:s20+$0x60]  }
0xc8: {  	v53 =	vld [tilespmem:s20+$0xD0]  }
0xc9: {  	s31 =	spop (v2sf);
	v60 =	vld [tilespmem:s20+$0xF0]  }
0xca: {  	s19 =	smul.u32 $0x120, s31;
	v59 =	vld [tilespmem:s20+$0xE0]  }
0xcb: {  	p0 =	sgt.s32 s17, $0x1;
	v58 =	vld [tilespmem:s20+$0xC0]  }
0xcc: {  	s19 =	simm.s32 @!p0 $0x0;
	v61 =	vld [tilespmem:s20+$0x80]  }
0xcd: {  	v29 =	vld [tilespmem:s19+$0x110]  }
0xce: {  	v22 =	vld [tilespmem:s19+$0x40]  }
0xcf: {  	v28 =	vld [tilespmem:s19+$0xF0];
	v32 =	vadd.f32 v23, v21  }
0xd0: {  	v45 =	vimm.f32 $0.0e+00;
	v51 =	vimm.f32 $0.0e+00;
	(v2sf) =	vpush v30, $0x0;
	v24 =	vld [tilespmem:s19+$0x80]  }
0xd1: {  	v57 =	vimm.f32 $0.0e+00;
	(v2sf) =	vpush v30, $0x1;
	v35 =	vld [tilespmem:s19+$0x50];
	v36 =	vmul.f32 $2.000000030e-01, v32  }
0xd2: {  	v56 =	vimm.f32 $0.0e+00;
	v44 =	vld [tilespmem:s19+$0xD0];
	v34 =	vadd.f32 v29, v21;
	vm0 =	vgt.f32 v32, $0.0e+00  }
0xd3: {  	v40 =	vimm.f32 $0.0e+00;
	v52 =	vimm.f32 $0.0e+00;
	v42 =	vld [tilespmem:s19+$0xB0];
	v32 =	vsel vm0, v32, v36  }
0xd4: {  	v47 =	vimm.f32 $0.0e+00;
	p2 =	sne.s32 s21, $0x1;
	v54 =	vld [tilespmem:s19+$0x60];
	v37 =	vmul.f32 $2.000000030e-01, v34;
	v32 =	vmul.f32 $1.442695020e+00, v32  }
.Ltmp8:
0xd5: {  	v49 =	vimm.f32 $0.0e+00;
	v43 =	vimm.f32 $0.0e+00;
	v30 =	vld [tilespmem:s19+$0x0];
	vm15 =	vgt.f32 v34, $0.0e+00;
	(pc) =	sbr.rel @!p2 .LBB2_8-.Ltmp8, $4  }
0xd6: {  	v50 =	vimm.f32 $0.0e+00;
	v48 =	vld [tilespmem:s19+$0xC0];
	v34 =	vsel vm15, v34, v37;
	(erf) = vpow2.f32 v32  }
0xd7: {  	v46 =	vimm.f32 $0.0e+00;
	v41 =	vimm.f32 $0.0e+00;
	v55 =	vld [tilespmem:s19+$0x10];
	v34 =	vmul.f32 $1.442695020e+00, v34  }
0xd8: {  	s23 =	sadd.s32 $0xFFFFFFFF, s21;
	v39 =	vimm.f32 $0.0e+00;
	v23 =	vld [tilespmem:s19+$0xE0];
	v36 =	vimm.f32 $0.0e+00;
	v37 =	vimm.f32 $0.0e+00  }
0xd9: {  	s21 =	simm.s32 $0x1;
	p1 =	por p0, p0;
	p0 =	por $0x1, $0x1;
	v29 =	vld [tilespmem:s19+$0x70];
	v32 =	vimm.f32 $0.0e+00;
	(erf) = vpow2.f32 v34;
	v34 =	vimm.f32 $0.0e+00  }
.LBB2_9:
0xda: {  	p2 =	sne.s32 s23, $0x1;
	s23 =	sadd.s32 $0xFFFFFFFF, s23;
	v62 =	vld [tilespmem:s19+$0x20];
	s21 =	sadd.s32 $0x2, s21  }
0xdb: {  	v63 =	vld [tilespmem:s20+$0x30]  }
0xdc: {  	v0 =	vld [tilespmem:s19+$0xA0]  }
0xdd: {  	v1 =	vld [tilespmem:s20+$0x10]  }
0xde: {  	v2 =	vld [tilespmem:s20+$0x0]  }
0xdf: {  	s24 =	spop (v2sf);
	v3 =	vld [tilespmem:s19+$0x90];
	v4 =	vpop (erf)  }
0xe0: {  	s24 =	smul.u32 $0x480, s24;
	s25 =	spop (v2sf)  }
0xe1: {  	v63 =	vmul.f32 v63, v4;
	v5 =	vld [tilespmem:s20+$0xA0];
	v60 =	vmul.f32 v60, v4;
	s25 =	smul.u32 $0x120, s25  }
0xe2: {  	v45 =	vadd.f32 v4, v45;
	v6 =	vmul.f32 v38, v4;
	v8 =	vmul.f32 v53, v4;
	v7 =	vld [tilespmem:s20+$0xB0]  }
0xe3: {  	p3 =	slt.s32 s21, s17;
	v61 =	vmul.f32 v61, v4;
	s20 =	sshra.s32 s24, $0x2;
	v1 =	vmul.f32 v4, v1;
	v53 =	vld [tilespmem:s19+$0x30];
	v51 =	vadd.f32 v60, v51;
	v38 =	vpop (erf);
	s19 =	smov.u32 s25  }
0xe4: {  	v10 =	vmul.f32 v59, v4;
	v60 =	vld [tilespmem:s20+$0x40];
	v9 =	vpsel !p1, $0x0, v38;
	v2 =	vmul.f32 v4, v2;
	p1 =	por p3, p3;
	s19 =	simm.s32 @!p3 $0x0  }
0xe5: {  	v1 =	vadd.f32 v1, v57;
	v57 =	vmul.f32 v31, v4;
	v3 =	vmul.f32 v3, v9;
	v38 =	vld [tilespmem:s20+$0x90]  }
0xe6: {  	v45 =	vadd.f32 v9, v45;
	v2 =	vadd.f32 v2, v56;
	v5 =	vmul.f32 v5, v4;
	v11 =	vld [tilespmem:s19+$0x40]  }
0xe7: {  	v6 =	vadd.f32 v6, v40;
	v56 =	vmul.f32 v33, v4;
	v7 =	vmul.f32 v7, v4;
	v31 =	vld [tilespmem:s20+$0x70]  }
0xe8: {  	v13 =	vmul.f32 v54, v9;
	v12 =	vmul.f32 v53, v9;
	v5 =	vadd.f32 v5, v52;
	v59 =	vld [tilespmem:s20+$0x20]  }
0xe9: {  	v40 =	vmul.f32 v58, v4;
	v62 =	vmul.f32 v62, v9;
	v7 =	vadd.f32 v7, v47;
	v52 =	vld [tilespmem:s20+$0x110]  }
0xea: {  	v0 =	vmul.f32 v0, v9;
	v49 =	vadd.f32 v57, v49;
	v53 =	vmul.f32 v28, v9;
	v47 =	vld [tilespmem:s19+$0x110]  }
0xeb: {  	v54 =	vmul.f32 v27, v4;
	v43 =	vadd.f32 v40, v43;
	v14 =	vmul.f32 v44, v9;
	v33 =	vld [tilespmem:s20+$0x50]  }
0xec: {  	v58 =	vmul.f32 v26, v4;
	v55 =	vmul.f32 v9, v55;
	v40 =	vadd.f32 v3, v6;
	v27 =	vld [tilespmem:s20+$0x60]  }
0xed: {  	v3 =	vmul.f32 v35, v9;
	v6 =	vadd.f32 v54, v50;
	v51 =	vadd.f32 v53, v51;
	v28 =	vld [tilespmem:s19+$0xF0];
	v26 =	vmovc v59  }
0xee: {  	s22 =	sadd.s32 $0x2, s22;
	v4 =	vmul.f32 v25, v4;
	v50 =	vmul.f32 v29, v9;
	v25 =	vmovc v60;
	v35 =	vadd.f32 v52, v21;
	v53 =	vld [tilespmem:s20+$0xD0]  }
0xef: {  	v42 =	vmul.f32 v42, v9;
	v52 =	vld [tilespmem:s22+$0x0];
	v44 =	vadd.f32 v47, v21;
	v47 =	vmul.f32 v48, v9  }
0xf0: {  	v4 =	vadd.f32 v4, v46;
	vm0 =	vgt.f32 v35, $0.0e+00;
	v48 =	vmul.f32 $2.000000030e-01, v35;
	v54 =	vld [tilespmem:s19+$0x80]  }
0xf1: {  	v41 =	vadd.f32 v61, v41;
	v46 =	vmul.f32 $2.000000030e-01, v44;
	v29 =	vld [tilespmem:s19+$0x70];
	v43 =	vadd.f32 v47, v43  }
0xf2: {  	v47 =	vadd.f32 v42, v7;
	v48 =	vsel vm0, v35, v48;
	vm0 =	vgt.f32 v44, $0.0e+00;
	v35 =	vld [tilespmem:s19+$0x50]  }
0xf3: {  	v34 =	vadd.f32 v63, v34;
	v7 =	vsel vm0, v44, v46;
	v46 =	vmul.f32 $1.442695020e+00, v48;
	v48 =	vld [tilespmem:s19+$0xE0]  }
0xf4: {  	v32 =	vadd.f32 v56, v32;
	(v2sf) =	vpush v52, $0x0;
	v7 =	vmul.f32 $1.442695020e+00, v7;
	v44 =	vld [tilespmem:s19+$0xD0]  }
0xf5: {  	v56 =	vmul.f32 v9, v30;
	(v2sf) =	vpush v52, $0x1;
	v60 =	vld [tilespmem:s20+$0xF0];
	v52 =	vadd.f32 v0, v5  }
0xf6: {  	v49 =	vadd.f32 v50, v49;
	v32 =	vadd.f32 v3, v32;
	v0 =	vmul.f32 v24, v9;
	v24 =	vmovc v54;
	v59 =	vld [tilespmem:s20+$0xE0]  }
0xf7: {  	v57 =	vadd.f32 v55, v1;
	v1 =	vmul.f32 v22, v9;
	v34 =	vadd.f32 v12, v34;
	v22 =	vmovc v11;
	v42 =	vld [tilespmem:s19+$0xB0]  }
0xf8: {  	v3 =	vmul.f32 v23, v9;
	v41 =	vadd.f32 v0, v41;
	v0 =	vadd.f32 v8, v39;
	v54 =	vld [tilespmem:s19+$0x60];
	v23 =	vmovc v48  }
.Ltmp9:
0xf9: {  	v50 =	vadd.f32 v13, v6;
	v56 =	vadd.f32 v56, v2;
	v30 =	vld [tilespmem:s19+$0x0];
	(pc) =	sbr.rel @p2 .LBB2_9-.Ltmp9, $4  }
0xfa: {  	v2 =	vadd.f32 v58, v36;
	v5 =	vadd.f32 v10, v37;
	v48 =	vld [tilespmem:s19+$0xC0];
	(erf) = vpow2.f32 v46  }
0xfb: {  	v39 =	vadd.f32 v14, v0;
	v46 =	vadd.f32 v1, v4;
	v58 =	vld [tilespmem:s20+$0xC0]  }
0xfc: {  	v36 =	vadd.f32 v62, v2;
	v37 =	vadd.f32 v3, v5;
	v55 =	vld [tilespmem:s19+$0x10]  }
0xfd: {  	v61 =	vld [tilespmem:s20+$0x80];
	(erf) = vpow2.f32 v7  }
.LBB2_10:
0xfe: {  	_ = 	snop  }
0xff: {  	v0 =	vld @p0 [tilespmem:s20+$0x30];
	_ =	sdelay $0x1  }
0x100: {  	v1 =	vld @p0 [tilespmem:s20+$0x10]  }
0x101: {  	v2 =	vld @p0 [tilespmem:s20+$0x0]  }
0x102: {  	v4 =	vpop @p0 (erf)  }
0x103: {  	v5 =	vld @p0 [tilespmem:s20+$0xA0];
	v0 =	vmul.f32 @p0 v0, v4  }
0x104: {  	v8 =	vld @p0 [tilespmem:s20+$0xB0];
	v6 =	vmul.f32 @p0 v60, v4;
	v7 =	vmul.f32 @p0 v38, v4  }
0x105: {  	v9 =	vmul.f32 @p0 v53, v4;
	v1 =	vmul.f32 @p0 v4, v1  }
0x106: {  	v12 =	vmul.f32 @p0 v61, v4;
	v2 =	vmul.f32 @p0 v4, v2  }
0x107: {  	v10 =	vadd.f32 @p0 v4, v45;
	v45 =	vmul.f32 @p0 v59, v4;
	v31 =	vmul.f32 @p0 v31, v4  }
0x108: {  	v3 =	vld @p0 [tilespmem:s19+$0x90];
	v5 =	vmul.f32 @p0 v5, v4;
	v33 =	vmul.f32 @p0 v33, v4  }
0x109: {  	v11 =	vld @p0 [tilespmem:s19+$0x30];
	v8 =	vmul.f32 @p0 v8, v4;
	v6 =	vadd.f32 @p0 v6, v51;
	v1 =	vadd.f32 @p0 v1, v57  }
0x10a: {  	v14 =	vld @p0 [tilespmem:s19+$0x20];
	s28 =	spop (v2sf);
	v27 =	vmul.f32 @p0 v27, v4;
	v2 =	vadd.f32 @p0 v2, v56;
	v7 =	vadd.f32 @p0 v7, v40  }
0x10b: {  	s29 =	smul.u32 $0x480, s28;
	v26 =	vmul.f32 @p0 v26, v4;
	v5 =	vadd.f32 @p0 v5, v52;
	v8 =	vadd.f32 @p0 v8, v47  }
0x10c: {  	p1 =	por !p1, !p0;
	v13 =	vpop @p0 (erf);
	v52 =	vmul.f32 @p0 v58, v4;
	v31 =	vadd.f32 @p0 v31, v49;
	v27 =	vadd.f32 @p0 v27, v50  }
0x10d: {  	s31 =	sshra.s32 s29, $0x2;
	v4 =	vmul.f32 @p0 v25, v4;
	v12 =	vadd.f32 @p0 v12, v41;
	v13 =	vpsel p1, $0x0, v13  }
0x10e: {  	v0 =	vadd.f32 @p0 v0, v34;
	v60 =	vld [tilespmem:s31+$0x110];
	v3 =	vmul.f32 @p0 v3, v13;
	v11 =	vmul.f32 @p0 v11, v13  }
0x10f: {  	v38 =	vld @p0 [tilespmem:s19+$0xA0];
	v9 =	vadd.f32 @p0 v9, v39;
	v40 =	vmul.f32 @p0 v54, v13;
	v14 =	vmul.f32 @p0 v14, v13  }
0x110: {  	s20 =	sadd.s32 @p0 $0x2, s21;
	s30 =	spop (v2sf);
	v26 =	vadd.f32 @p0 v26, v36;
	v28 =	vmul.f32 @p0 v28, v13;
	v44 =	vmul.f32 @p0 v44, v13  }
0x111: {  	s18 =	smov.u32 @p0 s20;
	s19 =	smul.u32 $0x120, s30;
	v10 =	vadd.f32 @p0 v13, v10;
	v49 =	vmul.f32 @p0 v13, v55;
	v25 =	vmul.f32 @p0 v29, v13  }
0x112: {  	p1 =	slt.s32 s18, s17;
	v43 =	vadd.f32 @p0 v52, v43;
	v29 =	vmul.f32 @p0 v42, v13;
	v24 =	vmul.f32 @p0 v24, v13  }
0x113: {  	s19 =	simm.s32 @!p1 $0x0;
	v30 =	vmul.f32 @p0 v13, v30;
	v6 =	vadd.f32 @p0 v28, v6;
	v28 =	vadd.f32 v60, v21  }
0x114: {  	v4 =	vadd.f32 @p0 v4, v46;
	v22 =	vmul.f32 @p0 v22, v13;
	v61 =	vld [tilespmem:s19+$0x110];
	v38 =	vmul.f32 @p0 v38, v13  }
0x115: {  	v50 =	vld [tilespmem:s31+$0x90];
	v3 =	vadd.f32 @p0 v3, v7;
	v7 =	vmul.f32 @p0 v35, v13;
	v62 =	vmul.f32 $2.000000030e-01, v28  }
0x116: {  	v51 =	vld [tilespmem:s31+$0x70];
	v8 =	vadd.f32 @p0 v29, v8;
	v29 =	vadd.f32 @p0 v33, v32;
	vm0 =	vgt.f32 v28, $0.0e+00  }
0x117: {  	v56 =	vld [tilespmem:s31+$0xB0];
	v25 =	vadd.f32 @p0 v25, v31;
	v1 =	vadd.f32 @p0 v49, v1;
	v28 =	vsel vm0, v28, v62  }
0x118: {  	v52 =	vld [tilespmem:s31+$0x50];
	v0 =	vadd.f32 @p0 v11, v0;
	v11 =	vadd.f32 @p0 v24, v12;
	v28 =	vmul.f32 $1.442695020e+00, v28  }
0x119: {  	v54 =	vld [tilespmem:s19+$0x90];
	v35 =	vmul.f32 @p0 v48, v13;
	v2 =	vadd.f32 @p0 v30, v2;
	v21 =	vadd.f32 v61, v21  }
0x11a: {  	v58 =	vld [tilespmem:s19+$0x20];
	v13 =	vmul.f32 @p0 v23, v13;
	v23 =	vadd.f32 @p0 v40, v27;
	(erf) = vpow2.f32 v28  }
0x11b: {  	v59 =	vld [tilespmem:s19+$0xA0];
	v4 =	vadd.f32 @p0 v22, v4;
	v9 =	vadd.f32 @p0 v44, v9;
	v63 =	vmul.f32 $2.000000030e-01, v21  }
0x11c: {  	v31 =	vld [tilespmem:s31+$0xD0];
	v14 =	vadd.f32 @p0 v14, v26;
	v10 =	vpsel p0, v10, v20;
	vm15 =	vgt.f32 v21, $0.0e+00  }
0x11d: {  	v12 =	vld [tilespmem:s31+$0xF0];
	v5 =	vadd.f32 @p0 v38, v5;
	v35 =	vadd.f32 @p0 v35, v43;
	v21 =	vsel vm15, v21, v63  }
0x11e: {  	v24 =	vld [tilespmem:s31+$0xE0];
	v7 =	vadd.f32 @p0 v7, v29;
	v6 =	vpsel p0, v6, v20;
	v21 =	vmul.f32 $1.442695020e+00, v21  }
0x11f: {  	v22 =	vld [tilespmem:s31+$0x30];
	v1 =	vpsel p0, v1, v20;
	v2 =	vpsel p0, v2, v20;
	v28 =	vadd.f32 @p0 v45, v37  }
0x120: {  	v26 =	vld [tilespmem:s31+$0x80];
	v3 =	vpsel p0, v3, v20;
	v8 =	vpsel p0, v8, v20;
	(erf) = vpow2.f32 v21  }
0x121: {  	v25 =	vpsel p0, v25, v20;
	v53 =	vpsel p0, v23, v20;
	v13 =	vadd.f32 @p0 v13, v28;
	v28 =	vld [tilespmem:s31+$0x10]  }
0x122: {  	v4 =	vpsel p0, v4, v20;
	v23 =	vld [tilespmem:s31+$0x0];
	v11 =	vpsel p0, v11, v20;
	v0 =	vpsel p0, v0, v20  }
0x123: {  	v48 =	vld [tilespmem:s31+$0x40];
	v9 =	vpsel p0, v9, v20;
	v14 =	vpsel p0, v14, v20;
	v5 =	vpsel p0, v5, v20;
	v36 =	vpop (erf)  }
0x124: {  	v30 =	vpsel p0, v35, v20;
	v21 =	vld [tilespmem:s31+$0xC0];
	v37 =	vmul.f32 v22, v36;
	v12 =	vmul.f32 v12, v36  }
0x125: {  	v27 =	vld [tilespmem:s19+$0x60];
	v7 =	vpsel p0, v7, v20;
	v55 =	vmul.f32 v50, v36;
	v31 =	vmul.f32 v31, v36  }
0x126: {  	v29 =	vld [tilespmem:s31+$0x60];
	v13 =	vpsel p0, v13, v20;
	v20 =	vmul.f32 v36, v28;
	v26 =	vmul.f32 v26, v36  }
0x127: {  	v60 =	vld [tilespmem:s19+$0xD0];
	v23 =	vmul.f32 v36, v23;
	v43 =	vmul.f32 v24, v36  }
0x128: {  	v61 =	vld [tilespmem:s19+$0xC0];
	v32 =	vmul.f32 v51, v36;
	v33 =	vmul.f32 v52, v36  }
0x129: {  	p6 =	por p1, p1;
	v63 =	vld [tilespmem:s19+$0x70];
	v10 =	vadd.f32 v36, v10;
	v21 =	vmul.f32 v21, v36;
	v41 =	vmul.f32 v48, v36;
	v57 =	vpop (erf)  }
0x12a: {  	v22 =	vld [tilespmem:s31+$0xA0];
	v6 =	vadd.f32 v12, v6;
	v12 =	vpsel !p6, $0x0, v57;
	v1 =	vadd.f32 v20, v1  }
0x12b: {  	v28 =	vld [tilespmem:s19+$0x30];
	v2 =	vadd.f32 v23, v2;
	v3 =	vadd.f32 v55, v3;
	v23 =	vmul.f32 v56, v36  }
0x12c: {  	v24 =	vld [tilespmem:s19+$0xF0];
	v32 =	vadd.f32 v32, v25;
	v25 =	vmul.f32 v29, v36;
	v30 =	vadd.f32 v21, v30  }
0x12d: {  	v48 =	vld [tilespmem:s19+$0x80];
	v4 =	vadd.f32 v41, v4;
	v11 =	vadd.f32 v26, v11;
	v35 =	vmul.f32 v54, v12  }
0x12e: {  	v50 =	vld [tilespmem:s19+$0x0];
	v0 =	vadd.f32 v37, v0;
	v27 =	vmul.f32 v27, v12;
	v39 =	vmul.f32 v58, v12  }
0x12f: {  	v29 =	vld [tilespmem:s19+$0x10];
	v20 =	vadd.f32 v12, v10;
	v40 =	vmul.f32 v59, v12;
	v10 =	vmul.f32 v60, v12  }
0x130: {  	v26 =	vld [tilespmem:s19+$0x40];
	v54 =	vadd.f32 v33, v7;
	v60 =	vadd.f32 v31, v9;
	v22 =	vmul.f32 v22, v36  }
0x131: {  	v8 =	vadd.f32 v23, v8;
	v49 =	vadd.f32 v25, v53;
	v62 =	vmul.f32 v28, v12;
	v28 =	vld [tilespmem:s19+$0xB0]  }
0x132: {  	v25 =	vmul.f32 v61, v12;
	v53 =	vmul.f32 v63, v12;
	v5 =	vadd.f32 v22, v5;
	v22 =	vld [tilespmem:s19+$0x50]  }
0x133: {  	v52 =	vld [tilespmem:s31+$0x20];
	v63 =	vadd.f32 v43, v13;
	v24 =	vmul.f32 v24, v12;
	v57 =	vmul.f32 v48, v12  }
0x134: {  	v23 =	vadd.f32 v35, v3;
	v58 =	vmul.f32 v12, v50;
	v31 =	vadd.f32 v27, v49  }
0x135: {  	v55 =	vld [tilespmem:s19+$0xE0];
	v21 =	vadd.f32 v24, v6;
	v56 =	vmul.f32 v12, v29;
	v29 =	vadd.f32 v57, v11  }
0x136: {  	v61 =	vmul.f32 v26, v12;
	v35 =	vadd.f32 v58, v2;
	v26 =	vadd.f32 v10, v60  }
0x137: {  	v33 =	vadd.f32 v56, v1;
	v51 =	vmul.f32 v28, v12;
	v28 =	vmul.f32 v22, v12  }
.Ltmp10:
0x138: {  	v59 =	vmul.f32 v52, v36;
	v34 =	vadd.f32 v61, v4;
	v22 =	vadd.f32 v25, v30;
	(pc) =	sbr.rel .LBB2_11-.Ltmp10, $4  }
0x139: {  	v30 =	vadd.f32 v28, v54;
	v28 =	vadd.f32 v53, v32  }
0x13a: {  	v32 =	vadd.f32 v62, v0;
	v62 =	vmul.f32 v55, v12;
	v0 =	vadd.f32 v59, v14  }
0x13b: {  	v24 =	vadd.f32 v51, v8;
	v25 =	vadd.f32 v40, v5  }
0x13c: {  	v36 =	vadd.f32 v39, v0;
	v27 =	vadd.f32 v62, v63  }
.LBB2_6:
0x13d: {  	v45 =	vimm.f32 $0.0e+00;
	v51 =	vimm.f32 $0.0e+00  }
.Ltmp11:
0x13e: {  	v57 =	vimm.f32 $0.0e+00;
	v56 =	vimm.f32 $0.0e+00;
	v40 =	vimm.f32 $0.0e+00;
	(pc) =	sbr.rel .LBB2_10-.Ltmp11, $4  }
0x13f: {  	v52 =	vimm.f32 $0.0e+00;
	v47 =	vimm.f32 $0.0e+00;
	v49 =	vimm.f32 $0.0e+00  }
0x140: {  	v43 =	vimm.f32 $0.0e+00;
	v50 =	vimm.f32 $0.0e+00;
	v46 =	vimm.f32 $0.0e+00  }
0x141: {  	v41 =	vimm.f32 $0.0e+00;
	v34 =	vimm.f32 $0.0e+00;
	v32 =	vimm.f32 $0.0e+00  }
0x142: {  	s21 =	simm.s32 $0x1;
	v39 =	vimm.f32 $0.0e+00;
	v36 =	vimm.f32 $0.0e+00;
	v37 =	vimm.f32 $0.0e+00  }
.LBB2_8:
0x143: {  	v45 =	vimm.f32 $0.0e+00;
	v51 =	vimm.f32 $0.0e+00  }
.Ltmp12:
0x144: {  	v57 =	vimm.f32 $0.0e+00;
	v56 =	vimm.f32 $0.0e+00;
	v40 =	vimm.f32 $0.0e+00;
	(pc) =	sbr.rel .LBB2_10-.Ltmp12, $4  }
0x145: {  	v52 =	vimm.f32 $0.0e+00;
	v47 =	vimm.f32 $0.0e+00;
	v49 =	vimm.f32 $0.0e+00  }
0x146: {  	v43 =	vimm.f32 $0.0e+00;
	v50 =	vimm.f32 $0.0e+00;
	v46 =	vimm.f32 $0.0e+00  }
0x147: {  	v41 =	vimm.f32 $0.0e+00;
	v34 =	vimm.f32 $0.0e+00;
	v32 =	vimm.f32 $0.0e+00  }
0x148: {  	s21 =	simm.s32 $0x1;
	v39 =	vimm.f32 $0.0e+00;
	v36 =	vimm.f32 $0.0e+00;
	v37 =	vimm.f32 $0.0e+00  }
.LBB2_14:
0x149: {  	_ =	sfence.sel $0x180000  }
0x14a: {  	[bflag:$0x0] =	sbarrier.arrive $0xFFFF  }
0x14b: {  	p0 =	sne.s32 s2, $0x0;
	_ =	strace $0x90000047  }
0x14c: {  	s0 =	sadd.s32 @!p0 $0x100000, s0;
	[bflag:$0x2] =	sbarrier.arrive $0xFFFF  }
0x14d: {  	[sflag:s0] =	ssyncadd.tile.s32 @!p0 $0x1;
	_ =	shalt  }
.Lfunc_end2:
_tile_overlayer_lowered:
.L_overlay_start_2:
0x14e: {  	(tag) =	ssettag $0x2  }
0x14f: {  	s0 =	rddreg [dreg:$0x0];
	s2 =	stileid.u32  }
0x150: {  	s1 =	rddreg [dreg:$0x1];
	p0 =	sne.s32 s2, $0x0  }
0x151: {  	s3 =	rddreg [dreg:$0x2];
	[bflag:$0x3] =	sbarrier.arrive $0xFFFF;
	s2 =	simm.s32 @!p0 $0x1C01  }
0x152: {  	[timem:s3], [sflag:s2] =	dma.local @!p0 [hbm:s0], s1  }
0x153: {  	s0 =	simm.s32 @!p0 $0x1  }
0x154: {  	_ =	swait.ge @!p0 [sflag:s0], s1  }
0x155: {  	s1 =	ssub.s32 @!p0 $0x0, s1;
	[sflag:s0] =	ssyncset.done @!p0 $0x0  }
0x156: {  	[sflag:s0] =	ssyncadd.s32 @!p0 s1  }
0x157: {  	[bflag:$0x3] =	sbarrier.arrive $0xFFFF  }
0x158: {  	_ =	shalt  }

</sc_bundles>
